<compile_context>
chip_gen: v7x
topology: tpu7x:2x2x1
jax: 0.10.2.dev20260603
libtpu: 0.0.44.dev20260713+nightly
codegen_flags: <defaults>
</compile_context>

<pallas_src>
import functools

import jax
import jax.numpy as jnp
from jax import lax
from jax.experimental import pallas as pl
from jax.experimental.pallas import tpu as pltpu
from jax.experimental.pallas import tpu_sc as plsc


def _sc_fn(B, T, V, NW, NC):
    HB = B // NW
    TPW = (T - B) // NW
    G = TPW // 128
    ZC = 4000
    NZ = V // ZC
    assert V % ZC == 0 and ZC % 8 == 0

    def gather8(ids_v, tab, buf8, out_v, d, out_hbm, obase, n, sem):
        def group(g, _):
            pvec = ids_v[pl.ds(g * 16, 16)]
            base8 = (pvec >> 3) << 3
            hs = []
            for k in range(16):
                r = pl.multiple_of(base8[k], 8)
                hs.append(pltpu.async_copy(tab.at[pl.ds(r, 8)],
                                           buf8.at[k], sem))
            for h in hs:
                h.wait()
            sub = pvec & 7
            for k in range(16):
                s = sub[k]
                for c in range(d // 16):
                    out_v[k, pl.ds(c * 16, 16)] = (
                        buf8[k, s, pl.ds(c * 16, 16)])
            pltpu.sync_copy(
                out_v, out_hbm.at[pl.ds(pl.multiple_of(obase + g * 16, 8), 16)])
            return 0

        lax.fori_loop(0, n // 16, group, 0)

    def hist_body(tids, cnta_out, cntb_out,
                  tidx1_v, tidx_v, ones_v, zero_v, counts_sh):
        cid = lax.axis_index("c")
        sid = lax.axis_index("s")
        wid = sid * NC + cid

        def zinit(i, _):
            zero_v[pl.ds(i * 16, 16)] = jnp.zeros((16,), jnp.float32)
            return 0

        lax.fori_loop(0, ZC // 16, zinit, 0)

        def zchunk(j, _):
            g = sid + j * 16
            @pl.when(g < NZ)
            def _():
                pltpu.sync_copy(
                    zero_v, counts_sh.at[pl.ds(pl.multiple_of(g * ZC, 8), ZC)])
            return 0

        lax.fori_loop(0, (NZ + 15) // 16, zchunk, 0)
        plsc.subcore_barrier()

        for i in range(8):
            ones_v[pl.ds(i * 16, 16)] = jnp.ones((16,), jnp.float32)
        pltpu.sync_copy(tids.at[pl.ds(B + wid * TPW, TPW)], tidx1_v)

        def scat(j, _):
            for c in range(8):
                tidx_v[0, pl.ds(c * 16, 16)] = (
                    tidx1_v[pl.ds(j * 128 + c * 16, 16)])
            pltpu.sync_copy(ones_v, counts_sh.at[tidx_v.at[0]], add=True)
            return 0

        lax.fori_loop(0, G, scat, 0)
        plsc.subcore_barrier()

        def cchunk(j, _):
            g = sid + j * 16
            @pl.when(g < NZ)
            def _():
                pltpu.sync_copy(
                    counts_sh.at[pl.ds(pl.multiple_of(g * ZC, 8), ZC)], zero_v)
                @pl.when(cid == 0)
                def _():
                    pltpu.sync_copy(zero_v, cnta_out.at[pl.ds(pl.multiple_of(g * ZC, 8), ZC)])
                @pl.when(cid == 1)
                def _():
                    pltpu.sync_copy(zero_v, cntb_out.at[pl.ds(pl.multiple_of(g * ZC, 8), ZC)])
            return 0

        lax.fori_loop(0, (NZ + 15) // 16, cchunk, 0)

    def gather_body(tids, cids, tab, ctab, head_out, cat_out,
                    hidx_v, cidx_v, head_v, cat_v, hbuf8, cbuf8, sem):
        cid = lax.axis_index("c")
        sid = lax.axis_index("s")
        wid = sid * NC + cid

        pltpu.sync_copy(tids.at[pl.ds(wid * HB, HB)], hidx_v)
        gather8(hidx_v, tab, hbuf8, head_v, 64, head_out, wid * HB, HB, sem)

        pltpu.sync_copy(cids.at[pl.ds(wid * HB, HB)], cidx_v)
        gather8(cidx_v, ctab, cbuf8, cat_v, 32, cat_out, wid * HB, HB, sem)

    return hist_body, gather_body


def _matvec_body(w_ref, tab_ref, acc_ref):
    i = pl.program_id(0)
    partial = jnp.dot(w_ref[0], tab_ref[...],
                      preferred_element_type=jnp.float32)
    acc_ref[...] = jnp.where(i == 0, partial, acc_ref[...] + partial)


def _mlp_body(head_ref, tail_ref, cat_ref, num_ref,
              Wt_ref, bt_ref, Wc_ref, bc_ref, Wn_ref, bn_ref,
              W1a_ref, W1b_ref, W1c_ref, b1_ref, W2_ref, b2_ref,
              out_ref, *, inv_last):
    f32 = jnp.float32
    text = head_ref[...]
    tail = tail_ref[...]
    B = text.shape[0]
    rows = lax.broadcasted_iota(jnp.int32, text.shape, 0)
    text = jnp.where(rows == B - 1, (text + tail) * inv_last, text)

    tf = jnp.dot(text, Wt_ref[...], preferred_element_type=f32) + bt_ref[...]
    cf = jnp.dot(cat_ref[...], Wc_ref[...], preferred_element_type=f32) + bc_ref[...]
    nf = jnp.dot(num_ref[...], Wn_ref[...], preferred_element_type=f32) + bn_ref[...]
    h = (jnp.dot(tf, W1a_ref[...], preferred_element_type=f32)
         + jnp.dot(cf, W1b_ref[...], preferred_element_type=f32)
         + jnp.dot(nf, W1c_ref[...], preferred_element_type=f32)
         + b1_ref[...])
    h = jnp.maximum(h, 0.0)
    out_ref[...] = jnp.dot(h, W2_ref[...], preferred_element_type=f32) + b2_ref[...]


def kernel(text_input, text_offsets, category_input, numeric_input,
           text_table, Wt, bt, cat_table, Wc, bc, Wn, bn, W1, b1, W2, b2):
    T = text_input.shape[0]
    B = text_offsets.shape[0]
    V = text_table.shape[0]
    CD = Wt.shape[1]
    NOUT = W2.shape[1]

    info = plsc.get_sparse_core_info()
    NC, NS = info.num_cores, info.num_subcores
    NW = NC * NS
    assert B % (NW * 16) == 0 and (T - B) % (NW * 128) == 0
    assert text_table.shape[1] == 64 and cat_table.shape[1] % 16 == 0

    tids = text_input.astype(jnp.int32)
    cids = category_input.astype(jnp.int32)
    HB = B // NW
    G = (T - B) // 128 // NW

    f32 = jnp.float32
    hist_body, gather_body = _sc_fn(B, T, V, NW, NC)
    mesh = plsc.VectorSubcoreMesh(core_axis_name="c", subcore_axis_name="s")
    sc_hist = pl.kernel(
        hist_body,
        mesh=mesh,
        out_type=[
            jax.ShapeDtypeStruct((V,), f32),
            jax.ShapeDtypeStruct((V,), f32),
        ],
        scratch_types=[
            pltpu.VMEM((G * 128,), jnp.int32),
            pltpu.VMEM((1, 128), jnp.int32),
            pltpu.VMEM((128,), f32),
            pltpu.VMEM((4000,), f32),
            pltpu.VMEM_SHARED((V,), f32),
        ],
    )
    cnta, cntb = sc_hist(tids)

    sc_gather = pl.kernel(
        gather_body,
        mesh=mesh,
        compiler_params=pltpu.CompilerParams(needs_layout_passes=False),
        out_type=[
            jax.ShapeDtypeStruct((B, 64), f32),
            jax.ShapeDtypeStruct((B, 32), f32),
        ],
        scratch_types=[
            pltpu.VMEM((HB,), jnp.int32),
            pltpu.VMEM((HB,), jnp.int32),
            pltpu.VMEM((16, 64), f32),
            pltpu.VMEM((16, 32), f32),
            pltpu.VMEM((16, 8, 64), f32),
            pltpu.VMEM((16, 8, 32), f32),
            pltpu.SemaphoreType.DMA,
        ],
    )
    head, catrows = sc_gather(tids, cids, text_table, cat_table)

    RB = 8000
    NBLK = V // RB
    w2d = (cnta + cntb).reshape(NBLK, 1, RB)
    tail = pl.pallas_call(
        _matvec_body,
        grid=(NBLK,),
        in_specs=[
            pl.BlockSpec((1, 1, RB), lambda i: (i, 0, 0)),
            pl.BlockSpec((RB, 64), lambda i: (i, 0)),
        ],
        out_specs=pl.BlockSpec((1, 64), lambda i: (0, 0)),
        out_shape=jax.ShapeDtypeStruct((1, 64), f32),
        compiler_params=pltpu.CompilerParams(needs_layout_passes=False),
    )(w2d, text_table)

    inv_last = 1.0 / float(T - B + 1)
    out = pl.pallas_call(
        functools.partial(_mlp_body, inv_last=inv_last),
        out_shape=jax.ShapeDtypeStruct((B, NOUT), f32),
    )(head, tail, catrows, numeric_input,
      Wt, bt.reshape(1, -1), Wc, bc.reshape(1, -1), Wn, bn.reshape(1, -1),
      W1[:CD], W1[CD:2 * CD], W1[2 * CD:], b1.reshape(1, -1),
      W2, b2.reshape(1, -1))
    return out

# --- scband reference (transcript-rebuilt; emitter-appended) ---
"""Pipeline reference for scband-multi-modal-nn-14070312861977 (READ-ONLY COPY).

The authoritative reference and input builder live on the scoring server;
editing this copy changes nothing except your own understanding.
"""

import jax, jax.numpy as jnp
import numpy as np

B = 4096
T = 204800
VOCAB = 1000000
TED = 64
CVOC = 100000
CED = 32
CD = 64
NNUM = 16
NOUT = 16


def setup_inputs(seed: int = 0) -> dict:
    key = jax.random.key(seed)
    ks = jax.random.split(key, 12)
    inp = {}
    inp["text_input"] = jax.random.randint(ks[0], (T,), 0, VOCAB)
    inp["text_offsets"] = jnp.arange(B)
    inp["category_input"] = jax.random.randint(ks[1], (B,), 0, CVOC)
    inp["numeric_input"] = jax.random.normal(ks[2], (B, NNUM), dtype=jnp.float32)
    inp["text_table"] = jax.random.normal(ks[3], (VOCAB, TED), dtype=jnp.float32) * 0.02
    inp["Wt"] = jax.random.normal(ks[4], (TED, CD), dtype=jnp.float32) * 0.05
    inp["bt"] = jnp.zeros((CD,), dtype=jnp.float32)
    inp["cat_table"] = jax.random.normal(ks[5], (CVOC, CED), dtype=jnp.float32) * 0.02
    inp["Wc"] = jax.random.normal(ks[6], (CED, CD), dtype=jnp.float32) * 0.05
    inp["bc"] = jnp.zeros((CD,), dtype=jnp.float32)
    inp["Wn"] = jax.random.normal(ks[7], (NNUM, CD), dtype=jnp.float32) * 0.05
    inp["bn"] = jnp.zeros((CD,), dtype=jnp.float32)
    inp["W1"] = jax.random.normal(ks[8], (CD * 3, 128), dtype=jnp.float32) * 0.05
    inp["b1"] = jnp.zeros((128,), dtype=jnp.float32)
    inp["W2"] = jax.random.normal(ks[9], (128, NOUT), dtype=jnp.float32) * 0.05
    inp["b2"] = jnp.zeros((NOUT,), dtype=jnp.float32)
    return inp


def reference(text_input, text_offsets, category_input, numeric_input,
              text_table, Wt, bt, cat_table, Wc, bc, Wn, bn, W1, b1, W2, b2):
    T_ = text_input.shape[0]
    B_ = text_offsets.shape[0]
    # EmbeddingBag(mode='mean'): gather rows, segment-sum by bag, divide by bag size
    seg = jnp.searchsorted(text_offsets, jnp.arange(T_), side="right") - 1
    gathered = jnp.take(text_table, text_input, axis=0)
    sums = jax.ops.segment_sum(gathered, seg, num_segments=B_)
    counts = jnp.diff(jnp.concatenate([text_offsets, jnp.array([T_], dtype=text_offsets.dtype)]))
    text_feat = sums / jnp.maximum(counts, 1).astype(sums.dtype)[:, None]
    text_feat = text_feat @ Wt + bt
    cat_feat = jnp.take(cat_table, category_input, axis=0) @ Wc + bc
    num_feat = numeric_input @ Wn + bn
    combined = jnp.concatenate([text_feat, cat_feat, num_feat], axis=1)
    h = jax.nn.relu(combined @ W1 + b1)
    # Dropout is identity in eval mode
    return h @ W2 + b2

if __name__ == "__main__":
    import jax
    _d = setup_inputs()
    print(jax.jit(kernel)(*tuple(_d.values())))

</pallas_src>

<mosaic_0001>
#map = affine_map<(d0, d1) -> (0)>
#map1 = affine_map<(d0, d1) -> (0, 0)>
module attributes {stable_mosaic.version = 14 : i64} {
  func.func @gather_body(%arg0: i32, %arg1: i32, %arg2: memref<204800xi32, #tpu.memory_space<hbm>>, %arg3: memref<4096xi32, #tpu.memory_space<hbm>>, %arg4: memref<1000000x64xf32, #tpu.memory_space<hbm>>, %arg5: memref<100000x32xf32, #tpu.memory_space<hbm>>, %arg6: memref<4096x64xf32, #tpu.memory_space<hbm>>, %arg7: memref<4096x32xf32, #tpu.memory_space<hbm>>, %arg8: memref<128xi32, #tpu.memory_space<vmem>>, %arg9: memref<128xi32, #tpu.memory_space<vmem>>, %arg10: memref<16x64xf32, #tpu.memory_space<vmem>>, %arg11: memref<16x32xf32, #tpu.memory_space<vmem>>, %arg12: memref<16x8x64xf32, #tpu.memory_space<vmem>>, %arg13: memref<16x8x32xf32, #tpu.memory_space<vmem>>, %arg14: memref<!tpu.dma_semaphore, #tpu.memory_space<semaphore_mem>>) attributes {dimension_semantics = [#tpu.dimension_semantics<core_parallel>, #tpu.dimension_semantics<subcore_parallel>], iteration_bounds = array<i64: 2, 16>, scalar_prefetch = 0 : i64, scratch_operands = 7 : i64, tpu.core_type = #tpu.core_type<sc_vector_subcore>, window_params = [{transform_indices = #map}, {transform_indices = #map}, {transform_indices = #map1}, {transform_indices = #map1}, {transform_indices = #map1}, {transform_indices = #map1}]} {
    %mul3A = arith.constant 2 : i32
    %mul3A_0 = arith.muli %arg1, %mul3A : i32
    %add3A = arith.addi %mul3A_0, %arg0 : i32
    %mul3A_1 = arith.constant 128 : i32
    %mul3A_2 = arith.muli %add3A, %mul3A_1 : i32
    "tpu.region"() ({
      %run_scoped3A = tpu.sem_alloc : memref<!tpu.dma_semaphore, #tpu.memory_space<semaphore_mem>>
      %dma_start3A = tpu.memref_slice %arg2[%mul3A_2] : memref<204800xi32, #tpu.memory_space<hbm>> -> memref<128xi32, #tpu.memory_space<hbm>>
      %dma_start3A_22 = tpu.memref_slice %arg2[%mul3A_2] : memref<204800xi32, #tpu.memory_space<hbm>> -> memref<128xi32, #tpu.memory_space<hbm>>
      tpu.enqueue_dma source(%dma_start3A_22 : memref<128xi32, #tpu.memory_space<hbm>>) target(%arg8 : memref<128xi32, #tpu.memory_space<vmem>>) target_semaphore(%run_scoped3A : memref<!tpu.dma_semaphore, #tpu.memory_space<semaphore_mem>>)
      %dma_wait3A = tpu.memref_slice %arg2[%mul3A_2] : memref<204800xi32, #tpu.memory_space<hbm>> -> memref<128xi32, #tpu.memory_space<hbm>>
      %dma_wait3A_23 = tpu.memref_slice %arg2[%mul3A_2] : memref<204800xi32, #tpu.memory_space<hbm>> -> memref<128xi32, #tpu.memory_space<hbm>>
      tpu.wait_dma2 semaphore(%run_scoped3A : memref<!tpu.dma_semaphore, #tpu.memory_space<semaphore_mem>>) src(%dma_wait3A_23 : memref<128xi32, #tpu.memory_space<hbm>>) dst(%arg8 : memref<128xi32, #tpu.memory_space<vmem>>)
      tpu.yield
    }) : () -> ()
    %mul3A_3 = arith.constant 128 : i32
    %mul3A_4 = arith.muli %add3A, %mul3A_3 : i32
    %scan3A = arith.constant 0 : i32
    %scan3A_5 = arith.constant 0 : i32
    %scan3A_6 = arith.constant 8 : i32
    %scan3A_7 = arith.addi %scan3A_5, %scan3A_6 : i32
    %scan3A_8 = arith.constant 1 : i32
    %scan3A_9 = scf.for %scan3A_22 = %scan3A_5 to %scan3A_7 step %scan3A_8 iter_args(%scan3A_23 = %scan3A) -> (i32)  : i32 {
      %mul3A_24 = arith.constant 16 : i32
      %mul3A_25 = arith.muli %scan3A_22, %mul3A_24 : i32
      %get3A = arith.index_cast %mul3A_25 : i32 to index
      %get3A_26 = tpu.vector_load %arg8[%get3A] {strides = array<i32>} : memref<128xi32, #tpu.memory_space<vmem>>, vector<16xi32>,
      %shift_right_arithmetic3A = arith.constant 3 : i32
      %shift_right_arithmetic3A_27 = vector.broadcast %shift_right_arithmetic3A : i32 to vector<16xi32>
      %shift_right_arithmetic3A_28 = arith.shrsi %get3A_26, %shift_right_arithmetic3A_27 : vector<16xi32>
      %shift_left3A = arith.constant 3 : i32
      %shift_left3A_29 = vector.broadcast %shift_left3A : i32 to vector<16xi32>
      %shift_left3A_30 = arith.shli %shift_right_arithmetic3A_28, %shift_left3A_29 : vector<16xi32>
      %slice3A = vector.extract_strided_slice %shift_left3A_30 {offsets = [0], sizes = [1], strides = [1]} : vector<16xi32> to vector<1xi32>
      %squeeze3A = vector.extract %slice3A[0] : i32 from vector<1xi32>
      %multiple_of3A = tpu.assume_multiple %squeeze3A, 8 : i32
      %dma_start3A = arith.constant 0 : i32
      %dma_start3A_31 = arith.constant 0 : i32
      %dma_start3A_32 = arith.constant 0 : i32
      %dma_start3A_33 = tpu.memref_slice %arg12[%dma_start3A, %dma_start3A_31, %dma_start3A_32] : memref<16x8x64xf32, #tpu.memory_space<vmem>> -> memref<1x8x64xf32, #tpu.memory_space<vmem>>
      %dma_start3A_34 = tpu.memref_squeeze %dma_start3A_33 : memref<1x8x64xf32, #tpu.memory_space<vmem>> -> memref<8x64xf32, #tpu.memory_space<vmem>>
      %dma_start3A_35 = arith.constant 0 : i32
      %dma_start3A_36 = tpu.memref_slice %arg4[%multiple_of3A, %dma_start3A_35] : memref<1000000x64xf32, #tpu.memory_space<hbm>> -> memref<8x64xf32, #tpu.memory_space<hbm>>
      %dma_start3A_37 = arith.constant 0 : i32
      %dma_start3A_38 = arith.constant 0 : i32
      %dma_start3A_39 = tpu.memref_slice %arg12[%dma_start3A, %dma_start3A_37, %dma_start3A_38] : memref<16x8x64xf32, #tpu.memory_space<vmem>> -> memref<1x8x64xf32, #tpu.memory_space<vmem>>
      %dma_start3A_40 = tpu.memref_squeeze %dma_start3A_39 : memref<1x8x64xf32, #tpu.memory_space<vmem>> -> memref<8x64xf32, #tpu.memory_space<vmem>>
      %dma_start3A_41 = arith.constant 0 : i32
      %dma_start3A_42 = tpu.memref_slice %arg4[%multiple_of3A, %dma_start3A_41] : memref<1000000x64xf32, #tpu.memory_space<hbm>> -> memref<8x64xf32, #tpu.memory_space<hbm>>
      tpu.enqueue_dma source(%dma_start3A_42 : memref<8x64xf32, #tpu.memory_space<hbm>>) target(%dma_start3A_40 : memref<8x64xf32, #tpu.memory_space<vmem>>) target_semaphore(%arg14 : memref<!tpu.dma_semaphore, #tpu.memory_space<semaphore_mem>>)
      %slice3A_43 = vector.extract_strided_slice %shift_left3A_30 {offsets = [1], sizes = [1], strides = [1]} : vector<16xi32> to vector<1xi32>
      %squeeze3A_44 = vector.extract %slice3A_43[0] : i32 from vector<1xi32>
      %multiple_of3A_45 = tpu.assume_multiple %squeeze3A_44, 8 : i32
      %dma_start3A_46 = arith.constant 1 : i32
      %dma_start3A_47 = arith.constant 0 : i32
      %dma_start3A_48 = arith.constant 0 : i32
      %dma_start3A_49 = tpu.memref_slice %arg12[%dma_start3A_46, %dma_start3A_47, %dma_start3A_48] : memref<16x8x64xf32, #tpu.memory_space<vmem>> -> memref<1x8x64xf32, #tpu.memory_space<vmem>>
      %dma_start3A_50 = tpu.memref_squeeze %dma_start3A_49 : memref<1x8x64xf32, #tpu.memory_space<vmem>> -> memref<8x64xf32, #tpu.memory_space<vmem>>
      %dma_start3A_51 = arith.constant 0 : i32
      %dma_start3A_52 = tpu.memref_slice %arg4[%multiple_of3A_45, %dma_start3A_51] : memref<1000000x64xf32, #tpu.memory_space<hbm>> -> memref<8x64xf32, #tpu.memory_space<hbm>>
      %dma_start3A_53 = arith.constant 0 : i32
      %dma_start3A_54 = arith.constant 0 : i32
      %dma_start3A_55 = tpu.memref_slice %arg12[%dma_start3A_46, %dma_start3A_53, %dma_start3A_54] : memref<16x8x64xf32, #tpu.memory_space<vmem>> -> memref<1x8x64xf32, #tpu.memory_space<vmem>>
      %dma_start3A_56 = tpu.memref_squeeze %dma_start3A_55 : memref<1x8x64xf32, #tpu.memory_space<vmem>> -> memref<8x64xf32, #tpu.memory_space<vmem>>
      %dma_start3A_57 = arith.constant 0 : i32
      %dma_start3A_58 = tpu.memref_slice %arg4[%multiple_of3A_45, %dma_start3A_57] : memref<1000000x64xf32, #tpu.memory_space<hbm>> -> memref<8x64xf32, #tpu.memory_space<hbm>>
      tpu.enqueue_dma source(%dma_start3A_58 : memref<8x64xf32, #tpu.memory_space<hbm>>) target(%dma_start3A_56 : memref<8x64xf32, #tpu.memory_space<vmem>>) target_semaphore(%arg14 : memref<!tpu.dma_semaphore, #tpu.memory_space<semaphore_mem>>)
      %slice3A_59 = vector.extract_strided_slice %shift_left3A_30 {offsets = [2], sizes = [1], strides = [1]} : vector<16xi32> to vector<1xi32>
      %squeeze3A_60 = vector.extract %slice3A_59[0] : i32 from vector<1xi32>
      %multiple_of3A_61 = tpu.assume_multiple %squeeze3A_60, 8 : i32
      %dma_start3A_62 = arith.constant 2 : i32
      %dma_start3A_63 = arith.constant 0 : i32
      %dma_start3A_64 = arith.constant 0 : i32
      %dma_start3A_65 = tpu.memref_slice %arg12[%dma_start3A_62, %dma_start3A_63, %dma_start3A_64] : memref<16x8x64xf32, #tpu.memory_space<vmem>> -> memref<1x8x64xf32, #tpu.memory_space<vmem>>
      %dma_start3A_66 = tpu.memref_squeeze %dma_start3A_65 : memref<1x8x64xf32, #tpu.memory_space<vmem>> -> memref<8x64xf32, #tpu.memory_space<vmem>>
      %dma_start3A_67 = arith.constant 0 : i32
      %dma_start3A_68 = tpu.memref_slice %arg4[%multiple_of3A_61, %dma_start3A_67] : memref<1000000x64xf32, #tpu.memory_space<hbm>> -> memref<8x64xf32, #tpu.memory_space<hbm>>
      %dma_start3A_69 = arith.constant 0 : i32
      %dma_start3A_70 = arith.constant 0 : i32
      %dma_start3A_71 = tpu.memref_slice %arg12[%dma_start3A_62, %dma_start3A_69, %dma_start3A_70] : memref<16x8x64xf32, #tpu.memory_space<vmem>> -> memref<1x8x64xf32, #tpu.memory_space<vmem>>
      %dma_start3A_72 = tpu.memref_squeeze %dma_start3A_71 : memref<1x8x64xf32, #tpu.memory_space<vmem>> -> memref<8x64xf32, #tpu.memory_space<vmem>>
      %dma_start3A_73 = arith.constant 0 : i32
      %dma_start3A_74 = tpu.memref_slice %arg4[%multiple_of3A_61, %dma_start3A_73] : memref<1000000x64xf32, #tpu.memory_space<hbm>> -> memref<8x64xf32, #tpu.memory_space<hbm>>
      tpu.enqueue_dma source(%dma_start3A_74 : memref<8x64xf32, #tpu.memory_space<hbm>>) target(%dma_start3A_72 : memref<8x64xf32, #tpu.memory_space<vmem>>) target_semaphore(%arg14 : memref<!tpu.dma_semaphore, #tpu.memory_space<semaphore_mem>>)
      %slice3A_75 = vector.extract_strided_slice %shift_left3A_30 {offsets = [3], sizes = [1], strides = [1]} : vector<16xi32> to vector<1xi32>
      %squeeze3A_76 = vector.extract %slice3A_75[0] : i32 from vector<1xi32>
      %multiple_of3A_77 = tpu.assume_multiple %squeeze3A_76, 8 : i32
      %dma_start3A_78 = arith.constant 3 : i32
      %dma_start3A_79 = arith.constant 0 : i32
      %dma_start3A_80 = arith.constant 0 : i32
      %dma_start3A_81 = tpu.memref_slice %arg12[%dma_start3A_78, %dma_start3A_79, %dma_start3A_80] : memref<16x8x64xf32, #tpu.memory_space<vmem>> -> memref<1x8x64xf32, #tpu.memory_space<vmem>>
      %dma_start3A_82 = tpu.memref_squeeze %dma_start3A_81 : memref<1x8x64xf32, #tpu.memory_space<vmem>> -> memref<8x64xf32, #tpu.memory_space<vmem>>
      %dma_start3A_83 = arith.constant 0 : i32
      %dma_start3A_84 = tpu.memref_slice %arg4[%multiple_of3A_77, %dma_start3A_83] : memref<1000000x64xf32, #tpu.memory_space<hbm>> -> memref<8x64xf32, #tpu.memory_space<hbm>>
      %dma_start3A_85 = arith.constant 0 : i32
      %dma_start3A_86 = arith.constant 0 : i32
      %dma_start3A_87 = tpu.memref_slice %arg12[%dma_start3A_78, %dma_start3A_85, %dma_start3A_86] : memref<16x8x64xf32, #tpu.memory_space<vmem>> -> memref<1x8x64xf32, #tpu.memory_space<vmem>>
      %dma_start3A_88 = tpu.memref_squeeze %dma_start3A_87 : memref<1x8x64xf32, #tpu.memory_space<vmem>> -> memref<8x64xf32, #tpu.memory_space<vmem>>
      %dma_start3A_89 = arith.constant 0 : i32
      %dma_start3A_90 = tpu.memref_slice %arg4[%multiple_of3A_77, %dma_start3A_89] : memref<1000000x64xf32, #tpu.memory_space<hbm>> -> memref<8x64xf32, #tpu.memory_space<hbm>>
      tpu.enqueue_dma source(%dma_start3A_90 : memref<8x64xf32, #tpu.memory_space<hbm>>) target(%dma_start3A_88 : memref<8x64xf32, #tpu.memory_space<vmem>>) target_semaphore(%arg14 : memref<!tpu.dma_semaphore, #tpu.memory_space<semaphore_mem>>)
      %slice3A_91 = vector.extract_strided_slice %shift_left3A_30 {offsets = [4], sizes = [1], strides = [1]} : vector<16xi32> to vector<1xi32>
      %squeeze3A_92 = vector.extract %slice3A_91[0] : i32 from vector<1xi32>
      %multiple_of3A_93 = tpu.assume_multiple %squeeze3A_92, 8 : i32
      %dma_start3A_94 = arith.constant 4 : i32
      %dma_start3A_95 = arith.constant 0 : i32
      %dma_start3A_96 = arith.constant 0 : i32
      %dma_start3A_97 = tpu.memref_slice %arg12[%dma_start3A_94, %dma_start3A_95, %dma_start3A_96] : memref<16x8x64xf32, #tpu.memory_space<vmem>> -> memref<1x8x64xf32, #tpu.memory_space<vmem>>
      %dma_start3A_98 = tpu.memref_squeeze %dma_start3A_97 : memref<1x8x64xf32, #tpu.memory_space<vmem>> -> memref<8x64xf32, #tpu.memory_space<vmem>>
      %dma_start3A_99 = arith.constant 0 : i32
      %dma_start3A_100 = tpu.memref_slice %arg4[%multiple_of3A_93, %dma_start3A_99] : memref<1000000x64xf32, #tpu.memory_space<hbm>> -> memref<8x64xf32, #tpu.memory_space<hbm>>
      %dma_start3A_101 = arith.constant 0 : i32
      %dma_start3A_102 = arith.constant 0 : i32
      %dma_start3A_103 = tpu.memref_slice %arg12[%dma_start3A_94, %dma_start3A_101, %dma_start3A_102] : memref<16x8x64xf32, #tpu.memory_space<vmem>> -> memref<1x8x64xf32, #tpu.memory_space<vmem>>
      %dma_start3A_104 = tpu.memref_squeeze %dma_start3A_103 : memref<1x8x64xf32, #tpu.memory_space<vmem>> -> memref<8x64xf32, #tpu.memory_space<vmem>>
      %dma_start3A_105 = arith.constant 0 : i32
      %dma_start3A_106 = tpu.memref_slice %arg4[%multiple_of3A_93, %dma_start3A_105] : memref<1000000x64xf32, #tpu.memory_space<hbm>> -> memref<8x64xf32, #tpu.memory_space<hbm>>
      tpu.enqueue_dma source(%dma_start3A_106 : memref<8x64xf32, #tpu.memory_space<hbm>>) target(%dma_start3A_104 : memref<8x64xf32, #tpu.memory_space<vmem>>) target_semaphore(%arg14 : memref<!tpu.dma_semaphore, #tpu.memory_space<semaphore_mem>>)
      %slice3A_107 = vector.extract_strided_slice %shift_left3A_30 {offsets = [5], sizes = [1], strides = [1]} : vector<16xi32> to vector<1xi32>
      %squeeze3A_108 = vector.extract %slice3A_107[0] : i32 from vector<1xi32>
      %multiple_of3A_109 = tpu.assume_multiple %squeeze3A_108, 8 : i32
      %dma_start3A_110 = arith.constant 5 : i32
      %dma_start3A_111 = arith.constant 0 : i32
      %dma_start3A_112 = arith.constant 0 : i32
      %dma_start3A_113 = tpu.memref_slice %arg12[%dma_start3A_110, %dma_start3A_111, %dma_start3A_112] : memref<16x8x64xf32, #tpu.memory_space<vmem>> -> memref<1x8x64xf32, #tpu.memory_space<vmem>>
      %dma_start3A_114 = tpu.memref_squeeze %dma_start3A_113 : memref<1x8x64xf32, #tpu.memory_space<vmem>> -> memref<8x64xf32, #tpu.memory_space<vmem>>
      %dma_start3A_115 = arith.constant 0 : i32
      %dma_start3A_116 = tpu.memref_slice %arg4[%multiple_of3A_109, %dma_start3A_115] : memref<1000000x64xf32, #tpu.memory_space<hbm>> -> memref<8x64xf32, #tpu.memory_space<hbm>>
      %dma_start3A_117 = arith.constant 0 : i32
      %dma_start3A_118 = arith.constant 0 : i32
      %dma_start3A_119 = tpu.memref_slice %arg12[%dma_start3A_110, %dma_start3A_117, %dma_start3A_118] : memref<16x8x64xf32, #tpu.memory_space<vmem>> -> memref<1x8x64xf32, #tpu.memory_space<vmem>>
      %dma_start3A_120 = tpu.memref_squeeze %dma_start3A_119 : memref<1x8x64xf32, #tpu.memory_space<vmem>> -> memref<8x64xf32, #tpu.memory_space<vmem>>
      %dma_start3A_121 = arith.constant 0 : i32
      %dma_start3A_122 = tpu.memref_slice %arg4[%multiple_of3A_109, %dma_start3A_121] : memref<1000000x64xf32, #tpu.memory_space<hbm>> -> memref<8x64xf32, #tpu.memory_space<hbm>>
      tpu.enqueue_dma source(%dma_start3A_122 : memref<8x64xf32, #tpu.memory_space<hbm>>) target(%dma_start3A_120 : memref<8x64xf32, #tpu.memory_space<vmem>>) target_semaphore(%arg14 : memref<!tpu.dma_semaphore, #tpu.memory_space<semaphore_mem>>)
      %slice3A_123 = vector.extract_strided_slice %shift_left3A_30 {offsets = [6], sizes = [1], strides = [1]} : vector<16xi32> to vector<1xi32>
      %squeeze3A_124 = vector.extract %slice3A_123[0] : i32 from vector<1xi32>
      %multiple_of3A_125 = tpu.assume_multiple %squeeze3A_124, 8 : i32
      %dma_start3A_126 = arith.constant 6 : i32
      %dma_start3A_127 = arith.constant 0 : i32
      %dma_start3A_128 = arith.constant 0 : i32
      %dma_start3A_129 = tpu.memref_slice %arg12[%dma_start3A_126, %dma_start3A_127, %dma_start3A_128] : memref<16x8x64xf32, #tpu.memory_space<vmem>> -> memref<1x8x64xf32, #tpu.memory_space<vmem>>
      %dma_start3A_130 = tpu.memref_squeeze %dma_start3A_129 : memref<1x8x64xf32, #tpu.memory_space<vmem>> -> memref<8x64xf32, #tpu.memory_space<vmem>>
      %dma_start3A_131 = arith.constant 0 : i32
      %dma_start3A_132 = tpu.memref_slice %arg4[%multiple_of3A_125, %dma_start3A_131] : memref<1000000x64xf32, #tpu.memory_space<hbm>> -> memref<8x64xf32, #tpu.memory_space<hbm>>
      %dma_start3A_133 = arith.constant 0 : i32
      %dma_start3A_134 = arith.constant 0 : i32
      %dma_start3A_135 = tpu.memref_slice %arg12[%dma_start3A_126, %dma_start3A_133, %dma_start3A_134] : memref<16x8x64xf32, #tpu.memory_space<vmem>> -> memref<1x8x64xf32, #tpu.memory_space<vmem>>
      %dma_start3A_136 = tpu.memref_squeeze %dma_start3A_135 : memref<1x8x64xf32, #tpu.memory_space<vmem>> -> memref<8x64xf32, #tpu.memory_space<vmem>>
      %dma_start3A_137 = arith.constant 0 : i32
      %dma_start3A_138 = tpu.memref_slice %arg4[%multiple_of3A_125, %dma_start3A_137] : memref<1000000x64xf32, #tpu.memory_space<hbm>> -> memref<8x64xf32, #tpu.memory_space<hbm>>
      tpu.enqueue_dma source(%dma_start3A_138 : memref<8x64xf32, #tpu.memory_space<hbm>>) target(%dma_start3A_136 : memref<8x64xf32, #tpu.memory_space<vmem>>) target_semaphore(%arg14 : memref<!tpu.dma_semaphore, #tpu.memory_space<semaphore_mem>>)
      %slice3A_139 = vector.extract_strided_slice %shift_left3A_30 {offsets = [7], sizes = [1], strides = [1]} : vector<16xi32> to vector<1xi32>
      %squeeze3A_140 = vector.extract %slice3A_139[0] : i32 from vector<1xi32>
      %multiple_of3A_141 = tpu.assume_multiple %squeeze3A_140, 8 : i32
      %dma_start3A_142 = arith.constant 7 : i32
      %dma_start3A_143 = arith.constant 0 : i32
      %dma_start3A_144 = arith.constant 0 : i32
      %dma_start3A_145 = tpu.memref_slice %arg12[%dma_start3A_142, %dma_start3A_143, %dma_start3A_144] : memref<16x8x64xf32, #tpu.memory_space<vmem>> -> memref<1x8x64xf32, #tpu.memory_space<vmem>>
      %dma_start3A_146 = tpu.memref_squeeze %dma_start3A_145 : memref<1x8x64xf32, #tpu.memory_space<vmem>> -> memref<8x64xf32, #tpu.memory_space<vmem>>
      %dma_start3A_147 = arith.constant 0 : i32
      %dma_start3A_148 = tpu.memref_slice %arg4[%multiple_of3A_141, %dma_start3A_147] : memref<1000000x64xf32, #tpu.memory_space<hbm>> -> memref<8x64xf32, #tpu.memory_space<hbm>>
      %dma_start3A_149 = arith.constant 0 : i32
      %dma_start3A_150 = arith.constant 0 : i32
      %dma_start3A_151 = tpu.memref_slice %arg12[%dma_start3A_142, %dma_start3A_149, %dma_start3A_150] : memref<16x8x64xf32, #tpu.memory_space<vmem>> -> memref<1x8x64xf32, #tpu.memory_space<vmem>>
      %dma_start3A_152 = tpu.memref_squeeze %dma_start3A_151 : memref<1x8x64xf32, #tpu.memory_space<vmem>> -> memref<8x64xf32, #tpu.memory_space<vmem>>
      %dma_start3A_153 = arith.constant 0 : i32
      %dma_start3A_154 = tpu.memref_slice %arg4[%multiple_of3A_141, %dma_start3A_153] : memref<1000000x64xf32, #tpu.memory_space<hbm>> -> memref<8x64xf32, #tpu.memory_space<hbm>>
      tpu.enqueue_dma source(%dma_start3A_154 : memref<8x64xf32, #tpu.memory_space<hbm>>) target(%dma_start3A_152 : memref<8x64xf32, #tpu.memory_space<vmem>>) target_semaphore(%arg14 : memref<!tpu.dma_semaphore, #tpu.memory_space<semaphore_mem>>)
      %slice3A_155 = vector.extract_strided_slice %shift_left3A_30 {offsets = [8], sizes = [1], strides = [1]} : vector<16xi32> to vector<1xi32>
      %squeeze3A_156 = vector.extract %slice3A_155[0] : i32 from vector<1xi32>
      %multiple_of3A_157 = tpu.assume_multiple %squeeze3A_156, 8 : i32
      %dma_start3A_158 = arith.constant 8 : i32
      %dma_start3A_159 = arith.constant 0 : i32
      %dma_start3A_160 = arith.constant 0 : i32
      %dma_start3A_161 = tpu.memref_slice %arg12[%dma_start3A_158, %dma_start3A_159, %dma_start3A_160] : memref<16x8x64xf32, #tpu.memory_space<vmem>> -> memref<1x8x64xf32, #tpu.memory_space<vmem>>
      %dma_start3A_162 = tpu.memref_squeeze %dma_start3A_161 : memref<1x8x64xf32, #tpu.memory_space<vmem>> -> memref<8x64xf32, #tpu.memory_space<vmem>>
      %dma_start3A_163 = arith.constant 0 : i32
      %dma_start3A_164 = tpu.memref_slice %arg4[%multiple_of3A_157, %dma_start3A_163] : memref<1000000x64xf32, #tpu.memory_space<hbm>> -> memref<8x64xf32, #tpu.memory_space<hbm>>
      %dma_start3A_165 = arith.constant 0 : i32
      %dma_start3A_166 = arith.constant 0 : i32
      %dma_start3A_167 = tpu.memref_slice %arg12[%dma_start3A_158, %dma_start3A_165, %dma_start3A_166] : memref<16x8x64xf32, #tpu.memory_space<vmem>> -> memref<1x8x64xf32, #tpu.memory_space<vmem>>
      %dma_start3A_168 = tpu.memref_squeeze %dma_start3A_167 : memref<1x8x64xf32, #tpu.memory_space<vmem>> -> memref<8x64xf32, #tpu.memory_space<vmem>>
      %dma_start3A_169 = arith.constant 0 : i32
      %dma_start3A_170 = tpu.memref_slice %arg4[%multiple_of3A_157, %dma_start3A_169] : memref<1000000x64xf32, #tpu.memory_space<hbm>> -> memref<8x64xf32, #tpu.memory_space<hbm>>
      tpu.enqueue_dma source(%dma_start3A_170 : memref<8x64xf32, #tpu.memory_space<hbm>>) target(%dma_start3A_168 : memref<8x64xf32, #tpu.memory_space<vmem>>) target_semaphore(%arg14 : memref<!tpu.dma_semaphore, #tpu.memory_space<semaphore_mem>>)
      %slice3A_171 = vector.extract_strided_slice %shift_left3A_30 {offsets = [9], sizes = [1], strides = [1]} : vector<16xi32> to vector<1xi32>
      %squeeze3A_172 = vector.extract %slice3A_171[0] : i32 from vector<1xi32>
      %multiple_of3A_173 = tpu.assume_multiple %squeeze3A_172, 8 : i32
      %dma_start3A_174 = arith.constant 9 : i32
      %dma_start3A_175 = arith.constant 0 : i32
      %dma_start3A_176 = arith.constant 0 : i32
      %dma_start3A_177 = tpu.memref_slice %arg12[%dma_start3A_174, %dma_start3A_175, %dma_start3A_176] : memref<16x8x64xf32, #tpu.memory_space<vmem>> -> memref<1x8x64xf32, #tpu.memory_space<vmem>>
      %dma_start3A_178 = tpu.memref_squeeze %dma_start3A_177 : memref<1x8x64xf32, #tpu.memory_space<vmem>> -> memref<8x64xf32, #tpu.memory_space<vmem>>
      %dma_start3A_179 = arith.constant 0 : i32
      %dma_start3A_180 = tpu.memref_slice %arg4[%multiple_of3A_173, %dma_start3A_179] : memref<1000000x64xf32, #tpu.memory_space<hbm>> -> memref<8x64xf32, #tpu.memory_space<hbm>>
      %dma_start3A_181 = arith.constant 0 : i32
      %dma_start3A_182 = arith.constant 0 : i32
      %dma_start3A_183 = tpu.memref_slice %arg12[%dma_start3A_174, %dma_start3A_181, %dma_start3A_182] : memref<16x8x64xf32, #tpu.memory_space<vmem>> -> memref<1x8x64xf32, #tpu.memory_space<vmem>>
      %dma_start3A_184 = tpu.memref_squeeze %dma_start3A_183 : memref<1x8x64xf32, #tpu.memory_space<vmem>> -> memref<8x64xf32, #tpu.memory_space<vmem>>
      %dma_start3A_185 = arith.constant 0 : i32
      %dma_start3A_186 = tpu.memref_slice %arg4[%multiple_of3A_173, %dma_start3A_185] : memref<1000000x64xf32, #tpu.memory_space<hbm>> -> memref<8x64xf32, #tpu.memory_space<hbm>>
      tpu.enqueue_dma source(%dma_start3A_186 : memref<8x64xf32, #tpu.memory_space<hbm>>) target(%dma_start3A_184 : memref<8x64xf32, #tpu.memory_space<vmem>>) target_semaphore(%arg14 : memref<!tpu.dma_semaphore, #tpu.memory_space<semaphore_mem>>)
      %slice3A_187 = vector.extract_strided_slice %shift_left3A_30 {offsets = [10], sizes = [1], strides = [1]} : vector<16xi32> to vector<1xi32>
      %squeeze3A_188 = vector.extract %slice3A_187[0] : i32 from vector<1xi32>
      %multiple_of3A_189 = tpu.assume_multiple %squeeze3A_188, 8 : i32
      %dma_start3A_190 = arith.constant 10 : i32
      %dma_start3A_191 = arith.constant 0 : i32
      %dma_start3A_192 = arith.constant 0 : i32
      %dma_start3A_193 = tpu.memref_slice %arg12[%dma_start3A_190, %dma_start3A_191, %dma_start3A_192] : memref<16x8x64xf32, #tpu.memory_space<vmem>> -> memref<1x8x64xf32, #tpu.memory_space<vmem>>
      %dma_start3A_194 = tpu.memref_squeeze %dma_start3A_193 : memref<1x8x64xf32, #tpu.memory_space<vmem>> -> memref<8x64xf32, #tpu.memory_space<vmem>>
      %dma_start3A_195 = arith.constant 0 : i32
      %dma_start3A_196 = tpu.memref_slice %arg4[%multiple_of3A_189, %dma_start3A_195] : memref<1000000x64xf32, #tpu.memory_space<hbm>> -> memref<8x64xf32, #tpu.memory_space<hbm>>
      %dma_start3A_197 = arith.constant 0 : i32
      %dma_start3A_198 = arith.constant 0 : i32
      %dma_start3A_199 = tpu.memref_slice %arg12[%dma_start3A_190, %dma_start3A_197, %dma_start3A_198] : memref<16x8x64xf32, #tpu.memory_space<vmem>> -> memref<1x8x64xf32, #tpu.memory_space<vmem>>
      %dma_start3A_200 = tpu.memref_squeeze %dma_start3A_199 : memref<1x8x64xf32, #tpu.memory_space<vmem>> -> memref<8x64xf32, #tpu.memory_space<vmem>>
      %dma_start3A_201 = arith.constant 0 : i32
      %dma_start3A_202 = tpu.memref_slice %arg4[%multiple_of3A_189, %dma_start3A_201] : memref<1000000x64xf32, #tpu.memory_space<hbm>> -> memref<8x64xf32, #tpu.memory_space<hbm>>
      tpu.enqueue_dma source(%dma_start3A_202 : memref<8x64xf32, #tpu.memory_space<hbm>>) target(%dma_start3A_200 : memref<8x64xf32, #tpu.memory_space<vmem>>) target_semaphore(%arg14 : memref<!tpu.dma_semaphore, #tpu.memory_space<semaphore_mem>>)
      %slice3A_203 = vector.extract_strided_slice %shift_left3A_30 {offsets = [11], sizes = [1], strides = [1]} : vector<16xi32> to vector<1xi32>
      %squeeze3A_204 = vector.extract %slice3A_203[0] : i32 from vector<1xi32>
      %multiple_of3A_205 = tpu.assume_multiple %squeeze3A_204, 8 : i32
      %dma_start3A_206 = arith.constant 11 : i32
      %dma_start3A_207 = arith.constant 0 : i32
      %dma_start3A_208 = arith.constant 0 : i32
      %dma_start3A_209 = tpu.memref_slice %arg12[%dma_start3A_206, %dma_start3A_207, %dma_start3A_208] : memref<16x8x64xf32, #tpu.memory_space<vmem>> -> memref<1x8x64xf32, #tpu.memory_space<vmem>>
      %dma_start3A_210 = tpu.memref_squeeze %dma_start3A_209 : memref<1x8x64xf32, #tpu.memory_space<vmem>> -> memref<8x64xf32, #tpu.memory_space<vmem>>
      %dma_start3A_211 = arith.constant 0 : i32
      %dma_start3A_212 = tpu.memref_slice %arg4[%multiple_of3A_205, %dma_start3A_211] : memref<1000000x64xf32, #tpu.memory_space<hbm>> -> memref<8x64xf32, #tpu.memory_space<hbm>>
      %dma_start3A_213 = arith.constant 0 : i32
      %dma_start3A_214 = arith.constant 0 : i32
      %dma_start3A_215 = tpu.memref_slice %arg12[%dma_start3A_206, %dma_start3A_213, %dma_start3A_214] : memref<16x8x64xf32, #tpu.memory_space<vmem>> -> memref<1x8x64xf32, #tpu.memory_space<vmem>>
      %dma_start3A_216 = tpu.memref_squeeze %dma_start3A_215 : memref<1x8x64xf32, #tpu.memory_space<vmem>> -> memref<8x64xf32, #tpu.memory_space<vmem>>
      %dma_start3A_217 = arith.constant 0 : i32
      %dma_start3A_218 = tpu.memref_slice %arg4[%multiple_of3A_205, %dma_start3A_217] : memref<1000000x64xf32, #tpu.memory_space<hbm>> -> memref<8x64xf32, #tpu.memory_space<hbm>>
      tpu.enqueue_dma source(%dma_start3A_218 : memref<8x64xf32, #tpu.memory_space<hbm>>) target(%dma_start3A_216 : memref<8x64xf32, #tpu.memory_space<vmem>>) target_semaphore(%arg14 : memref<!tpu.dma_semaphore, #tpu.memory_space<semaphore_mem>>)
      %slice3A_219 = vector.extract_strided_slice %shift_left3A_30 {offsets = [12], sizes = [1], strides = [1]} : vector<16xi32> to vector<1xi32>
      %squeeze3A_220 = vector.extract %slice3A_219[0] : i32 from vector<1xi32>
      %multiple_of3A_221 = tpu.assume_multiple %squeeze3A_220, 8 : i32
      %dma_start3A_222 = arith.constant 12 : i32
      %dma_start3A_223 = arith.constant 0 : i32
      %dma_start3A_224 = arith.constant 0 : i32
      %dma_start3A_225 = tpu.memref_slice %arg12[%dma_start3A_222, %dma_start3A_223, %dma_start3A_224] : memref<16x8x64xf32, #tpu.memory_space<vmem>> -> memref<1x8x64xf32, #tpu.memory_space<vmem>>
      %dma_start3A_226 = tpu.memref_squeeze %dma_start3A_225 : memref<1x8x64xf32, #tpu.memory_space<vmem>> -> memref<8x64xf32, #tpu.memory_space<vmem>>
      %dma_start3A_227 = arith.constant 0 : i32
      %dma_start3A_228 = tpu.memref_slice %arg4[%multiple_of3A_221, %dma_start3A_227] : memref<1000000x64xf32, #tpu.memory_space<hbm>> -> memref<8x64xf32, #tpu.memory_space<hbm>>
      %dma_start3A_229 = arith.constant 0 : i32
      %dma_start3A_230 = arith.constant 0 : i32
      %dma_start3A_231 = tpu.memref_slice %arg12[%dma_start3A_222, %dma_start3A_229, %dma_start3A_230] : memref<16x8x64xf32, #tpu.memory_space<vmem>> -> memref<1x8x64xf32, #tpu.memory_space<vmem>>
      %dma_start3A_232 = tpu.memref_squeeze %dma_start3A_231 : memref<1x8x64xf32, #tpu.memory_space<vmem>> -> memref<8x64xf32, #tpu.memory_space<vmem>>
      %dma_start3A_233 = arith.constant 0 : i32
      %dma_start3A_234 = tpu.memref_slice %arg4[%multiple_of3A_221, %dma_start3A_233] : memref<1000000x64xf32, #tpu.memory_space<hbm>> -> memref<8x64xf32, #tpu.memory_space<hbm>>
      tpu.enqueue_dma source(%dma_start3A_234 : memref<8x64xf32, #tpu.memory_space<hbm>>) target(%dma_start3A_232 : memref<8x64xf32, #tpu.memory_space<vmem>>) target_semaphore(%arg14 : memref<!tpu.dma_semaphore, #tpu.memory_space<semaphore_mem>>)
      %slice3A_235 = vector.extract_strided_slice %shift_left3A_30 {offsets = [13], sizes = [1], strides = [1]} : vector<16xi32> to vector<1xi32>
      %squeeze3A_236 = vector.extract %slice3A_235[0] : i32 from vector<1xi32>
      %multiple_of3A_237 = tpu.assume_multiple %squeeze3A_236, 8 : i32
      %dma_start3A_238 = arith.constant 13 : i32
      %dma_start3A_239 = arith.constant 0 : i32
      %dma_start3A_240 = arith.constant 0 : i32
      %dma_start3A_241 = tpu.memref_slice %arg12[%dma_start3A_238, %dma_start3A_239, %dma_start3A_240] : memref<16x8x64xf32, #tpu.memory_space<vmem>> -> memref<1x8x64xf32, #tpu.memory_space<vmem>>
      %dma_start3A_242 = tpu.memref_squeeze %dma_start3A_241 : memref<1x8x64xf32, #tpu.memory_space<vmem>> -> memref<8x64xf32, #tpu.memory_space<vmem>>
      %dma_start3A_243 = arith.constant 0 : i32
      %dma_start3A_244 = tpu.memref_slice %arg4[%multiple_of3A_237, %dma_start3A_243] : memref<1000000x64xf32, #tpu.memory_space<hbm>> -> memref<8x64xf32, #tpu.memory_space<hbm>>
      %dma_start3A_245 = arith.constant 0 : i32
      %dma_start3A_246 = arith.constant 0 : i32
      %dma_start3A_247 = tpu.memref_slice %arg12[%dma_start3A_238, %dma_start3A_245, %dma_start3A_246] : memref<16x8x64xf32, #tpu.memory_space<vmem>> -> memref<1x8x64xf32, #tpu.memory_space<vmem>>
      %dma_start3A_248 = tpu.memref_squeeze %dma_start3A_247 : memref<1x8x64xf32, #tpu.memory_space<vmem>> -> memref<8x64xf32, #tpu.memory_space<vmem>>
      %dma_start3A_249 = arith.constant 0 : i32
      %dma_start3A_250 = tpu.memref_slice %arg4[%multiple_of3A_237, %dma_start3A_249] : memref<1000000x64xf32, #tpu.memory_space<hbm>> -> memref<8x64xf32, #tpu.memory_space<hbm>>
      tpu.enqueue_dma source(%dma_start3A_250 : memref<8x64xf32, #tpu.memory_space<hbm>>) target(%dma_start3A_248 : memref<8x64xf32, #tpu.memory_space<vmem>>) target_semaphore(%arg14 : memref<!tpu.dma_semaphore, #tpu.memory_space<semaphore_mem>>)
      %slice3A_251 = vector.extract_strided_slice %shift_left3A_30 {offsets = [14], sizes = [1], strides = [1]} : vector<16xi32> to vector<1xi32>
      %squeeze3A_252 = vector.extract %slice3A_251[0] : i32 from vector<1xi32>
      %multiple_of3A_253 = tpu.assume_multiple %squeeze3A_252, 8 : i32
      %dma_start3A_254 = arith.constant 14 : i32
      %dma_start3A_255 = arith.constant 0 : i32
      %dma_start3A_256 = arith.constant 0 : i32
      %dma_start3A_257 = tpu.memref_slice %arg12[%dma_start3A_254, %dma_start3A_255, %dma_start3A_256] : memref<16x8x64xf32, #tpu.memory_space<vmem>> -> memref<1x8x64xf32, #tpu.memory_space<vmem>>
      %dma_start3A_258 = tpu.memref_squeeze %dma_start3A_257 : memref<1x8x64xf32, #tpu.memory_space<vmem>> -> memref<8x64xf32, #tpu.memory_space<vmem>>
      %dma_start3A_259 = arith.constant 0 : i32
      %dma_start3A_260 = tpu.memref_slice %arg4[%multiple_of3A_253, %dma_start3A_259] : memref<1000000x64xf32, #tpu.memory_space<hbm>> -> memref<8x64xf32, #tpu.memory_space<hbm>>
      %dma_start3A_261 = arith.constant 0 : i32
      %dma_start3A_262 = arith.constant 0 : i32
      %dma_start3A_263 = tpu.memref_slice %arg12[%dma_start3A_254, %dma_start3A_261, %dma_start3A_262] : memref<16x8x64xf32, #tpu.memory_space<vmem>> -> memref<1x8x64xf32, #tpu.memory_space<vmem>>
      %dma_start3A_264 = tpu.memref_squeeze %dma_start3A_263 : memref<1x8x64xf32, #tpu.memory_space<vmem>> -> memref<8x64xf32, #tpu.memory_space<vmem>>
      %dma_start3A_265 = arith.constant 0 : i32
      %dma_start3A_266 = tpu.memref_slice %arg4[%multiple_of3A_253, %dma_start3A_265] : memref<1000000x64xf32, #tpu.memory_space<hbm>> -> memref<8x64xf32, #tpu.memory_space<hbm>>
      tpu.enqueue_dma source(%dma_start3A_266 : memref<8x64xf32, #tpu.memory_space<hbm>>) target(%dma_start3A_264 : memref<8x64xf32, #tpu.memory_space<vmem>>) target_semaphore(%arg14 : memref<!tpu.dma_semaphore, #tpu.memory_space<semaphore_mem>>)
      %slice3A_267 = vector.extract_strided_slice %shift_left3A_30 {offsets = [15], sizes = [1], strides = [1]} : vector<16xi32> to vector<1xi32>
      %squeeze3A_268 = vector.extract %slice3A_267[0] : i32 from vector<1xi32>
      %multiple_of3A_269 = tpu.assume_multiple %squeeze3A_268, 8 : i32
      %dma_start3A_270 = arith.constant 15 : i32
      %dma_start3A_271 = arith.constant 0 : i32
      %dma_start3A_272 = arith.constant 0 : i32
      %dma_start3A_273 = tpu.memref_slice %arg12[%dma_start3A_270, %dma_start3A_271, %dma_start3A_272] : memref<16x8x64xf32, #tpu.memory_space<vmem>> -> memref<1x8x64xf32, #tpu.memory_space<vmem>>
      %dma_start3A_274 = tpu.memref_squeeze %dma_start3A_273 : memref<1x8x64xf32, #tpu.memory_space<vmem>> -> memref<8x64xf32, #tpu.memory_space<vmem>>
      %dma_start3A_275 = arith.constant 0 : i32
      %dma_start3A_276 = tpu.memref_slice %arg4[%multiple_of3A_269, %dma_start3A_275] : memref<1000000x64xf32, #tpu.memory_space<hbm>> -> memref<8x64xf32, #tpu.memory_space<hbm>>
      %dma_start3A_277 = arith.constant 0 : i32
      %dma_start3A_278 = arith.constant 0 : i32
      %dma_start3A_279 = tpu.memref_slice %arg12[%dma_start3A_270, %dma_start3A_277, %dma_start3A_278] : memref<16x8x64xf32, #tpu.memory_space<vmem>> -> memref<1x8x64xf32, #tpu.memory_space<vmem>>
      %dma_start3A_280 = tpu.memref_squeeze %dma_start3A_279 : memref<1x8x64xf32, #tpu.memory_space<vmem>> -> memref<8x64xf32, #tpu.memory_space<vmem>>
      %dma_start3A_281 = arith.constant 0 : i32
      %dma_start3A_282 = tpu.memref_slice %arg4[%multiple_of3A_269, %dma_start3A_281] : memref<1000000x64xf32, #tpu.memory_space<hbm>> -> memref<8x64xf32, #tpu.memory_space<hbm>>
      tpu.enqueue_dma source(%dma_start3A_282 : memref<8x64xf32, #tpu.memory_space<hbm>>) target(%dma_start3A_280 : memref<8x64xf32, #tpu.memory_space<vmem>>) target_semaphore(%arg14 : memref<!tpu.dma_semaphore, #tpu.memory_space<semaphore_mem>>)
      %dma_wait3A = arith.constant 0 : i32
      %dma_wait3A_283 = arith.constant 0 : i32
      %dma_wait3A_284 = arith.constant 0 : i32
      %dma_wait3A_285 = tpu.memref_slice %arg12[%dma_wait3A, %dma_wait3A_283, %dma_wait3A_284] : memref<16x8x64xf32, #tpu.memory_space<vmem>> -> memref<1x8x64xf32, #tpu.memory_space<vmem>>
      %dma_wait3A_286 = tpu.memref_squeeze %dma_wait3A_285 : memref<1x8x64xf32, #tpu.memory_space<vmem>> -> memref<8x64xf32, #tpu.memory_space<vmem>>
      %dma_wait3A_287 = arith.constant 0 : i32
      %dma_wait3A_288 = tpu.memref_slice %arg4[%multiple_of3A, %dma_wait3A_287] : memref<1000000x64xf32, #tpu.memory_space<hbm>> -> memref<8x64xf32, #tpu.memory_space<hbm>>
      %dma_wait3A_289 = arith.constant 0 : i32
      %dma_wait3A_290 = arith.constant 0 : i32
      %dma_wait3A_291 = tpu.memref_slice %arg12[%dma_wait3A, %dma_wait3A_289, %dma_wait3A_290] : memref<16x8x64xf32, #tpu.memory_space<vmem>> -> memref<1x8x64xf32, #tpu.memory_space<vmem>>
      %dma_wait3A_292 = tpu.memref_squeeze %dma_wait3A_291 : memref<1x8x64xf32, #tpu.memory_space<vmem>> -> memref<8x64xf32, #tpu.memory_space<vmem>>
      %dma_wait3A_293 = arith.constant 0 : i32
      %dma_wait3A_294 = tpu.memref_slice %arg4[%multiple_of3A, %dma_wait3A_293] : memref<1000000x64xf32, #tpu.memory_space<hbm>> -> memref<8x64xf32, #tpu.memory_space<hbm>>
      tpu.wait_dma2 semaphore(%arg14 : memref<!tpu.dma_semaphore, #tpu.memory_space<semaphore_mem>>) src(%dma_wait3A_294 : memref<8x64xf32, #tpu.memory_space<hbm>>) dst(%dma_wait3A_292 : memref<8x64xf32, #tpu.memory_space<vmem>>)
      %dma_wait3A_295 = arith.constant 1 : i32
      %dma_wait3A_296 = arith.constant 0 : i32
      %dma_wait3A_297 = arith.constant 0 : i32
      %dma_wait3A_298 = tpu.memref_slice %arg12[%dma_wait3A_295, %dma_wait3A_296, %dma_wait3A_297] : memref<16x8x64xf32, #tpu.memory_space<vmem>> -> memref<1x8x64xf32, #tpu.memory_space<vmem>>
      %dma_wait3A_299 = tpu.memref_squeeze %dma_wait3A_298 : memref<1x8x64xf32, #tpu.memory_space<vmem>> -> memref<8x64xf32, #tpu.memory_space<vmem>>
      %dma_wait3A_300 = arith.constant 0 : i32
      %dma_wait3A_301 = tpu.memref_slice %arg4[%multiple_of3A_45, %dma_wait3A_300] : memref<1000000x64xf32, #tpu.memory_space<hbm>> -> memref<8x64xf32, #tpu.memory_space<hbm>>
      %dma_wait3A_302 = arith.constant 0 : i32
      %dma_wait3A_303 = arith.constant 0 : i32
      %dma_wait3A_304 = tpu.memref_slice %arg12[%dma_wait3A_295, %dma_wait3A_302, %dma_wait3A_303] : memref<16x8x64xf32, #tpu.memory_space<vmem>> -> memref<1x8x64xf32, #tpu.memory_space<vmem>>
      %dma_wait3A_305 = tpu.memref_squeeze %dma_wait3A_304 : memref<1x8x64xf32, #tpu.memory_space<vmem>> -> memref<8x64xf32, #tpu.memory_space<vmem>>
      %dma_wait3A_306 = arith.constant 0 : i32
      %dma_wait3A_307 = tpu.memref_slice %arg4[%multiple_of3A_45, %dma_wait3A_306] : memref<1000000x64xf32, #tpu.memory_space<hbm>> -> memref<8x64xf32, #tpu.memory_space<hbm>>
      tpu.wait_dma2 semaphore(%arg14 : memref<!tpu.dma_semaphore, #tpu.memory_space<semaphore_mem>>) src(%dma_wait3A_307 : memref<8x64xf32, #tpu.memory_space<hbm>>) dst(%dma_wait3A_305 : memref<8x64xf32, #tpu.memory_space<vmem>>)
      %dma_wait3A_308 = arith.constant 2 : i32
      %dma_wait3A_309 = arith.constant 0 : i32
      %dma_wait3A_310 = arith.constant 0 : i32
      %dma_wait3A_311 = tpu.memref_slice %arg12[%dma_wait3A_308, %dma_wait3A_309, %dma_wait3A_310] : memref<16x8x64xf32, #tpu.memory_space<vmem>> -> memref<1x8x64xf32, #tpu.memory_space<vmem>>
      %dma_wait3A_312 = tpu.memref_squeeze %dma_wait3A_311 : memref<1x8x64xf32, #tpu.memory_space<vmem>> -> memref<8x64xf32, #tpu.memory_space<vmem>>
      %dma_wait3A_313 = arith.constant 0 : i32
      %dma_wait3A_314 = tpu.memref_slice %arg4[%multiple_of3A_61, %dma_wait3A_313] : memref<1000000x64xf32, #tpu.memory_space<hbm>> -> memref<8x64xf32, #tpu.memory_space<hbm>>
      %dma_wait3A_315 = arith.constant 0 : i32
      %dma_wait3A_316 = arith.constant 0 : i32
      %dma_wait3A_317 = tpu.memref_slice %arg12[%dma_wait3A_308, %dma_wait3A_315, %dma_wait3A_316] : memref<16x8x64xf32, #tpu.memory_space<vmem>> -> memref<1x8x64xf32, #tpu.memory_space<vmem>>
      %dma_wait3A_318 = tpu.memref_squeeze %dma_wait3A_317 : memref<1x8x64xf32, #tpu.memory_space<vmem>> -> memref<8x64xf32, #tpu.memory_space<vmem>>
      %dma_wait3A_319 = arith.constant 0 : i32
      %dma_wait3A_320 = tpu.memref_slice %arg4[%multiple_of3A_61, %dma_wait3A_319] : memref<1000000x64xf32, #tpu.memory_space<hbm>> -> memref<8x64xf32, #tpu.memory_space<hbm>>
      tpu.wait_dma2 semaphore(%arg14 : memref<!tpu.dma_semaphore, #tpu.memory_space<semaphore_mem>>) src(%dma_wait3A_320 : memref<8x64xf32, #tpu.memory_space<hbm>>) dst(%dma_wait3A_318 : memref<8x64xf32, #tpu.memory_space<vmem>>)
      %dma_wait3A_321 = arith.constant 3 : i32
      %dma_wait3A_322 = arith.constant 0 : i32
      %dma_wait3A_323 = arith.constant 0 : i32
      %dma_wait3A_324 = tpu.memref_slice %arg12[%dma_wait3A_321, %dma_wait3A_322, %dma_wait3A_323] : memref<16x8x64xf32, #tpu.memory_space<vmem>> -> memref<1x8x64xf32, #tpu.memory_space<vmem>>
      %dma_wait3A_325 = tpu.memref_squeeze %dma_wait3A_324 : memref<1x8x64xf32, #tpu.memory_space<vmem>> -> memref<8x64xf32, #tpu.memory_space<vmem>>
      %dma_wait3A_326 = arith.constant 0 : i32
      %dma_wait3A_327 = tpu.memref_slice %arg4[%multiple_of3A_77, %dma_wait3A_326] : memref<1000000x64xf32, #tpu.memory_space<hbm>> -> memref<8x64xf32, #tpu.memory_space<hbm>>
      %dma_wait3A_328 = arith.constant 0 : i32
      %dma_wait3A_329 = arith.constant 0 : i32
      %dma_wait3A_330 = tpu.memref_slice %arg12[%dma_wait3A_321, %dma_wait3A_328, %dma_wait3A_329] : memref<16x8x64xf32, #tpu.memory_space<vmem>> -> memref<1x8x64xf32, #tpu.memory_space<vmem>>
      %dma_wait3A_331 = tpu.memref_squeeze %dma_wait3A_330 : memref<1x8x64xf32, #tpu.memory_space<vmem>> -> memref<8x64xf32, #tpu.memory_space<vmem>>
      %dma_wait3A_332 = arith.constant 0 : i32
      %dma_wait3A_333 = tpu.memref_slice %arg4[%multiple_of3A_77, %dma_wait3A_332] : memref<1000000x64xf32, #tpu.memory_space<hbm>> -> memref<8x64xf32, #tpu.memory_space<hbm>>
      tpu.wait_dma2 semaphore(%arg14 : memref<!tpu.dma_semaphore, #tpu.memory_space<semaphore_mem>>) src(%dma_wait3A_333 : memref<8x64xf32, #tpu.memory_space<hbm>>) dst(%dma_wait3A_331 : memref<8x64xf32, #tpu.memory_space<vmem>>)
      %dma_wait3A_334 = arith.constant 4 : i32
      %dma_wait3A_335 = arith.constant 0 : i32
      %dma_wait3A_336 = arith.constant 0 : i32
      %dma_wait3A_337 = tpu.memref_slice %arg12[%dma_wait3A_334, %dma_wait3A_335, %dma_wait3A_336] : memref<16x8x64xf32, #tpu.memory_space<vmem>> -> memref<1x8x64xf32, #tpu.memory_space<vmem>>
      %dma_wait3A_338 = tpu.memref_squeeze %dma_wait3A_337 : memref<1x8x64xf32, #tpu.memory_space<vmem>> -> memref<8x64xf32, #tpu.memory_space<vmem>>
      %dma_wait3A_339 = arith.constant 0 : i32
      %dma_wait3A_340 = tpu.memref_slice %arg4[%multiple_of3A_93, %dma_wait3A_339] : memref<1000000x64xf32, #tpu.memory_space<hbm>> -> memref<8x64xf32, #tpu.memory_space<hbm>>
      %dma_wait3A_341 = arith.constant 0 : i32
      %dma_wait3A_342 = arith.constant 0 : i32
      %dma_wait3A_343 = tpu.memref_slice %arg12[%dma_wait3A_334, %dma_wait3A_341, %dma_wait3A_342] : memref<16x8x64xf32, #tpu.memory_space<vmem>> -> memref<1x8x64xf32, #tpu.memory_space<vmem>>
      %dma_wait3A_344 = tpu.memref_squeeze %dma_wait3A_343 : memref<1x8x64xf32, #tpu.memory_space<vmem>> -> memref<8x64xf32, #tpu.memory_space<vmem>>
      %dma_wait3A_345 = arith.constant 0 : i32
      %dma_wait3A_346 = tpu.memref_slice %arg4[%multiple_of3A_93, %dma_wait3A_345] : memref<1000000x64xf32, #tpu.memory_space<hbm>> -> memref<8x64xf32, #tpu.memory_space<hbm>>
      tpu.wait_dma2 semaphore(%arg14 : memref<!tpu.dma_semaphore, #tpu.memory_space<semaphore_mem>>) src(%dma_wait3A_346 : memref<8x64xf32, #tpu.memory_space<hbm>>) dst(%dma_wait3A_344 : memref<8x64xf32, #tpu.memory_space<vmem>>)
      %dma_wait3A_347 = arith.constant 5 : i32
      %dma_wait3A_348 = arith.constant 0 : i32
      %dma_wait3A_349 = arith.constant 0 : i32
      %dma_wait3A_350 = tpu.memref_slice %arg12[%dma_wait3A_347, %dma_wait3A_348, %dma_wait3A_349] : memref<16x8x64xf32, #tpu.memory_space<vmem>> -> memref<1x8x64xf32, #tpu.memory_space<vmem>>
      %dma_wait3A_351 = tpu.memref_squeeze %dma_wait3A_350 : memref<1x8x64xf32, #tpu.memory_space<vmem>> -> memref<8x64xf32, #tpu.memory_space<vmem>>
      %dma_wait3A_352 = arith.constant 0 : i32
      %dma_wait3A_353 = tpu.memref_slice %arg4[%multiple_of3A_109, %dma_wait3A_352] : memref<1000000x64xf32, #tpu.memory_space<hbm>> -> memref<8x64xf32, #tpu.memory_space<hbm>>
      %dma_wait3A_354 = arith.constant 0 : i32
      %dma_wait3A_355 = arith.constant 0 : i32
      %dma_wait3A_356 = tpu.memref_slice %arg12[%dma_wait3A_347, %dma_wait3A_354, %dma_wait3A_355] : memref<16x8x64xf32, #tpu.memory_space<vmem>> -> memref<1x8x64xf32, #tpu.memory_space<vmem>>
      %dma_wait3A_357 = tpu.memref_squeeze %dma_wait3A_356 : memref<1x8x64xf32, #tpu.memory_space<vmem>> -> memref<8x64xf32, #tpu.memory_space<vmem>>
      %dma_wait3A_358 = arith.constant 0 : i32
      %dma_wait3A_359 = tpu.memref_slice %arg4[%multiple_of3A_109, %dma_wait3A_358] : memref<1000000x64xf32, #tpu.memory_space<hbm>> -> memref<8x64xf32, #tpu.memory_space<hbm>>
      tpu.wait_dma2 semaphore(%arg14 : memref<!tpu.dma_semaphore, #tpu.memory_space<semaphore_mem>>) src(%dma_wait3A_359 : memref<8x64xf32, #tpu.memory_space<hbm>>) dst(%dma_wait3A_357 : memref<8x64xf32, #tpu.memory_space<vmem>>)
      %dma_wait3A_360 = arith.constant 6 : i32
      %dma_wait3A_361 = arith.constant 0 : i32
      %dma_wait3A_362 = arith.constant 0 : i32
      %dma_wait3A_363 = tpu.memref_slice %arg12[%dma_wait3A_360, %dma_wait3A_361, %dma_wait3A_362] : memref<16x8x64xf32, #tpu.memory_space<vmem>> -> memref<1x8x64xf32, #tpu.memory_space<vmem>>
      %dma_wait3A_364 = tpu.memref_squeeze %dma_wait3A_363 : memref<1x8x64xf32, #tpu.memory_space<vmem>> -> memref<8x64xf32, #tpu.memory_space<vmem>>
      %dma_wait3A_365 = arith.constant 0 : i32
      %dma_wait3A_366 = tpu.memref_slice %arg4[%multiple_of3A_125, %dma_wait3A_365] : memref<1000000x64xf32, #tpu.memory_space<hbm>> -> memref<8x64xf32, #tpu.memory_space<hbm>>
      %dma_wait3A_367 = arith.constant 0 : i32
      %dma_wait3A_368 = arith.constant 0 : i32
      %dma_wait3A_369 = tpu.memref_slice %arg12[%dma_wait3A_360, %dma_wait3A_367, %dma_wait3A_368] : memref<16x8x64xf32, #tpu.memory_space<vmem>> -> memref<1x8x64xf32, #tpu.memory_space<vmem>>
      %dma_wait3A_370 = tpu.memref_squeeze %dma_wait3A_369 : memref<1x8x64xf32, #tpu.memory_space<vmem>> -> memref<8x64xf32, #tpu.memory_space<vmem>>
      %dma_wait3A_371 = arith.constant 0 : i32
      %dma_wait3A_372 = tpu.memref_slice %arg4[%multiple_of3A_125, %dma_wait3A_371] : memref<1000000x64xf32, #tpu.memory_space<hbm>> -> memref<8x64xf32, #tpu.memory_space<hbm>>
      tpu.wait_dma2 semaphore(%arg14 : memref<!tpu.dma_semaphore, #tpu.memory_space<semaphore_mem>>) src(%dma_wait3A_372 : memref<8x64xf32, #tpu.memory_space<hbm>>) dst(%dma_wait3A_370 : memref<8x64xf32, #tpu.memory_space<vmem>>)
      %dma_wait3A_373 = arith.constant 7 : i32
      %dma_wait3A_374 = arith.constant 0 : i32
      %dma_wait3A_375 = arith.constant 0 : i32
      %dma_wait3A_376 = tpu.memref_slice %arg12[%dma_wait3A_373, %dma_wait3A_374, %dma_wait3A_375] : memref<16x8x64xf32, #tpu.memory_space<vmem>> -> memref<1x8x64xf32, #tpu.memory_space<vmem>>
      %dma_wait3A_377 = tpu.memref_squeeze %dma_wait3A_376 : memref<1x8x64xf32, #tpu.memory_space<vmem>> -> memref<8x64xf32, #tpu.memory_space<vmem>>
      %dma_wait3A_378 = arith.constant 0 : i32
      %dma_wait3A_379 = tpu.memref_slice %arg4[%multiple_of3A_141, %dma_wait3A_378] : memref<1000000x64xf32, #tpu.memory_space<hbm>> -> memref<8x64xf32, #tpu.memory_space<hbm>>
      %dma_wait3A_380 = arith.constant 0 : i32
      %dma_wait3A_381 = arith.constant 0 : i32
      %dma_wait3A_382 = tpu.memref_slice %arg12[%dma_wait3A_373, %dma_wait3A_380, %dma_wait3A_381] : memref<16x8x64xf32, #tpu.memory_space<vmem>> -> memref<1x8x64xf32, #tpu.memory_space<vmem>>
      %dma_wait3A_383 = tpu.memref_squeeze %dma_wait3A_382 : memref<1x8x64xf32, #tpu.memory_space<vmem>> -> memref<8x64xf32, #tpu.memory_space<vmem>>
      %dma_wait3A_384 = arith.constant 0 : i32
      %dma_wait3A_385 = tpu.memref_slice %arg4[%multiple_of3A_141, %dma_wait3A_384] : memref<1000000x64xf32, #tpu.memory_space<hbm>> -> memref<8x64xf32, #tpu.memory_space<hbm>>
      tpu.wait_dma2 semaphore(%arg14 : memref<!tpu.dma_semaphore, #tpu.memory_space<semaphore_mem>>) src(%dma_wait3A_385 : memref<8x64xf32, #tpu.memory_space<hbm>>) dst(%dma_wait3A_383 : memref<8x64xf32, #tpu.memory_space<vmem>>)
      %dma_wait3A_386 = arith.constant 8 : i32
      %dma_wait3A_387 = arith.constant 0 : i32
      %dma_wait3A_388 = arith.constant 0 : i32
      %dma_wait3A_389 = tpu.memref_slice %arg12[%dma_wait3A_386, %dma_wait3A_387, %dma_wait3A_388] : memref<16x8x64xf32, #tpu.memory_space<vmem>> -> memref<1x8x64xf32, #tpu.memory_space<vmem>>
      %dma_wait3A_390 = tpu.memref_squeeze %dma_wait3A_389 : memref<1x8x64xf32, #tpu.memory_space<vmem>> -> memref<8x64xf32, #tpu.memory_space<vmem>>
      %dma_wait3A_391 = arith.constant 0 : i32
      %dma_wait3A_392 = tpu.memref_slice %arg4[%multiple_of3A_157, %dma_wait3A_391] : memref<1000000x64xf32, #tpu.memory_space<hbm>> -> memref<8x64xf32, #tpu.memory_space<hbm>>
      %dma_wait3A_393 = arith.constant 0 : i32
      %dma_wait3A_394 = arith.constant 0 : i32
      %dma_wait3A_395 = tpu.memref_slice %arg12[%dma_wait3A_386, %dma_wait3A_393, %dma_wait3A_394] : memref<16x8x64xf32, #tpu.memory_space<vmem>> -> memref<1x8x64xf32, #tpu.memory_space<vmem>>
      %dma_wait3A_396 = tpu.memref_squeeze %dma_wait3A_395 : memref<1x8x64xf32, #tpu.memory_space<vmem>> -> memref<8x64xf32, #tpu.memory_space<vmem>>
      %dma_wait3A_397 = arith.constant 0 : i32
      %dma_wait3A_398 = tpu.memref_slice %arg4[%multiple_of3A_157, %dma_wait3A_397] : memref<1000000x64xf32, #tpu.memory_space<hbm>> -> memref<8x64xf32, #tpu.memory_space<hbm>>
      tpu.wait_dma2 semaphore(%arg14 : memref<!tpu.dma_semaphore, #tpu.memory_space<semaphore_mem>>) src(%dma_wait3A_398 : memref<8x64xf32, #tpu.memory_space<hbm>>) dst(%dma_wait3A_396 : memref<8x64xf32, #tpu.memory_space<vmem>>)
      %dma_wait3A_399 = arith.constant 9 : i32
      %dma_wait3A_400 = arith.constant 0 : i32
      %dma_wait3A_401 = arith.constant 0 : i32
      %dma_wait3A_402 = tpu.memref_slice %arg12[%dma_wait3A_399, %dma_wait3A_400, %dma_wait3A_401] : memref<16x8x64xf32, #tpu.memory_space<vmem>> -> memref<1x8x64xf32, #tpu.memory_space<vmem>>
      %dma_wait3A_403 = tpu.memref_squeeze %dma_wait3A_402 : memref<1x8x64xf32, #tpu.memory_space<vmem>> -> memref<8x64xf32, #tpu.memory_space<vmem>>
      %dma_wait3A_404 = arith.constant 0 : i32
      %dma_wait3A_405 = tpu.memref_slice %arg4[%multiple_of3A_173, %dma_wait3A_404] : memref<1000000x64xf32, #tpu.memory_space<hbm>> -> memref<8x64xf32, #tpu.memory_space<hbm>>
      %dma_wait3A_406 = arith.constant 0 : i32
      %dma_wait3A_407 = arith.constant 0 : i32
      %dma_wait3A_408 = tpu.memref_slice %arg12[%dma_wait3A_399, %dma_wait3A_406, %dma_wait3A_407] : memref<16x8x64xf32, #tpu.memory_space<vmem>> -> memref<1x8x64xf32, #tpu.memory_space<vmem>>
      %dma_wait3A_409 = tpu.memref_squeeze %dma_wait3A_408 : memref<1x8x64xf32, #tpu.memory_space<vmem>> -> memref<8x64xf32, #tpu.memory_space<vmem>>
      %dma_wait3A_410 = arith.constant 0 : i32
      %dma_wait3A_411 = tpu.memref_slice %arg4[%multiple_of3A_173, %dma_wait3A_410] : memref<1000000x64xf32, #tpu.memory_space<hbm>> -> memref<8x64xf32, #tpu.memory_space<hbm>>
      tpu.wait_dma2 semaphore(%arg14 : memref<!tpu.dma_semaphore, #tpu.memory_space<semaphore_mem>>) src(%dma_wait3A_411 : memref<8x64xf32, #tpu.memory_space<hbm>>) dst(%dma_wait3A_409 : memref<8x64xf32, #tpu.memory_space<vmem>>)
      %dma_wait3A_412 = arith.constant 10 : i32
      %dma_wait3A_413 = arith.constant 0 : i32
      %dma_wait3A_414 = arith.constant 0 : i32
      %dma_wait3A_415 = tpu.memref_slice %arg12[%dma_wait3A_412, %dma_wait3A_413, %dma_wait3A_414] : memref<16x8x64xf32, #tpu.memory_space<vmem>> -> memref<1x8x64xf32, #tpu.memory_space<vmem>>
      %dma_wait3A_416 = tpu.memref_squeeze %dma_wait3A_415 : memref<1x8x64xf32, #tpu.memory_space<vmem>> -> memref<8x64xf32, #tpu.memory_space<vmem>>
      %dma_wait3A_417 = arith.constant 0 : i32
      %dma_wait3A_418 = tpu.memref_slice %arg4[%multiple_of3A_189, %dma_wait3A_417] : memref<1000000x64xf32, #tpu.memory_space<hbm>> -> memref<8x64xf32, #tpu.memory_space<hbm>>
      %dma_wait3A_419 = arith.constant 0 : i32
      %dma_wait3A_420 = arith.constant 0 : i32
      %dma_wait3A_421 = tpu.memref_slice %arg12[%dma_wait3A_412, %dma_wait3A_419, %dma_wait3A_420] : memref<16x8x64xf32, #tpu.memory_space<vmem>> -> memref<1x8x64xf32, #tpu.memory_space<vmem>>
      %dma_wait3A_422 = tpu.memref_squeeze %dma_wait3A_421 : memref<1x8x64xf32, #tpu.memory_space<vmem>> -> memref<8x64xf32, #tpu.memory_space<vmem>>
      %dma_wait3A_423 = arith.constant 0 : i32
      %dma_wait3A_424 = tpu.memref_slice %arg4[%multiple_of3A_189, %dma_wait3A_423] : memref<1000000x64xf32, #tpu.memory_space<hbm>> -> memref<8x64xf32, #tpu.memory_space<hbm>>
      tpu.wait_dma2 semaphore(%arg14 : memref<!tpu.dma_semaphore, #tpu.memory_space<semaphore_mem>>) src(%dma_wait3A_424 : memref<8x64xf32, #tpu.memory_space<hbm>>) dst(%dma_wait3A_422 : memref<8x64xf32, #tpu.memory_space<vmem>>)
      %dma_wait3A_425 = arith.constant 11 : i32
      %dma_wait3A_426 = arith.constant 0 : i32
      %dma_wait3A_427 = arith.constant 0 : i32
      %dma_wait3A_428 = tpu.memref_slice %arg12[%dma_wait3A_425, %dma_wait3A_426, %dma_wait3A_427] : memref<16x8x64xf32, #tpu.memory_space<vmem>> -> memref<1x8x64xf32, #tpu.memory_space<vmem>>
      %dma_wait3A_429 = tpu.memref_squeeze %dma_wait3A_428 : memref<1x8x64xf32, #tpu.memory_space<vmem>> -> memref<8x64xf32, #tpu.memory_space<vmem>>
      %dma_wait3A_430 = arith.constant 0 : i32
      %dma_wait3A_431 = tpu.memref_slice %arg4[%multiple_of3A_205, %dma_wait3A_430] : memref<1000000x64xf32, #tpu.memory_space<hbm>> -> memref<8x64xf32, #tpu.memory_space<hbm>>
      %dma_wait3A_432 = arith.constant 0 : i32
      %dma_wait3A_433 = arith.constant 0 : i32
      %dma_wait3A_434 = tpu.memref_slice %arg12[%dma_wait3A_425, %dma_wait3A_432, %dma_wait3A_433] : memref<16x8x64xf32, #tpu.memory_space<vmem>> -> memref<1x8x64xf32, #tpu.memory_space<vmem>>
      %dma_wait3A_435 = tpu.memref_squeeze %dma_wait3A_434 : memref<1x8x64xf32, #tpu.memory_space<vmem>> -> memref<8x64xf32, #tpu.memory_space<vmem>>
      %dma_wait3A_436 = arith.constant 0 : i32
      %dma_wait3A_437 = tpu.memref_slice %arg4[%multiple_of3A_205, %dma_wait3A_436] : memref<1000000x64xf32, #tpu.memory_space<hbm>> -> memref<8x64xf32, #tpu.memory_space<hbm>>
      tpu.wait_dma2 semaphore(%arg14 : memref<!tpu.dma_semaphore, #tpu.memory_space<semaphore_mem>>) src(%dma_wait3A_437 : memref<8x64xf32, #tpu.memory_space<hbm>>) dst(%dma_wait3A_435 : memref<8x64xf32, #tpu.memory_space<vmem>>)
      %dma_wait3A_438 = arith.constant 12 : i32
      %dma_wait3A_439 = arith.constant 0 : i32
      %dma_wait3A_440 = arith.constant 0 : i32
      %dma_wait3A_441 = tpu.memref_slice %arg12[%dma_wait3A_438, %dma_wait3A_439, %dma_wait3A_440] : memref<16x8x64xf32, #tpu.memory_space<vmem>> -> memref<1x8x64xf32, #tpu.memory_space<vmem>>
      %dma_wait3A_442 = tpu.memref_squeeze %dma_wait3A_441 : memref<1x8x64xf32, #tpu.memory_space<vmem>> -> memref<8x64xf32, #tpu.memory_space<vmem>>
      %dma_wait3A_443 = arith.constant 0 : i32
      %dma_wait3A_444 = tpu.memref_slice %arg4[%multiple_of3A_221, %dma_wait3A_443] : memref<1000000x64xf32, #tpu.memory_space<hbm>> -> memref<8x64xf32, #tpu.memory_space<hbm>>
      %dma_wait3A_445 = arith.constant 0 : i32
      %dma_wait3A_446 = arith.constant 0 : i32
      %dma_wait3A_447 = tpu.memref_slice %arg12[%dma_wait3A_438, %dma_wait3A_445, %dma_wait3A_446] : memref<16x8x64xf32, #tpu.memory_space<vmem>> -> memref<1x8x64xf32, #tpu.memory_space<vmem>>
      %dma_wait3A_448 = tpu.memref_squeeze %dma_wait3A_447 : memref<1x8x64xf32, #tpu.memory_space<vmem>> -> memref<8x64xf32, #tpu.memory_space<vmem>>
      %dma_wait3A_449 = arith.constant 0 : i32
      %dma_wait3A_450 = tpu.memref_slice %arg4[%multiple_of3A_221, %dma_wait3A_449] : memref<1000000x64xf32, #tpu.memory_space<hbm>> -> memref<8x64xf32, #tpu.memory_space<hbm>>
      tpu.wait_dma2 semaphore(%arg14 : memref<!tpu.dma_semaphore, #tpu.memory_space<semaphore_mem>>) src(%dma_wait3A_450 : memref<8x64xf32, #tpu.memory_space<hbm>>) dst(%dma_wait3A_448 : memref<8x64xf32, #tpu.memory_space<vmem>>)
      %dma_wait3A_451 = arith.constant 13 : i32
      %dma_wait3A_452 = arith.constant 0 : i32
      %dma_wait3A_453 = arith.constant 0 : i32
      %dma_wait3A_454 = tpu.memref_slice %arg12[%dma_wait3A_451, %dma_wait3A_452, %dma_wait3A_453] : memref<16x8x64xf32, #tpu.memory_space<vmem>> -> memref<1x8x64xf32, #tpu.memory_space<vmem>>
      %dma_wait3A_455 = tpu.memref_squeeze %dma_wait3A_454 : memref<1x8x64xf32, #tpu.memory_space<vmem>> -> memref<8x64xf32, #tpu.memory_space<vmem>>
      %dma_wait3A_456 = arith.constant 0 : i32
      %dma_wait3A_457 = tpu.memref_slice %arg4[%multiple_of3A_237, %dma_wait3A_456] : memref<1000000x64xf32, #tpu.memory_space<hbm>> -> memref<8x64xf32, #tpu.memory_space<hbm>>
      %dma_wait3A_458 = arith.constant 0 : i32
      %dma_wait3A_459 = arith.constant 0 : i32
      %dma_wait3A_460 = tpu.memref_slice %arg12[%dma_wait3A_451, %dma_wait3A_458, %dma_wait3A_459] : memref<16x8x64xf32, #tpu.memory_space<vmem>> -> memref<1x8x64xf32, #tpu.memory_space<vmem>>
      %dma_wait3A_461 = tpu.memref_squeeze %dma_wait3A_460 : memref<1x8x64xf32, #tpu.memory_space<vmem>> -> memref<8x64xf32, #tpu.memory_space<vmem>>
      %dma_wait3A_462 = arith.constant 0 : i32
      %dma_wait3A_463 = tpu.memref_slice %arg4[%multiple_of3A_237, %dma_wait3A_462] : memref<1000000x64xf32, #tpu.memory_space<hbm>> -> memref<8x64xf32, #tpu.memory_space<hbm>>
      tpu.wait_dma2 semaphore(%arg14 : memref<!tpu.dma_semaphore, #tpu.memory_space<semaphore_mem>>) src(%dma_wait3A_463 : memref<8x64xf32, #tpu.memory_space<hbm>>) dst(%dma_wait3A_461 : memref<8x64xf32, #tpu.memory_space<vmem>>)
      %dma_wait3A_464 = arith.constant 14 : i32
      %dma_wait3A_465 = arith.constant 0 : i32
      %dma_wait3A_466 = arith.constant 0 : i32
      %dma_wait3A_467 = tpu.memref_slice %arg12[%dma_wait3A_464, %dma_wait3A_465, %dma_wait3A_466] : memref<16x8x64xf32, #tpu.memory_space<vmem>> -> memref<1x8x64xf32, #tpu.memory_space<vmem>>
      %dma_wait3A_468 = tpu.memref_squeeze %dma_wait3A_467 : memref<1x8x64xf32, #tpu.memory_space<vmem>> -> memref<8x64xf32, #tpu.memory_space<vmem>>
      %dma_wait3A_469 = arith.constant 0 : i32
      %dma_wait3A_470 = tpu.memref_slice %arg4[%multiple_of3A_253, %dma_wait3A_469] : memref<1000000x64xf32, #tpu.memory_space<hbm>> -> memref<8x64xf32, #tpu.memory_space<hbm>>
      %dma_wait3A_471 = arith.constant 0 : i32
      %dma_wait3A_472 = arith.constant 0 : i32
      %dma_wait3A_473 = tpu.memref_slice %arg12[%dma_wait3A_464, %dma_wait3A_471, %dma_wait3A_472] : memref<16x8x64xf32, #tpu.memory_space<vmem>> -> memref<1x8x64xf32, #tpu.memory_space<vmem>>
      %dma_wait3A_474 = tpu.memref_squeeze %dma_wait3A_473 : memref<1x8x64xf32, #tpu.memory_space<vmem>> -> memref<8x64xf32, #tpu.memory_space<vmem>>
      %dma_wait3A_475 = arith.constant 0 : i32
      %dma_wait3A_476 = tpu.memref_slice %arg4[%multiple_of3A_253, %dma_wait3A_475] : memref<1000000x64xf32, #tpu.memory_space<hbm>> -> memref<8x64xf32, #tpu.memory_space<hbm>>
      tpu.wait_dma2 semaphore(%arg14 : memref<!tpu.dma_semaphore, #tpu.memory_space<semaphore_mem>>) src(%dma_wait3A_476 : memref<8x64xf32, #tpu.memory_space<hbm>>) dst(%dma_wait3A_474 : memref<8x64xf32, #tpu.memory_space<vmem>>)
      %dma_wait3A_477 = arith.constant 15 : i32
      %dma_wait3A_478 = arith.constant 0 : i32
      %dma_wait3A_479 = arith.constant 0 : i32
      %dma_wait3A_480 = tpu.memref_slice %arg12[%dma_wait3A_477, %dma_wait3A_478, %dma_wait3A_479] : memref<16x8x64xf32, #tpu.memory_space<vmem>> -> memref<1x8x64xf32, #tpu.memory_space<vmem>>
      %dma_wait3A_481 = tpu.memref_squeeze %dma_wait3A_480 : memref<1x8x64xf32, #tpu.memory_space<vmem>> -> memref<8x64xf32, #tpu.memory_space<vmem>>
      %dma_wait3A_482 = arith.constant 0 : i32
      %dma_wait3A_483 = tpu.memref_slice %arg4[%multiple_of3A_269, %dma_wait3A_482] : memref<1000000x64xf32, #tpu.memory_space<hbm>> -> memref<8x64xf32, #tpu.memory_space<hbm>>
      %dma_wait3A_484 = arith.constant 0 : i32
      %dma_wait3A_485 = arith.constant 0 : i32
      %dma_wait3A_486 = tpu.memref_slice %arg12[%dma_wait3A_477, %dma_wait3A_484, %dma_wait3A_485] : memref<16x8x64xf32, #tpu.memory_space<vmem>> -> memref<1x8x64xf32, #tpu.memory_space<vmem>>
      %dma_wait3A_487 = tpu.memref_squeeze %dma_wait3A_486 : memref<1x8x64xf32, #tpu.memory_space<vmem>> -> memref<8x64xf32, #tpu.memory_space<vmem>>
      %dma_wait3A_488 = arith.constant 0 : i32
      %dma_wait3A_489 = tpu.memref_slice %arg4[%multiple_of3A_269, %dma_wait3A_488] : memref<1000000x64xf32, #tpu.memory_space<hbm>> -> memref<8x64xf32, #tpu.memory_space<hbm>>
      tpu.wait_dma2 semaphore(%arg14 : memref<!tpu.dma_semaphore, #tpu.memory_space<semaphore_mem>>) src(%dma_wait3A_489 : memref<8x64xf32, #tpu.memory_space<hbm>>) dst(%dma_wait3A_487 : memref<8x64xf32, #tpu.memory_space<vmem>>)
      %and3A = arith.constant 7 : i32
      %and3A_490 = vector.broadcast %and3A : i32 to vector<16xi32>
      %and3A_491 = arith.andi %get3A_26, %and3A_490 : vector<16xi32>
      %slice3A_492 = vector.extract_strided_slice %and3A_491 {offsets = [0], sizes = [1], strides = [1]} : vector<16xi32> to vector<1xi32>
      %squeeze3A_493 = vector.extract %slice3A_492[0] : i32 from vector<1xi32>
      %get3A_494 = arith.constant 0 : i32
      %get3A_495 = arith.index_cast %get3A_494 : i32 to index
      %get3A_496 = arith.index_cast %squeeze3A_493 : i32 to index
      %get3A_497 = arith.constant 0 : index
      %get3A_498 = tpu.vector_load %arg12[%get3A_495, %get3A_496, %get3A_497] {strides = array<i32>} : memref<16x8x64xf32, #tpu.memory_space<vmem>>, vector<16xf32>,
      %swap3A = arith.constant 0 : i32
      %swap3A_499 = arith.index_cast %swap3A : i32 to index
      %swap3A_500 = arith.constant 0 : index
      %swap3A_501 = tpu.vector_load %arg10[%swap3A_499, %swap3A_500] {strides = array<i32>} : memref<16x64xf32, #tpu.memory_space<vmem>>, vector<16xf32>,
      tpu.vector_store %arg10[%swap3A_499, %swap3A_500], %get3A_498 {strides = array<i32>} : memref<16x64xf32, #tpu.memory_space<vmem>>, vector<16xf32>,
      %get3A_502 = arith.constant 0 : i32
      %get3A_503 = arith.index_cast %get3A_502 : i32 to index
      %get3A_504 = arith.index_cast %squeeze3A_493 : i32 to index
      %get3A_505 = arith.constant 16 : index
      %get3A_506 = tpu.vector_load %arg12[%get3A_503, %get3A_504, %get3A_505] {strides = array<i32>} : memref<16x8x64xf32, #tpu.memory_space<vmem>>, vector<16xf32>,
      %swap3A_507 = arith.constant 0 : i32
      %swap3A_508 = arith.index_cast %swap3A_507 : i32 to index
      %swap3A_509 = arith.constant 16 : index
      %swap3A_510 = tpu.vector_load %arg10[%swap3A_508, %swap3A_509] {strides = array<i32>} : memref<16x64xf32, #tpu.memory_space<vmem>>, vector<16xf32>,
      tpu.vector_store %arg10[%swap3A_508, %swap3A_509], %get3A_506 {strides = array<i32>} : memref<16x64xf32, #tpu.memory_space<vmem>>, vector<16xf32>,
      %get3A_511 = arith.constant 0 : i32
      %get3A_512 = arith.index_cast %get3A_511 : i32 to index
      %get3A_513 = arith.index_cast %squeeze3A_493 : i32 to index
      %get3A_514 = arith.constant 32 : index
      %get3A_515 = tpu.vector_load %arg12[%get3A_512, %get3A_513, %get3A_514] {strides = array<i32>} : memref<16x8x64xf32, #tpu.memory_space<vmem>>, vector<16xf32>,
      %swap3A_516 = arith.constant 0 : i32
      %swap3A_517 = arith.index_cast %swap3A_516 : i32 to index
      %swap3A_518 = arith.constant 32 : index
      %swap3A_519 = tpu.vector_load %arg10[%swap3A_517, %swap3A_518] {strides = array<i32>} : memref<16x64xf32, #tpu.memory_space<vmem>>, vector<16xf32>,
      tpu.vector_store %arg10[%swap3A_517, %swap3A_518], %get3A_515 {strides = array<i32>} : memref<16x64xf32, #tpu.memory_space<vmem>>, vector<16xf32>,
      %get3A_520 = arith.constant 0 : i32
      %get3A_521 = arith.index_cast %get3A_520 : i32 to index
      %get3A_522 = arith.index_cast %squeeze3A_493 : i32 to index
      %get3A_523 = arith.constant 48 : index
      %get3A_524 = tpu.vector_load %arg12[%get3A_521, %get3A_522, %get3A_523] {strides = array<i32>} : memref<16x8x64xf32, #tpu.memory_space<vmem>>, vector<16xf32>,
      %swap3A_525 = arith.constant 0 : i32
      %swap3A_526 = arith.index_cast %swap3A_525 : i32 to index
      %swap3A_527 = arith.constant 48 : index
      %swap3A_528 = tpu.vector_load %arg10[%swap3A_526, %swap3A_527] {strides = array<i32>} : memref<16x64xf32, #tpu.memory_space<vmem>>, vector<16xf32>,
      tpu.vector_store %arg10[%swap3A_526, %swap3A_527], %get3A_524 {strides = array<i32>} : memref<16x64xf32, #tpu.memory_space<vmem>>, vector<16xf32>,
      %slice3A_529 = vector.extract_strided_slice %and3A_491 {offsets = [1], sizes = [1], strides = [1]} : vector<16xi32> to vector<1xi32>
      %squeeze3A_530 = vector.extract %slice3A_529[0] : i32 from vector<1xi32>
      %get3A_531 = arith.constant 1 : i32
      %get3A_532 = arith.index_cast %get3A_531 : i32 to index
      %get3A_533 = arith.index_cast %squeeze3A_530 : i32 to index
      %get3A_534 = arith.constant 0 : index
      %get3A_535 = tpu.vector_load %arg12[%get3A_532, %get3A_533, %get3A_534] {strides = array<i32>} : memref<16x8x64xf32, #tpu.memory_space<vmem>>, vector<16xf32>,
      %swap3A_536 = arith.constant 1 : i32
      %swap3A_537 = arith.index_cast %swap3A_536 : i32 to index
      %swap3A_538 = arith.constant 0 : index
      %swap3A_539 = tpu.vector_load %arg10[%swap3A_537, %swap3A_538] {strides = array<i32>} : memref<16x64xf32, #tpu.memory_space<vmem>>, vector<16xf32>,
      tpu.vector_store %arg10[%swap3A_537, %swap3A_538], %get3A_535 {strides = array<i32>} : memref<16x64xf32, #tpu.memory_space<vmem>>, vector<16xf32>,
      %get3A_540 = arith.constant 1 : i32
      %get3A_541 = arith.index_cast %get3A_540 : i32 to index
      %get3A_542 = arith.index_cast %squeeze3A_530 : i32 to index
      %get3A_543 = arith.constant 16 : index
      %get3A_544 = tpu.vector_load %arg12[%get3A_541, %get3A_542, %get3A_543] {strides = array<i32>} : memref<16x8x64xf32, #tpu.memory_space<vmem>>, vector<16xf32>,
      %swap3A_545 = arith.constant 1 : i32
      %swap3A_546 = arith.index_cast %swap3A_545 : i32 to index
      %swap3A_547 = arith.constant 16 : index
      %swap3A_548 = tpu.vector_load %arg10[%swap3A_546, %swap3A_547] {strides = array<i32>} : memref<16x64xf32, #tpu.memory_space<vmem>>, vector<16xf32>,
      tpu.vector_store %arg10[%swap3A_546, %swap3A_547], %get3A_544 {strides = array<i32>} : memref<16x64xf32, #tpu.memory_space<vmem>>, vector<16xf32>,
      %get3A_549 = arith.constant 1 : i32
      %get3A_550 = arith.index_cast %get3A_549 : i32 to index
      %get3A_551 = arith.index_cast %squeeze3A_530 : i32 to index
      %get3A_552 = arith.constant 32 : index
      %get3A_553 = tpu.vector_load %arg12[%get3A_550, %get3A_551, %get3A_552] {strides = array<i32>} : memref<16x8x64xf32, #tpu.memory_space<vmem>>, vector<16xf32>,
      %swap3A_554 = arith.constant 1 : i32
      %swap3A_555 = arith.index_cast %swap3A_554 : i32 to index
      %swap3A_556 = arith.constant 32 : index
      %swap3A_557 = tpu.vector_load %arg10[%swap3A_555, %swap3A_556] {strides = array<i32>} : memref<16x64xf32, #tpu.memory_space<vmem>>, vector<16xf32>,
      tpu.vector_store %arg10[%swap3A_555, %swap3A_556], %get3A_553 {strides = array<i32>} : memref<16x64xf32, #tpu.memory_space<vmem>>, vector<16xf32>,
      %get3A_558 = arith.constant 1 : i32
      %get3A_559 = arith.index_cast %get3A_558 : i32 to index
      %get3A_560 = arith.index_cast %squeeze3A_530 : i32 to index
      %get3A_561 = arith.constant 48 : index
      %get3A_562 = tpu.vector_load %arg12[%get3A_559, %get3A_560, %get3A_561] {strides = array<i32>} : memref<16x8x64xf32, #tpu.memory_space<vmem>>, vector<16xf32>,
      %swap3A_563 = arith.constant 1 : i32
      %swap3A_564 = arith.index_cast %swap3A_563 : i32 to index
      %swap3A_565 = arith.constant 48 : index
      %swap3A_566 = tpu.vector_load %arg10[%swap3A_564, %swap3A_565] {strides = array<i32>} : memref<16x64xf32, #tpu.memory_space<vmem>>, vector<16xf32>,
      tpu.vector_store %arg10[%swap3A_564, %swap3A_565], %get3A_562 {strides = array<i32>} : memref<16x64xf32, #tpu.memory_space<vmem>>, vector<16xf32>,
      %slice3A_567 = vector.extract_strided_slice %and3A_491 {offsets = [2], sizes = [1], strides = [1]} : vector<16xi32> to vector<1xi32>
      %squeeze3A_568 = vector.extract %slice3A_567[0] : i32 from vector<1xi32>
      %get3A_569 = arith.constant 2 : i32
      %get3A_570 = arith.index_cast %get3A_569 : i32 to index
      %get3A_571 = arith.index_cast %squeeze3A_568 : i32 to index
      %get3A_572 = arith.constant 0 : index
      %get3A_573 = tpu.vector_load %arg12[%get3A_570, %get3A_571, %get3A_572] {strides = array<i32>} : memref<16x8x64xf32, #tpu.memory_space<vmem>>, vector<16xf32>,
      %swap3A_574 = arith.constant 2 : i32
      %swap3A_575 = arith.index_cast %swap3A_574 : i32 to index
      %swap3A_576 = arith.constant 0 : index
      %swap3A_577 = tpu.vector_load %arg10[%swap3A_575, %swap3A_576] {strides = array<i32>} : memref<16x64xf32, #tpu.memory_space<vmem>>, vector<16xf32>,
      tpu.vector_store %arg10[%swap3A_575, %swap3A_576], %get3A_573 {strides = array<i32>} : memref<16x64xf32, #tpu.memory_space<vmem>>, vector<16xf32>,
      %get3A_578 = arith.constant 2 : i32
      %get3A_579 = arith.index_cast %get3A_578 : i32 to index
      %get3A_580 = arith.index_cast %squeeze3A_568 : i32 to index
      %get3A_581 = arith.constant 16 : index
      %get3A_582 = tpu.vector_load %arg12[%get3A_579, %get3A_580, %get3A_581] {strides = array<i32>} : memref<16x8x64xf32, #tpu.memory_space<vmem>>, vector<16xf32>,
      %swap3A_583 = arith.constant 2 : i32
      %swap3A_584 = arith.index_cast %swap3A_583 : i32 to index
      %swap3A_585 = arith.constant 16 : index
      %swap3A_586 = tpu.vector_load %arg10[%swap3A_584, %swap3A_585] {strides = array<i32>} : memref<16x64xf32, #tpu.memory_space<vmem>>, vector<16xf32>,
      tpu.vector_store %arg10[%swap3A_584, %swap3A_585], %get3A_582 {strides = array<i32>} : memref<16x64xf32, #tpu.memory_space<vmem>>, vector<16xf32>,
      %get3A_587 = arith.constant 2 : i32
      %get3A_588 = arith.index_cast %get3A_587 : i32 to index
      %get3A_589 = arith.index_cast %squeeze3A_568 : i32 to index
      %get3A_590 = arith.constant 32 : index
      %get3A_591 = tpu.vector_load %arg12[%get3A_588, %get3A_589, %get3A_590] {strides = array<i32>} : memref<16x8x64xf32, #tpu.memory_space<vmem>>, vector<16xf32>,
      %swap3A_592 = arith.constant 2 : i32
      %swap3A_593 = arith.index_cast %swap3A_592 : i32 to index
      %swap3A_594 = arith.constant 32 : index
      %swap3A_595 = tpu.vector_load %arg10[%swap3A_593, %swap3A_594] {strides = array<i32>} : memref<16x64xf32, #tpu.memory_space<vmem>>, vector<16xf32>,
      tpu.vector_store %arg10[%swap3A_593, %swap3A_594], %get3A_591 {strides = array<i32>} : memref<16x64xf32, #tpu.memory_space<vmem>>, vector<16xf32>,
      %get3A_596 = arith.constant 2 : i32
      %get3A_597 = arith.index_cast %get3A_596 : i32 to index
      %get3A_598 = arith.index_cast %squeeze3A_568 : i32 to index
      %get3A_599 = arith.constant 48 : index
      %get3A_600 = tpu.vector_load %arg12[%get3A_597, %get3A_598, %get3A_599] {strides = array<i32>} : memref<16x8x64xf32, #tpu.memory_space<vmem>>, vector<16xf32>,
      %swap3A_601 = arith.constant 2 : i32
      %swap3A_602 = arith.index_cast %swap3A_601 : i32 to index
      %swap3A_603 = arith.constant 48 : index
      %swap3A_604 = tpu.vector_load %arg10[%swap3A_602, %swap3A_603] {strides = array<i32>} : memref<16x64xf32, #tpu.memory_space<vmem>>, vector<16xf32>,
      tpu.vector_store %arg10[%swap3A_602, %swap3A_603], %get3A_600 {strides = array<i32>} : memref<16x64xf32, #tpu.memory_space<vmem>>, vector<16xf32>,
      %slice3A_605 = vector.extract_strided_slice %and3A_491 {offsets = [3], sizes = [1], strides = [1]} : vector<16xi32> to vector<1xi32>
      %squeeze3A_606 = vector.extract %slice3A_605[0] : i32 from vector<1xi32>
      %get3A_607 = arith.constant 3 : i32
      %get3A_608 = arith.index_cast %get3A_607 : i32 to index
      %get3A_609 = arith.index_cast %squeeze3A_606 : i32 to index
      %get3A_610 = arith.constant 0 : index
      %get3A_611 = tpu.vector_load %arg12[%get3A_608, %get3A_609, %get3A_610] {strides = array<i32>} : memref<16x8x64xf32, #tpu.memory_space<vmem>>, vector<16xf32>,
      %swap3A_612 = arith.constant 3 : i32
      %swap3A_613 = arith.index_cast %swap3A_612 : i32 to index
      %swap3A_614 = arith.constant 0 : index
      %swap3A_615 = tpu.vector_load %arg10[%swap3A_613, %swap3A_614] {strides = array<i32>} : memref<16x64xf32, #tpu.memory_space<vmem>>, vector<16xf32>,
      tpu.vector_store %arg10[%swap3A_613, %swap3A_614], %get3A_611 {strides = array<i32>} : memref<16x64xf32, #tpu.memory_space<vmem>>, vector<16xf32>,
      %get3A_616 = arith.constant 3 : i32
      %get3A_617 = arith.index_cast %get3A_616 : i32 to index
      %get3A_618 = arith.index_cast %squeeze3A_606 : i32 to index
      %get3A_619 = arith.constant 16 : index
      %get3A_620 = tpu.vector_load %arg12[%get3A_617, %get3A_618, %get3A_619] {strides = array<i32>} : memref<16x8x64xf32, #tpu.memory_space<vmem>>, vector<16xf32>,
      %swap3A_621 = arith.constant 3 : i32
      %swap3A_622 = arith.index_cast %swap3A_621 : i32 to index
      %swap3A_623 = arith.constant 16 : index
      %swap3A_624 = tpu.vector_load %arg10[%swap3A_622, %swap3A_623] {strides = array<i32>} : memref<16x64xf32, #tpu.memory_space<vmem>>, vector<16xf32>,
      tpu.vector_store %arg10[%swap3A_622, %swap3A_623], %get3A_620 {strides = array<i32>} : memref<16x64xf32, #tpu.memory_space<vmem>>, vector<16xf32>,
      %get3A_625 = arith.constant 3 : i32
      %get3A_626 = arith.index_cast %get3A_625 : i32 to index
      %get3A_627 = arith.index_cast %squeeze3A_606 : i32 to index
      %get3A_628 = arith.constant 32 : index
      %get3A_629 = tpu.vector_load %arg12[%get3A_626, %get3A_627, %get3A_628] {strides = array<i32>} : memref<16x8x64xf32, #tpu.memory_space<vmem>>, vector<16xf32>,
      %swap3A_630 = arith.constant 3 : i32
      %swap3A_631 = arith.index_cast %swap3A_630 : i32 to index
      %swap3A_632 = arith.constant 32 : index
      %swap3A_633 = tpu.vector_load %arg10[%swap3A_631, %swap3A_632] {strides = array<i32>} : memref<16x64xf32, #tpu.memory_space<vmem>>, vector<16xf32>,
      tpu.vector_store %arg10[%swap3A_631, %swap3A_632], %get3A_629 {strides = array<i32>} : memref<16x64xf32, #tpu.memory_space<vmem>>, vector<16xf32>,
      %get3A_634 = arith.constant 3 : i32
      %get3A_635 = arith.index_cast %get3A_634 : i32 to index
      %get3A_636 = arith.index_cast %squeeze3A_606 : i32 to index
      %get3A_637 = arith.constant 48 : index
      %get3A_638 = tpu.vector_load %arg12[%get3A_635, %get3A_636, %get3A_637] {strides = array<i32>} : memref<16x8x64xf32, #tpu.memory_space<vmem>>, vector<16xf32>,
      %swap3A_639 = arith.constant 3 : i32
      %swap3A_640 = arith.index_cast %swap3A_639 : i32 to index
      %swap3A_641 = arith.constant 48 : index
      %swap3A_642 = tpu.vector_load %arg10[%swap3A_640, %swap3A_641] {strides = array<i32>} : memref<16x64xf32, #tpu.memory_space<vmem>>, vector<16xf32>,
      tpu.vector_store %arg10[%swap3A_640, %swap3A_641], %get3A_638 {strides = array<i32>} : memref<16x64xf32, #tpu.memory_space<vmem>>, vector<16xf32>,
      %slice3A_643 = vector.extract_strided_slice %and3A_491 {offsets = [4], sizes = [1], strides = [1]} : vector<16xi32> to vector<1xi32>
      %squeeze3A_644 = vector.extract %slice3A_643[0] : i32 from vector<1xi32>
      %get3A_645 = arith.constant 4 : i32
      %get3A_646 = arith.index_cast %get3A_645 : i32 to index
      %get3A_647 = arith.index_cast %squeeze3A_644 : i32 to index
      %get3A_648 = arith.constant 0 : index
      %get3A_649 = tpu.vector_load %arg12[%get3A_646, %get3A_647, %get3A_648] {strides = array<i32>} : memref<16x8x64xf32, #tpu.memory_space<vmem>>, vector<16xf32>,
      %swap3A_650 = arith.constant 4 : i32
      %swap3A_651 = arith.index_cast %swap3A_650 : i32 to index
      %swap3A_652 = arith.constant 0 : index
      %swap3A_653 = tpu.vector_load %arg10[%swap3A_651, %swap3A_652] {strides = array<i32>} : memref<16x64xf32, #tpu.memory_space<vmem>>, vector<16xf32>,
      tpu.vector_store %arg10[%swap3A_651, %swap3A_652], %get3A_649 {strides = array<i32>} : memref<16x64xf32, #tpu.memory_space<vmem>>, vector<16xf32>,
      %get3A_654 = arith.constant 4 : i32
      %get3A_655 = arith.index_cast %get3A_654 : i32 to index
      %get3A_656 = arith.index_cast %squeeze3A_644 : i32 to index
      %get3A_657 = arith.constant 16 : index
      %get3A_658 = tpu.vector_load %arg12[%get3A_655, %get3A_656, %get3A_657] {strides = array<i32>} : memref<16x8x64xf32, #tpu.memory_space<vmem>>, vector<16xf32>,
      %swap3A_659 = arith.constant 4 : i32
      %swap3A_660 = arith.index_cast %swap3A_659 : i32 to index
      %swap3A_661 = arith.constant 16 : index
      %swap3A_662 = tpu.vector_load %arg10[%swap3A_660, %swap3A_661] {strides = array<i32>} : memref<16x64xf32, #tpu.memory_space<vmem>>, vector<16xf32>,
      tpu.vector_store %arg10[%swap3A_660, %swap3A_661], %get3A_658 {strides = array<i32>} : memref<16x64xf32, #tpu.memory_space<vmem>>, vector<16xf32>,
      %get3A_663 = arith.constant 4 : i32
      %get3A_664 = arith.index_cast %get3A_663 : i32 to index
      %get3A_665 = arith.index_cast %squeeze3A_644 : i32 to index
      %get3A_666 = arith.constant 32 : index
      %get3A_667 = tpu.vector_load %arg12[%get3A_664, %get3A_665, %get3A_666] {strides = array<i32>} : memref<16x8x64xf32, #tpu.memory_space<vmem>>, vector<16xf32>,
      %swap3A_668 = arith.constant 4 : i32
      %swap3A_669 = arith.index_cast %swap3A_668 : i32 to index
      %swap3A_670 = arith.constant 32 : index
      %swap3A_671 = tpu.vector_load %arg10[%swap3A_669, %swap3A_670] {strides = array<i32>} : memref<16x64xf32, #tpu.memory_space<vmem>>, vector<16xf32>,
      tpu.vector_store %arg10[%swap3A_669, %swap3A_670], %get3A_667 {strides = array<i32>} : memref<16x64xf32, #tpu.memory_space<vmem>>, vector<16xf32>,
      %get3A_672 = arith.constant 4 : i32
      %get3A_673 = arith.index_cast %get3A_672 : i32 to index
      %get3A_674 = arith.index_cast %squeeze3A_644 : i32 to index
      %get3A_675 = arith.constant 48 : index
      %get3A_676 = tpu.vector_load %arg12[%get3A_673, %get3A_674, %get3A_675] {strides = array<i32>} : memref<16x8x64xf32, #tpu.memory_space<vmem>>, vector<16xf32>,
      %swap3A_677 = arith.constant 4 : i32
      %swap3A_678 = arith.index_cast %swap3A_677 : i32 to index
      %swap3A_679 = arith.constant 48 : index
      %swap3A_680 = tpu.vector_load %arg10[%swap3A_678, %swap3A_679] {strides = array<i32>} : memref<16x64xf32, #tpu.memory_space<vmem>>, vector<16xf32>,
      tpu.vector_store %arg10[%swap3A_678, %swap3A_679], %get3A_676 {strides = array<i32>} : memref<16x64xf32, #tpu.memory_space<vmem>>, vector<16xf32>,
      %slice3A_681 = vector.extract_strided_slice %and3A_491 {offsets = [5], sizes = [1], strides = [1]} : vector<16xi32> to vector<1xi32>
      %squeeze3A_682 = vector.extract %slice3A_681[0] : i32 from vector<1xi32>
      %get3A_683 = arith.constant 5 : i32
      %get3A_684 = arith.index_cast %get3A_683 : i32 to index
      %get3A_685 = arith.index_cast %squeeze3A_682 : i32 to index
      %get3A_686 = arith.constant 0 : index
      %get3A_687 = tpu.vector_load %arg12[%get3A_684, %get3A_685, %get3A_686] {strides = array<i32>} : memref<16x8x64xf32, #tpu.memory_space<vmem>>, vector<16xf32>,
      %swap3A_688 = arith.constant 5 : i32
      %swap3A_689 = arith.index_cast %swap3A_688 : i32 to index
      %swap3A_690 = arith.constant 0 : index
      %swap3A_691 = tpu.vector_load %arg10[%swap3A_689, %swap3A_690] {strides = array<i32>} : memref<16x64xf32, #tpu.memory_space<vmem>>, vector<16xf32>,
      tpu.vector_store %arg10[%swap3A_689, %swap3A_690], %get3A_687 {strides = array<i32>} : memref<16x64xf32, #tpu.memory_space<vmem>>, vector<16xf32>,
      %get3A_692 = arith.constant 5 : i32
      %get3A_693 = arith.index_cast %get3A_692 : i32 to index
      %get3A_694 = arith.index_cast %squeeze3A_682 : i32 to index
      %get3A_695 = arith.constant 16 : index
      %get3A_696 = tpu.vector_load %arg12[%get3A_693, %get3A_694, %get3A_695] {strides = array<i32>} : memref<16x8x64xf32, #tpu.memory_space<vmem>>, vector<16xf32>,
      %swap3A_697 = arith.constant 5 : i32
      %swap3A_698 = arith.index_cast %swap3A_697 : i32 to index
      %swap3A_699 = arith.constant 16 : index
      %swap3A_700 = tpu.vector_load %arg10[%swap3A_698, %swap3A_699] {strides = array<i32>} : memref<16x64xf32, #tpu.memory_space<vmem>>, vector<16xf32>,
      tpu.vector_store %arg10[%swap3A_698, %swap3A_699], %get3A_696 {strides = array<i32>} : memref<16x64xf32, #tpu.memory_space<vmem>>, vector<16xf32>,
      %get3A_701 = arith.constant 5 : i32
      %get3A_702 = arith.index_cast %get3A_701 : i32 to index
      %get3A_703 = arith.index_cast %squeeze3A_682 : i32 to index
      %get3A_704 = arith.constant 32 : index
      %get3A_705 = tpu.vector_load %arg12[%get3A_702, %get3A_703, %get3A_704] {strides = array<i32>} : memref<16x8x64xf32, #tpu.memory_space<vmem>>, vector<16xf32>,
      %swap3A_706 = arith.constant 5 : i32
      %swap3A_707 = arith.index_cast %swap3A_706 : i32 to index
      %swap3A_708 = arith.constant 32 : index
      %swap3A_709 = tpu.vector_load %arg10[%swap3A_707, %swap3A_708] {strides = array<i32>} : memref<16x64xf32, #tpu.memory_space<vmem>>, vector<16xf32>,
      tpu.vector_store %arg10[%swap3A_707, %swap3A_708], %get3A_705 {strides = array<i32>} : memref<16x64xf32, #tpu.memory_space<vmem>>, vector<16xf32>,
      %get3A_710 = arith.constant 5 : i32
      %get3A_711 = arith.index_cast %get3A_710 : i32 to index
      %get3A_712 = arith.index_cast %squeeze3A_682 : i32 to index
      %get3A_713 = arith.constant 48 : index
      %get3A_714 = tpu.vector_load %arg12[%get3A_711, %get3A_712, %get3A_713] {strides = array<i32>} : memref<16x8x64xf32, #tpu.memory_space<vmem>>, vector<16xf32>,
      %swap3A_715 = arith.constant 5 : i32
      %swap3A_716 = arith.index_cast %swap3A_715 : i32 to index
      %swap3A_717 = arith.constant 48 : index
      %swap3A_718 = tpu.vector_load %arg10[%swap3A_716, %swap3A_717] {strides = array<i32>} : memref<16x64xf32, #tpu.memory_space<vmem>>, vector<16xf32>,
      tpu.vector_store %arg10[%swap3A_716, %swap3A_717], %get3A_714 {strides = array<i32>} : memref<16x64xf32, #tpu.memory_space<vmem>>, vector<16xf32>,
      %slice3A_719 = vector.extract_strided_slice %and3A_491 {offsets = [6], sizes = [1], strides = [1]} : vector<16xi32> to vector<1xi32>
      %squeeze3A_720 = vector.extract %slice3A_719[0] : i32 from vector<1xi32>
      %get3A_721 = arith.constant 6 : i32
      %get3A_722 = arith.index_cast %get3A_721 : i32 to index
      %get3A_723 = arith.index_cast %squeeze3A_720 : i32 to index
      %get3A_724 = arith.constant 0 : index
      %get3A_725 = tpu.vector_load %arg12[%get3A_722, %get3A_723, %get3A_724] {strides = array<i32>} : memref<16x8x64xf32, #tpu.memory_space<vmem>>, vector<16xf32>,
      %swap3A_726 = arith.constant 6 : i32
      %swap3A_727 = arith.index_cast %swap3A_726 : i32 to index
      %swap3A_728 = arith.constant 0 : index
      %swap3A_729 = tpu.vector_load %arg10[%swap3A_727, %swap3A_728] {strides = array<i32>} : memref<16x64xf32, #tpu.memory_space<vmem>>, vector<16xf32>,
      tpu.vector_store %arg10[%swap3A_727, %swap3A_728], %get3A_725 {strides = array<i32>} : memref<16x64xf32, #tpu.memory_space<vmem>>, vector<16xf32>,
      %get3A_730 = arith.constant 6 : i32
      %get3A_731 = arith.index_cast %get3A_730 : i32 to index
      %get3A_732 = arith.index_cast %squeeze3A_720 : i32 to index
      %get3A_733 = arith.constant 16 : index
      %get3A_734 = tpu.vector_load %arg12[%get3A_731, %get3A_732, %get3A_733] {strides = array<i32>} : memref<16x8x64xf32, #tpu.memory_space<vmem>>, vector<16xf32>,
      %swap3A_735 = arith.constant 6 : i32
      %swap3A_736 = arith.index_cast %swap3A_735 : i32 to index
      %swap3A_737 = arith.constant 16 : index
      %swap3A_738 = tpu.vector_load %arg10[%swap3A_736, %swap3A_737] {strides = array<i32>} : memref<16x64xf32, #tpu.memory_space<vmem>>, vector<16xf32>,
      tpu.vector_store %arg10[%swap3A_736, %swap3A_737], %get3A_734 {strides = array<i32>} : memref<16x64xf32, #tpu.memory_space<vmem>>, vector<16xf32>,
      %get3A_739 = arith.constant 6 : i32
      %get3A_740 = arith.index_cast %get3A_739 : i32 to index
      %get3A_741 = arith.index_cast %squeeze3A_720 : i32 to index
      %get3A_742 = arith.constant 32 : index
      %get3A_743 = tpu.vector_load %arg12[%get3A_740, %get3A_741, %get3A_742] {strides = array<i32>} : memref<16x8x64xf32, #tpu.memory_space<vmem>>, vector<16xf32>,
      %swap3A_744 = arith.constant 6 : i32
      %swap3A_745 = arith.index_cast %swap3A_744 : i32 to index
      %swap3A_746 = arith.constant 32 : index
      %swap3A_747 = tpu.vector_load %arg10[%swap3A_745, %swap3A_746] {strides = array<i32>} : memref<16x64xf32, #tpu.memory_space<vmem>>, vector<16xf32>,
      tpu.vector_store %arg10[%swap3A_745, %swap3A_746], %get3A_743 {strides = array<i32>} : memref<16x64xf32, #tpu.memory_space<vmem>>, vector<16xf32>,
      %get3A_748 = arith.constant 6 : i32
      %get3A_749 = arith.index_cast %get3A_748 : i32 to index
      %get3A_750 = arith.index_cast %squeeze3A_720 : i32 to index
      %get3A_751 = arith.constant 48 : index
      %get3A_752 = tpu.vector_load %arg12[%get3A_749, %get3A_750, %get3A_751] {strides = array<i32>} : memref<16x8x64xf32, #tpu.memory_space<vmem>>, vector<16xf32>,
      %swap3A_753 = arith.constant 6 : i32
      %swap3A_754 = arith.index_cast %swap3A_753 : i32 to index
      %swap3A_755 = arith.constant 48 : index
      %swap3A_756 = tpu.vector_load %arg10[%swap3A_754, %swap3A_755] {strides = array<i32>} : memref<16x64xf32, #tpu.memory_space<vmem>>, vector<16xf32>,
      tpu.vector_store %arg10[%swap3A_754, %swap3A_755], %get3A_752 {strides = array<i32>} : memref<16x64xf32, #tpu.memory_space<vmem>>, vector<16xf32>,
      %slice3A_757 = vector.extract_strided_slice %and3A_491 {offsets = [7], sizes = [1], strides = [1]} : vector<16xi32> to vector<1xi32>
      %squeeze3A_758 = vector.extract %slice3A_757[0] : i32 from vector<1xi32>
      %get3A_759 = arith.constant 7 : i32
      %get3A_760 = arith.index_cast %get3A_759 : i32 to index
      %get3A_761 = arith.index_cast %squeeze3A_758 : i32 to index
      %get3A_762 = arith.constant 0 : index
      %get3A_763 = tpu.vector_load %arg12[%get3A_760, %get3A_761, %get3A_762] {strides = array<i32>} : memref<16x8x64xf32, #tpu.memory_space<vmem>>, vector<16xf32>,
      %swap3A_764 = arith.constant 7 : i32
      %swap3A_765 = arith.index_cast %swap3A_764 : i32 to index
      %swap3A_766 = arith.constant 0 : index
      %swap3A_767 = tpu.vector_load %arg10[%swap3A_765, %swap3A_766] {strides = array<i32>} : memref<16x64xf32, #tpu.memory_space<vmem>>, vector<16xf32>,
      tpu.vector_store %arg10[%swap3A_765, %swap3A_766], %get3A_763 {strides = array<i32>} : memref<16x64xf32, #tpu.memory_space<vmem>>, vector<16xf32>,
      %get3A_768 = arith.constant 7 : i32
      %get3A_769 = arith.index_cast %get3A_768 : i32 to index
      %get3A_770 = arith.index_cast %squeeze3A_758 : i32 to index
      %get3A_771 = arith.constant 16 : index
      %get3A_772 = tpu.vector_load %arg12[%get3A_769, %get3A_770, %get3A_771] {strides = array<i32>} : memref<16x8x64xf32, #tpu.memory_space<vmem>>, vector<16xf32>,
      %swap3A_773 = arith.constant 7 : i32
      %swap3A_774 = arith.index_cast %swap3A_773 : i32 to index
      %swap3A_775 = arith.constant 16 : index
      %swap3A_776 = tpu.vector_load %arg10[%swap3A_774, %swap3A_775] {strides = array<i32>} : memref<16x64xf32, #tpu.memory_space<vmem>>, vector<16xf32>,
      tpu.vector_store %arg10[%swap3A_774, %swap3A_775], %get3A_772 {strides = array<i32>} : memref<16x64xf32, #tpu.memory_space<vmem>>, vector<16xf32>,
      %get3A_777 = arith.constant 7 : i32
      %get3A_778 = arith.index_cast %get3A_777 : i32 to index
      %get3A_779 = arith.index_cast %squeeze3A_758 : i32 to index
      %get3A_780 = arith.constant 32 : index
      %get3A_781 = tpu.vector_load %arg12[%get3A_778, %get3A_779, %get3A_780] {strides = array<i32>} : memref<16x8x64xf32, #tpu.memory_space<vmem>>, vector<16xf32>,
      %swap3A_782 = arith.constant 7 : i32
      %swap3A_783 = arith.index_cast %swap3A_782 : i32 to index
      %swap3A_784 = arith.constant 32 : index
      %swap3A_785 = tpu.vector_load %arg10[%swap3A_783, %swap3A_784] {strides = array<i32>} : memref<16x64xf32, #tpu.memory_space<vmem>>, vector<16xf32>,
      tpu.vector_store %arg10[%swap3A_783, %swap3A_784], %get3A_781 {strides = array<i32>} : memref<16x64xf32, #tpu.memory_space<vmem>>, vector<16xf32>,
      %get3A_786 = arith.constant 7 : i32
      %get3A_787 = arith.index_cast %get3A_786 : i32 to index
      %get3A_788 = arith.index_cast %squeeze3A_758 : i32 to index
      %get3A_789 = arith.constant 48 : index
      %get3A_790 = tpu.vector_load %arg12[%get3A_787, %get3A_788, %get3A_789] {strides = array<i32>} : memref<16x8x64xf32, #tpu.memory_space<vmem>>, vector<16xf32>,
      %swap3A_791 = arith.constant 7 : i32
      %swap3A_792 = arith.index_cast %swap3A_791 : i32 to index
      %swap3A_793 = arith.constant 48 : index
      %swap3A_794 = tpu.vector_load %arg10[%swap3A_792, %swap3A_793] {strides = array<i32>} : memref<16x64xf32, #tpu.memory_space<vmem>>, vector<16xf32>,
      tpu.vector_store %arg10[%swap3A_792, %swap3A_793], %get3A_790 {strides = array<i32>} : memref<16x64xf32, #tpu.memory_space<vmem>>, vector<16xf32>,
      %slice3A_795 = vector.extract_strided_slice %and3A_491 {offsets = [8], sizes = [1], strides = [1]} : vector<16xi32> to vector<1xi32>
      %squeeze3A_796 = vector.extract %slice3A_795[0] : i32 from vector<1xi32>
      %get3A_797 = arith.constant 8 : i32
      %get3A_798 = arith.index_cast %get3A_797 : i32 to index
      %get3A_799 = arith.index_cast %squeeze3A_796 : i32 to index
      %get3A_800 = arith.constant 0 : index
      %get3A_801 = tpu.vector_load %arg12[%get3A_798, %get3A_799, %get3A_800] {strides = array<i32>} : memref<16x8x64xf32, #tpu.memory_space<vmem>>, vector<16xf32>,
      %swap3A_802 = arith.constant 8 : i32
      %swap3A_803 = arith.index_cast %swap3A_802 : i32 to index
      %swap3A_804 = arith.constant 0 : index
      %swap3A_805 = tpu.vector_load %arg10[%swap3A_803, %swap3A_804] {strides = array<i32>} : memref<16x64xf32, #tpu.memory_space<vmem>>, vector<16xf32>,
      tpu.vector_store %arg10[%swap3A_803, %swap3A_804], %get3A_801 {strides = array<i32>} : memref<16x64xf32, #tpu.memory_space<vmem>>, vector<16xf32>,
      %get3A_806 = arith.constant 8 : i32
      %get3A_807 = arith.index_cast %get3A_806 : i32 to index
      %get3A_808 = arith.index_cast %squeeze3A_796 : i32 to index
      %get3A_809 = arith.constant 16 : index
      %get3A_810 = tpu.vector_load %arg12[%get3A_807, %get3A_808, %get3A_809] {strides = array<i32>} : memref<16x8x64xf32, #tpu.memory_space<vmem>>, vector<16xf32>,
      %swap3A_811 = arith.constant 8 : i32
      %swap3A_812 = arith.index_cast %swap3A_811 : i32 to index
      %swap3A_813 = arith.constant 16 : index
      %swap3A_814 = tpu.vector_load %arg10[%swap3A_812, %swap3A_813] {strides = array<i32>} : memref<16x64xf32, #tpu.memory_space<vmem>>, vector<16xf32>,
      tpu.vector_store %arg10[%swap3A_812, %swap3A_813], %get3A_810 {strides = array<i32>} : memref<16x64xf32, #tpu.memory_space<vmem>>, vector<16xf32>,
      %get3A_815 = arith.constant 8 : i32
      %get3A_816 = arith.index_cast %get3A_815 : i32 to index
      %get3A_817 = arith.index_cast %squeeze3A_796 : i32 to index
      %get3A_818 = arith.constant 32 : index
      %get3A_819 = tpu.vector_load %arg12[%get3A_816, %get3A_817, %get3A_818] {strides = array<i32>} : memref<16x8x64xf32, #tpu.memory_space<vmem>>, vector<16xf32>,
      %swap3A_820 = arith.constant 8 : i32
      %swap3A_821 = arith.index_cast %swap3A_820 : i32 to index
      %swap3A_822 = arith.constant 32 : index
      %swap3A_823 = tpu.vector_load %arg10[%swap3A_821, %swap3A_822] {strides = array<i32>} : memref<16x64xf32, #tpu.memory_space<vmem>>, vector<16xf32>,
      tpu.vector_store %arg10[%swap3A_821, %swap3A_822], %get3A_819 {strides = array<i32>} : memref<16x64xf32, #tpu.memory_space<vmem>>, vector<16xf32>,
      %get3A_824 = arith.constant 8 : i32
      %get3A_825 = arith.index_cast %get3A_824 : i32 to index
      %get3A_826 = arith.index_cast %squeeze3A_796 : i32 to index
      %get3A_827 = arith.constant 48 : index
      %get3A_828 = tpu.vector_load %arg12[%get3A_825, %get3A_826, %get3A_827] {strides = array<i32>} : memref<16x8x64xf32, #tpu.memory_space<vmem>>, vector<16xf32>,
      %swap3A_829 = arith.constant 8 : i32
      %swap3A_830 = arith.index_cast %swap3A_829 : i32 to index
      %swap3A_831 = arith.constant 48 : index
      %swap3A_832 = tpu.vector_load %arg10[%swap3A_830, %swap3A_831] {strides = array<i32>} : memref<16x64xf32, #tpu.memory_space<vmem>>, vector<16xf32>,
      tpu.vector_store %arg10[%swap3A_830, %swap3A_831], %get3A_828 {strides = array<i32>} : memref<16x64xf32, #tpu.memory_space<vmem>>, vector<16xf32>,
      %slice3A_833 = vector.extract_strided_slice %and3A_491 {offsets = [9], sizes = [1], strides = [1]} : vector<16xi32> to vector<1xi32>
      %squeeze3A_834 = vector.extract %slice3A_833[0] : i32 from vector<1xi32>
      %get3A_835 = arith.constant 9 : i32
      %get3A_836 = arith.index_cast %get3A_835 : i32 to index
      %get3A_837 = arith.index_cast %squeeze3A_834 : i32 to index
      %get3A_838 = arith.constant 0 : index
      %get3A_839 = tpu.vector_load %arg12[%get3A_836, %get3A_837, %get3A_838] {strides = array<i32>} : memref<16x8x64xf32, #tpu.memory_space<vmem>>, vector<16xf32>,
      %swap3A_840 = arith.constant 9 : i32
      %swap3A_841 = arith.index_cast %swap3A_840 : i32 to index
      %swap3A_842 = arith.constant 0 : index
      %swap3A_843 = tpu.vector_load %arg10[%swap3A_841, %swap3A_842] {strides = array<i32>} : memref<16x64xf32, #tpu.memory_space<vmem>>, vector<16xf32>,
      tpu.vector_store %arg10[%swap3A_841, %swap3A_842], %get3A_839 {strides = array<i32>} : memref<16x64xf32, #tpu.memory_space<vmem>>, vector<16xf32>,
      %get3A_844 = arith.constant 9 : i32
      %get3A_845 = arith.index_cast %get3A_844 : i32 to index
      %get3A_846 = arith.index_cast %squeeze3A_834 : i32 to index
      %get3A_847 = arith.constant 16 : index
      %get3A_848 = tpu.vector_load %arg12[%get3A_845, %get3A_846, %get3A_847] {strides = array<i32>} : memref<16x8x64xf32, #tpu.memory_space<vmem>>, vector<16xf32>,
      %swap3A_849 = arith.constant 9 : i32
      %swap3A_850 = arith.index_cast %swap3A_849 : i32 to index
      %swap3A_851 = arith.constant 16 : index
      %swap3A_852 = tpu.vector_load %arg10[%swap3A_850, %swap3A_851] {strides = array<i32>} : memref<16x64xf32, #tpu.memory_space<vmem>>, vector<16xf32>,
      tpu.vector_store %arg10[%swap3A_850, %swap3A_851], %get3A_848 {strides = array<i32>} : memref<16x64xf32, #tpu.memory_space<vmem>>, vector<16xf32>,
      %get3A_853 = arith.constant 9 : i32
      %get3A_854 = arith.index_cast %get3A_853 : i32 to index
      %get3A_855 = arith.index_cast %squeeze3A_834 : i32 to index
      %get3A_856 = arith.constant 32 : index
      %get3A_857 = tpu.vector_load %arg12[%get3A_854, %get3A_855, %get3A_856] {strides = array<i32>} : memref<16x8x64xf32, #tpu.memory_space<vmem>>, vector<16xf32>,
      %swap3A_858 = arith.constant 9 : i32
      %swap3A_859 = arith.index_cast %swap3A_858 : i32 to index
      %swap3A_860 = arith.constant 32 : index
      %swap3A_861 = tpu.vector_load %arg10[%swap3A_859, %swap3A_860] {strides = array<i32>} : memref<16x64xf32, #tpu.memory_space<vmem>>, vector<16xf32>,
      tpu.vector_store %arg10[%swap3A_859, %swap3A_860], %get3A_857 {strides = array<i32>} : memref<16x64xf32, #tpu.memory_space<vmem>>, vector<16xf32>,
      %get3A_862 = arith.constant 9 : i32
      %get3A_863 = arith.index_cast %get3A_862 : i32 to index
      %get3A_864 = arith.index_cast %squeeze3A_834 : i32 to index
      %get3A_865 = arith.constant 48 : index
      %get3A_866 = tpu.vector_load %arg12[%get3A_863, %get3A_864, %get3A_865] {strides = array<i32>} : memref<16x8x64xf32, #tpu.memory_space<vmem>>, vector<16xf32>,
      %swap3A_867 = arith.constant 9 : i32
      %swap3A_868 = arith.index_cast %swap3A_867 : i32 to index
      %swap3A_869 = arith.constant 48 : index
      %swap3A_870 = tpu.vector_load %arg10[%swap3A_868, %swap3A_869] {strides = array<i32>} : memref<16x64xf32, #tpu.memory_space<vmem>>, vector<16xf32>,
      tpu.vector_store %arg10[%swap3A_868, %swap3A_869], %get3A_866 {strides = array<i32>} : memref<16x64xf32, #tpu.memory_space<vmem>>, vector<16xf32>,
      %slice3A_871 = vector.extract_strided_slice %and3A_491 {offsets = [10], sizes = [1], strides = [1]} : vector<16xi32> to vector<1xi32>
      %squeeze3A_872 = vector.extract %slice3A_871[0] : i32 from vector<1xi32>
      %get3A_873 = arith.constant 10 : i32
      %get3A_874 = arith.index_cast %get3A_873 : i32 to index
      %get3A_875 = arith.index_cast %squeeze3A_872 : i32 to index
      %get3A_876 = arith.constant 0 : index
      %get3A_877 = tpu.vector_load %arg12[%get3A_874, %get3A_875, %get3A_876] {strides = array<i32>} : memref<16x8x64xf32, #tpu.memory_space<vmem>>, vector<16xf32>,
      %swap3A_878 = arith.constant 10 : i32
      %swap3A_879 = arith.index_cast %swap3A_878 : i32 to index
      %swap3A_880 = arith.constant 0 : index
      %swap3A_881 = tpu.vector_load %arg10[%swap3A_879, %swap3A_880] {strides = array<i32>} : memref<16x64xf32, #tpu.memory_space<vmem>>, vector<16xf32>,
      tpu.vector_store %arg10[%swap3A_879, %swap3A_880], %get3A_877 {strides = array<i32>} : memref<16x64xf32, #tpu.memory_space<vmem>>, vector<16xf32>,
      %get3A_882 = arith.constant 10 : i32
      %get3A_883 = arith.index_cast %get3A_882 : i32 to index
      %get3A_884 = arith.index_cast %squeeze3A_872 : i32 to index
      %get3A_885 = arith.constant 16 : index
      %get3A_886 = tpu.vector_load %arg12[%get3A_883, %get3A_884, %get3A_885] {strides = array<i32>} : memref<16x8x64xf32, #tpu.memory_space<vmem>>, vector<16xf32>,
      %swap3A_887 = arith.constant 10 : i32
      %swap3A_888 = arith.index_cast %swap3A_887 : i32 to index
      %swap3A_889 = arith.constant 16 : index
      %swap3A_890 = tpu.vector_load %arg10[%swap3A_888, %swap3A_889] {strides = array<i32>} : memref<16x64xf32, #tpu.memory_space<vmem>>, vector<16xf32>,
      tpu.vector_store %arg10[%swap3A_888, %swap3A_889], %get3A_886 {strides = array<i32>} : memref<16x64xf32, #tpu.memory_space<vmem>>, vector<16xf32>,
      %get3A_891 = arith.constant 10 : i32
      %get3A_892 = arith.index_cast %get3A_891 : i32 to index
      %get3A_893 = arith.index_cast %squeeze3A_872 : i32 to index
      %get3A_894 = arith.constant 32 : index
      %get3A_895 = tpu.vector_load %arg12[%get3A_892, %get3A_893, %get3A_894] {strides = array<i32>} : memref<16x8x64xf32, #tpu.memory_space<vmem>>, vector<16xf32>,
      %swap3A_896 = arith.constant 10 : i32
      %swap3A_897 = arith.index_cast %swap3A_896 : i32 to index
      %swap3A_898 = arith.constant 32 : index
      %swap3A_899 = tpu.vector_load %arg10[%swap3A_897, %swap3A_898] {strides = array<i32>} : memref<16x64xf32, #tpu.memory_space<vmem>>, vector<16xf32>,
      tpu.vector_store %arg10[%swap3A_897, %swap3A_898], %get3A_895 {strides = array<i32>} : memref<16x64xf32, #tpu.memory_space<vmem>>, vector<16xf32>,
      %get3A_900 = arith.constant 10 : i32
      %get3A_901 = arith.index_cast %get3A_900 : i32 to index
      %get3A_902 = arith.index_cast %squeeze3A_872 : i32 to index
      %get3A_903 = arith.constant 48 : index
      %get3A_904 = tpu.vector_load %arg12[%get3A_901, %get3A_902, %get3A_903] {strides = array<i32>} : memref<16x8x64xf32, #tpu.memory_space<vmem>>, vector<16xf32>,
      %swap3A_905 = arith.constant 10 : i32
      %swap3A_906 = arith.index_cast %swap3A_905 : i32 to index
      %swap3A_907 = arith.constant 48 : index
      %swap3A_908 = tpu.vector_load %arg10[%swap3A_906, %swap3A_907] {strides = array<i32>} : memref<16x64xf32, #tpu.memory_space<vmem>>, vector<16xf32>,
      tpu.vector_store %arg10[%swap3A_906, %swap3A_907], %get3A_904 {strides = array<i32>} : memref<16x64xf32, #tpu.memory_space<vmem>>, vector<16xf32>,
      %slice3A_909 = vector.extract_strided_slice %and3A_491 {offsets = [11], sizes = [1], strides = [1]} : vector<16xi32> to vector<1xi32>
      %squeeze3A_910 = vector.extract %slice3A_909[0] : i32 from vector<1xi32>
      %get3A_911 = arith.constant 11 : i32
      %get3A_912 = arith.index_cast %get3A_911 : i32 to index
      %get3A_913 = arith.index_cast %squeeze3A_910 : i32 to index
      %get3A_914 = arith.constant 0 : index
      %get3A_915 = tpu.vector_load %arg12[%get3A_912, %get3A_913, %get3A_914] {strides = array<i32>} : memref<16x8x64xf32, #tpu.memory_space<vmem>>, vector<16xf32>,
      %swap3A_916 = arith.constant 11 : i32
      %swap3A_917 = arith.index_cast %swap3A_916 : i32 to index
      %swap3A_918 = arith.constant 0 : index
      %swap3A_919 = tpu.vector_load %arg10[%swap3A_917, %swap3A_918] {strides = array<i32>} : memref<16x64xf32, #tpu.memory_space<vmem>>, vector<16xf32>,
      tpu.vector_store %arg10[%swap3A_917, %swap3A_918], %get3A_915 {strides = array<i32>} : memref<16x64xf32, #tpu.memory_space<vmem>>, vector<16xf32>,
      %get3A_920 = arith.constant 11 : i32
      %get3A_921 = arith.index_cast %get3A_920 : i32 to index
      %get3A_922 = arith.index_cast %squeeze3A_910 : i32 to index
      %get3A_923 = arith.constant 16 : index
      %get3A_924 = tpu.vector_load %arg12[%get3A_921, %get3A_922, %get3A_923] {strides = array<i32>} : memref<16x8x64xf32, #tpu.memory_space<vmem>>, vector<16xf32>,
      %swap3A_925 = arith.constant 11 : i32
      %swap3A_926 = arith.index_cast %swap3A_925 : i32 to index
      %swap3A_927 = arith.constant 16 : index
      %swap3A_928 = tpu.vector_load %arg10[%swap3A_926, %swap3A_927] {strides = array<i32>} : memref<16x64xf32, #tpu.memory_space<vmem>>, vector<16xf32>,
      tpu.vector_store %arg10[%swap3A_926, %swap3A_927], %get3A_924 {strides = array<i32>} : memref<16x64xf32, #tpu.memory_space<vmem>>, vector<16xf32>,
      %get3A_929 = arith.constant 11 : i32
      %get3A_930 = arith.index_cast %get3A_929 : i32 to index
      %get3A_931 = arith.index_cast %squeeze3A_910 : i32 to index
      %get3A_932 = arith.constant 32 : index
      %get3A_933 = tpu.vector_load %arg12[%get3A_930, %get3A_931, %get3A_932] {strides = array<i32>} : memref<16x8x64xf32, #tpu.memory_space<vmem>>, vector<16xf32>,
      %swap3A_934 = arith.constant 11 : i32
      %swap3A_935 = arith.index_cast %swap3A_934 : i32 to index
      %swap3A_936 = arith.constant 32 : index
      %swap3A_937 = tpu.vector_load %arg10[%swap3A_935, %swap3A_936] {strides = array<i32>} : memref<16x64xf32, #tpu.memory_space<vmem>>, vector<16xf32>,
      tpu.vector_store %arg10[%swap3A_935, %swap3A_936], %get3A_933 {strides = array<i32>} : memref<16x64xf32, #tpu.memory_space<vmem>>, vector<16xf32>,
      %get3A_938 = arith.constant 11 : i32
      %get3A_939 = arith.index_cast %get3A_938 : i32 to index
      %get3A_940 = arith.index_cast %squeeze3A_910 : i32 to index
      %get3A_941 = arith.constant 48 : index
      %get3A_942 = tpu.vector_load %arg12[%get3A_939, %get3A_940, %get3A_941] {strides = array<i32>} : memref<16x8x64xf32, #tpu.memory_space<vmem>>, vector<16xf32>,
      %swap3A_943 = arith.constant 11 : i32
      %swap3A_944 = arith.index_cast %swap3A_943 : i32 to index
      %swap3A_945 = arith.constant 48 : index
      %swap3A_946 = tpu.vector_load %arg10[%swap3A_944, %swap3A_945] {strides = array<i32>} : memref<16x64xf32, #tpu.memory_space<vmem>>, vector<16xf32>,
      tpu.vector_store %arg10[%swap3A_944, %swap3A_945], %get3A_942 {strides = array<i32>} : memref<16x64xf32, #tpu.memory_space<vmem>>, vector<16xf32>,
      %slice3A_947 = vector.extract_strided_slice %and3A_491 {offsets = [12], sizes = [1], strides = [1]} : vector<16xi32> to vector<1xi32>
      %squeeze3A_948 = vector.extract %slice3A_947[0] : i32 from vector<1xi32>
      %get3A_949 = arith.constant 12 : i32
      %get3A_950 = arith.index_cast %get3A_949 : i32 to index
      %get3A_951 = arith.index_cast %squeeze3A_948 : i32 to index
      %get3A_952 = arith.constant 0 : index
      %get3A_953 = tpu.vector_load %arg12[%get3A_950, %get3A_951, %get3A_952] {strides = array<i32>} : memref<16x8x64xf32, #tpu.memory_space<vmem>>, vector<16xf32>,
      %swap3A_954 = arith.constant 12 : i32
      %swap3A_955 = arith.index_cast %swap3A_954 : i32 to index
      %swap3A_956 = arith.constant 0 : index
      %swap3A_957 = tpu.vector_load %arg10[%swap3A_955, %swap3A_956] {strides = array<i32>} : memref<16x64xf32, #tpu.memory_space<vmem>>, vector<16xf32>,
      tpu.vector_store %arg10[%swap3A_955, %swap3A_956], %get3A_953 {strides = array<i32>} : memref<16x64xf32, #tpu.memory_space<vmem>>, vector<16xf32>,
      %get3A_958 = arith.constant 12 : i32
      %get3A_959 = arith.index_cast %get3A_958 : i32 to index
      %get3A_960 = arith.index_cast %squeeze3A_948 : i32 to index
      %get3A_961 = arith.constant 16 : index
      %get3A_962 = tpu.vector_load %arg12[%get3A_959, %get3A_960, %get3A_961] {strides = array<i32>} : memref<16x8x64xf32, #tpu.memory_space<vmem>>, vector<16xf32>,
      %swap3A_963 = arith.constant 12 : i32
      %swap3A_964 = arith.index_cast %swap3A_963 : i32 to index
      %swap3A_965 = arith.constant 16 : index
      %swap3A_966 = tpu.vector_load %arg10[%swap3A_964, %swap3A_965] {strides = array<i32>} : memref<16x64xf32, #tpu.memory_space<vmem>>, vector<16xf32>,
      tpu.vector_store %arg10[%swap3A_964, %swap3A_965], %get3A_962 {strides = array<i32>} : memref<16x64xf32, #tpu.memory_space<vmem>>, vector<16xf32>,
      %get3A_967 = arith.constant 12 : i32
      %get3A_968 = arith.index_cast %get3A_967 : i32 to index
      %get3A_969 = arith.index_cast %squeeze3A_948 : i32 to index
      %get3A_970 = arith.constant 32 : index
      %get3A_971 = tpu.vector_load %arg12[%get3A_968, %get3A_969, %get3A_970] {strides = array<i32>} : memref<16x8x64xf32, #tpu.memory_space<vmem>>, vector<16xf32>,
      %swap3A_972 = arith.constant 12 : i32
      %swap3A_973 = arith.index_cast %swap3A_972 : i32 to index
      %swap3A_974 = arith.constant 32 : index
      %swap3A_975 = tpu.vector_load %arg10[%swap3A_973, %swap3A_974] {strides = array<i32>} : memref<16x64xf32, #tpu.memory_space<vmem>>, vector<16xf32>,
      tpu.vector_store %arg10[%swap3A_973, %swap3A_974], %get3A_971 {strides = array<i32>} : memref<16x64xf32, #tpu.memory_space<vmem>>, vector<16xf32>,
      %get3A_976 = arith.constant 12 : i32
      %get3A_977 = arith.index_cast %get3A_976 : i32 to index
      %get3A_978 = arith.index_cast %squeeze3A_948 : i32 to index
      %get3A_979 = arith.constant 48 : index
      %get3A_980 = tpu.vector_load %arg12[%get3A_977, %get3A_978, %get3A_979] {strides = array<i32>} : memref<16x8x64xf32, #tpu.memory_space<vmem>>, vector<16xf32>,
      %swap3A_981 = arith.constant 12 : i32
      %swap3A_982 = arith.index_cast %swap3A_981 : i32 to index
      %swap3A_983 = arith.constant 48 : index
      %swap3A_984 = tpu.vector_load %arg10[%swap3A_982, %swap3A_983] {strides = array<i32>} : memref<16x64xf32, #tpu.memory_space<vmem>>, vector<16xf32>,
      tpu.vector_store %arg10[%swap3A_982, %swap3A_983], %get3A_980 {strides = array<i32>} : memref<16x64xf32, #tpu.memory_space<vmem>>, vector<16xf32>,
      %slice3A_985 = vector.extract_strided_slice %and3A_491 {offsets = [13], sizes = [1], strides = [1]} : vector<16xi32> to vector<1xi32>
      %squeeze3A_986 = vector.extract %slice3A_985[0] : i32 from vector<1xi32>
      %get3A_987 = arith.constant 13 : i32
      %get3A_988 = arith.index_cast %get3A_987 : i32 to index
      %get3A_989 = arith.index_cast %squeeze3A_986 : i32 to index
      %get3A_990 = arith.constant 0 : index
      %get3A_991 = tpu.vector_load %arg12[%get3A_988, %get3A_989, %get3A_990] {strides = array<i32>} : memref<16x8x64xf32, #tpu.memory_space<vmem>>, vector<16xf32>,
      %swap3A_992 = arith.constant 13 : i32
      %swap3A_993 = arith.index_cast %swap3A_992 : i32 to index
      %swap3A_994 = arith.constant 0 : index
      %swap3A_995 = tpu.vector_load %arg10[%swap3A_993, %swap3A_994] {strides = array<i32>} : memref<16x64xf32, #tpu.memory_space<vmem>>, vector<16xf32>,
      tpu.vector_store %arg10[%swap3A_993, %swap3A_994], %get3A_991 {strides = array<i32>} : memref<16x64xf32, #tpu.memory_space<vmem>>, vector<16xf32>,
      %get3A_996 = arith.constant 13 : i32
      %get3A_997 = arith.index_cast %get3A_996 : i32 to index
      %get3A_998 = arith.index_cast %squeeze3A_986 : i32 to index
      %get3A_999 = arith.constant 16 : index
      %get3A_1000 = tpu.vector_load %arg12[%get3A_997, %get3A_998, %get3A_999] {strides = array<i32>} : memref<16x8x64xf32, #tpu.memory_space<vmem>>, vector<16xf32>,
      %swap3A_1001 = arith.constant 13 : i32
      %swap3A_1002 = arith.index_cast %swap3A_1001 : i32 to index
      %swap3A_1003 = arith.constant 16 : index
      %swap3A_1004 = tpu.vector_load %arg10[%swap3A_1002, %swap3A_1003] {strides = array<i32>} : memref<16x64xf32, #tpu.memory_space<vmem>>, vector<16xf32>,
      tpu.vector_store %arg10[%swap3A_1002, %swap3A_1003], %get3A_1000 {strides = array<i32>} : memref<16x64xf32, #tpu.memory_space<vmem>>, vector<16xf32>,
      %get3A_1005 = arith.constant 13 : i32
      %get3A_1006 = arith.index_cast %get3A_1005 : i32 to index
      %get3A_1007 = arith.index_cast %squeeze3A_986 : i32 to index
      %get3A_1008 = arith.constant 32 : index
      %get3A_1009 = tpu.vector_load %arg12[%get3A_1006, %get3A_1007, %get3A_1008] {strides = array<i32>} : memref<16x8x64xf32, #tpu.memory_space<vmem>>, vector<16xf32>,
      %swap3A_1010 = arith.constant 13 : i32
      %swap3A_1011 = arith.index_cast %swap3A_1010 : i32 to index
      %swap3A_1012 = arith.constant 32 : index
      %swap3A_1013 = tpu.vector_load %arg10[%swap3A_1011, %swap3A_1012] {strides = array<i32>} : memref<16x64xf32, #tpu.memory_space<vmem>>, vector<16xf32>,
      tpu.vector_store %arg10[%swap3A_1011, %swap3A_1012], %get3A_1009 {strides = array<i32>} : memref<16x64xf32, #tpu.memory_space<vmem>>, vector<16xf32>,
      %get3A_1014 = arith.constant 13 : i32
      %get3A_1015 = arith.index_cast %get3A_1014 : i32 to index
      %get3A_1016 = arith.index_cast %squeeze3A_986 : i32 to index
      %get3A_1017 = arith.constant 48 : index
      %get3A_1018 = tpu.vector_load %arg12[%get3A_1015, %get3A_1016, %get3A_1017] {strides = array<i32>} : memref<16x8x64xf32, #tpu.memory_space<vmem>>, vector<16xf32>,
      %swap3A_1019 = arith.constant 13 : i32
      %swap3A_1020 = arith.index_cast %swap3A_1019 : i32 to index
      %swap3A_1021 = arith.constant 48 : index
      %swap3A_1022 = tpu.vector_load %arg10[%swap3A_1020, %swap3A_1021] {strides = array<i32>} : memref<16x64xf32, #tpu.memory_space<vmem>>, vector<16xf32>,
      tpu.vector_store %arg10[%swap3A_1020, %swap3A_1021], %get3A_1018 {strides = array<i32>} : memref<16x64xf32, #tpu.memory_space<vmem>>, vector<16xf32>,
      %slice3A_1023 = vector.extract_strided_slice %and3A_491 {offsets = [14], sizes = [1], strides = [1]} : vector<16xi32> to vector<1xi32>
      %squeeze3A_1024 = vector.extract %slice3A_1023[0] : i32 from vector<1xi32>
      %get3A_1025 = arith.constant 14 : i32
      %get3A_1026 = arith.index_cast %get3A_1025 : i32 to index
      %get3A_1027 = arith.index_cast %squeeze3A_1024 : i32 to index
      %get3A_1028 = arith.constant 0 : index
      %get3A_1029 = tpu.vector_load %arg12[%get3A_1026, %get3A_1027, %get3A_1028] {strides = array<i32>} : memref<16x8x64xf32, #tpu.memory_space<vmem>>, vector<16xf32>,
      %swap3A_1030 = arith.constant 14 : i32
      %swap3A_1031 = arith.index_cast %swap3A_1030 : i32 to index
      %swap3A_1032 = arith.constant 0 : index
      %swap3A_1033 = tpu.vector_load %arg10[%swap3A_1031, %swap3A_1032] {strides = array<i32>} : memref<16x64xf32, #tpu.memory_space<vmem>>, vector<16xf32>,
      tpu.vector_store %arg10[%swap3A_1031, %swap3A_1032], %get3A_1029 {strides = array<i32>} : memref<16x64xf32, #tpu.memory_space<vmem>>, vector<16xf32>,
      %get3A_1034 = arith.constant 14 : i32
      %get3A_1035 = arith.index_cast %get3A_1034 : i32 to index
      %get3A_1036 = arith.index_cast %squeeze3A_1024 : i32 to index
      %get3A_1037 = arith.constant 16 : index
      %get3A_1038 = tpu.vector_load %arg12[%get3A_1035, %get3A_1036, %get3A_1037] {strides = array<i32>} : memref<16x8x64xf32, #tpu.memory_space<vmem>>, vector<16xf32>,
      %swap3A_1039 = arith.constant 14 : i32
      %swap3A_1040 = arith.index_cast %swap3A_1039 : i32 to index
      %swap3A_1041 = arith.constant 16 : index
      %swap3A_1042 = tpu.vector_load %arg10[%swap3A_1040, %swap3A_1041] {strides = array<i32>} : memref<16x64xf32, #tpu.memory_space<vmem>>, vector<16xf32>,
      tpu.vector_store %arg10[%swap3A_1040, %swap3A_1041], %get3A_1038 {strides = array<i32>} : memref<16x64xf32, #tpu.memory_space<vmem>>, vector<16xf32>,
      %get3A_1043 = arith.constant 14 : i32
      %get3A_1044 = arith.index_cast %get3A_1043 : i32 to index
      %get3A_1045 = arith.index_cast %squeeze3A_1024 : i32 to index
      %get3A_1046 = arith.constant 32 : index
      %get3A_1047 = tpu.vector_load %arg12[%get3A_1044, %get3A_1045, %get3A_1046] {strides = array<i32>} : memref<16x8x64xf32, #tpu.memory_space<vmem>>, vector<16xf32>,
      %swap3A_1048 = arith.constant 14 : i32
      %swap3A_1049 = arith.index_cast %swap3A_1048 : i32 to index
      %swap3A_1050 = arith.constant 32 : index
      %swap3A_1051 = tpu.vector_load %arg10[%swap3A_1049, %swap3A_1050] {strides = array<i32>} : memref<16x64xf32, #tpu.memory_space<vmem>>, vector<16xf32>,
      tpu.vector_store %arg10[%swap3A_1049, %swap3A_1050], %get3A_1047 {strides = array<i32>} : memref<16x64xf32, #tpu.memory_space<vmem>>, vector<16xf32>,
      %get3A_1052 = arith.constant 14 : i32
      %get3A_1053 = arith.index_cast %get3A_1052 : i32 to index
      %get3A_1054 = arith.index_cast %squeeze3A_1024 : i32 to index
      %get3A_1055 = arith.constant 48 : index
      %get3A_1056 = tpu.vector_load %arg12[%get3A_1053, %get3A_1054, %get3A_1055] {strides = array<i32>} : memref<16x8x64xf32, #tpu.memory_space<vmem>>, vector<16xf32>,
      %swap3A_1057 = arith.constant 14 : i32
      %swap3A_1058 = arith.index_cast %swap3A_1057 : i32 to index
      %swap3A_1059 = arith.constant 48 : index
      %swap3A_1060 = tpu.vector_load %arg10[%swap3A_1058, %swap3A_1059] {strides = array<i32>} : memref<16x64xf32, #tpu.memory_space<vmem>>, vector<16xf32>,
      tpu.vector_store %arg10[%swap3A_1058, %swap3A_1059], %get3A_1056 {strides = array<i32>} : memref<16x64xf32, #tpu.memory_space<vmem>>, vector<16xf32>,
      %slice3A_1061 = vector.extract_strided_slice %and3A_491 {offsets = [15], sizes = [1], strides = [1]} : vector<16xi32> to vector<1xi32>
      %squeeze3A_1062 = vector.extract %slice3A_1061[0] : i32 from vector<1xi32>
      %get3A_1063 = arith.constant 15 : i32
      %get3A_1064 = arith.index_cast %get3A_1063 : i32 to index
      %get3A_1065 = arith.index_cast %squeeze3A_1062 : i32 to index
      %get3A_1066 = arith.constant 0 : index
      %get3A_1067 = tpu.vector_load %arg12[%get3A_1064, %get3A_1065, %get3A_1066] {strides = array<i32>} : memref<16x8x64xf32, #tpu.memory_space<vmem>>, vector<16xf32>,
      %swap3A_1068 = arith.constant 15 : i32
      %swap3A_1069 = arith.index_cast %swap3A_1068 : i32 to index
      %swap3A_1070 = arith.constant 0 : index
      %swap3A_1071 = tpu.vector_load %arg10[%swap3A_1069, %swap3A_1070] {strides = array<i32>} : memref<16x64xf32, #tpu.memory_space<vmem>>, vector<16xf32>,
      tpu.vector_store %arg10[%swap3A_1069, %swap3A_1070], %get3A_1067 {strides = array<i32>} : memref<16x64xf32, #tpu.memory_space<vmem>>, vector<16xf32>,
      %get3A_1072 = arith.constant 15 : i32
      %get3A_1073 = arith.index_cast %get3A_1072 : i32 to index
      %get3A_1074 = arith.index_cast %squeeze3A_1062 : i32 to index
      %get3A_1075 = arith.constant 16 : index
      %get3A_1076 = tpu.vector_load %arg12[%get3A_1073, %get3A_1074, %get3A_1075] {strides = array<i32>} : memref<16x8x64xf32, #tpu.memory_space<vmem>>, vector<16xf32>,
      %swap3A_1077 = arith.constant 15 : i32
      %swap3A_1078 = arith.index_cast %swap3A_1077 : i32 to index
      %swap3A_1079 = arith.constant 16 : index
      %swap3A_1080 = tpu.vector_load %arg10[%swap3A_1078, %swap3A_1079] {strides = array<i32>} : memref<16x64xf32, #tpu.memory_space<vmem>>, vector<16xf32>,
      tpu.vector_store %arg10[%swap3A_1078, %swap3A_1079], %get3A_1076 {strides = array<i32>} : memref<16x64xf32, #tpu.memory_space<vmem>>, vector<16xf32>,
      %get3A_1081 = arith.constant 15 : i32
      %get3A_1082 = arith.index_cast %get3A_1081 : i32 to index
      %get3A_1083 = arith.index_cast %squeeze3A_1062 : i32 to index
      %get3A_1084 = arith.constant 32 : index
      %get3A_1085 = tpu.vector_load %arg12[%get3A_1082, %get3A_1083, %get3A_1084] {strides = array<i32>} : memref<16x8x64xf32, #tpu.memory_space<vmem>>, vector<16xf32>,
      %swap3A_1086 = arith.constant 15 : i32
      %swap3A_1087 = arith.index_cast %swap3A_1086 : i32 to index
      %swap3A_1088 = arith.constant 32 : index
      %swap3A_1089 = tpu.vector_load %arg10[%swap3A_1087, %swap3A_1088] {strides = array<i32>} : memref<16x64xf32, #tpu.memory_space<vmem>>, vector<16xf32>,
      tpu.vector_store %arg10[%swap3A_1087, %swap3A_1088], %get3A_1085 {strides = array<i32>} : memref<16x64xf32, #tpu.memory_space<vmem>>, vector<16xf32>,
      %get3A_1090 = arith.constant 15 : i32
      %get3A_1091 = arith.index_cast %get3A_1090 : i32 to index
      %get3A_1092 = arith.index_cast %squeeze3A_1062 : i32 to index
      %get3A_1093 = arith.constant 48 : index
      %get3A_1094 = tpu.vector_load %arg12[%get3A_1091, %get3A_1092, %get3A_1093] {strides = array<i32>} : memref<16x8x64xf32, #tpu.memory_space<vmem>>, vector<16xf32>,
      %swap3A_1095 = arith.constant 15 : i32
      %swap3A_1096 = arith.index_cast %swap3A_1095 : i32 to index
      %swap3A_1097 = arith.constant 48 : index
      %swap3A_1098 = tpu.vector_load %arg10[%swap3A_1096, %swap3A_1097] {strides = array<i32>} : memref<16x64xf32, #tpu.memory_space<vmem>>, vector<16xf32>,
      tpu.vector_store %arg10[%swap3A_1096, %swap3A_1097], %get3A_1094 {strides = array<i32>} : memref<16x64xf32, #tpu.memory_space<vmem>>, vector<16xf32>,
      %mul3A_1099 = arith.constant 16 : i32
      %mul3A_1100 = arith.muli %scan3A_22, %mul3A_1099 : i32
      %add3A_1101 = arith.addi %mul3A_4, %mul3A_1100 : i32
      %multiple_of3A_1102 = tpu.assume_multiple %add3A_1101, 8 : i32
      "tpu.region"() ({
        %run_scoped3A = tpu.sem_alloc : memref<!tpu.dma_semaphore, #tpu.memory_space<semaphore_mem>>
        %dma_start3A_1104 = arith.constant 0 : i32
        %dma_start3A_1105 = tpu.memref_slice %arg6[%multiple_of3A_1102, %dma_start3A_1104] : memref<4096x64xf32, #tpu.memory_space<hbm>> -> memref<16x64xf32, #tpu.memory_space<hbm>>
        %dma_start3A_1106 = arith.constant 0 : i32
        %dma_start3A_1107 = tpu.memref_slice %arg6[%multiple_of3A_1102, %dma_start3A_1106] : memref<4096x64xf32, #tpu.memory_space<hbm>> -> memref<16x64xf32, #tpu.memory_space<hbm>>
        tpu.enqueue_dma source(%arg10 : memref<16x64xf32, #tpu.memory_space<vmem>>) target(%dma_start3A_1107 : memref<16x64xf32, #tpu.memory_space<hbm>>) target_semaphore(%run_scoped3A : memref<!tpu.dma_semaphore, #tpu.memory_space<semaphore_mem>>)
        %dma_wait3A_1108 = arith.constant 0 : i32
        %dma_wait3A_1109 = tpu.memref_slice %arg6[%multiple_of3A_1102, %dma_wait3A_1108] : memref<4096x64xf32, #tpu.memory_space<hbm>> -> memref<16x64xf32, #tpu.memory_space<hbm>>
        %dma_wait3A_1110 = arith.constant 0 : i32
        %dma_wait3A_1111 = tpu.memref_slice %arg6[%multiple_of3A_1102, %dma_wait3A_1110] : memref<4096x64xf32, #tpu.memory_space<hbm>> -> memref<16x64xf32, #tpu.memory_space<hbm>>
        tpu.wait_dma2 semaphore(%run_scoped3A : memref<!tpu.dma_semaphore, #tpu.memory_space<semaphore_mem>>) src(%arg10 : memref<16x64xf32, #tpu.memory_space<vmem>>) dst(%dma_wait3A_1111 : memref<16x64xf32, #tpu.memory_space<hbm>>)
        tpu.yield
      }) : () -> ()
      %scan3A_1103 = arith.constant 0 : i32
      scf.yield %scan3A_1103 : i32
    }
    %scan3A_10 = arith.constant 8 : i32
    %mul3A_11 = arith.constant 128 : i32
    %mul3A_12 = arith.muli %add3A, %mul3A_11 : i32
    "tpu.region"() ({
      %run_scoped3A = tpu.sem_alloc : memref<!tpu.dma_semaphore, #tpu.memory_space<semaphore_mem>>
      %dma_start3A = tpu.memref_slice %arg3[%mul3A_12] : memref<4096xi32, #tpu.memory_space<hbm>> -> memref<128xi32, #tpu.memory_space<hbm>>
      %dma_start3A_22 = tpu.memref_slice %arg3[%mul3A_12] : memref<4096xi32, #tpu.memory_space<hbm>> -> memref<128xi32, #tpu.memory_space<hbm>>
      tpu.enqueue_dma source(%dma_start3A_22 : memref<128xi32, #tpu.memory_space<hbm>>) target(%arg9 : memref<128xi32, #tpu.memory_space<vmem>>) target_semaphore(%run_scoped3A : memref<!tpu.dma_semaphore, #tpu.memory_space<semaphore_mem>>)
      %dma_wait3A = tpu.memref_slice %arg3[%mul3A_12] : memref<4096xi32, #tpu.memory_space<hbm>> -> memref<128xi32, #tpu.memory_space<hbm>>
      %dma_wait3A_23 = tpu.memref_slice %arg3[%mul3A_12] : memref<4096xi32, #tpu.memory_space<hbm>> -> memref<128xi32, #tpu.memory_space<hbm>>
      tpu.wait_dma2 semaphore(%run_scoped3A : memref<!tpu.dma_semaphore, #tpu.memory_space<semaphore_mem>>) src(%dma_wait3A_23 : memref<128xi32, #tpu.memory_space<hbm>>) dst(%arg9 : memref<128xi32, #tpu.memory_space<vmem>>)
      tpu.yield
    }) : () -> ()
    %mul3A_13 = arith.constant 128 : i32
    %mul3A_14 = arith.muli %add3A, %mul3A_13 : i32
    %scan3A_15 = arith.constant 0 : i32
    %scan3A_16 = arith.constant 0 : i32
    %scan3A_17 = arith.constant 8 : i32
    %scan3A_18 = arith.addi %scan3A_16, %scan3A_17 : i32
    %scan3A_19 = arith.constant 1 : i32
    %scan3A_20 = scf.for %scan3A_22 = %scan3A_16 to %scan3A_18 step %scan3A_19 iter_args(%scan3A_23 = %scan3A_15) -> (i32)  : i32 {
      %mul3A_24 = arith.constant 16 : i32
      %mul3A_25 = arith.muli %scan3A_22, %mul3A_24 : i32
      %get3A = arith.index_cast %mul3A_25 : i32 to index
      %get3A_26 = tpu.vector_load %arg9[%get3A] {strides = array<i32>} : memref<128xi32, #tpu.memory_space<vmem>>, vector<16xi32>,
      %shift_right_arithmetic3A = arith.constant 3 : i32
      %shift_right_arithmetic3A_27 = vector.broadcast %shift_right_arithmetic3A : i32 to vector<16xi32>
      %shift_right_arithmetic3A_28 = arith.shrsi %get3A_26, %shift_right_arithmetic3A_27 : vector<16xi32>
      %shift_left3A = arith.constant 3 : i32
      %shift_left3A_29 = vector.broadcast %shift_left3A : i32 to vector<16xi32>
      %shift_left3A_30 = arith.shli %shift_right_arithmetic3A_28, %shift_left3A_29 : vector<16xi32>
      %slice3A = vector.extract_strided_slice %shift_left3A_30 {offsets = [0], sizes = [1], strides = [1]} : vector<16xi32> to vector<1xi32>
      %squeeze3A = vector.extract %slice3A[0] : i32 from vector<1xi32>
      %multiple_of3A = tpu.assume_multiple %squeeze3A, 8 : i32
      %dma_start3A = arith.constant 0 : i32
      %dma_start3A_31 = arith.constant 0 : i32
      %dma_start3A_32 = arith.constant 0 : i32
      %dma_start3A_33 = tpu.memref_slice %arg13[%dma_start3A, %dma_start3A_31, %dma_start3A_32] : memref<16x8x32xf32, #tpu.memory_space<vmem>> -> memref<1x8x32xf32, #tpu.memory_space<vmem>>
      %dma_start3A_34 = tpu.memref_squeeze %dma_start3A_33 : memref<1x8x32xf32, #tpu.memory_space<vmem>> -> memref<8x32xf32, #tpu.memory_space<vmem>>
      %dma_start3A_35 = arith.constant 0 : i32
      %dma_start3A_36 = tpu.memref_slice %arg5[%multiple_of3A, %dma_start3A_35] : memref<100000x32xf32, #tpu.memory_space<hbm>> -> memref<8x32xf32, #tpu.memory_space<hbm>>
      %dma_start3A_37 = arith.constant 0 : i32
      %dma_start3A_38 = arith.constant 0 : i32
      %dma_start3A_39 = tpu.memref_slice %arg13[%dma_start3A, %dma_start3A_37, %dma_start3A_38] : memref<16x8x32xf32, #tpu.memory_space<vmem>> -> memref<1x8x32xf32, #tpu.memory_space<vmem>>
      %dma_start3A_40 = tpu.memref_squeeze %dma_start3A_39 : memref<1x8x32xf32, #tpu.memory_space<vmem>> -> memref<8x32xf32, #tpu.memory_space<vmem>>
      %dma_start3A_41 = arith.constant 0 : i32
      %dma_start3A_42 = tpu.memref_slice %arg5[%multiple_of3A, %dma_start3A_41] : memref<100000x32xf32, #tpu.memory_space<hbm>> -> memref<8x32xf32, #tpu.memory_space<hbm>>
      tpu.enqueue_dma source(%dma_start3A_42 : memref<8x32xf32, #tpu.memory_space<hbm>>) target(%dma_start3A_40 : memref<8x32xf32, #tpu.memory_space<vmem>>) target_semaphore(%arg14 : memref<!tpu.dma_semaphore, #tpu.memory_space<semaphore_mem>>)
      %slice3A_43 = vector.extract_strided_slice %shift_left3A_30 {offsets = [1], sizes = [1], strides = [1]} : vector<16xi32> to vector<1xi32>
      %squeeze3A_44 = vector.extract %slice3A_43[0] : i32 from vector<1xi32>
      %multiple_of3A_45 = tpu.assume_multiple %squeeze3A_44, 8 : i32
      %dma_start3A_46 = arith.constant 1 : i32
      %dma_start3A_47 = arith.constant 0 : i32
      %dma_start3A_48 = arith.constant 0 : i32
      %dma_start3A_49 = tpu.memref_slice %arg13[%dma_start3A_46, %dma_start3A_47, %dma_start3A_48] : memref<16x8x32xf32, #tpu.memory_space<vmem>> -> memref<1x8x32xf32, #tpu.memory_space<vmem>>
      %dma_start3A_50 = tpu.memref_squeeze %dma_start3A_49 : memref<1x8x32xf32, #tpu.memory_space<vmem>> -> memref<8x32xf32, #tpu.memory_space<vmem>>
      %dma_start3A_51 = arith.constant 0 : i32
      %dma_start3A_52 = tpu.memref_slice %arg5[%multiple_of3A_45, %dma_start3A_51] : memref<100000x32xf32, #tpu.memory_space<hbm>> -> memref<8x32xf32, #tpu.memory_space<hbm>>
      %dma_start3A_53 = arith.constant 0 : i32
      %dma_start3A_54 = arith.constant 0 : i32
      %dma_start3A_55 = tpu.memref_slice %arg13[%dma_start3A_46, %dma_start3A_53, %dma_start3A_54] : memref<16x8x32xf32, #tpu.memory_space<vmem>> -> memref<1x8x32xf32, #tpu.memory_space<vmem>>
      %dma_start3A_56 = tpu.memref_squeeze %dma_start3A_55 : memref<1x8x32xf32, #tpu.memory_space<vmem>> -> memref<8x32xf32, #tpu.memory_space<vmem>>
      %dma_start3A_57 = arith.constant 0 : i32
      %dma_start3A_58 = tpu.memref_slice %arg5[%multiple_of3A_45, %dma_start3A_57] : memref<100000x32xf32, #tpu.memory_space<hbm>> -> memref<8x32xf32, #tpu.memory_space<hbm>>
      tpu.enqueue_dma source(%dma_start3A_58 : memref<8x32xf32, #tpu.memory_space<hbm>>) target(%dma_start3A_56 : memref<8x32xf32, #tpu.memory_space<vmem>>) target_semaphore(%arg14 : memref<!tpu.dma_semaphore, #tpu.memory_space<semaphore_mem>>)
      %slice3A_59 = vector.extract_strided_slice %shift_left3A_30 {offsets = [2], sizes = [1], strides = [1]} : vector<16xi32> to vector<1xi32>
      %squeeze3A_60 = vector.extract %slice3A_59[0] : i32 from vector<1xi32>
      %multiple_of3A_61 = tpu.assume_multiple %squeeze3A_60, 8 : i32
      %dma_start3A_62 = arith.constant 2 : i32
      %dma_start3A_63 = arith.constant 0 : i32
      %dma_start3A_64 = arith.constant 0 : i32
      %dma_start3A_65 = tpu.memref_slice %arg13[%dma_start3A_62, %dma_start3A_63, %dma_start3A_64] : memref<16x8x32xf32, #tpu.memory_space<vmem>> -> memref<1x8x32xf32, #tpu.memory_space<vmem>>
      %dma_start3A_66 = tpu.memref_squeeze %dma_start3A_65 : memref<1x8x32xf32, #tpu.memory_space<vmem>> -> memref<8x32xf32, #tpu.memory_space<vmem>>
      %dma_start3A_67 = arith.constant 0 : i32
      %dma_start3A_68 = tpu.memref_slice %arg5[%multiple_of3A_61, %dma_start3A_67] : memref<100000x32xf32, #tpu.memory_space<hbm>> -> memref<8x32xf32, #tpu.memory_space<hbm>>
      %dma_start3A_69 = arith.constant 0 : i32
      %dma_start3A_70 = arith.constant 0 : i32
      %dma_start3A_71 = tpu.memref_slice %arg13[%dma_start3A_62, %dma_start3A_69, %dma_start3A_70] : memref<16x8x32xf32, #tpu.memory_space<vmem>> -> memref<1x8x32xf32, #tpu.memory_space<vmem>>
      %dma_start3A_72 = tpu.memref_squeeze %dma_start3A_71 : memref<1x8x32xf32, #tpu.memory_space<vmem>> -> memref<8x32xf32, #tpu.memory_space<vmem>>
      %dma_start3A_73 = arith.constant 0 : i32
      %dma_start3A_74 = tpu.memref_slice %arg5[%multiple_of3A_61, %dma_start3A_73] : memref<100000x32xf32, #tpu.memory_space<hbm>> -> memref<8x32xf32, #tpu.memory_space<hbm>>
      tpu.enqueue_dma source(%dma_start3A_74 : memref<8x32xf32, #tpu.memory_space<hbm>>) target(%dma_start3A_72 : memref<8x32xf32, #tpu.memory_space<vmem>>) target_semaphore(%arg14 : memref<!tpu.dma_semaphore, #tpu.memory_space<semaphore_mem>>)
      %slice3A_75 = vector.extract_strided_slice %shift_left3A_30 {offsets = [3], sizes = [1], strides = [1]} : vector<16xi32> to vector<1xi32>
      %squeeze3A_76 = vector.extract %slice3A_75[0] : i32 from vector<1xi32>
      %multiple_of3A_77 = tpu.assume_multiple %squeeze3A_76, 8 : i32
      %dma_start3A_78 = arith.constant 3 : i32
      %dma_start3A_79 = arith.constant 0 : i32
      %dma_start3A_80 = arith.constant 0 : i32
      %dma_start3A_81 = tpu.memref_slice %arg13[%dma_start3A_78, %dma_start3A_79, %dma_start3A_80] : memref<16x8x32xf32, #tpu.memory_space<vmem>> -> memref<1x8x32xf32, #tpu.memory_space<vmem>>
      %dma_start3A_82 = tpu.memref_squeeze %dma_start3A_81 : memref<1x8x32xf32, #tpu.memory_space<vmem>> -> memref<8x32xf32, #tpu.memory_space<vmem>>
      %dma_start3A_83 = arith.constant 0 : i32
      %dma_start3A_84 = tpu.memref_slice %arg5[%multiple_of3A_77, %dma_start3A_83] : memref<100000x32xf32, #tpu.memory_space<hbm>> -> memref<8x32xf32, #tpu.memory_space<hbm>>
      %dma_start3A_85 = arith.constant 0 : i32
      %dma_start3A_86 = arith.constant 0 : i32
      %dma_start3A_87 = tpu.memref_slice %arg13[%dma_start3A_78, %dma_start3A_85, %dma_start3A_86] : memref<16x8x32xf32, #tpu.memory_space<vmem>> -> memref<1x8x32xf32, #tpu.memory_space<vmem>>
      %dma_start3A_88 = tpu.memref_squeeze %dma_start3A_87 : memref<1x8x32xf32, #tpu.memory_space<vmem>> -> memref<8x32xf32, #tpu.memory_space<vmem>>
      %dma_start3A_89 = arith.constant 0 : i32
      %dma_start3A_90 = tpu.memref_slice %arg5[%multiple_of3A_77, %dma_start3A_89] : memref<100000x32xf32, #tpu.memory_space<hbm>> -> memref<8x32xf32, #tpu.memory_space<hbm>>
      tpu.enqueue_dma source(%dma_start3A_90 : memref<8x32xf32, #tpu.memory_space<hbm>>) target(%dma_start3A_88 : memref<8x32xf32, #tpu.memory_space<vmem>>) target_semaphore(%arg14 : memref<!tpu.dma_semaphore, #tpu.memory_space<semaphore_mem>>)
      %slice3A_91 = vector.extract_strided_slice %shift_left3A_30 {offsets = [4], sizes = [1], strides = [1]} : vector<16xi32> to vector<1xi32>
      %squeeze3A_92 = vector.extract %slice3A_91[0] : i32 from vector<1xi32>
      %multiple_of3A_93 = tpu.assume_multiple %squeeze3A_92, 8 : i32
      %dma_start3A_94 = arith.constant 4 : i32
      %dma_start3A_95 = arith.constant 0 : i32
      %dma_start3A_96 = arith.constant 0 : i32
      %dma_start3A_97 = tpu.memref_slice %arg13[%dma_start3A_94, %dma_start3A_95, %dma_start3A_96] : memref<16x8x32xf32, #tpu.memory_space<vmem>> -> memref<1x8x32xf32, #tpu.memory_space<vmem>>
      %dma_start3A_98 = tpu.memref_squeeze %dma_start3A_97 : memref<1x8x32xf32, #tpu.memory_space<vmem>> -> memref<8x32xf32, #tpu.memory_space<vmem>>
      %dma_start3A_99 = arith.constant 0 : i32
      %dma_start3A_100 = tpu.memref_slice %arg5[%multiple_of3A_93, %dma_start3A_99] : memref<100000x32xf32, #tpu.memory_space<hbm>> -> memref<8x32xf32, #tpu.memory_space<hbm>>
      %dma_start3A_101 = arith.constant 0 : i32
      %dma_start3A_102 = arith.constant 0 : i32
      %dma_start3A_103 = tpu.memref_slice %arg13[%dma_start3A_94, %dma_start3A_101, %dma_start3A_102] : memref<16x8x32xf32, #tpu.memory_space<vmem>> -> memref<1x8x32xf32, #tpu.memory_space<vmem>>
      %dma_start3A_104 = tpu.memref_squeeze %dma_start3A_103 : memref<1x8x32xf32, #tpu.memory_space<vmem>> -> memref<8x32xf32, #tpu.memory_space<vmem>>
      %dma_start3A_105 = arith.constant 0 : i32
      %dma_start3A_106 = tpu.memref_slice %arg5[%multiple_of3A_93, %dma_start3A_105] : memref<100000x32xf32, #tpu.memory_space<hbm>> -> memref<8x32xf32, #tpu.memory_space<hbm>>
      tpu.enqueue_dma source(%dma_start3A_106 : memref<8x32xf32, #tpu.memory_space<hbm>>) target(%dma_start3A_104 : memref<8x32xf32, #tpu.memory_space<vmem>>) target_semaphore(%arg14 : memref<!tpu.dma_semaphore, #tpu.memory_space<semaphore_mem>>)
      %slice3A_107 = vector.extract_strided_slice %shift_left3A_30 {offsets = [5], sizes = [1], strides = [1]} : vector<16xi32> to vector<1xi32>
      %squeeze3A_108 = vector.extract %slice3A_107[0] : i32 from vector<1xi32>
      %multiple_of3A_109 = tpu.assume_multiple %squeeze3A_108, 8 : i32
      %dma_start3A_110 = arith.constant 5 : i32
      %dma_start3A_111 = arith.constant 0 : i32
      %dma_start3A_112 = arith.constant 0 : i32
      %dma_start3A_113 = tpu.memref_slice %arg13[%dma_start3A_110, %dma_start3A_111, %dma_start3A_112] : memref<16x8x32xf32, #tpu.memory_space<vmem>> -> memref<1x8x32xf32, #tpu.memory_space<vmem>>
      %dma_start3A_114 = tpu.memref_squeeze %dma_start3A_113 : memref<1x8x32xf32, #tpu.memory_space<vmem>> -> memref<8x32xf32, #tpu.memory_space<vmem>>
      %dma_start3A_115 = arith.constant 0 : i32
      %dma_start3A_116 = tpu.memref_slice %arg5[%multiple_of3A_109, %dma_start3A_115] : memref<100000x32xf32, #tpu.memory_space<hbm>> -> memref<8x32xf32, #tpu.memory_space<hbm>>
      %dma_start3A_117 = arith.constant 0 : i32
      %dma_start3A_118 = arith.constant 0 : i32
      %dma_start3A_119 = tpu.memref_slice %arg13[%dma_start3A_110, %dma_start3A_117, %dma_start3A_118] : memref<16x8x32xf32, #tpu.memory_space<vmem>> -> memref<1x8x32xf32, #tpu.memory_space<vmem>>
      %dma_start3A_120 = tpu.memref_squeeze %dma_start3A_119 : memref<1x8x32xf32, #tpu.memory_space<vmem>> -> memref<8x32xf32, #tpu.memory_space<vmem>>
      %dma_start3A_121 = arith.constant 0 : i32
      %dma_start3A_122 = tpu.memref_slice %arg5[%multiple_of3A_109, %dma_start3A_121] : memref<100000x32xf32, #tpu.memory_space<hbm>> -> memref<8x32xf32, #tpu.memory_space<hbm>>
      tpu.enqueue_dma source(%dma_start3A_122 : memref<8x32xf32, #tpu.memory_space<hbm>>) target(%dma_start3A_120 : memref<8x32xf32, #tpu.memory_space<vmem>>) target_semaphore(%arg14 : memref<!tpu.dma_semaphore, #tpu.memory_space<semaphore_mem>>)
      %slice3A_123 = vector.extract_strided_slice %shift_left3A_30 {offsets = [6], sizes = [1], strides = [1]} : vector<16xi32> to vector<1xi32>
      %squeeze3A_124 = vector.extract %slice3A_123[0] : i32 from vector<1xi32>
      %multiple_of3A_125 = tpu.assume_multiple %squeeze3A_124, 8 : i32
      %dma_start3A_126 = arith.constant 6 : i32
      %dma_start3A_127 = arith.constant 0 : i32
      %dma_start3A_128 = arith.constant 0 : i32
      %dma_start3A_129 = tpu.memref_slice %arg13[%dma_start3A_126, %dma_start3A_127, %dma_start3A_128] : memref<16x8x32xf32, #tpu.memory_space<vmem>> -> memref<1x8x32xf32, #tpu.memory_space<vmem>>
      %dma_start3A_130 = tpu.memref_squeeze %dma_start3A_129 : memref<1x8x32xf32, #tpu.memory_space<vmem>> -> memref<8x32xf32, #tpu.memory_space<vmem>>
      %dma_start3A_131 = arith.constant 0 : i32
      %dma_start3A_132 = tpu.memref_slice %arg5[%multiple_of3A_125, %dma_start3A_131] : memref<100000x32xf32, #tpu.memory_space<hbm>> -> memref<8x32xf32, #tpu.memory_space<hbm>>
      %dma_start3A_133 = arith.constant 0 : i32
      %dma_start3A_134 = arith.constant 0 : i32
      %dma_start3A_135 = tpu.memref_slice %arg13[%dma_start3A_126, %dma_start3A_133, %dma_start3A_134] : memref<16x8x32xf32, #tpu.memory_space<vmem>> -> memref<1x8x32xf32, #tpu.memory_space<vmem>>
      %dma_start3A_136 = tpu.memref_squeeze %dma_start3A_135 : memref<1x8x32xf32, #tpu.memory_space<vmem>> -> memref<8x32xf32, #tpu.memory_space<vmem>>
      %dma_start3A_137 = arith.constant 0 : i32
      %dma_start3A_138 = tpu.memref_slice %arg5[%multiple_of3A_125, %dma_start3A_137] : memref<100000x32xf32, #tpu.memory_space<hbm>> -> memref<8x32xf32, #tpu.memory_space<hbm>>
      tpu.enqueue_dma source(%dma_start3A_138 : memref<8x32xf32, #tpu.memory_space<hbm>>) target(%dma_start3A_136 : memref<8x32xf32, #tpu.memory_space<vmem>>) target_semaphore(%arg14 : memref<!tpu.dma_semaphore, #tpu.memory_space<semaphore_mem>>)
      %slice3A_139 = vector.extract_strided_slice %shift_left3A_30 {offsets = [7], sizes = [1], strides = [1]} : vector<16xi32> to vector<1xi32>
      %squeeze3A_140 = vector.extract %slice3A_139[0] : i32 from vector<1xi32>
      %multiple_of3A_141 = tpu.assume_multiple %squeeze3A_140, 8 : i32
      %dma_start3A_142 = arith.constant 7 : i32
      %dma_start3A_143 = arith.constant 0 : i32
      %dma_start3A_144 = arith.constant 0 : i32
      %dma_start3A_145 = tpu.memref_slice %arg13[%dma_start3A_142, %dma_start3A_143, %dma_start3A_144] : memref<16x8x32xf32, #tpu.memory_space<vmem>> -> memref<1x8x32xf32, #tpu.memory_space<vmem>>
      %dma_start3A_146 = tpu.memref_squeeze %dma_start3A_145 : memref<1x8x32xf32, #tpu.memory_space<vmem>> -> memref<8x32xf32, #tpu.memory_space<vmem>>
      %dma_start3A_147 = arith.constant 0 : i32
      %dma_start3A_148 = tpu.memref_slice %arg5[%multiple_of3A_141, %dma_start3A_147] : memref<100000x32xf32, #tpu.memory_space<hbm>> -> memref<8x32xf32, #tpu.memory_space<hbm>>
      %dma_start3A_149 = arith.constant 0 : i32
      %dma_start3A_150 = arith.constant 0 : i32
      %dma_start3A_151 = tpu.memref_slice %arg13[%dma_start3A_142, %dma_start3A_149, %dma_start3A_150] : memref<16x8x32xf32, #tpu.memory_space<vmem>> -> memref<1x8x32xf32, #tpu.memory_space<vmem>>
      %dma_start3A_152 = tpu.memref_squeeze %dma_start3A_151 : memref<1x8x32xf32, #tpu.memory_space<vmem>> -> memref<8x32xf32, #tpu.memory_space<vmem>>
      %dma_start3A_153 = arith.constant 0 : i32
      %dma_start3A_154 = tpu.memref_slice %arg5[%multiple_of3A_141, %dma_start3A_153] : memref<100000x32xf32, #tpu.memory_space<hbm>> -> memref<8x32xf32, #tpu.memory_space<hbm>>
      tpu.enqueue_dma source(%dma_start3A_154 : memref<8x32xf32, #tpu.memory_space<hbm>>) target(%dma_start3A_152 : memref<8x32xf32, #tpu.memory_space<vmem>>) target_semaphore(%arg14 : memref<!tpu.dma_semaphore, #tpu.memory_space<semaphore_mem>>)
      %slice3A_155 = vector.extract_strided_slice %shift_left3A_30 {offsets = [8], sizes = [1], strides = [1]} : vector<16xi32> to vector<1xi32>
      %squeeze3A_156 = vector.extract %slice3A_155[0] : i32 from vector<1xi32>
      %multiple_of3A_157 = tpu.assume_multiple %squeeze3A_156, 8 : i32
      %dma_start3A_158 = arith.constant 8 : i32
      %dma_start3A_159 = arith.constant 0 : i32
      %dma_start3A_160 = arith.constant 0 : i32
      %dma_start3A_161 = tpu.memref_slice %arg13[%dma_start3A_158, %dma_start3A_159, %dma_start3A_160] : memref<16x8x32xf32, #tpu.memory_space<vmem>> -> memref<1x8x32xf32, #tpu.memory_space<vmem>>
      %dma_start3A_162 = tpu.memref_squeeze %dma_start3A_161 : memref<1x8x32xf32, #tpu.memory_space<vmem>> -> memref<8x32xf32, #tpu.memory_space<vmem>>
      %dma_start3A_163 = arith.constant 0 : i32
      %dma_start3A_164 = tpu.memref_slice %arg5[%multiple_of3A_157, %dma_start3A_163] : memref<100000x32xf32, #tpu.memory_space<hbm>> -> memref<8x32xf32, #tpu.memory_space<hbm>>
      %dma_start3A_165 = arith.constant 0 : i32
      %dma_start3A_166 = arith.constant 0 : i32
      %dma_start3A_167 = tpu.memref_slice %arg13[%dma_start3A_158, %dma_start3A_165, %dma_start3A_166] : memref<16x8x32xf32, #tpu.memory_space<vmem>> -> memref<1x8x32xf32, #tpu.memory_space<vmem>>
      %dma_start3A_168 = tpu.memref_squeeze %dma_start3A_167 : memref<1x8x32xf32, #tpu.memory_space<vmem>> -> memref<8x32xf32, #tpu.memory_space<vmem>>
      %dma_start3A_169 = arith.constant 0 : i32
      %dma_start3A_170 = tpu.memref_slice %arg5[%multiple_of3A_157, %dma_start3A_169] : memref<100000x32xf32, #tpu.memory_space<hbm>> -> memref<8x32xf32, #tpu.memory_space<hbm>>
      tpu.enqueue_dma source(%dma_start3A_170 : memref<8x32xf32, #tpu.memory_space<hbm>>) target(%dma_start3A_168 : memref<8x32xf32, #tpu.memory_space<vmem>>) target_semaphore(%arg14 : memref<!tpu.dma_semaphore, #tpu.memory_space<semaphore_mem>>)
      %slice3A_171 = vector.extract_strided_slice %shift_left3A_30 {offsets = [9], sizes = [1], strides = [1]} : vector<16xi32> to vector<1xi32>
      %squeeze3A_172 = vector.extract %slice3A_171[0] : i32 from vector<1xi32>
      %multiple_of3A_173 = tpu.assume_multiple %squeeze3A_172, 8 : i32
      %dma_start3A_174 = arith.constant 9 : i32
      %dma_start3A_175 = arith.constant 0 : i32
      %dma_start3A_176 = arith.constant 0 : i32
      %dma_start3A_177 = tpu.memref_slice %arg13[%dma_start3A_174, %dma_start3A_175, %dma_start3A_176] : memref<16x8x32xf32, #tpu.memory_space<vmem>> -> memref<1x8x32xf32, #tpu.memory_space<vmem>>
      %dma_start3A_178 = tpu.memref_squeeze %dma_start3A_177 : memref<1x8x32xf32, #tpu.memory_space<vmem>> -> memref<8x32xf32, #tpu.memory_space<vmem>>
      %dma_start3A_179 = arith.constant 0 : i32
      %dma_start3A_180 = tpu.memref_slice %arg5[%multiple_of3A_173, %dma_start3A_179] : memref<100000x32xf32, #tpu.memory_space<hbm>> -> memref<8x32xf32, #tpu.memory_space<hbm>>
      %dma_start3A_181 = arith.constant 0 : i32
      %dma_start3A_182 = arith.constant 0 : i32
      %dma_start3A_183 = tpu.memref_slice %arg13[%dma_start3A_174, %dma_start3A_181, %dma_start3A_182] : memref<16x8x32xf32, #tpu.memory_space<vmem>> -> memref<1x8x32xf32, #tpu.memory_space<vmem>>
      %dma_start3A_184 = tpu.memref_squeeze %dma_start3A_183 : memref<1x8x32xf32, #tpu.memory_space<vmem>> -> memref<8x32xf32, #tpu.memory_space<vmem>>
      %dma_start3A_185 = arith.constant 0 : i32
      %dma_start3A_186 = tpu.memref_slice %arg5[%multiple_of3A_173, %dma_start3A_185] : memref<100000x32xf32, #tpu.memory_space<hbm>> -> memref<8x32xf32, #tpu.memory_space<hbm>>
      tpu.enqueue_dma source(%dma_start3A_186 : memref<8x32xf32, #tpu.memory_space<hbm>>) target(%dma_start3A_184 : memref<8x32xf32, #tpu.memory_space<vmem>>) target_semaphore(%arg14 : memref<!tpu.dma_semaphore, #tpu.memory_space<semaphore_mem>>)
      %slice3A_187 = vector.extract_strided_slice %shift_left3A_30 {offsets = [10], sizes = [1], strides = [1]} : vector<16xi32> to vector<1xi32>
      %squeeze3A_188 = vector.extract %slice3A_187[0] : i32 from vector<1xi32>
      %multiple_of3A_189 = tpu.assume_multiple %squeeze3A_188, 8 : i32
      %dma_start3A_190 = arith.constant 10 : i32
      %dma_start3A_191 = arith.constant 0 : i32
      %dma_start3A_192 = arith.constant 0 : i32
      %dma_start3A_193 = tpu.memref_slice %arg13[%dma_start3A_190, %dma_start3A_191, %dma_start3A_192] : memref<16x8x32xf32, #tpu.memory_space<vmem>> -> memref<1x8x32xf32, #tpu.memory_space<vmem>>
      %dma_start3A_194 = tpu.memref_squeeze %dma_start3A_193 : memref<1x8x32xf32, #tpu.memory_space<vmem>> -> memref<8x32xf32, #tpu.memory_space<vmem>>
      %dma_start3A_195 = arith.constant 0 : i32
      %dma_start3A_196 = tpu.memref_slice %arg5[%multiple_of3A_189, %dma_start3A_195] : memref<100000x32xf32, #tpu.memory_space<hbm>> -> memref<8x32xf32, #tpu.memory_space<hbm>>
      %dma_start3A_197 = arith.constant 0 : i32
      %dma_start3A_198 = arith.constant 0 : i32
      %dma_start3A_199 = tpu.memref_slice %arg13[%dma_start3A_190, %dma_start3A_197, %dma_start3A_198] : memref<16x8x32xf32, #tpu.memory_space<vmem>> -> memref<1x8x32xf32, #tpu.memory_space<vmem>>
      %dma_start3A_200 = tpu.memref_squeeze %dma_start3A_199 : memref<1x8x32xf32, #tpu.memory_space<vmem>> -> memref<8x32xf32, #tpu.memory_space<vmem>>
      %dma_start3A_201 = arith.constant 0 : i32
      %dma_start3A_202 = tpu.memref_slice %arg5[%multiple_of3A_189, %dma_start3A_201] : memref<100000x32xf32, #tpu.memory_space<hbm>> -> memref<8x32xf32, #tpu.memory_space<hbm>>
      tpu.enqueue_dma source(%dma_start3A_202 : memref<8x32xf32, #tpu.memory_space<hbm>>) target(%dma_start3A_200 : memref<8x32xf32, #tpu.memory_space<vmem>>) target_semaphore(%arg14 : memref<!tpu.dma_semaphore, #tpu.memory_space<semaphore_mem>>)
      %slice3A_203 = vector.extract_strided_slice %shift_left3A_30 {offsets = [11], sizes = [1], strides = [1]} : vector<16xi32> to vector<1xi32>
      %squeeze3A_204 = vector.extract %slice3A_203[0] : i32 from vector<1xi32>
      %multiple_of3A_205 = tpu.assume_multiple %squeeze3A_204, 8 : i32
      %dma_start3A_206 = arith.constant 11 : i32
      %dma_start3A_207 = arith.constant 0 : i32
      %dma_start3A_208 = arith.constant 0 : i32
      %dma_start3A_209 = tpu.memref_slice %arg13[%dma_start3A_206, %dma_start3A_207, %dma_start3A_208] : memref<16x8x32xf32, #tpu.memory_space<vmem>> -> memref<1x8x32xf32, #tpu.memory_space<vmem>>
      %dma_start3A_210 = tpu.memref_squeeze %dma_start3A_209 : memref<1x8x32xf32, #tpu.memory_space<vmem>> -> memref<8x32xf32, #tpu.memory_space<vmem>>
      %dma_start3A_211 = arith.constant 0 : i32
      %dma_start3A_212 = tpu.memref_slice %arg5[%multiple_of3A_205, %dma_start3A_211] : memref<100000x32xf32, #tpu.memory_space<hbm>> -> memref<8x32xf32, #tpu.memory_space<hbm>>
      %dma_start3A_213 = arith.constant 0 : i32
      %dma_start3A_214 = arith.constant 0 : i32
      %dma_start3A_215 = tpu.memref_slice %arg13[%dma_start3A_206, %dma_start3A_213, %dma_start3A_214] : memref<16x8x32xf32, #tpu.memory_space<vmem>> -> memref<1x8x32xf32, #tpu.memory_space<vmem>>
      %dma_start3A_216 = tpu.memref_squeeze %dma_start3A_215 : memref<1x8x32xf32, #tpu.memory_space<vmem>> -> memref<8x32xf32, #tpu.memory_space<vmem>>
      %dma_start3A_217 = arith.constant 0 : i32
      %dma_start3A_218 = tpu.memref_slice %arg5[%multiple_of3A_205, %dma_start3A_217] : memref<100000x32xf32, #tpu.memory_space<hbm>> -> memref<8x32xf32, #tpu.memory_space<hbm>>
      tpu.enqueue_dma source(%dma_start3A_218 : memref<8x32xf32, #tpu.memory_space<hbm>>) target(%dma_start3A_216 : memref<8x32xf32, #tpu.memory_space<vmem>>) target_semaphore(%arg14 : memref<!tpu.dma_semaphore, #tpu.memory_space<semaphore_mem>>)
      %slice3A_219 = vector.extract_strided_slice %shift_left3A_30 {offsets = [12], sizes = [1], strides = [1]} : vector<16xi32> to vector<1xi32>
      %squeeze3A_220 = vector.extract %slice3A_219[0] : i32 from vector<1xi32>
      %multiple_of3A_221 = tpu.assume_multiple %squeeze3A_220, 8 : i32
      %dma_start3A_222 = arith.constant 12 : i32
      %dma_start3A_223 = arith.constant 0 : i32
      %dma_start3A_224 = arith.constant 0 : i32
      %dma_start3A_225 = tpu.memref_slice %arg13[%dma_start3A_222, %dma_start3A_223, %dma_start3A_224] : memref<16x8x32xf32, #tpu.memory_space<vmem>> -> memref<1x8x32xf32, #tpu.memory_space<vmem>>
      %dma_start3A_226 = tpu.memref_squeeze %dma_start3A_225 : memref<1x8x32xf32, #tpu.memory_space<vmem>> -> memref<8x32xf32, #tpu.memory_space<vmem>>
      %dma_start3A_227 = arith.constant 0 : i32
      %dma_start3A_228 = tpu.memref_slice %arg5[%multiple_of3A_221, %dma_start3A_227] : memref<100000x32xf32, #tpu.memory_space<hbm>> -> memref<8x32xf32, #tpu.memory_space<hbm>>
      %dma_start3A_229 = arith.constant 0 : i32
      %dma_start3A_230 = arith.constant 0 : i32
      %dma_start3A_231 = tpu.memref_slice %arg13[%dma_start3A_222, %dma_start3A_229, %dma_start3A_230] : memref<16x8x32xf32, #tpu.memory_space<vmem>> -> memref<1x8x32xf32, #tpu.memory_space<vmem>>
      %dma_start3A_232 = tpu.memref_squeeze %dma_start3A_231 : memref<1x8x32xf32, #tpu.memory_space<vmem>> -> memref<8x32xf32, #tpu.memory_space<vmem>>
      %dma_start3A_233 = arith.constant 0 : i32
      %dma_start3A_234 = tpu.memref_slice %arg5[%multiple_of3A_221, %dma_start3A_233] : memref<100000x32xf32, #tpu.memory_space<hbm>> -> memref<8x32xf32, #tpu.memory_space<hbm>>
      tpu.enqueue_dma source(%dma_start3A_234 : memref<8x32xf32, #tpu.memory_space<hbm>>) target(%dma_start3A_232 : memref<8x32xf32, #tpu.memory_space<vmem>>) target_semaphore(%arg14 : memref<!tpu.dma_semaphore, #tpu.memory_space<semaphore_mem>>)
      %slice3A_235 = vector.extract_strided_slice %shift_left3A_30 {offsets = [13], sizes = [1], strides = [1]} : vector<16xi32> to vector<1xi32>
      %squeeze3A_236 = vector.extract %slice3A_235[0] : i32 from vector<1xi32>
      %multiple_of3A_237 = tpu.assume_multiple %squeeze3A_236, 8 : i32
      %dma_start3A_238 = arith.constant 13 : i32
      %dma_start3A_239 = arith.constant 0 : i32
      %dma_start3A_240 = arith.constant 0 : i32
      %dma_start3A_241 = tpu.memref_slice %arg13[%dma_start3A_238, %dma_start3A_239, %dma_start3A_240] : memref<16x8x32xf32, #tpu.memory_space<vmem>> -> memref<1x8x32xf32, #tpu.memory_space<vmem>>
      %dma_start3A_242 = tpu.memref_squeeze %dma_start3A_241 : memref<1x8x32xf32, #tpu.memory_space<vmem>> -> memref<8x32xf32, #tpu.memory_space<vmem>>
      %dma_start3A_243 = arith.constant 0 : i32
      %dma_start3A_244 = tpu.memref_slice %arg5[%multiple_of3A_237, %dma_start3A_243] : memref<100000x32xf32, #tpu.memory_space<hbm>> -> memref<8x32xf32, #tpu.memory_space<hbm>>
      %dma_start3A_245 = arith.constant 0 : i32
      %dma_start3A_246 = arith.constant 0 : i32
      %dma_start3A_247 = tpu.memref_slice %arg13[%dma_start3A_238, %dma_start3A_245, %dma_start3A_246] : memref<16x8x32xf32, #tpu.memory_space<vmem>> -> memref<1x8x32xf32, #tpu.memory_space<vmem>>
      %dma_start3A_248 = tpu.memref_squeeze %dma_start3A_247 : memref<1x8x32xf32, #tpu.memory_space<vmem>> -> memref<8x32xf32, #tpu.memory_space<vmem>>
      %dma_start3A_249 = arith.constant 0 : i32
      %dma_start3A_250 = tpu.memref_slice %arg5[%multiple_of3A_237, %dma_start3A_249] : memref<100000x32xf32, #tpu.memory_space<hbm>> -> memref<8x32xf32, #tpu.memory_space<hbm>>
      tpu.enqueue_dma source(%dma_start3A_250 : memref<8x32xf32, #tpu.memory_space<hbm>>) target(%dma_start3A_248 : memref<8x32xf32, #tpu.memory_space<vmem>>) target_semaphore(%arg14 : memref<!tpu.dma_semaphore, #tpu.memory_space<semaphore_mem>>)
      %slice3A_251 = vector.extract_strided_slice %shift_left3A_30 {offsets = [14], sizes = [1], strides = [1]} : vector<16xi32> to vector<1xi32>
      %squeeze3A_252 = vector.extract %slice3A_251[0] : i32 from vector<1xi32>
      %multiple_of3A_253 = tpu.assume_multiple %squeeze3A_252, 8 : i32
      %dma_start3A_254 = arith.constant 14 : i32
      %dma_start3A_255 = arith.constant 0 : i32
      %dma_start3A_256 = arith.constant 0 : i32
      %dma_start3A_257 = tpu.memref_slice %arg13[%dma_start3A_254, %dma_start3A_255, %dma_start3A_256] : memref<16x8x32xf32, #tpu.memory_space<vmem>> -> memref<1x8x32xf32, #tpu.memory_space<vmem>>
      %dma_start3A_258 = tpu.memref_squeeze %dma_start3A_257 : memref<1x8x32xf32, #tpu.memory_space<vmem>> -> memref<8x32xf32, #tpu.memory_space<vmem>>
      %dma_start3A_259 = arith.constant 0 : i32
      %dma_start3A_260 = tpu.memref_slice %arg5[%multiple_of3A_253, %dma_start3A_259] : memref<100000x32xf32, #tpu.memory_space<hbm>> -> memref<8x32xf32, #tpu.memory_space<hbm>>
      %dma_start3A_261 = arith.constant 0 : i32
      %dma_start3A_262 = arith.constant 0 : i32
      %dma_start3A_263 = tpu.memref_slice %arg13[%dma_start3A_254, %dma_start3A_261, %dma_start3A_262] : memref<16x8x32xf32, #tpu.memory_space<vmem>> -> memref<1x8x32xf32, #tpu.memory_space<vmem>>
      %dma_start3A_264 = tpu.memref_squeeze %dma_start3A_263 : memref<1x8x32xf32, #tpu.memory_space<vmem>> -> memref<8x32xf32, #tpu.memory_space<vmem>>
      %dma_start3A_265 = arith.constant 0 : i32
      %dma_start3A_266 = tpu.memref_slice %arg5[%multiple_of3A_253, %dma_start3A_265] : memref<100000x32xf32, #tpu.memory_space<hbm>> -> memref<8x32xf32, #tpu.memory_space<hbm>>
      tpu.enqueue_dma source(%dma_start3A_266 : memref<8x32xf32, #tpu.memory_space<hbm>>) target(%dma_start3A_264 : memref<8x32xf32, #tpu.memory_space<vmem>>) target_semaphore(%arg14 : memref<!tpu.dma_semaphore, #tpu.memory_space<semaphore_mem>>)
      %slice3A_267 = vector.extract_strided_slice %shift_left3A_30 {offsets = [15], sizes = [1], strides = [1]} : vector<16xi32> to vector<1xi32>
      %squeeze3A_268 = vector.extract %slice3A_267[0] : i32 from vector<1xi32>
      %multiple_of3A_269 = tpu.assume_multiple %squeeze3A_268, 8 : i32
      %dma_start3A_270 = arith.constant 15 : i32
      %dma_start3A_271 = arith.constant 0 : i32
      %dma_start3A_272 = arith.constant 0 : i32
      %dma_start3A_273 = tpu.memref_slice %arg13[%dma_start3A_270, %dma_start3A_271, %dma_start3A_272] : memref<16x8x32xf32, #tpu.memory_space<vmem>> -> memref<1x8x32xf32, #tpu.memory_space<vmem>>
      %dma_start3A_274 = tpu.memref_squeeze %dma_start3A_273 : memref<1x8x32xf32, #tpu.memory_space<vmem>> -> memref<8x32xf32, #tpu.memory_space<vmem>>
      %dma_start3A_275 = arith.constant 0 : i32
      %dma_start3A_276 = tpu.memref_slice %arg5[%multiple_of3A_269, %dma_start3A_275] : memref<100000x32xf32, #tpu.memory_space<hbm>> -> memref<8x32xf32, #tpu.memory_space<hbm>>
      %dma_start3A_277 = arith.constant 0 : i32
      %dma_start3A_278 = arith.constant 0 : i32
      %dma_start3A_279 = tpu.memref_slice %arg13[%dma_start3A_270, %dma_start3A_277, %dma_start3A_278] : memref<16x8x32xf32, #tpu.memory_space<vmem>> -> memref<1x8x32xf32, #tpu.memory_space<vmem>>
      %dma_start3A_280 = tpu.memref_squeeze %dma_start3A_279 : memref<1x8x32xf32, #tpu.memory_space<vmem>> -> memref<8x32xf32, #tpu.memory_space<vmem>>
      %dma_start3A_281 = arith.constant 0 : i32
      %dma_start3A_282 = tpu.memref_slice %arg5[%multiple_of3A_269, %dma_start3A_281] : memref<100000x32xf32, #tpu.memory_space<hbm>> -> memref<8x32xf32, #tpu.memory_space<hbm>>
      tpu.enqueue_dma source(%dma_start3A_282 : memref<8x32xf32, #tpu.memory_space<hbm>>) target(%dma_start3A_280 : memref<8x32xf32, #tpu.memory_space<vmem>>) target_semaphore(%arg14 : memref<!tpu.dma_semaphore, #tpu.memory_space<semaphore_mem>>)
      %dma_wait3A = arith.constant 0 : i32
      %dma_wait3A_283 = arith.constant 0 : i32
      %dma_wait3A_284 = arith.constant 0 : i32
      %dma_wait3A_285 = tpu.memref_slice %arg13[%dma_wait3A, %dma_wait3A_283, %dma_wait3A_284] : memref<16x8x32xf32, #tpu.memory_space<vmem>> -> memref<1x8x32xf32, #tpu.memory_space<vmem>>
      %dma_wait3A_286 = tpu.memref_squeeze %dma_wait3A_285 : memref<1x8x32xf32, #tpu.memory_space<vmem>> -> memref<8x32xf32, #tpu.memory_space<vmem>>
      %dma_wait3A_287 = arith.constant 0 : i32
      %dma_wait3A_288 = tpu.memref_slice %arg5[%multiple_of3A, %dma_wait3A_287] : memref<100000x32xf32, #tpu.memory_space<hbm>> -> memref<8x32xf32, #tpu.memory_space<hbm>>
      %dma_wait3A_289 = arith.constant 0 : i32
      %dma_wait3A_290 = arith.constant 0 : i32
      %dma_wait3A_291 = tpu.memref_slice %arg13[%dma_wait3A, %dma_wait3A_289, %dma_wait3A_290] : memref<16x8x32xf32, #tpu.memory_space<vmem>> -> memref<1x8x32xf32, #tpu.memory_space<vmem>>
      %dma_wait3A_292 = tpu.memref_squeeze %dma_wait3A_291 : memref<1x8x32xf32, #tpu.memory_space<vmem>> -> memref<8x32xf32, #tpu.memory_space<vmem>>
      %dma_wait3A_293 = arith.constant 0 : i32
      %dma_wait3A_294 = tpu.memref_slice %arg5[%multiple_of3A, %dma_wait3A_293] : memref<100000x32xf32, #tpu.memory_space<hbm>> -> memref<8x32xf32, #tpu.memory_space<hbm>>
      tpu.wait_dma2 semaphore(%arg14 : memref<!tpu.dma_semaphore, #tpu.memory_space<semaphore_mem>>) src(%dma_wait3A_294 : memref<8x32xf32, #tpu.memory_space<hbm>>) dst(%dma_wait3A_292 : memref<8x32xf32, #tpu.memory_space<vmem>>)
      %dma_wait3A_295 = arith.constant 1 : i32
      %dma_wait3A_296 = arith.constant 0 : i32
      %dma_wait3A_297 = arith.constant 0 : i32
      %dma_wait3A_298 = tpu.memref_slice %arg13[%dma_wait3A_295, %dma_wait3A_296, %dma_wait3A_297] : memref<16x8x32xf32, #tpu.memory_space<vmem>> -> memref<1x8x32xf32, #tpu.memory_space<vmem>>
      %dma_wait3A_299 = tpu.memref_squeeze %dma_wait3A_298 : memref<1x8x32xf32, #tpu.memory_space<vmem>> -> memref<8x32xf32, #tpu.memory_space<vmem>>
      %dma_wait3A_300 = arith.constant 0 : i32
      %dma_wait3A_301 = tpu.memref_slice %arg5[%multiple_of3A_45, %dma_wait3A_300] : memref<100000x32xf32, #tpu.memory_space<hbm>> -> memref<8x32xf32, #tpu.memory_space<hbm>>
      %dma_wait3A_302 = arith.constant 0 : i32
      %dma_wait3A_303 = arith.constant 0 : i32
      %dma_wait3A_304 = tpu.memref_slice %arg13[%dma_wait3A_295, %dma_wait3A_302, %dma_wait3A_303] : memref<16x8x32xf32, #tpu.memory_space<vmem>> -> memref<1x8x32xf32, #tpu.memory_space<vmem>>
      %dma_wait3A_305 = tpu.memref_squeeze %dma_wait3A_304 : memref<1x8x32xf32, #tpu.memory_space<vmem>> -> memref<8x32xf32, #tpu.memory_space<vmem>>
      %dma_wait3A_306 = arith.constant 0 : i32
      %dma_wait3A_307 = tpu.memref_slice %arg5[%multiple_of3A_45, %dma_wait3A_306] : memref<100000x32xf32, #tpu.memory_space<hbm>> -> memref<8x32xf32, #tpu.memory_space<hbm>>
      tpu.wait_dma2 semaphore(%arg14 : memref<!tpu.dma_semaphore, #tpu.memory_space<semaphore_mem>>) src(%dma_wait3A_307 : memref<8x32xf32, #tpu.memory_space<hbm>>) dst(%dma_wait3A_305 : memref<8x32xf32, #tpu.memory_space<vmem>>)
      %dma_wait3A_308 = arith.constant 2 : i32
      %dma_wait3A_309 = arith.constant 0 : i32
      %dma_wait3A_310 = arith.constant 0 : i32
      %dma_wait3A_311 = tpu.memref_slice %arg13[%dma_wait3A_308, %dma_wait3A_309, %dma_wait3A_310] : memref<16x8x32xf32, #tpu.memory_space<vmem>> -> memref<1x8x32xf32, #tpu.memory_space<vmem>>
      %dma_wait3A_312 = tpu.memref_squeeze %dma_wait3A_311 : memref<1x8x32xf32, #tpu.memory_space<vmem>> -> memref<8x32xf32, #tpu.memory_space<vmem>>
      %dma_wait3A_313 = arith.constant 0 : i32
      %dma_wait3A_314 = tpu.memref_slice %arg5[%multiple_of3A_61, %dma_wait3A_313] : memref<100000x32xf32, #tpu.memory_space<hbm>> -> memref<8x32xf32, #tpu.memory_space<hbm>>
      %dma_wait3A_315 = arith.constant 0 : i32
      %dma_wait3A_316 = arith.constant 0 : i32
      %dma_wait3A_317 = tpu.memref_slice %arg13[%dma_wait3A_308, %dma_wait3A_315, %dma_wait3A_316] : memref<16x8x32xf32, #tpu.memory_space<vmem>> -> memref<1x8x32xf32, #tpu.memory_space<vmem>>
      %dma_wait3A_318 = tpu.memref_squeeze %dma_wait3A_317 : memref<1x8x32xf32, #tpu.memory_space<vmem>> -> memref<8x32xf32, #tpu.memory_space<vmem>>
      %dma_wait3A_319 = arith.constant 0 : i32
      %dma_wait3A_320 = tpu.memref_slice %arg5[%multiple_of3A_61, %dma_wait3A_319] : memref<100000x32xf32, #tpu.memory_space<hbm>> -> memref<8x32xf32, #tpu.memory_space<hbm>>
      tpu.wait_dma2 semaphore(%arg14 : memref<!tpu.dma_semaphore, #tpu.memory_space<semaphore_mem>>) src(%dma_wait3A_320 : memref<8x32xf32, #tpu.memory_space<hbm>>) dst(%dma_wait3A_318 : memref<8x32xf32, #tpu.memory_space<vmem>>)
      %dma_wait3A_321 = arith.constant 3 : i32
      %dma_wait3A_322 = arith.constant 0 : i32
      %dma_wait3A_323 = arith.constant 0 : i32
      %dma_wait3A_324 = tpu.memref_slice %arg13[%dma_wait3A_321, %dma_wait3A_322, %dma_wait3A_323] : memref<16x8x32xf32, #tpu.memory_space<vmem>> -> memref<1x8x32xf32, #tpu.memory_space<vmem>>
      %dma_wait3A_325 = tpu.memref_squeeze %dma_wait3A_324 : memref<1x8x32xf32, #tpu.memory_space<vmem>> -> memref<8x32xf32, #tpu.memory_space<vmem>>
      %dma_wait3A_326 = arith.constant 0 : i32
      %dma_wait3A_327 = tpu.memref_slice %arg5[%multiple_of3A_77, %dma_wait3A_326] : memref<100000x32xf32, #tpu.memory_space<hbm>> -> memref<8x32xf32, #tpu.memory_space<hbm>>
      %dma_wait3A_328 = arith.constant 0 : i32
      %dma_wait3A_329 = arith.constant 0 : i32
      %dma_wait3A_330 = tpu.memref_slice %arg13[%dma_wait3A_321, %dma_wait3A_328, %dma_wait3A_329] : memref<16x8x32xf32, #tpu.memory_space<vmem>> -> memref<1x8x32xf32, #tpu.memory_space<vmem>>
      %dma_wait3A_331 = tpu.memref_squeeze %dma_wait3A_330 : memref<1x8x32xf32, #tpu.memory_space<vmem>> -> memref<8x32xf32, #tpu.memory_space<vmem>>
      %dma_wait3A_332 = arith.constant 0 : i32
      %dma_wait3A_333 = tpu.memref_slice %arg5[%multiple_of3A_77, %dma_wait3A_332] : memref<100000x32xf32, #tpu.memory_space<hbm>> -> memref<8x32xf32, #tpu.memory_space<hbm>>
      tpu.wait_dma2 semaphore(%arg14 : memref<!tpu.dma_semaphore, #tpu.memory_space<semaphore_mem>>) src(%dma_wait3A_333 : memref<8x32xf32, #tpu.memory_space<hbm>>) dst(%dma_wait3A_331 : memref<8x32xf32, #tpu.memory_space<vmem>>)
      %dma_wait3A_334 = arith.constant 4 : i32
      %dma_wait3A_335 = arith.constant 0 : i32
      %dma_wait3A_336 = arith.constant 0 : i32
      %dma_wait3A_337 = tpu.memref_slice %arg13[%dma_wait3A_334, %dma_wait3A_335, %dma_wait3A_336] : memref<16x8x32xf32, #tpu.memory_space<vmem>> -> memref<1x8x32xf32, #tpu.memory_space<vmem>>
      %dma_wait3A_338 = tpu.memref_squeeze %dma_wait3A_337 : memref<1x8x32xf32, #tpu.memory_space<vmem>> -> memref<8x32xf32, #tpu.memory_space<vmem>>
      %dma_wait3A_339 = arith.constant 0 : i32
      %dma_wait3A_340 = tpu.memref_slice %arg5[%multiple_of3A_93, %dma_wait3A_339] : memref<100000x32xf32, #tpu.memory_space<hbm>> -> memref<8x32xf32, #tpu.memory_space<hbm>>
      %dma_wait3A_341 = arith.constant 0 : i32
      %dma_wait3A_342 = arith.constant 0 : i32
      %dma_wait3A_343 = tpu.memref_slice %arg13[%dma_wait3A_334, %dma_wait3A_341, %dma_wait3A_342] : memref<16x8x32xf32, #tpu.memory_space<vmem>> -> memref<1x8x32xf32, #tpu.memory_space<vmem>>
      %dma_wait3A_344 = tpu.memref_squeeze %dma_wait3A_343 : memref<1x8x32xf32, #tpu.memory_space<vmem>> -> memref<8x32xf32, #tpu.memory_space<vmem>>
      %dma_wait3A_345 = arith.constant 0 : i32
      %dma_wait3A_346 = tpu.memref_slice %arg5[%multiple_of3A_93, %dma_wait3A_345] : memref<100000x32xf32, #tpu.memory_space<hbm>> -> memref<8x32xf32, #tpu.memory_space<hbm>>
      tpu.wait_dma2 semaphore(%arg14 : memref<!tpu.dma_semaphore, #tpu.memory_space<semaphore_mem>>) src(%dma_wait3A_346 : memref<8x32xf32, #tpu.memory_space<hbm>>) dst(%dma_wait3A_344 : memref<8x32xf32, #tpu.memory_space<vmem>>)
      %dma_wait3A_347 = arith.constant 5 : i32
      %dma_wait3A_348 = arith.constant 0 : i32
      %dma_wait3A_349 = arith.constant 0 : i32
      %dma_wait3A_350 = tpu.memref_slice %arg13[%dma_wait3A_347, %dma_wait3A_348, %dma_wait3A_349] : memref<16x8x32xf32, #tpu.memory_space<vmem>> -> memref<1x8x32xf32, #tpu.memory_space<vmem>>
      %dma_wait3A_351 = tpu.memref_squeeze %dma_wait3A_350 : memref<1x8x32xf32, #tpu.memory_space<vmem>> -> memref<8x32xf32, #tpu.memory_space<vmem>>
      %dma_wait3A_352 = arith.constant 0 : i32
      %dma_wait3A_353 = tpu.memref_slice %arg5[%multiple_of3A_109, %dma_wait3A_352] : memref<100000x32xf32, #tpu.memory_space<hbm>> -> memref<8x32xf32, #tpu.memory_space<hbm>>
      %dma_wait3A_354 = arith.constant 0 : i32
      %dma_wait3A_355 = arith.constant 0 : i32
      %dma_wait3A_356 = tpu.memref_slice %arg13[%dma_wait3A_347, %dma_wait3A_354, %dma_wait3A_355] : memref<16x8x32xf32, #tpu.memory_space<vmem>> -> memref<1x8x32xf32, #tpu.memory_space<vmem>>
      %dma_wait3A_357 = tpu.memref_squeeze %dma_wait3A_356 : memref<1x8x32xf32, #tpu.memory_space<vmem>> -> memref<8x32xf32, #tpu.memory_space<vmem>>
      %dma_wait3A_358 = arith.constant 0 : i32
      %dma_wait3A_359 = tpu.memref_slice %arg5[%multiple_of3A_109, %dma_wait3A_358] : memref<100000x32xf32, #tpu.memory_space<hbm>> -> memref<8x32xf32, #tpu.memory_space<hbm>>
      tpu.wait_dma2 semaphore(%arg14 : memref<!tpu.dma_semaphore, #tpu.memory_space<semaphore_mem>>) src(%dma_wait3A_359 : memref<8x32xf32, #tpu.memory_space<hbm>>) dst(%dma_wait3A_357 : memref<8x32xf32, #tpu.memory_space<vmem>>)
      %dma_wait3A_360 = arith.constant 6 : i32
      %dma_wait3A_361 = arith.constant 0 : i32
      %dma_wait3A_362 = arith.constant 0 : i32
      %dma_wait3A_363 = tpu.memref_slice %arg13[%dma_wait3A_360, %dma_wait3A_361, %dma_wait3A_362] : memref<16x8x32xf32, #tpu.memory_space<vmem>> -> memref<1x8x32xf32, #tpu.memory_space<vmem>>
      %dma_wait3A_364 = tpu.memref_squeeze %dma_wait3A_363 : memref<1x8x32xf32, #tpu.memory_space<vmem>> -> memref<8x32xf32, #tpu.memory_space<vmem>>
      %dma_wait3A_365 = arith.constant 0 : i32
      %dma_wait3A_366 = tpu.memref_slice %arg5[%multiple_of3A_125, %dma_wait3A_365] : memref<100000x32xf32, #tpu.memory_space<hbm>> -> memref<8x32xf32, #tpu.memory_space<hbm>>
      %dma_wait3A_367 = arith.constant 0 : i32
      %dma_wait3A_368 = arith.constant 0 : i32
      %dma_wait3A_369 = tpu.memref_slice %arg13[%dma_wait3A_360, %dma_wait3A_367, %dma_wait3A_368] : memref<16x8x32xf32, #tpu.memory_space<vmem>> -> memref<1x8x32xf32, #tpu.memory_space<vmem>>
      %dma_wait3A_370 = tpu.memref_squeeze %dma_wait3A_369 : memref<1x8x32xf32, #tpu.memory_space<vmem>> -> memref<8x32xf32, #tpu.memory_space<vmem>>
      %dma_wait3A_371 = arith.constant 0 : i32
      %dma_wait3A_372 = tpu.memref_slice %arg5[%multiple_of3A_125, %dma_wait3A_371] : memref<100000x32xf32, #tpu.memory_space<hbm>> -> memref<8x32xf32, #tpu.memory_space<hbm>>
      tpu.wait_dma2 semaphore(%arg14 : memref<!tpu.dma_semaphore, #tpu.memory_space<semaphore_mem>>) src(%dma_wait3A_372 : memref<8x32xf32, #tpu.memory_space<hbm>>) dst(%dma_wait3A_370 : memref<8x32xf32, #tpu.memory_space<vmem>>)
      %dma_wait3A_373 = arith.constant 7 : i32
      %dma_wait3A_374 = arith.constant 0 : i32
      %dma_wait3A_375 = arith.constant 0 : i32
      %dma_wait3A_376 = tpu.memref_slice %arg13[%dma_wait3A_373, %dma_wait3A_374, %dma_wait3A_375] : memref<16x8x32xf32, #tpu.memory_space<vmem>> -> memref<1x8x32xf32, #tpu.memory_space<vmem>>
      %dma_wait3A_377 = tpu.memref_squeeze %dma_wait3A_376 : memref<1x8x32xf32, #tpu.memory_space<vmem>> -> memref<8x32xf32, #tpu.memory_space<vmem>>
      %dma_wait3A_378 = arith.constant 0 : i32
      %dma_wait3A_379 = tpu.memref_slice %arg5[%multiple_of3A_141, %dma_wait3A_378] : memref<100000x32xf32, #tpu.memory_space<hbm>> -> memref<8x32xf32, #tpu.memory_space<hbm>>
      %dma_wait3A_380 = arith.constant 0 : i32
      %dma_wait3A_381 = arith.constant 0 : i32
      %dma_wait3A_382 = tpu.memref_slice %arg13[%dma_wait3A_373, %dma_wait3A_380, %dma_wait3A_381] : memref<16x8x32xf32, #tpu.memory_space<vmem>> -> memref<1x8x32xf32, #tpu.memory_space<vmem>>
      %dma_wait3A_383 = tpu.memref_squeeze %dma_wait3A_382 : memref<1x8x32xf32, #tpu.memory_space<vmem>> -> memref<8x32xf32, #tpu.memory_space<vmem>>
      %dma_wait3A_384 = arith.constant 0 : i32
      %dma_wait3A_385 = tpu.memref_slice %arg5[%multiple_of3A_141, %dma_wait3A_384] : memref<100000x32xf32, #tpu.memory_space<hbm>> -> memref<8x32xf32, #tpu.memory_space<hbm>>
      tpu.wait_dma2 semaphore(%arg14 : memref<!tpu.dma_semaphore, #tpu.memory_space<semaphore_mem>>) src(%dma_wait3A_385 : memref<8x32xf32, #tpu.memory_space<hbm>>) dst(%dma_wait3A_383 : memref<8x32xf32, #tpu.memory_space<vmem>>)
      %dma_wait3A_386 = arith.constant 8 : i32
      %dma_wait3A_387 = arith.constant 0 : i32
      %dma_wait3A_388 = arith.constant 0 : i32
      %dma_wait3A_389 = tpu.memref_slice %arg13[%dma_wait3A_386, %dma_wait3A_387, %dma_wait3A_388] : memref<16x8x32xf32, #tpu.memory_space<vmem>> -> memref<1x8x32xf32, #tpu.memory_space<vmem>>
      %dma_wait3A_390 = tpu.memref_squeeze %dma_wait3A_389 : memref<1x8x32xf32, #tpu.memory_space<vmem>> -> memref<8x32xf32, #tpu.memory_space<vmem>>
      %dma_wait3A_391 = arith.constant 0 : i32
      %dma_wait3A_392 = tpu.memref_slice %arg5[%multiple_of3A_157, %dma_wait3A_391] : memref<100000x32xf32, #tpu.memory_space<hbm>> -> memref<8x32xf32, #tpu.memory_space<hbm>>
      %dma_wait3A_393 = arith.constant 0 : i32
      %dma_wait3A_394 = arith.constant 0 : i32
      %dma_wait3A_395 = tpu.memref_slice %arg13[%dma_wait3A_386, %dma_wait3A_393, %dma_wait3A_394] : memref<16x8x32xf32, #tpu.memory_space<vmem>> -> memref<1x8x32xf32, #tpu.memory_space<vmem>>
      %dma_wait3A_396 = tpu.memref_squeeze %dma_wait3A_395 : memref<1x8x32xf32, #tpu.memory_space<vmem>> -> memref<8x32xf32, #tpu.memory_space<vmem>>
      %dma_wait3A_397 = arith.constant 0 : i32
      %dma_wait3A_398 = tpu.memref_slice %arg5[%multiple_of3A_157, %dma_wait3A_397] : memref<100000x32xf32, #tpu.memory_space<hbm>> -> memref<8x32xf32, #tpu.memory_space<hbm>>
      tpu.wait_dma2 semaphore(%arg14 : memref<!tpu.dma_semaphore, #tpu.memory_space<semaphore_mem>>) src(%dma_wait3A_398 : memref<8x32xf32, #tpu.memory_space<hbm>>) dst(%dma_wait3A_396 : memref<8x32xf32, #tpu.memory_space<vmem>>)
      %dma_wait3A_399 = arith.constant 9 : i32
      %dma_wait3A_400 = arith.constant 0 : i32
      %dma_wait3A_401 = arith.constant 0 : i32
      %dma_wait3A_402 = tpu.memref_slice %arg13[%dma_wait3A_399, %dma_wait3A_400, %dma_wait3A_401] : memref<16x8x32xf32, #tpu.memory_space<vmem>> -> memref<1x8x32xf32, #tpu.memory_space<vmem>>
      %dma_wait3A_403 = tpu.memref_squeeze %dma_wait3A_402 : memref<1x8x32xf32, #tpu.memory_space<vmem>> -> memref<8x32xf32, #tpu.memory_space<vmem>>
      %dma_wait3A_404 = arith.constant 0 : i32
      %dma_wait3A_405 = tpu.memref_slice %arg5[%multiple_of3A_173, %dma_wait3A_404] : memref<100000x32xf32, #tpu.memory_space<hbm>> -> memref<8x32xf32, #tpu.memory_space<hbm>>
      %dma_wait3A_406 = arith.constant 0 : i32
      %dma_wait3A_407 = arith.constant 0 : i32
      %dma_wait3A_408 = tpu.memref_slice %arg13[%dma_wait3A_399, %dma_wait3A_406, %dma_wait3A_407] : memref<16x8x32xf32, #tpu.memory_space<vmem>> -> memref<1x8x32xf32, #tpu.memory_space<vmem>>
      %dma_wait3A_409 = tpu.memref_squeeze %dma_wait3A_408 : memref<1x8x32xf32, #tpu.memory_space<vmem>> -> memref<8x32xf32, #tpu.memory_space<vmem>>
      %dma_wait3A_410 = arith.constant 0 : i32
      %dma_wait3A_411 = tpu.memref_slice %arg5[%multiple_of3A_173, %dma_wait3A_410] : memref<100000x32xf32, #tpu.memory_space<hbm>> -> memref<8x32xf32, #tpu.memory_space<hbm>>
      tpu.wait_dma2 semaphore(%arg14 : memref<!tpu.dma_semaphore, #tpu.memory_space<semaphore_mem>>) src(%dma_wait3A_411 : memref<8x32xf32, #tpu.memory_space<hbm>>) dst(%dma_wait3A_409 : memref<8x32xf32, #tpu.memory_space<vmem>>)
      %dma_wait3A_412 = arith.constant 10 : i32
      %dma_wait3A_413 = arith.constant 0 : i32
      %dma_wait3A_414 = arith.constant 0 : i32
      %dma_wait3A_415 = tpu.memref_slice %arg13[%dma_wait3A_412, %dma_wait3A_413, %dma_wait3A_414] : memref<16x8x32xf32, #tpu.memory_space<vmem>> -> memref<1x8x32xf32, #tpu.memory_space<vmem>>
      %dma_wait3A_416 = tpu.memref_squeeze %dma_wait3A_415 : memref<1x8x32xf32, #tpu.memory_space<vmem>> -> memref<8x32xf32, #tpu.memory_space<vmem>>
      %dma_wait3A_417 = arith.constant 0 : i32
      %dma_wait3A_418 = tpu.memref_slice %arg5[%multiple_of3A_189, %dma_wait3A_417] : memref<100000x32xf32, #tpu.memory_space<hbm>> -> memref<8x32xf32, #tpu.memory_space<hbm>>
      %dma_wait3A_419 = arith.constant 0 : i32
      %dma_wait3A_420 = arith.constant 0 : i32
      %dma_wait3A_421 = tpu.memref_slice %arg13[%dma_wait3A_412, %dma_wait3A_419, %dma_wait3A_420] : memref<16x8x32xf32, #tpu.memory_space<vmem>> -> memref<1x8x32xf32, #tpu.memory_space<vmem>>
      %dma_wait3A_422 = tpu.memref_squeeze %dma_wait3A_421 : memref<1x8x32xf32, #tpu.memory_space<vmem>> -> memref<8x32xf32, #tpu.memory_space<vmem>>
      %dma_wait3A_423 = arith.constant 0 : i32
      %dma_wait3A_424 = tpu.memref_slice %arg5[%multiple_of3A_189, %dma_wait3A_423] : memref<100000x32xf32, #tpu.memory_space<hbm>> -> memref<8x32xf32, #tpu.memory_space<hbm>>
      tpu.wait_dma2 semaphore(%arg14 : memref<!tpu.dma_semaphore, #tpu.memory_space<semaphore_mem>>) src(%dma_wait3A_424 : memref<8x32xf32, #tpu.memory_space<hbm>>) dst(%dma_wait3A_422 : memref<8x32xf32, #tpu.memory_space<vmem>>)
      %dma_wait3A_425 = arith.constant 11 : i32
      %dma_wait3A_426 = arith.constant 0 : i32
      %dma_wait3A_427 = arith.constant 0 : i32
      %dma_wait3A_428 = tpu.memref_slice %arg13[%dma_wait3A_425, %dma_wait3A_426, %dma_wait3A_427] : memref<16x8x32xf32, #tpu.memory_space<vmem>> -> memref<1x8x32xf32, #tpu.memory_space<vmem>>
      %dma_wait3A_429 = tpu.memref_squeeze %dma_wait3A_428 : memref<1x8x32xf32, #tpu.memory_space<vmem>> -> memref<8x32xf32, #tpu.memory_space<vmem>>
      %dma_wait3A_430 = arith.constant 0 : i32
      %dma_wait3A_431 = tpu.memref_slice %arg5[%multiple_of3A_205, %dma_wait3A_430] : memref<100000x32xf32, #tpu.memory_space<hbm>> -> memref<8x32xf32, #tpu.memory_space<hbm>>
      %dma_wait3A_432 = arith.constant 0 : i32
      %dma_wait3A_433 = arith.constant 0 : i32
      %dma_wait3A_434 = tpu.memref_slice %arg13[%dma_wait3A_425, %dma_wait3A_432, %dma_wait3A_433] : memref<16x8x32xf32, #tpu.memory_space<vmem>> -> memref<1x8x32xf32, #tpu.memory_space<vmem>>
      %dma_wait3A_435 = tpu.memref_squeeze %dma_wait3A_434 : memref<1x8x32xf32, #tpu.memory_space<vmem>> -> memref<8x32xf32, #tpu.memory_space<vmem>>
      %dma_wait3A_436 = arith.constant 0 : i32
      %dma_wait3A_437 = tpu.memref_slice %arg5[%multiple_of3A_205, %dma_wait3A_436] : memref<100000x32xf32, #tpu.memory_space<hbm>> -> memref<8x32xf32, #tpu.memory_space<hbm>>
      tpu.wait_dma2 semaphore(%arg14 : memref<!tpu.dma_semaphore, #tpu.memory_space<semaphore_mem>>) src(%dma_wait3A_437 : memref<8x32xf32, #tpu.memory_space<hbm>>) dst(%dma_wait3A_435 : memref<8x32xf32, #tpu.memory_space<vmem>>)
      %dma_wait3A_438 = arith.constant 12 : i32
      %dma_wait3A_439 = arith.constant 0 : i32
      %dma_wait3A_440 = arith.constant 0 : i32
      %dma_wait3A_441 = tpu.memref_slice %arg13[%dma_wait3A_438, %dma_wait3A_439, %dma_wait3A_440] : memref<16x8x32xf32, #tpu.memory_space<vmem>> -> memref<1x8x32xf32, #tpu.memory_space<vmem>>
      %dma_wait3A_442 = tpu.memref_squeeze %dma_wait3A_441 : memref<1x8x32xf32, #tpu.memory_space<vmem>> -> memref<8x32xf32, #tpu.memory_space<vmem>>
      %dma_wait3A_443 = arith.constant 0 : i32
      %dma_wait3A_444 = tpu.memref_slice %arg5[%multiple_of3A_221, %dma_wait3A_443] : memref<100000x32xf32, #tpu.memory_space<hbm>> -> memref<8x32xf32, #tpu.memory_space<hbm>>
      %dma_wait3A_445 = arith.constant 0 : i32
      %dma_wait3A_446 = arith.constant 0 : i32
      %dma_wait3A_447 = tpu.memref_slice %arg13[%dma_wait3A_438, %dma_wait3A_445, %dma_wait3A_446] : memref<16x8x32xf32, #tpu.memory_space<vmem>> -> memref<1x8x32xf32, #tpu.memory_space<vmem>>
      %dma_wait3A_448 = tpu.memref_squeeze %dma_wait3A_447 : memref<1x8x32xf32, #tpu.memory_space<vmem>> -> memref<8x32xf32, #tpu.memory_space<vmem>>
      %dma_wait3A_449 = arith.constant 0 : i32
      %dma_wait3A_450 = tpu.memref_slice %arg5[%multiple_of3A_221, %dma_wait3A_449] : memref<100000x32xf32, #tpu.memory_space<hbm>> -> memref<8x32xf32, #tpu.memory_space<hbm>>
      tpu.wait_dma2 semaphore(%arg14 : memref<!tpu.dma_semaphore, #tpu.memory_space<semaphore_mem>>) src(%dma_wait3A_450 : memref<8x32xf32, #tpu.memory_space<hbm>>) dst(%dma_wait3A_448 : memref<8x32xf32, #tpu.memory_space<vmem>>)
      %dma_wait3A_451 = arith.constant 13 : i32
      %dma_wait3A_452 = arith.constant 0 : i32
      %dma_wait3A_453 = arith.constant 0 : i32
      %dma_wait3A_454 = tpu.memref_slice %arg13[%dma_wait3A_451, %dma_wait3A_452, %dma_wait3A_453] : memref<16x8x32xf32, #tpu.memory_space<vmem>> -> memref<1x8x32xf32, #tpu.memory_space<vmem>>
      %dma_wait3A_455 = tpu.memref_squeeze %dma_wait3A_454 : memref<1x8x32xf32, #tpu.memory_space<vmem>> -> memref<8x32xf32, #tpu.memory_space<vmem>>
      %dma_wait3A_456 = arith.constant 0 : i32
      %dma_wait3A_457 = tpu.memref_slice %arg5[%multiple_of3A_237, %dma_wait3A_456] : memref<100000x32xf32, #tpu.memory_space<hbm>> -> memref<8x32xf32, #tpu.memory_space<hbm>>
      %dma_wait3A_458 = arith.constant 0 : i32
      %dma_wait3A_459 = arith.constant 0 : i32
      %dma_wait3A_460 = tpu.memref_slice %arg13[%dma_wait3A_451, %dma_wait3A_458, %dma_wait3A_459] : memref<16x8x32xf32, #tpu.memory_space<vmem>> -> memref<1x8x32xf32, #tpu.memory_space<vmem>>
      %dma_wait3A_461 = tpu.memref_squeeze %dma_wait3A_460 : memref<1x8x32xf32, #tpu.memory_space<vmem>> -> memref<8x32xf32, #tpu.memory_space<vmem>>
      %dma_wait3A_462 = arith.constant 0 : i32
      %dma_wait3A_463 = tpu.memref_slice %arg5[%multiple_of3A_237, %dma_wait3A_462] : memref<100000x32xf32, #tpu.memory_space<hbm>> -> memref<8x32xf32, #tpu.memory_space<hbm>>
      tpu.wait_dma2 semaphore(%arg14 : memref<!tpu.dma_semaphore, #tpu.memory_space<semaphore_mem>>) src(%dma_wait3A_463 : memref<8x32xf32, #tpu.memory_space<hbm>>) dst(%dma_wait3A_461 : memref<8x32xf32, #tpu.memory_space<vmem>>)
      %dma_wait3A_464 = arith.constant 14 : i32
      %dma_wait3A_465 = arith.constant 0 : i32
      %dma_wait3A_466 = arith.constant 0 : i32
      %dma_wait3A_467 = tpu.memref_slice %arg13[%dma_wait3A_464, %dma_wait3A_465, %dma_wait3A_466] : memref<16x8x32xf32, #tpu.memory_space<vmem>> -> memref<1x8x32xf32, #tpu.memory_space<vmem>>
      %dma_wait3A_468 = tpu.memref_squeeze %dma_wait3A_467 : memref<1x8x32xf32, #tpu.memory_space<vmem>> -> memref<8x32xf32, #tpu.memory_space<vmem>>
      %dma_wait3A_469 = arith.constant 0 : i32
      %dma_wait3A_470 = tpu.memref_slice %arg5[%multiple_of3A_253, %dma_wait3A_469] : memref<100000x32xf32, #tpu.memory_space<hbm>> -> memref<8x32xf32, #tpu.memory_space<hbm>>
      %dma_wait3A_471 = arith.constant 0 : i32
      %dma_wait3A_472 = arith.constant 0 : i32
      %dma_wait3A_473 = tpu.memref_slice %arg13[%dma_wait3A_464, %dma_wait3A_471, %dma_wait3A_472] : memref<16x8x32xf32, #tpu.memory_space<vmem>> -> memref<1x8x32xf32, #tpu.memory_space<vmem>>
      %dma_wait3A_474 = tpu.memref_squeeze %dma_wait3A_473 : memref<1x8x32xf32, #tpu.memory_space<vmem>> -> memref<8x32xf32, #tpu.memory_space<vmem>>
      %dma_wait3A_475 = arith.constant 0 : i32
      %dma_wait3A_476 = tpu.memref_slice %arg5[%multiple_of3A_253, %dma_wait3A_475] : memref<100000x32xf32, #tpu.memory_space<hbm>> -> memref<8x32xf32, #tpu.memory_space<hbm>>
      tpu.wait_dma2 semaphore(%arg14 : memref<!tpu.dma_semaphore, #tpu.memory_space<semaphore_mem>>) src(%dma_wait3A_476 : memref<8x32xf32, #tpu.memory_space<hbm>>) dst(%dma_wait3A_474 : memref<8x32xf32, #tpu.memory_space<vmem>>)
      %dma_wait3A_477 = arith.constant 15 : i32
      %dma_wait3A_478 = arith.constant 0 : i32
      %dma_wait3A_479 = arith.constant 0 : i32
      %dma_wait3A_480 = tpu.memref_slice %arg13[%dma_wait3A_477, %dma_wait3A_478, %dma_wait3A_479] : memref<16x8x32xf32, #tpu.memory_space<vmem>> -> memref<1x8x32xf32, #tpu.memory_space<vmem>>
      %dma_wait3A_481 = tpu.memref_squeeze %dma_wait3A_480 : memref<1x8x32xf32, #tpu.memory_space<vmem>> -> memref<8x32xf32, #tpu.memory_space<vmem>>
      %dma_wait3A_482 = arith.constant 0 : i32
      %dma_wait3A_483 = tpu.memref_slice %arg5[%multiple_of3A_269, %dma_wait3A_482] : memref<100000x32xf32, #tpu.memory_space<hbm>> -> memref<8x32xf32, #tpu.memory_space<hbm>>
      %dma_wait3A_484 = arith.constant 0 : i32
      %dma_wait3A_485 = arith.constant 0 : i32
      %dma_wait3A_486 = tpu.memref_slice %arg13[%dma_wait3A_477, %dma_wait3A_484, %dma_wait3A_485] : memref<16x8x32xf32, #tpu.memory_space<vmem>> -> memref<1x8x32xf32, #tpu.memory_space<vmem>>
      %dma_wait3A_487 = tpu.memref_squeeze %dma_wait3A_486 : memref<1x8x32xf32, #tpu.memory_space<vmem>> -> memref<8x32xf32, #tpu.memory_space<vmem>>
      %dma_wait3A_488 = arith.constant 0 : i32
      %dma_wait3A_489 = tpu.memref_slice %arg5[%multiple_of3A_269, %dma_wait3A_488] : memref<100000x32xf32, #tpu.memory_space<hbm>> -> memref<8x32xf32, #tpu.memory_space<hbm>>
      tpu.wait_dma2 semaphore(%arg14 : memref<!tpu.dma_semaphore, #tpu.memory_space<semaphore_mem>>) src(%dma_wait3A_489 : memref<8x32xf32, #tpu.memory_space<hbm>>) dst(%dma_wait3A_487 : memref<8x32xf32, #tpu.memory_space<vmem>>)
      %and3A = arith.constant 7 : i32
      %and3A_490 = vector.broadcast %and3A : i32 to vector<16xi32>
      %and3A_491 = arith.andi %get3A_26, %and3A_490 : vector<16xi32>
      %slice3A_492 = vector.extract_strided_slice %and3A_491 {offsets = [0], sizes = [1], strides = [1]} : vector<16xi32> to vector<1xi32>
      %squeeze3A_493 = vector.extract %slice3A_492[0] : i32 from vector<1xi32>
      %get3A_494 = arith.constant 0 : i32
      %get3A_495 = arith.index_cast %get3A_494 : i32 to index
      %get3A_496 = arith.index_cast %squeeze3A_493 : i32 to index
      %get3A_497 = arith.constant 0 : index
      %get3A_498 = tpu.vector_load %arg13[%get3A_495, %get3A_496, %get3A_497] {strides = array<i32>} : memref<16x8x32xf32, #tpu.memory_space<vmem>>, vector<16xf32>,
      %swap3A = arith.constant 0 : i32
      %swap3A_499 = arith.index_cast %swap3A : i32 to index
      %swap3A_500 = arith.constant 0 : index
      %swap3A_501 = tpu.vector_load %arg11[%swap3A_499, %swap3A_500] {strides = array<i32>} : memref<16x32xf32, #tpu.memory_space<vmem>>, vector<16xf32>,
      tpu.vector_store %arg11[%swap3A_499, %swap3A_500], %get3A_498 {strides = array<i32>} : memref<16x32xf32, #tpu.memory_space<vmem>>, vector<16xf32>,
      %get3A_502 = arith.constant 0 : i32
      %get3A_503 = arith.index_cast %get3A_502 : i32 to index
      %get3A_504 = arith.index_cast %squeeze3A_493 : i32 to index
      %get3A_505 = arith.constant 16 : index
      %get3A_506 = tpu.vector_load %arg13[%get3A_503, %get3A_504, %get3A_505] {strides = array<i32>} : memref<16x8x32xf32, #tpu.memory_space<vmem>>, vector<16xf32>,
      %swap3A_507 = arith.constant 0 : i32
      %swap3A_508 = arith.index_cast %swap3A_507 : i32 to index
      %swap3A_509 = arith.constant 16 : index
      %swap3A_510 = tpu.vector_load %arg11[%swap3A_508, %swap3A_509] {strides = array<i32>} : memref<16x32xf32, #tpu.memory_space<vmem>>, vector<16xf32>,
      tpu.vector_store %arg11[%swap3A_508, %swap3A_509], %get3A_506 {strides = array<i32>} : memref<16x32xf32, #tpu.memory_space<vmem>>, vector<16xf32>,
      %slice3A_511 = vector.extract_strided_slice %and3A_491 {offsets = [1], sizes = [1], strides = [1]} : vector<16xi32> to vector<1xi32>
      %squeeze3A_512 = vector.extract %slice3A_511[0] : i32 from vector<1xi32>
      %get3A_513 = arith.constant 1 : i32
      %get3A_514 = arith.index_cast %get3A_513 : i32 to index
      %get3A_515 = arith.index_cast %squeeze3A_512 : i32 to index
      %get3A_516 = arith.constant 0 : index
      %get3A_517 = tpu.vector_load %arg13[%get3A_514, %get3A_515, %get3A_516] {strides = array<i32>} : memref<16x8x32xf32, #tpu.memory_space<vmem>>, vector<16xf32>,
      %swap3A_518 = arith.constant 1 : i32
      %swap3A_519 = arith.index_cast %swap3A_518 : i32 to index
      %swap3A_520 = arith.constant 0 : index
      %swap3A_521 = tpu.vector_load %arg11[%swap3A_519, %swap3A_520] {strides = array<i32>} : memref<16x32xf32, #tpu.memory_space<vmem>>, vector<16xf32>,
      tpu.vector_store %arg11[%swap3A_519, %swap3A_520], %get3A_517 {strides = array<i32>} : memref<16x32xf32, #tpu.memory_space<vmem>>, vector<16xf32>,
      %get3A_522 = arith.constant 1 : i32
      %get3A_523 = arith.index_cast %get3A_522 : i32 to index
      %get3A_524 = arith.index_cast %squeeze3A_512 : i32 to index
      %get3A_525 = arith.constant 16 : index
      %get3A_526 = tpu.vector_load %arg13[%get3A_523, %get3A_524, %get3A_525] {strides = array<i32>} : memref<16x8x32xf32, #tpu.memory_space<vmem>>, vector<16xf32>,
      %swap3A_527 = arith.constant 1 : i32
      %swap3A_528 = arith.index_cast %swap3A_527 : i32 to index
      %swap3A_529 = arith.constant 16 : index
      %swap3A_530 = tpu.vector_load %arg11[%swap3A_528, %swap3A_529] {strides = array<i32>} : memref<16x32xf32, #tpu.memory_space<vmem>>, vector<16xf32>,
      tpu.vector_store %arg11[%swap3A_528, %swap3A_529], %get3A_526 {strides = array<i32>} : memref<16x32xf32, #tpu.memory_space<vmem>>, vector<16xf32>,
      %slice3A_531 = vector.extract_strided_slice %and3A_491 {offsets = [2], sizes = [1], strides = [1]} : vector<16xi32> to vector<1xi32>
      %squeeze3A_532 = vector.extract %slice3A_531[0] : i32 from vector<1xi32>
      %get3A_533 = arith.constant 2 : i32
      %get3A_534 = arith.index_cast %get3A_533 : i32 to index
      %get3A_535 = arith.index_cast %squeeze3A_532 : i32 to index
      %get3A_536 = arith.constant 0 : index
      %get3A_537 = tpu.vector_load %arg13[%get3A_534, %get3A_535, %get3A_536] {strides = array<i32>} : memref<16x8x32xf32, #tpu.memory_space<vmem>>, vector<16xf32>,
      %swap3A_538 = arith.constant 2 : i32
      %swap3A_539 = arith.index_cast %swap3A_538 : i32 to index
      %swap3A_540 = arith.constant 0 : index
      %swap3A_541 = tpu.vector_load %arg11[%swap3A_539, %swap3A_540] {strides = array<i32>} : memref<16x32xf32, #tpu.memory_space<vmem>>, vector<16xf32>,
      tpu.vector_store %arg11[%swap3A_539, %swap3A_540], %get3A_537 {strides = array<i32>} : memref<16x32xf32, #tpu.memory_space<vmem>>, vector<16xf32>,
      %get3A_542 = arith.constant 2 : i32
      %get3A_543 = arith.index_cast %get3A_542 : i32 to index
      %get3A_544 = arith.index_cast %squeeze3A_532 : i32 to index
      %get3A_545 = arith.constant 16 : index
      %get3A_546 = tpu.vector_load %arg13[%get3A_543, %get3A_544, %get3A_545] {strides = array<i32>} : memref<16x8x32xf32, #tpu.memory_space<vmem>>, vector<16xf32>,
      %swap3A_547 = arith.constant 2 : i32
      %swap3A_548 = arith.index_cast %swap3A_547 : i32 to index
      %swap3A_549 = arith.constant 16 : index
      %swap3A_550 = tpu.vector_load %arg11[%swap3A_548, %swap3A_549] {strides = array<i32>} : memref<16x32xf32, #tpu.memory_space<vmem>>, vector<16xf32>,
      tpu.vector_store %arg11[%swap3A_548, %swap3A_549], %get3A_546 {strides = array<i32>} : memref<16x32xf32, #tpu.memory_space<vmem>>, vector<16xf32>,
      %slice3A_551 = vector.extract_strided_slice %and3A_491 {offsets = [3], sizes = [1], strides = [1]} : vector<16xi32> to vector<1xi32>
      %squeeze3A_552 = vector.extract %slice3A_551[0] : i32 from vector<1xi32>
      %get3A_553 = arith.constant 3 : i32
      %get3A_554 = arith.index_cast %get3A_553 : i32 to index
      %get3A_555 = arith.index_cast %squeeze3A_552 : i32 to index
      %get3A_556 = arith.constant 0 : index
      %get3A_557 = tpu.vector_load %arg13[%get3A_554, %get3A_555, %get3A_556] {strides = array<i32>} : memref<16x8x32xf32, #tpu.memory_space<vmem>>, vector<16xf32>,
      %swap3A_558 = arith.constant 3 : i32
      %swap3A_559 = arith.index_cast %swap3A_558 : i32 to index
      %swap3A_560 = arith.constant 0 : index
      %swap3A_561 = tpu.vector_load %arg11[%swap3A_559, %swap3A_560] {strides = array<i32>} : memref<16x32xf32, #tpu.memory_space<vmem>>, vector<16xf32>,
      tpu.vector_store %arg11[%swap3A_559, %swap3A_560], %get3A_557 {strides = array<i32>} : memref<16x32xf32, #tpu.memory_space<vmem>>, vector<16xf32>,
      %get3A_562 = arith.constant 3 : i32
      %get3A_563 = arith.index_cast %get3A_562 : i32 to index
      %get3A_564 = arith.index_cast %squeeze3A_552 : i32 to index
      %get3A_565 = arith.constant 16 : index
      %get3A_566 = tpu.vector_load %arg13[%get3A_563, %get3A_564, %get3A_565] {strides = array<i32>} : memref<16x8x32xf32, #tpu.memory_space<vmem>>, vector<16xf32>,
      %swap3A_567 = arith.constant 3 : i32
      %swap3A_568 = arith.index_cast %swap3A_567 : i32 to index
      %swap3A_569 = arith.constant 16 : index
      %swap3A_570 = tpu.vector_load %arg11[%swap3A_568, %swap3A_569] {strides = array<i32>} : memref<16x32xf32, #tpu.memory_space<vmem>>, vector<16xf32>,
      tpu.vector_store %arg11[%swap3A_568, %swap3A_569], %get3A_566 {strides = array<i32>} : memref<16x32xf32, #tpu.memory_space<vmem>>, vector<16xf32>,
      %slice3A_571 = vector.extract_strided_slice %and3A_491 {offsets = [4], sizes = [1], strides = [1]} : vector<16xi32> to vector<1xi32>
      %squeeze3A_572 = vector.extract %slice3A_571[0] : i32 from vector<1xi32>
      %get3A_573 = arith.constant 4 : i32
      %get3A_574 = arith.index_cast %get3A_573 : i32 to index
      %get3A_575 = arith.index_cast %squeeze3A_572 : i32 to index
      %get3A_576 = arith.constant 0 : index
      %get3A_577 = tpu.vector_load %arg13[%get3A_574, %get3A_575, %get3A_576] {strides = array<i32>} : memref<16x8x32xf32, #tpu.memory_space<vmem>>, vector<16xf32>,
      %swap3A_578 = arith.constant 4 : i32
      %swap3A_579 = arith.index_cast %swap3A_578 : i32 to index
      %swap3A_580 = arith.constant 0 : index
      %swap3A_581 = tpu.vector_load %arg11[%swap3A_579, %swap3A_580] {strides = array<i32>} : memref<16x32xf32, #tpu.memory_space<vmem>>, vector<16xf32>,
      tpu.vector_store %arg11[%swap3A_579, %swap3A_580], %get3A_577 {strides = array<i32>} : memref<16x32xf32, #tpu.memory_space<vmem>>, vector<16xf32>,
      %get3A_582 = arith.constant 4 : i32
      %get3A_583 = arith.index_cast %get3A_582 : i32 to index
      %get3A_584 = arith.index_cast %squeeze3A_572 : i32 to index
      %get3A_585 = arith.constant 16 : index
      %get3A_586 = tpu.vector_load %arg13[%get3A_583, %get3A_584, %get3A_585] {strides = array<i32>} : memref<16x8x32xf32, #tpu.memory_space<vmem>>, vector<16xf32>,
      %swap3A_587 = arith.constant 4 : i32
      %swap3A_588 = arith.index_cast %swap3A_587 : i32 to index
      %swap3A_589 = arith.constant 16 : index
      %swap3A_590 = tpu.vector_load %arg11[%swap3A_588, %swap3A_589] {strides = array<i32>} : memref<16x32xf32, #tpu.memory_space<vmem>>, vector<16xf32>,
      tpu.vector_store %arg11[%swap3A_588, %swap3A_589], %get3A_586 {strides = array<i32>} : memref<16x32xf32, #tpu.memory_space<vmem>>, vector<16xf32>,
      %slice3A_591 = vector.extract_strided_slice %and3A_491 {offsets = [5], sizes = [1], strides = [1]} : vector<16xi32> to vector<1xi32>
      %squeeze3A_592 = vector.extract %slice3A_591[0] : i32 from vector<1xi32>
      %get3A_593 = arith.constant 5 : i32
      %get3A_594 = arith.index_cast %get3A_593 : i32 to index
      %get3A_595 = arith.index_cast %squeeze3A_592 : i32 to index
      %get3A_596 = arith.constant 0 : index
      %get3A_597 = tpu.vector_load %arg13[%get3A_594, %get3A_595, %get3A_596] {strides = array<i32>} : memref<16x8x32xf32, #tpu.memory_space<vmem>>, vector<16xf32>,
      %swap3A_598 = arith.constant 5 : i32
      %swap3A_599 = arith.index_cast %swap3A_598 : i32 to index
      %swap3A_600 = arith.constant 0 : index
      %swap3A_601 = tpu.vector_load %arg11[%swap3A_599, %swap3A_600] {strides = array<i32>} : memref<16x32xf32, #tpu.memory_space<vmem>>, vector<16xf32>,
      tpu.vector_store %arg11[%swap3A_599, %swap3A_600], %get3A_597 {strides = array<i32>} : memref<16x32xf32, #tpu.memory_space<vmem>>, vector<16xf32>,
      %get3A_602 = arith.constant 5 : i32
      %get3A_603 = arith.index_cast %get3A_602 : i32 to index
      %get3A_604 = arith.index_cast %squeeze3A_592 : i32 to index
      %get3A_605 = arith.constant 16 : index
      %get3A_606 = tpu.vector_load %arg13[%get3A_603, %get3A_604, %get3A_605] {strides = array<i32>} : memref<16x8x32xf32, #tpu.memory_space<vmem>>, vector<16xf32>,
      %swap3A_607 = arith.constant 5 : i32
      %swap3A_608 = arith.index_cast %swap3A_607 : i32 to index
      %swap3A_609 = arith.constant 16 : index
      %swap3A_610 = tpu.vector_load %arg11[%swap3A_608, %swap3A_609] {strides = array<i32>} : memref<16x32xf32, #tpu.memory_space<vmem>>, vector<16xf32>,
      tpu.vector_store %arg11[%swap3A_608, %swap3A_609], %get3A_606 {strides = array<i32>} : memref<16x32xf32, #tpu.memory_space<vmem>>, vector<16xf32>,
      %slice3A_611 = vector.extract_strided_slice %and3A_491 {offsets = [6], sizes = [1], strides = [1]} : vector<16xi32> to vector<1xi32>
      %squeeze3A_612 = vector.extract %slice3A_611[0] : i32 from vector<1xi32>
      %get3A_613 = arith.constant 6 : i32
      %get3A_614 = arith.index_cast %get3A_613 : i32 to index
      %get3A_615 = arith.index_cast %squeeze3A_612 : i32 to index
      %get3A_616 = arith.constant 0 : index
      %get3A_617 = tpu.vector_load %arg13[%get3A_614, %get3A_615, %get3A_616] {strides = array<i32>} : memref<16x8x32xf32, #tpu.memory_space<vmem>>, vector<16xf32>,
      %swap3A_618 = arith.constant 6 : i32
      %swap3A_619 = arith.index_cast %swap3A_618 : i32 to index
      %swap3A_620 = arith.constant 0 : index
      %swap3A_621 = tpu.vector_load %arg11[%swap3A_619, %swap3A_620] {strides = array<i32>} : memref<16x32xf32, #tpu.memory_space<vmem>>, vector<16xf32>,
      tpu.vector_store %arg11[%swap3A_619, %swap3A_620], %get3A_617 {strides = array<i32>} : memref<16x32xf32, #tpu.memory_space<vmem>>, vector<16xf32>,
      %get3A_622 = arith.constant 6 : i32
      %get3A_623 = arith.index_cast %get3A_622 : i32 to index
      %get3A_624 = arith.index_cast %squeeze3A_612 : i32 to index
      %get3A_625 = arith.constant 16 : index
      %get3A_626 = tpu.vector_load %arg13[%get3A_623, %get3A_624, %get3A_625] {strides = array<i32>} : memref<16x8x32xf32, #tpu.memory_space<vmem>>, vector<16xf32>,
      %swap3A_627 = arith.constant 6 : i32
      %swap3A_628 = arith.index_cast %swap3A_627 : i32 to index
      %swap3A_629 = arith.constant 16 : index
      %swap3A_630 = tpu.vector_load %arg11[%swap3A_628, %swap3A_629] {strides = array<i32>} : memref<16x32xf32, #tpu.memory_space<vmem>>, vector<16xf32>,
      tpu.vector_store %arg11[%swap3A_628, %swap3A_629], %get3A_626 {strides = array<i32>} : memref<16x32xf32, #tpu.memory_space<vmem>>, vector<16xf32>,
      %slice3A_631 = vector.extract_strided_slice %and3A_491 {offsets = [7], sizes = [1], strides = [1]} : vector<16xi32> to vector<1xi32>
      %squeeze3A_632 = vector.extract %slice3A_631[0] : i32 from vector<1xi32>
      %get3A_633 = arith.constant 7 : i32
      %get3A_634 = arith.index_cast %get3A_633 : i32 to index
      %get3A_635 = arith.index_cast %squeeze3A_632 : i32 to index
      %get3A_636 = arith.constant 0 : index
      %get3A_637 = tpu.vector_load %arg13[%get3A_634, %get3A_635, %get3A_636] {strides = array<i32>} : memref<16x8x32xf32, #tpu.memory_space<vmem>>, vector<16xf32>,
      %swap3A_638 = arith.constant 7 : i32
      %swap3A_639 = arith.index_cast %swap3A_638 : i32 to index
      %swap3A_640 = arith.constant 0 : index
      %swap3A_641 = tpu.vector_load %arg11[%swap3A_639, %swap3A_640] {strides = array<i32>} : memref<16x32xf32, #tpu.memory_space<vmem>>, vector<16xf32>,
      tpu.vector_store %arg11[%swap3A_639, %swap3A_640], %get3A_637 {strides = array<i32>} : memref<16x32xf32, #tpu.memory_space<vmem>>, vector<16xf32>,
      %get3A_642 = arith.constant 7 : i32
      %get3A_643 = arith.index_cast %get3A_642 : i32 to index
      %get3A_644 = arith.index_cast %squeeze3A_632 : i32 to index
      %get3A_645 = arith.constant 16 : index
      %get3A_646 = tpu.vector_load %arg13[%get3A_643, %get3A_644, %get3A_645] {strides = array<i32>} : memref<16x8x32xf32, #tpu.memory_space<vmem>>, vector<16xf32>,
      %swap3A_647 = arith.constant 7 : i32
      %swap3A_648 = arith.index_cast %swap3A_647 : i32 to index
      %swap3A_649 = arith.constant 16 : index
      %swap3A_650 = tpu.vector_load %arg11[%swap3A_648, %swap3A_649] {strides = array<i32>} : memref<16x32xf32, #tpu.memory_space<vmem>>, vector<16xf32>,
      tpu.vector_store %arg11[%swap3A_648, %swap3A_649], %get3A_646 {strides = array<i32>} : memref<16x32xf32, #tpu.memory_space<vmem>>, vector<16xf32>,
      %slice3A_651 = vector.extract_strided_slice %and3A_491 {offsets = [8], sizes = [1], strides = [1]} : vector<16xi32> to vector<1xi32>
      %squeeze3A_652 = vector.extract %slice3A_651[0] : i32 from vector<1xi32>
      %get3A_653 = arith.constant 8 : i32
      %get3A_654 = arith.index_cast %get3A_653 : i32 to index
      %get3A_655 = arith.index_cast %squeeze3A_652 : i32 to index
      %get3A_656 = arith.constant 0 : index
      %get3A_657 = tpu.vector_load %arg13[%get3A_654, %get3A_655, %get3A_656] {strides = array<i32>} : memref<16x8x32xf32, #tpu.memory_space<vmem>>, vector<16xf32>,
      %swap3A_658 = arith.constant 8 : i32
      %swap3A_659 = arith.index_cast %swap3A_658 : i32 to index
      %swap3A_660 = arith.constant 0 : index
      %swap3A_661 = tpu.vector_load %arg11[%swap3A_659, %swap3A_660] {strides = array<i32>} : memref<16x32xf32, #tpu.memory_space<vmem>>, vector<16xf32>,
      tpu.vector_store %arg11[%swap3A_659, %swap3A_660], %get3A_657 {strides = array<i32>} : memref<16x32xf32, #tpu.memory_space<vmem>>, vector<16xf32>,
      %get3A_662 = arith.constant 8 : i32
      %get3A_663 = arith.index_cast %get3A_662 : i32 to index
      %get3A_664 = arith.index_cast %squeeze3A_652 : i32 to index
      %get3A_665 = arith.constant 16 : index
      %get3A_666 = tpu.vector_load %arg13[%get3A_663, %get3A_664, %get3A_665] {strides = array<i32>} : memref<16x8x32xf32, #tpu.memory_space<vmem>>, vector<16xf32>,
      %swap3A_667 = arith.constant 8 : i32
      %swap3A_668 = arith.index_cast %swap3A_667 : i32 to index
      %swap3A_669 = arith.constant 16 : index
      %swap3A_670 = tpu.vector_load %arg11[%swap3A_668, %swap3A_669] {strides = array<i32>} : memref<16x32xf32, #tpu.memory_space<vmem>>, vector<16xf32>,
      tpu.vector_store %arg11[%swap3A_668, %swap3A_669], %get3A_666 {strides = array<i32>} : memref<16x32xf32, #tpu.memory_space<vmem>>, vector<16xf32>,
      %slice3A_671 = vector.extract_strided_slice %and3A_491 {offsets = [9], sizes = [1], strides = [1]} : vector<16xi32> to vector<1xi32>
      %squeeze3A_672 = vector.extract %slice3A_671[0] : i32 from vector<1xi32>
      %get3A_673 = arith.constant 9 : i32
      %get3A_674 = arith.index_cast %get3A_673 : i32 to index
      %get3A_675 = arith.index_cast %squeeze3A_672 : i32 to index
      %get3A_676 = arith.constant 0 : index
      %get3A_677 = tpu.vector_load %arg13[%get3A_674, %get3A_675, %get3A_676] {strides = array<i32>} : memref<16x8x32xf32, #tpu.memory_space<vmem>>, vector<16xf32>,
      %swap3A_678 = arith.constant 9 : i32
      %swap3A_679 = arith.index_cast %swap3A_678 : i32 to index
      %swap3A_680 = arith.constant 0 : index
      %swap3A_681 = tpu.vector_load %arg11[%swap3A_679, %swap3A_680] {strides = array<i32>} : memref<16x32xf32, #tpu.memory_space<vmem>>, vector<16xf32>,
      tpu.vector_store %arg11[%swap3A_679, %swap3A_680], %get3A_677 {strides = array<i32>} : memref<16x32xf32, #tpu.memory_space<vmem>>, vector<16xf32>,
      %get3A_682 = arith.constant 9 : i32
      %get3A_683 = arith.index_cast %get3A_682 : i32 to index
      %get3A_684 = arith.index_cast %squeeze3A_672 : i32 to index
      %get3A_685 = arith.constant 16 : index
      %get3A_686 = tpu.vector_load %arg13[%get3A_683, %get3A_684, %get3A_685] {strides = array<i32>} : memref<16x8x32xf32, #tpu.memory_space<vmem>>, vector<16xf32>,
      %swap3A_687 = arith.constant 9 : i32
      %swap3A_688 = arith.index_cast %swap3A_687 : i32 to index
      %swap3A_689 = arith.constant 16 : index
      %swap3A_690 = tpu.vector_load %arg11[%swap3A_688, %swap3A_689] {strides = array<i32>} : memref<16x32xf32, #tpu.memory_space<vmem>>, vector<16xf32>,
      tpu.vector_store %arg11[%swap3A_688, %swap3A_689], %get3A_686 {strides = array<i32>} : memref<16x32xf32, #tpu.memory_space<vmem>>, vector<16xf32>,
      %slice3A_691 = vector.extract_strided_slice %and3A_491 {offsets = [10], sizes = [1], strides = [1]} : vector<16xi32> to vector<1xi32>
      %squeeze3A_692 = vector.extract %slice3A_691[0] : i32 from vector<1xi32>
      %get3A_693 = arith.constant 10 : i32
      %get3A_694 = arith.index_cast %get3A_693 : i32 to index
      %get3A_695 = arith.index_cast %squeeze3A_692 : i32 to index
      %get3A_696 = arith.constant 0 : index
      %get3A_697 = tpu.vector_load %arg13[%get3A_694, %get3A_695, %get3A_696] {strides = array<i32>} : memref<16x8x32xf32, #tpu.memory_space<vmem>>, vector<16xf32>,
      %swap3A_698 = arith.constant 10 : i32
      %swap3A_699 = arith.index_cast %swap3A_698 : i32 to index
      %swap3A_700 = arith.constant 0 : index
      %swap3A_701 = tpu.vector_load %arg11[%swap3A_699, %swap3A_700] {strides = array<i32>} : memref<16x32xf32, #tpu.memory_space<vmem>>, vector<16xf32>,
      tpu.vector_store %arg11[%swap3A_699, %swap3A_700], %get3A_697 {strides = array<i32>} : memref<16x32xf32, #tpu.memory_space<vmem>>, vector<16xf32>,
      %get3A_702 = arith.constant 10 : i32
      %get3A_703 = arith.index_cast %get3A_702 : i32 to index
      %get3A_704 = arith.index_cast %squeeze3A_692 : i32 to index
      %get3A_705 = arith.constant 16 : index
      %get3A_706 = tpu.vector_load %arg13[%get3A_703, %get3A_704, %get3A_705] {strides = array<i32>} : memref<16x8x32xf32, #tpu.memory_space<vmem>>, vector<16xf32>,
      %swap3A_707 = arith.constant 10 : i32
      %swap3A_708 = arith.index_cast %swap3A_707 : i32 to index
      %swap3A_709 = arith.constant 16 : index
      %swap3A_710 = tpu.vector_load %arg11[%swap3A_708, %swap3A_709] {strides = array<i32>} : memref<16x32xf32, #tpu.memory_space<vmem>>, vector<16xf32>,
      tpu.vector_store %arg11[%swap3A_708, %swap3A_709], %get3A_706 {strides = array<i32>} : memref<16x32xf32, #tpu.memory_space<vmem>>, vector<16xf32>,
      %slice3A_711 = vector.extract_strided_slice %and3A_491 {offsets = [11], sizes = [1], strides = [1]} : vector<16xi32> to vector<1xi32>
      %squeeze3A_712 = vector.extract %slice3A_711[0] : i32 from vector<1xi32>
      %get3A_713 = arith.constant 11 : i32
      %get3A_714 = arith.index_cast %get3A_713 : i32 to index
      %get3A_715 = arith.index_cast %squeeze3A_712 : i32 to index
      %get3A_716 = arith.constant 0 : index
      %get3A_717 = tpu.vector_load %arg13[%get3A_714, %get3A_715, %get3A_716] {strides = array<i32>} : memref<16x8x32xf32, #tpu.memory_space<vmem>>, vector<16xf32>,
      %swap3A_718 = arith.constant 11 : i32
      %swap3A_719 = arith.index_cast %swap3A_718 : i32 to index
      %swap3A_720 = arith.constant 0 : index
      %swap3A_721 = tpu.vector_load %arg11[%swap3A_719, %swap3A_720] {strides = array<i32>} : memref<16x32xf32, #tpu.memory_space<vmem>>, vector<16xf32>,
      tpu.vector_store %arg11[%swap3A_719, %swap3A_720], %get3A_717 {strides = array<i32>} : memref<16x32xf32, #tpu.memory_space<vmem>>, vector<16xf32>,
      %get3A_722 = arith.constant 11 : i32
      %get3A_723 = arith.index_cast %get3A_722 : i32 to index
      %get3A_724 = arith.index_cast %squeeze3A_712 : i32 to index
      %get3A_725 = arith.constant 16 : index
      %get3A_726 = tpu.vector_load %arg13[%get3A_723, %get3A_724, %get3A_725] {strides = array<i32>} : memref<16x8x32xf32, #tpu.memory_space<vmem>>, vector<16xf32>,
      %swap3A_727 = arith.constant 11 : i32
      %swap3A_728 = arith.index_cast %swap3A_727 : i32 to index
      %swap3A_729 = arith.constant 16 : index
      %swap3A_730 = tpu.vector_load %arg11[%swap3A_728, %swap3A_729] {strides = array<i32>} : memref<16x32xf32, #tpu.memory_space<vmem>>, vector<16xf32>,
      tpu.vector_store %arg11[%swap3A_728, %swap3A_729], %get3A_726 {strides = array<i32>} : memref<16x32xf32, #tpu.memory_space<vmem>>, vector<16xf32>,
      %slice3A_731 = vector.extract_strided_slice %and3A_491 {offsets = [12], sizes = [1], strides = [1]} : vector<16xi32> to vector<1xi32>
      %squeeze3A_732 = vector.extract %slice3A_731[0] : i32 from vector<1xi32>
      %get3A_733 = arith.constant 12 : i32
      %get3A_734 = arith.index_cast %get3A_733 : i32 to index
      %get3A_735 = arith.index_cast %squeeze3A_732 : i32 to index
      %get3A_736 = arith.constant 0 : index
      %get3A_737 = tpu.vector_load %arg13[%get3A_734, %get3A_735, %get3A_736] {strides = array<i32>} : memref<16x8x32xf32, #tpu.memory_space<vmem>>, vector<16xf32>,
      %swap3A_738 = arith.constant 12 : i32
      %swap3A_739 = arith.index_cast %swap3A_738 : i32 to index
      %swap3A_740 = arith.constant 0 : index
      %swap3A_741 = tpu.vector_load %arg11[%swap3A_739, %swap3A_740] {strides = array<i32>} : memref<16x32xf32, #tpu.memory_space<vmem>>, vector<16xf32>,
      tpu.vector_store %arg11[%swap3A_739, %swap3A_740], %get3A_737 {strides = array<i32>} : memref<16x32xf32, #tpu.memory_space<vmem>>, vector<16xf32>,
      %get3A_742 = arith.constant 12 : i32
      %get3A_743 = arith.index_cast %get3A_742 : i32 to index
      %get3A_744 = arith.index_cast %squeeze3A_732 : i32 to index
      %get3A_745 = arith.constant 16 : index
      %get3A_746 = tpu.vector_load %arg13[%get3A_743, %get3A_744, %get3A_745] {strides = array<i32>} : memref<16x8x32xf32, #tpu.memory_space<vmem>>, vector<16xf32>,
      %swap3A_747 = arith.constant 12 : i32
      %swap3A_748 = arith.index_cast %swap3A_747 : i32 to index
      %swap3A_749 = arith.constant 16 : index
      %swap3A_750 = tpu.vector_load %arg11[%swap3A_748, %swap3A_749] {strides = array<i32>} : memref<16x32xf32, #tpu.memory_space<vmem>>, vector<16xf32>,
      tpu.vector_store %arg11[%swap3A_748, %swap3A_749], %get3A_746 {strides = array<i32>} : memref<16x32xf32, #tpu.memory_space<vmem>>, vector<16xf32>,
      %slice3A_751 = vector.extract_strided_slice %and3A_491 {offsets = [13], sizes = [1], strides = [1]} : vector<16xi32> to vector<1xi32>
      %squeeze3A_752 = vector.extract %slice3A_751[0] : i32 from vector<1xi32>
      %get3A_753 = arith.constant 13 : i32
      %get3A_754 = arith.index_cast %get3A_753 : i32 to index
      %get3A_755 = arith.index_cast %squeeze3A_752 : i32 to index
      %get3A_756 = arith.constant 0 : index
      %get3A_757 = tpu.vector_load %arg13[%get3A_754, %get3A_755, %get3A_756] {strides = array<i32>} : memref<16x8x32xf32, #tpu.memory_space<vmem>>, vector<16xf32>,
      %swap3A_758 = arith.constant 13 : i32
      %swap3A_759 = arith.index_cast %swap3A_758 : i32 to index
      %swap3A_760 = arith.constant 0 : index
      %swap3A_761 = tpu.vector_load %arg11[%swap3A_759, %swap3A_760] {strides = array<i32>} : memref<16x32xf32, #tpu.memory_space<vmem>>, vector<16xf32>,
      tpu.vector_store %arg11[%swap3A_759, %swap3A_760], %get3A_757 {strides = array<i32>} : memref<16x32xf32, #tpu.memory_space<vmem>>, vector<16xf32>,
      %get3A_762 = arith.constant 13 : i32
      %get3A_763 = arith.index_cast %get3A_762 : i32 to index
      %get3A_764 = arith.index_cast %squeeze3A_752 : i32 to index
      %get3A_765 = arith.constant 16 : index
      %get3A_766 = tpu.vector_load %arg13[%get3A_763, %get3A_764, %get3A_765] {strides = array<i32>} : memref<16x8x32xf32, #tpu.memory_space<vmem>>, vector<16xf32>,
      %swap3A_767 = arith.constant 13 : i32
      %swap3A_768 = arith.index_cast %swap3A_767 : i32 to index
      %swap3A_769 = arith.constant 16 : index
      %swap3A_770 = tpu.vector_load %arg11[%swap3A_768, %swap3A_769] {strides = array<i32>} : memref<16x32xf32, #tpu.memory_space<vmem>>, vector<16xf32>,
      tpu.vector_store %arg11[%swap3A_768, %swap3A_769], %get3A_766 {strides = array<i32>} : memref<16x32xf32, #tpu.memory_space<vmem>>, vector<16xf32>,
      %slice3A_771 = vector.extract_strided_slice %and3A_491 {offsets = [14], sizes = [1], strides = [1]} : vector<16xi32> to vector<1xi32>
      %squeeze3A_772 = vector.extract %slice3A_771[0] : i32 from vector<1xi32>
      %get3A_773 = arith.constant 14 : i32
      %get3A_774 = arith.index_cast %get3A_773 : i32 to index
      %get3A_775 = arith.index_cast %squeeze3A_772 : i32 to index
      %get3A_776 = arith.constant 0 : index
      %get3A_777 = tpu.vector_load %arg13[%get3A_774, %get3A_775, %get3A_776] {strides = array<i32>} : memref<16x8x32xf32, #tpu.memory_space<vmem>>, vector<16xf32>,
      %swap3A_778 = arith.constant 14 : i32
      %swap3A_779 = arith.index_cast %swap3A_778 : i32 to index
      %swap3A_780 = arith.constant 0 : index
      %swap3A_781 = tpu.vector_load %arg11[%swap3A_779, %swap3A_780] {strides = array<i32>} : memref<16x32xf32, #tpu.memory_space<vmem>>, vector<16xf32>,
      tpu.vector_store %arg11[%swap3A_779, %swap3A_780], %get3A_777 {strides = array<i32>} : memref<16x32xf32, #tpu.memory_space<vmem>>, vector<16xf32>,
      %get3A_782 = arith.constant 14 : i32
      %get3A_783 = arith.index_cast %get3A_782 : i32 to index
      %get3A_784 = arith.index_cast %squeeze3A_772 : i32 to index
      %get3A_785 = arith.constant 16 : index
      %get3A_786 = tpu.vector_load %arg13[%get3A_783, %get3A_784, %get3A_785] {strides = array<i32>} : memref<16x8x32xf32, #tpu.memory_space<vmem>>, vector<16xf32>,
      %swap3A_787 = arith.constant 14 : i32
      %swap3A_788 = arith.index_cast %swap3A_787 : i32 to index
      %swap3A_789 = arith.constant 16 : index
      %swap3A_790 = tpu.vector_load %arg11[%swap3A_788, %swap3A_789] {strides = array<i32>} : memref<16x32xf32, #tpu.memory_space<vmem>>, vector<16xf32>,
      tpu.vector_store %arg11[%swap3A_788, %swap3A_789], %get3A_786 {strides = array<i32>} : memref<16x32xf32, #tpu.memory_space<vmem>>, vector<16xf32>,
      %slice3A_791 = vector.extract_strided_slice %and3A_491 {offsets = [15], sizes = [1], strides = [1]} : vector<16xi32> to vector<1xi32>
      %squeeze3A_792 = vector.extract %slice3A_791[0] : i32 from vector<1xi32>
      %get3A_793 = arith.constant 15 : i32
      %get3A_794 = arith.index_cast %get3A_793 : i32 to index
      %get3A_795 = arith.index_cast %squeeze3A_792 : i32 to index
      %get3A_796 = arith.constant 0 : index
      %get3A_797 = tpu.vector_load %arg13[%get3A_794, %get3A_795, %get3A_796] {strides = array<i32>} : memref<16x8x32xf32, #tpu.memory_space<vmem>>, vector<16xf32>,
      %swap3A_798 = arith.constant 15 : i32
      %swap3A_799 = arith.index_cast %swap3A_798 : i32 to index
      %swap3A_800 = arith.constant 0 : index
      %swap3A_801 = tpu.vector_load %arg11[%swap3A_799, %swap3A_800] {strides = array<i32>} : memref<16x32xf32, #tpu.memory_space<vmem>>, vector<16xf32>,
      tpu.vector_store %arg11[%swap3A_799, %swap3A_800], %get3A_797 {strides = array<i32>} : memref<16x32xf32, #tpu.memory_space<vmem>>, vector<16xf32>,
      %get3A_802 = arith.constant 15 : i32
      %get3A_803 = arith.index_cast %get3A_802 : i32 to index
      %get3A_804 = arith.index_cast %squeeze3A_792 : i32 to index
      %get3A_805 = arith.constant 16 : index
      %get3A_806 = tpu.vector_load %arg13[%get3A_803, %get3A_804, %get3A_805] {strides = array<i32>} : memref<16x8x32xf32, #tpu.memory_space<vmem>>, vector<16xf32>,
      %swap3A_807 = arith.constant 15 : i32
      %swap3A_808 = arith.index_cast %swap3A_807 : i32 to index
      %swap3A_809 = arith.constant 16 : index
      %swap3A_810 = tpu.vector_load %arg11[%swap3A_808, %swap3A_809] {strides = array<i32>} : memref<16x32xf32, #tpu.memory_space<vmem>>, vector<16xf32>,
      tpu.vector_store %arg11[%swap3A_808, %swap3A_809], %get3A_806 {strides = array<i32>} : memref<16x32xf32, #tpu.memory_space<vmem>>, vector<16xf32>,
      %mul3A_811 = arith.constant 16 : i32
      %mul3A_812 = arith.muli %scan3A_22, %mul3A_811 : i32
      %add3A_813 = arith.addi %mul3A_14, %mul3A_812 : i32
      %multiple_of3A_814 = tpu.assume_multiple %add3A_813, 8 : i32
      "tpu.region"() ({
        %run_scoped3A = tpu.sem_alloc : memref<!tpu.dma_semaphore, #tpu.memory_space<semaphore_mem>>
        %dma_start3A_816 = arith.constant 0 : i32
        %dma_start3A_817 = tpu.memref_slice %arg7[%multiple_of3A_814, %dma_start3A_816] : memref<4096x32xf32, #tpu.memory_space<hbm>> -> memref<16x32xf32, #tpu.memory_space<hbm>>
        %dma_start3A_818 = arith.constant 0 : i32
        %dma_start3A_819 = tpu.memref_slice %arg7[%multiple_of3A_814, %dma_start3A_818] : memref<4096x32xf32, #tpu.memory_space<hbm>> -> memref<16x32xf32, #tpu.memory_space<hbm>>
        tpu.enqueue_dma source(%arg11 : memref<16x32xf32, #tpu.memory_space<vmem>>) target(%dma_start3A_819 : memref<16x32xf32, #tpu.memory_space<hbm>>) target_semaphore(%run_scoped3A : memref<!tpu.dma_semaphore, #tpu.memory_space<semaphore_mem>>)
        %dma_wait3A_820 = arith.constant 0 : i32
        %dma_wait3A_821 = tpu.memref_slice %arg7[%multiple_of3A_814, %dma_wait3A_820] : memref<4096x32xf32, #tpu.memory_space<hbm>> -> memref<16x32xf32, #tpu.memory_space<hbm>>
        %dma_wait3A_822 = arith.constant 0 : i32
        %dma_wait3A_823 = tpu.memref_slice %arg7[%multiple_of3A_814, %dma_wait3A_822] : memref<4096x32xf32, #tpu.memory_space<hbm>> -> memref<16x32xf32, #tpu.memory_space<hbm>>
        tpu.wait_dma2 semaphore(%run_scoped3A : memref<!tpu.dma_semaphore, #tpu.memory_space<semaphore_mem>>) src(%arg11 : memref<16x32xf32, #tpu.memory_space<vmem>>) dst(%dma_wait3A_823 : memref<16x32xf32, #tpu.memory_space<hbm>>)
        tpu.yield
      }) : () -> ()
      %scan3A_815 = arith.constant 0 : i32
      scf.yield %scan3A_815 : i32
    }
    %scan3A_21 = arith.constant 8 : i32
    return
  }
}

#map = affine_map<(d0, d1) -> (0)>
module attributes {stable_mosaic.version = 14 : i64} {
  func.func @hist_body(%arg0: i32, %arg1: i32, %arg2: memref<204800xi32, #tpu.memory_space<hbm>>, %arg3: memref<1000000xf32, #tpu.memory_space<hbm>>, %arg4: memref<1000000xf32, #tpu.memory_space<hbm>>, %arg5: memref<6272xi32, #tpu.memory_space<vmem>>, %arg6: memref<1x128xi32, #tpu.memory_space<vmem>>, %arg7: memref<128xf32, #tpu.memory_space<vmem>>, %arg8: memref<4000xf32, #tpu.memory_space<vmem>>, %arg9: memref<1000000xf32, #tpu.memory_space<vmem_shared>>) attributes {dimension_semantics = [#tpu.dimension_semantics<core_parallel>, #tpu.dimension_semantics<subcore_parallel>], iteration_bounds = array<i64: 2, 16>, scalar_prefetch = 0 : i64, scratch_operands = 5 : i64, tpu.core_type = #tpu.core_type<sc_vector_subcore>, window_params = [{transform_indices = #map}, {transform_indices = #map}, {transform_indices = #map}]} {
    %mul3A = arith.constant 2 : i32
    %mul3A_0 = arith.muli %arg1, %mul3A : i32
    %add3A = arith.addi %mul3A_0, %arg0 : i32
    %scan3A = arith.constant 0 : i32
    %scan3A_1 = arith.constant 0 : i32
    %scan3A_2 = arith.constant 250 : i32
    %scan3A_3 = arith.addi %scan3A_1, %scan3A_2 : i32
    %scan3A_4 = arith.constant 1 : i32
    %scan3A_5 = scf.for %scan3A_79 = %scan3A_1 to %scan3A_3 step %scan3A_4 iter_args(%scan3A_80 = %scan3A) -> (i32)  : i32 {
      %broadcast_in_dim3A_81 = arith.constant 0.000000e+00 : f32
      %broadcast_in_dim3A_82 = vector.broadcast %broadcast_in_dim3A_81 : f32 to vector<16xf32>
      %mul3A_83 = arith.constant 16 : i32
      %mul3A_84 = arith.muli %scan3A_79, %mul3A_83 : i32
      %swap3A_85 = arith.index_cast %mul3A_84 : i32 to index
      %swap3A_86 = tpu.vector_load %arg8[%swap3A_85] {strides = array<i32>} : memref<4000xf32, #tpu.memory_space<vmem>>, vector<16xf32>,
      %swap3A_87 = vector.shape_cast %swap3A_86 : vector<16xf32> to vector<16xf32>
      %swap3A_88 = vector.shape_cast %broadcast_in_dim3A_82 : vector<16xf32> to vector<16xf32>
      tpu.vector_store %arg8[%swap3A_85], %swap3A_88 {strides = array<i32>} : memref<4000xf32, #tpu.memory_space<vmem>>, vector<16xf32>,
      %scan3A_89 = arith.constant 0 : i32
      scf.yield %scan3A_89 : i32
    }
    %scan3A_6 = arith.constant 250 : i32
    %scan3A_7 = arith.constant 0 : i32
    %scan3A_8 = arith.constant 0 : i32
    %scan3A_9 = arith.constant 16 : i32
    %scan3A_10 = arith.addi %scan3A_8, %scan3A_9 : i32
    %scan3A_11 = arith.constant 1 : i32
    %scan3A_12 = scf.for %scan3A_79 = %scan3A_8 to %scan3A_10 step %scan3A_11 iter_args(%scan3A_80 = %scan3A_7) -> (i32)  : i32 {
      %mul3A_81 = arith.constant 16 : i32
      %mul3A_82 = arith.muli %scan3A_79, %mul3A_81 : i32
      %add3A_83 = arith.addi %arg1, %mul3A_82 : i32
      %lt3A = arith.constant 250 : i32
      %lt3A_84 = arith.cmpi slt, %add3A_83, %lt3A : i32
      %convert_element_type3A = arith.extui %lt3A_84 : i1 to i32
      %cond3A = arith.constant 0 : i32
      %cond3A_85 = arith.cmpi ne, %convert_element_type3A, %cond3A : i32
      scf.if %cond3A_85 {
        %mul3A_87 = arith.constant 4000 : i32
        %mul3A_88 = arith.muli %add3A_83, %mul3A_87 : i32
        %multiple_of3A = tpu.assume_multiple %mul3A_88, 8 : i32
        "tpu.region"() ({
          %run_scoped3A = tpu.sem_alloc : memref<!tpu.dma_semaphore, #tpu.memory_space<semaphore_mem>>
          %dma_start3A = tpu.memref_slice %arg9[%multiple_of3A] : memref<1000000xf32, #tpu.memory_space<vmem_shared>> -> memref<4000xf32, #tpu.memory_space<vmem_shared>>
          %dma_start3A_89 = tpu.memref_slice %arg9[%multiple_of3A] : memref<1000000xf32, #tpu.memory_space<vmem_shared>> -> memref<4000xf32, #tpu.memory_space<vmem_shared>>
          tpu.enqueue_dma source(%arg8 : memref<4000xf32, #tpu.memory_space<vmem>>) target(%dma_start3A_89 : memref<4000xf32, #tpu.memory_space<vmem_shared>>) target_semaphore(%run_scoped3A : memref<!tpu.dma_semaphore, #tpu.memory_space<semaphore_mem>>)
          %dma_wait3A = tpu.memref_slice %arg9[%multiple_of3A] : memref<1000000xf32, #tpu.memory_space<vmem_shared>> -> memref<4000xf32, #tpu.memory_space<vmem_shared>>
          %dma_wait3A_90 = tpu.memref_slice %arg9[%multiple_of3A] : memref<1000000xf32, #tpu.memory_space<vmem_shared>> -> memref<4000xf32, #tpu.memory_space<vmem_shared>>
          tpu.wait_dma2 semaphore(%run_scoped3A : memref<!tpu.dma_semaphore, #tpu.memory_space<semaphore_mem>>) src(%arg8 : memref<4000xf32, #tpu.memory_space<vmem>>) dst(%dma_wait3A_90 : memref<4000xf32, #tpu.memory_space<vmem_shared>>)
          tpu.yield
        }) : () -> ()
      } else {
      }
      %scan3A_86 = arith.constant 0 : i32
      scf.yield %scan3A_86 : i32
    }
    %scan3A_13 = arith.constant 16 : i32
    %barrier3A = arith.constant 0 : index
    tpu.barrier barrier_id(%barrier3A)
    %broadcast_in_dim3A = arith.constant 1.000000e+00 : f32
    %broadcast_in_dim3A_14 = vector.broadcast %broadcast_in_dim3A : f32 to vector<16xf32>
    %swap3A = arith.constant 0 : index
    %swap3A_15 = tpu.vector_load %arg7[%swap3A] {strides = array<i32>} : memref<128xf32, #tpu.memory_space<vmem>>, vector<16xf32>,
    %swap3A_16 = vector.shape_cast %swap3A_15 : vector<16xf32> to vector<16xf32>
    %swap3A_17 = vector.shape_cast %broadcast_in_dim3A_14 : vector<16xf32> to vector<16xf32>
    tpu.vector_store %arg7[%swap3A], %swap3A_17 {strides = array<i32>} : memref<128xf32, #tpu.memory_space<vmem>>, vector<16xf32>,
    %broadcast_in_dim3A_18 = arith.constant 1.000000e+00 : f32
    %broadcast_in_dim3A_19 = vector.broadcast %broadcast_in_dim3A_18 : f32 to vector<16xf32>
    %swap3A_20 = arith.constant 16 : index
    %swap3A_21 = tpu.vector_load %arg7[%swap3A_20] {strides = array<i32>} : memref<128xf32, #tpu.memory_space<vmem>>, vector<16xf32>,
    %swap3A_22 = vector.shape_cast %swap3A_21 : vector<16xf32> to vector<16xf32>
    %swap3A_23 = vector.shape_cast %broadcast_in_dim3A_19 : vector<16xf32> to vector<16xf32>
    tpu.vector_store %arg7[%swap3A_20], %swap3A_23 {strides = array<i32>} : memref<128xf32, #tpu.memory_space<vmem>>, vector<16xf32>,
    %broadcast_in_dim3A_24 = arith.constant 1.000000e+00 : f32
    %broadcast_in_dim3A_25 = vector.broadcast %broadcast_in_dim3A_24 : f32 to vector<16xf32>
    %swap3A_26 = arith.constant 32 : index
    %swap3A_27 = tpu.vector_load %arg7[%swap3A_26] {strides = array<i32>} : memref<128xf32, #tpu.memory_space<vmem>>, vector<16xf32>,
    %swap3A_28 = vector.shape_cast %swap3A_27 : vector<16xf32> to vector<16xf32>
    %swap3A_29 = vector.shape_cast %broadcast_in_dim3A_25 : vector<16xf32> to vector<16xf32>
    tpu.vector_store %arg7[%swap3A_26], %swap3A_29 {strides = array<i32>} : memref<128xf32, #tpu.memory_space<vmem>>, vector<16xf32>,
    %broadcast_in_dim3A_30 = arith.constant 1.000000e+00 : f32
    %broadcast_in_dim3A_31 = vector.broadcast %broadcast_in_dim3A_30 : f32 to vector<16xf32>
    %swap3A_32 = arith.constant 48 : index
    %swap3A_33 = tpu.vector_load %arg7[%swap3A_32] {strides = array<i32>} : memref<128xf32, #tpu.memory_space<vmem>>, vector<16xf32>,
    %swap3A_34 = vector.shape_cast %swap3A_33 : vector<16xf32> to vector<16xf32>
    %swap3A_35 = vector.shape_cast %broadcast_in_dim3A_31 : vector<16xf32> to vector<16xf32>
    tpu.vector_store %arg7[%swap3A_32], %swap3A_35 {strides = array<i32>} : memref<128xf32, #tpu.memory_space<vmem>>, vector<16xf32>,
    %broadcast_in_dim3A_36 = arith.constant 1.000000e+00 : f32
    %broadcast_in_dim3A_37 = vector.broadcast %broadcast_in_dim3A_36 : f32 to vector<16xf32>
    %swap3A_38 = arith.constant 64 : index
    %swap3A_39 = tpu.vector_load %arg7[%swap3A_38] {strides = array<i32>} : memref<128xf32, #tpu.memory_space<vmem>>, vector<16xf32>,
    %swap3A_40 = vector.shape_cast %swap3A_39 : vector<16xf32> to vector<16xf32>
    %swap3A_41 = vector.shape_cast %broadcast_in_dim3A_37 : vector<16xf32> to vector<16xf32>
    tpu.vector_store %arg7[%swap3A_38], %swap3A_41 {strides = array<i32>} : memref<128xf32, #tpu.memory_space<vmem>>, vector<16xf32>,
    %broadcast_in_dim3A_42 = arith.constant 1.000000e+00 : f32
    %broadcast_in_dim3A_43 = vector.broadcast %broadcast_in_dim3A_42 : f32 to vector<16xf32>
    %swap3A_44 = arith.constant 80 : index
    %swap3A_45 = tpu.vector_load %arg7[%swap3A_44] {strides = array<i32>} : memref<128xf32, #tpu.memory_space<vmem>>, vector<16xf32>,
    %swap3A_46 = vector.shape_cast %swap3A_45 : vector<16xf32> to vector<16xf32>
    %swap3A_47 = vector.shape_cast %broadcast_in_dim3A_43 : vector<16xf32> to vector<16xf32>
    tpu.vector_store %arg7[%swap3A_44], %swap3A_47 {strides = array<i32>} : memref<128xf32, #tpu.memory_space<vmem>>, vector<16xf32>,
    %broadcast_in_dim3A_48 = arith.constant 1.000000e+00 : f32
    %broadcast_in_dim3A_49 = vector.broadcast %broadcast_in_dim3A_48 : f32 to vector<16xf32>
    %swap3A_50 = arith.constant 96 : index
    %swap3A_51 = tpu.vector_load %arg7[%swap3A_50] {strides = array<i32>} : memref<128xf32, #tpu.memory_space<vmem>>, vector<16xf32>,
    %swap3A_52 = vector.shape_cast %swap3A_51 : vector<16xf32> to vector<16xf32>
    %swap3A_53 = vector.shape_cast %broadcast_in_dim3A_49 : vector<16xf32> to vector<16xf32>
    tpu.vector_store %arg7[%swap3A_50], %swap3A_53 {strides = array<i32>} : memref<128xf32, #tpu.memory_space<vmem>>, vector<16xf32>,
    %broadcast_in_dim3A_54 = arith.constant 1.000000e+00 : f32
    %broadcast_in_dim3A_55 = vector.broadcast %broadcast_in_dim3A_54 : f32 to vector<16xf32>
    %swap3A_56 = arith.constant 112 : index
    %swap3A_57 = tpu.vector_load %arg7[%swap3A_56] {strides = array<i32>} : memref<128xf32, #tpu.memory_space<vmem>>, vector<16xf32>,
    %swap3A_58 = vector.shape_cast %swap3A_57 : vector<16xf32> to vector<16xf32>
    %swap3A_59 = vector.shape_cast %broadcast_in_dim3A_55 : vector<16xf32> to vector<16xf32>
    tpu.vector_store %arg7[%swap3A_56], %swap3A_59 {strides = array<i32>} : memref<128xf32, #tpu.memory_space<vmem>>, vector<16xf32>,
    %mul3A_60 = arith.constant 6272 : i32
    %mul3A_61 = arith.muli %add3A, %mul3A_60 : i32
    %add3A_62 = arith.constant 4096 : i32
    %add3A_63 = arith.addi %add3A_62, %mul3A_61 : i32
    "tpu.region"() ({
      %run_scoped3A = tpu.sem_alloc : memref<!tpu.dma_semaphore, #tpu.memory_space<semaphore_mem>>
      %dma_start3A = tpu.memref_slice %arg2[%add3A_63] : memref<204800xi32, #tpu.memory_space<hbm>> -> memref<6272xi32, #tpu.memory_space<hbm>>
      %dma_start3A_79 = tpu.memref_slice %arg2[%add3A_63] : memref<204800xi32, #tpu.memory_space<hbm>> -> memref<6272xi32, #tpu.memory_space<hbm>>
      tpu.enqueue_dma source(%dma_start3A_79 : memref<6272xi32, #tpu.memory_space<hbm>>) target(%arg5 : memref<6272xi32, #tpu.memory_space<vmem>>) target_semaphore(%run_scoped3A : memref<!tpu.dma_semaphore, #tpu.memory_space<semaphore_mem>>)
      %dma_wait3A = tpu.memref_slice %arg2[%add3A_63] : memref<204800xi32, #tpu.memory_space<hbm>> -> memref<6272xi32, #tpu.memory_space<hbm>>
      %dma_wait3A_80 = tpu.memref_slice %arg2[%add3A_63] : memref<204800xi32, #tpu.memory_space<hbm>> -> memref<6272xi32, #tpu.memory_space<hbm>>
      tpu.wait_dma2 semaphore(%run_scoped3A : memref<!tpu.dma_semaphore, #tpu.memory_space<semaphore_mem>>) src(%dma_wait3A_80 : memref<6272xi32, #tpu.memory_space<hbm>>) dst(%arg5 : memref<6272xi32, #tpu.memory_space<vmem>>)
      tpu.yield
    }) : () -> ()
    %scan3A_64 = arith.constant 0 : i32
    %scan3A_65 = arith.constant 0 : i32
    %scan3A_66 = arith.constant 49 : i32
    %scan3A_67 = arith.addi %scan3A_65, %scan3A_66 : i32
    %scan3A_68 = arith.constant 1 : i32
    %scan3A_69 = scf.for %scan3A_79 = %scan3A_65 to %scan3A_67 step %scan3A_68 iter_args(%scan3A_80 = %scan3A_64) -> (i32)  : i32 {
      %mul3A_81 = arith.constant 128 : i32
      %mul3A_82 = arith.muli %scan3A_79, %mul3A_81 : i32
      %add3A_83 = arith.constant 0 : i32
      %add3A_84 = arith.addi %mul3A_82, %add3A_83 : i32
      %get3A = arith.index_cast %add3A_84 : i32 to index
      %get3A_85 = tpu.vector_load %arg5[%get3A] {strides = array<i32>} : memref<6272xi32, #tpu.memory_space<vmem>>, vector<16xi32>,
      %get3A_86 = vector.shape_cast %get3A_85 : vector<16xi32> to vector<16xi32>
      %swap3A_87 = arith.constant 0 : i32
      %swap3A_88 = arith.index_cast %swap3A_87 : i32 to index
      %swap3A_89 = arith.constant 0 : index
      %swap3A_90 = tpu.vector_load %arg6[%swap3A_88, %swap3A_89] {strides = array<i32>} : memref<1x128xi32, #tpu.memory_space<vmem>>, vector<1x16xi32>,
      %swap3A_91 = vector.shape_cast %swap3A_90 : vector<1x16xi32> to vector<16xi32>
      %swap3A_92 = vector.shape_cast %get3A_86 : vector<16xi32> to vector<1x16xi32>
      tpu.vector_store %arg6[%swap3A_88, %swap3A_89], %swap3A_92 {strides = array<i32>} : memref<1x128xi32, #tpu.memory_space<vmem>>, vector<1x16xi32>,
      %mul3A_93 = arith.constant 128 : i32
      %mul3A_94 = arith.muli %scan3A_79, %mul3A_93 : i32
      %add3A_95 = arith.constant 16 : i32
      %add3A_96 = arith.addi %mul3A_94, %add3A_95 : i32
      %get3A_97 = arith.index_cast %add3A_96 : i32 to index
      %get3A_98 = tpu.vector_load %arg5[%get3A_97] {strides = array<i32>} : memref<6272xi32, #tpu.memory_space<vmem>>, vector<16xi32>,
      %get3A_99 = vector.shape_cast %get3A_98 : vector<16xi32> to vector<16xi32>
      %swap3A_100 = arith.constant 0 : i32
      %swap3A_101 = arith.index_cast %swap3A_100 : i32 to index
      %swap3A_102 = arith.constant 16 : index
      %swap3A_103 = tpu.vector_load %arg6[%swap3A_101, %swap3A_102] {strides = array<i32>} : memref<1x128xi32, #tpu.memory_space<vmem>>, vector<1x16xi32>,
      %swap3A_104 = vector.shape_cast %swap3A_103 : vector<1x16xi32> to vector<16xi32>
      %swap3A_105 = vector.shape_cast %get3A_99 : vector<16xi32> to vector<1x16xi32>
      tpu.vector_store %arg6[%swap3A_101, %swap3A_102], %swap3A_105 {strides = array<i32>} : memref<1x128xi32, #tpu.memory_space<vmem>>, vector<1x16xi32>,
      %mul3A_106 = arith.constant 128 : i32
      %mul3A_107 = arith.muli %scan3A_79, %mul3A_106 : i32
      %add3A_108 = arith.constant 32 : i32
      %add3A_109 = arith.addi %mul3A_107, %add3A_108 : i32
      %get3A_110 = arith.index_cast %add3A_109 : i32 to index
      %get3A_111 = tpu.vector_load %arg5[%get3A_110] {strides = array<i32>} : memref<6272xi32, #tpu.memory_space<vmem>>, vector<16xi32>,
      %get3A_112 = vector.shape_cast %get3A_111 : vector<16xi32> to vector<16xi32>
      %swap3A_113 = arith.constant 0 : i32
      %swap3A_114 = arith.index_cast %swap3A_113 : i32 to index
      %swap3A_115 = arith.constant 32 : index
      %swap3A_116 = tpu.vector_load %arg6[%swap3A_114, %swap3A_115] {strides = array<i32>} : memref<1x128xi32, #tpu.memory_space<vmem>>, vector<1x16xi32>,
      %swap3A_117 = vector.shape_cast %swap3A_116 : vector<1x16xi32> to vector<16xi32>
      %swap3A_118 = vector.shape_cast %get3A_112 : vector<16xi32> to vector<1x16xi32>
      tpu.vector_store %arg6[%swap3A_114, %swap3A_115], %swap3A_118 {strides = array<i32>} : memref<1x128xi32, #tpu.memory_space<vmem>>, vector<1x16xi32>,
      %mul3A_119 = arith.constant 128 : i32
      %mul3A_120 = arith.muli %scan3A_79, %mul3A_119 : i32
      %add3A_121 = arith.constant 48 : i32
      %add3A_122 = arith.addi %mul3A_120, %add3A_121 : i32
      %get3A_123 = arith.index_cast %add3A_122 : i32 to index
      %get3A_124 = tpu.vector_load %arg5[%get3A_123] {strides = array<i32>} : memref<6272xi32, #tpu.memory_space<vmem>>, vector<16xi32>,
      %get3A_125 = vector.shape_cast %get3A_124 : vector<16xi32> to vector<16xi32>
      %swap3A_126 = arith.constant 0 : i32
      %swap3A_127 = arith.index_cast %swap3A_126 : i32 to index
      %swap3A_128 = arith.constant 48 : index
      %swap3A_129 = tpu.vector_load %arg6[%swap3A_127, %swap3A_128] {strides = array<i32>} : memref<1x128xi32, #tpu.memory_space<vmem>>, vector<1x16xi32>,
      %swap3A_130 = vector.shape_cast %swap3A_129 : vector<1x16xi32> to vector<16xi32>
      %swap3A_131 = vector.shape_cast %get3A_125 : vector<16xi32> to vector<1x16xi32>
      tpu.vector_store %arg6[%swap3A_127, %swap3A_128], %swap3A_131 {strides = array<i32>} : memref<1x128xi32, #tpu.memory_space<vmem>>, vector<1x16xi32>,
      %mul3A_132 = arith.constant 128 : i32
      %mul3A_133 = arith.muli %scan3A_79, %mul3A_132 : i32
      %add3A_134 = arith.constant 64 : i32
      %add3A_135 = arith.addi %mul3A_133, %add3A_134 : i32
      %get3A_136 = arith.index_cast %add3A_135 : i32 to index
      %get3A_137 = tpu.vector_load %arg5[%get3A_136] {strides = array<i32>} : memref<6272xi32, #tpu.memory_space<vmem>>, vector<16xi32>,
      %get3A_138 = vector.shape_cast %get3A_137 : vector<16xi32> to vector<16xi32>
      %swap3A_139 = arith.constant 0 : i32
      %swap3A_140 = arith.index_cast %swap3A_139 : i32 to index
      %swap3A_141 = arith.constant 64 : index
      %swap3A_142 = tpu.vector_load %arg6[%swap3A_140, %swap3A_141] {strides = array<i32>} : memref<1x128xi32, #tpu.memory_space<vmem>>, vector<1x16xi32>,
      %swap3A_143 = vector.shape_cast %swap3A_142 : vector<1x16xi32> to vector<16xi32>
      %swap3A_144 = vector.shape_cast %get3A_138 : vector<16xi32> to vector<1x16xi32>
      tpu.vector_store %arg6[%swap3A_140, %swap3A_141], %swap3A_144 {strides = array<i32>} : memref<1x128xi32, #tpu.memory_space<vmem>>, vector<1x16xi32>,
      %mul3A_145 = arith.constant 128 : i32
      %mul3A_146 = arith.muli %scan3A_79, %mul3A_145 : i32
      %add3A_147 = arith.constant 80 : i32
      %add3A_148 = arith.addi %mul3A_146, %add3A_147 : i32
      %get3A_149 = arith.index_cast %add3A_148 : i32 to index
      %get3A_150 = tpu.vector_load %arg5[%get3A_149] {strides = array<i32>} : memref<6272xi32, #tpu.memory_space<vmem>>, vector<16xi32>,
      %get3A_151 = vector.shape_cast %get3A_150 : vector<16xi32> to vector<16xi32>
      %swap3A_152 = arith.constant 0 : i32
      %swap3A_153 = arith.index_cast %swap3A_152 : i32 to index
      %swap3A_154 = arith.constant 80 : index
      %swap3A_155 = tpu.vector_load %arg6[%swap3A_153, %swap3A_154] {strides = array<i32>} : memref<1x128xi32, #tpu.memory_space<vmem>>, vector<1x16xi32>,
      %swap3A_156 = vector.shape_cast %swap3A_155 : vector<1x16xi32> to vector<16xi32>
      %swap3A_157 = vector.shape_cast %get3A_151 : vector<16xi32> to vector<1x16xi32>
      tpu.vector_store %arg6[%swap3A_153, %swap3A_154], %swap3A_157 {strides = array<i32>} : memref<1x128xi32, #tpu.memory_space<vmem>>, vector<1x16xi32>,
      %mul3A_158 = arith.constant 128 : i32
      %mul3A_159 = arith.muli %scan3A_79, %mul3A_158 : i32
      %add3A_160 = arith.constant 96 : i32
      %add3A_161 = arith.addi %mul3A_159, %add3A_160 : i32
      %get3A_162 = arith.index_cast %add3A_161 : i32 to index
      %get3A_163 = tpu.vector_load %arg5[%get3A_162] {strides = array<i32>} : memref<6272xi32, #tpu.memory_space<vmem>>, vector<16xi32>,
      %get3A_164 = vector.shape_cast %get3A_163 : vector<16xi32> to vector<16xi32>
      %swap3A_165 = arith.constant 0 : i32
      %swap3A_166 = arith.index_cast %swap3A_165 : i32 to index
      %swap3A_167 = arith.constant 96 : index
      %swap3A_168 = tpu.vector_load %arg6[%swap3A_166, %swap3A_167] {strides = array<i32>} : memref<1x128xi32, #tpu.memory_space<vmem>>, vector<1x16xi32>,
      %swap3A_169 = vector.shape_cast %swap3A_168 : vector<1x16xi32> to vector<16xi32>
      %swap3A_170 = vector.shape_cast %get3A_164 : vector<16xi32> to vector<1x16xi32>
      tpu.vector_store %arg6[%swap3A_166, %swap3A_167], %swap3A_170 {strides = array<i32>} : memref<1x128xi32, #tpu.memory_space<vmem>>, vector<1x16xi32>,
      %mul3A_171 = arith.constant 128 : i32
      %mul3A_172 = arith.muli %scan3A_79, %mul3A_171 : i32
      %add3A_173 = arith.constant 112 : i32
      %add3A_174 = arith.addi %mul3A_172, %add3A_173 : i32
      %get3A_175 = arith.index_cast %add3A_174 : i32 to index
      %get3A_176 = tpu.vector_load %arg5[%get3A_175] {strides = array<i32>} : memref<6272xi32, #tpu.memory_space<vmem>>, vector<16xi32>,
      %get3A_177 = vector.shape_cast %get3A_176 : vector<16xi32> to vector<16xi32>
      %swap3A_178 = arith.constant 0 : i32
      %swap3A_179 = arith.index_cast %swap3A_178 : i32 to index
      %swap3A_180 = arith.constant 112 : index
      %swap3A_181 = tpu.vector_load %arg6[%swap3A_179, %swap3A_180] {strides = array<i32>} : memref<1x128xi32, #tpu.memory_space<vmem>>, vector<1x16xi32>,
      %swap3A_182 = vector.shape_cast %swap3A_181 : vector<1x16xi32> to vector<16xi32>
      %swap3A_183 = vector.shape_cast %get3A_177 : vector<16xi32> to vector<1x16xi32>
      tpu.vector_store %arg6[%swap3A_179, %swap3A_180], %swap3A_183 {strides = array<i32>} : memref<1x128xi32, #tpu.memory_space<vmem>>, vector<1x16xi32>,
      %run_scoped3A = arith.constant 0 : i32
      "tpu.region"() ({
        %run_scoped3A_185 = tpu.sem_alloc : memref<!tpu.dma_semaphore, #tpu.memory_space<semaphore_mem>>
        %dma_start3A = arith.constant 0 : i32
        %dma_start3A_186 = tpu.memref_slice %arg6[%run_scoped3A, %dma_start3A] : memref<1x128xi32, #tpu.memory_space<vmem>> -> memref<1x128xi32, #tpu.memory_space<vmem>>
        %dma_start3A_187 = tpu.memref_squeeze %dma_start3A_186 : memref<1x128xi32, #tpu.memory_space<vmem>> -> memref<128xi32, #tpu.memory_space<vmem>>
        %dma_start3A_188 = arith.constant 0 : i32
        %dma_start3A_189 = tpu.memref_slice %arg9[%dma_start3A_188] : memref<1000000xf32, #tpu.memory_space<vmem_shared>> -> memref<1000000xf32, #tpu.memory_space<vmem_shared>>
        tpu.enqueue_indirect_dma source(%arg7 : memref<128xf32, #tpu.memory_space<vmem>>) target(%dma_start3A_189 : memref<1000000xf32, #tpu.memory_space<vmem_shared>>) offsets(%dma_start3A_187 : memref<128xi32, #tpu.memory_space<vmem>>) semaphore(%run_scoped3A_185 : memref<!tpu.dma_semaphore, #tpu.memory_space<semaphore_mem>>) {add = true}
        %dma_wait3A = arith.constant 0 : i32
        %dma_wait3A_190 = tpu.memref_slice %arg6[%run_scoped3A, %dma_wait3A] : memref<1x128xi32, #tpu.memory_space<vmem>> -> memref<1x128xi32, #tpu.memory_space<vmem>>
        %dma_wait3A_191 = tpu.memref_squeeze %dma_wait3A_190 : memref<1x128xi32, #tpu.memory_space<vmem>> -> memref<128xi32, #tpu.memory_space<vmem>>
        %dma_wait3A_192 = arith.constant 0 : i32
        %dma_wait3A_193 = tpu.memref_slice %arg9[%dma_wait3A_192] : memref<1000000xf32, #tpu.memory_space<vmem_shared>> -> memref<1000000xf32, #tpu.memory_space<vmem_shared>>
        tpu.wait_indirect_dma semaphore(%run_scoped3A_185 : memref<!tpu.dma_semaphore, #tpu.memory_space<semaphore_mem>>) src(%arg7 : memref<128xf32, #tpu.memory_space<vmem>>) dst(%dma_wait3A_193 : memref<1000000xf32, #tpu.memory_space<vmem_shared>>)
        tpu.yield
      }) : () -> ()
      %scan3A_184 = arith.constant 0 : i32
      scf.yield %scan3A_184 : i32
    }
    %scan3A_70 = arith.constant 49 : i32
    %barrier3A_71 = arith.constant 0 : index
    tpu.barrier barrier_id(%barrier3A_71)
    %scan3A_72 = arith.constant 0 : i32
    %scan3A_73 = arith.constant 0 : i32
    %scan3A_74 = arith.constant 16 : i32
    %scan3A_75 = arith.addi %scan3A_73, %scan3A_74 : i32
    %scan3A_76 = arith.constant 1 : i32
    %scan3A_77 = scf.for %scan3A_79 = %scan3A_73 to %scan3A_75 step %scan3A_76 iter_args(%scan3A_80 = %scan3A_72) -> (i32)  : i32 {
      %mul3A_81 = arith.constant 16 : i32
      %mul3A_82 = arith.muli %scan3A_79, %mul3A_81 : i32
      %add3A_83 = arith.addi %arg1, %mul3A_82 : i32
      %lt3A = arith.constant 250 : i32
      %lt3A_84 = arith.cmpi slt, %add3A_83, %lt3A : i32
      %convert_element_type3A = arith.extui %lt3A_84 : i1 to i32
      %cond3A = arith.constant 0 : i32
      %cond3A_85 = arith.cmpi ne, %convert_element_type3A, %cond3A : i32
      scf.if %cond3A_85 {
        %mul3A_87 = arith.constant 4000 : i32
        %mul3A_88 = arith.muli %add3A_83, %mul3A_87 : i32
        %multiple_of3A = tpu.assume_multiple %mul3A_88, 8 : i32
        "tpu.region"() ({
          %run_scoped3A = tpu.sem_alloc : memref<!tpu.dma_semaphore, #tpu.memory_space<semaphore_mem>>
          %dma_start3A = tpu.memref_slice %arg9[%multiple_of3A] : memref<1000000xf32, #tpu.memory_space<vmem_shared>> -> memref<4000xf32, #tpu.memory_space<vmem_shared>>
          %dma_start3A_98 = tpu.memref_slice %arg9[%multiple_of3A] : memref<1000000xf32, #tpu.memory_space<vmem_shared>> -> memref<4000xf32, #tpu.memory_space<vmem_shared>>
          tpu.enqueue_dma source(%dma_start3A_98 : memref<4000xf32, #tpu.memory_space<vmem_shared>>) target(%arg8 : memref<4000xf32, #tpu.memory_space<vmem>>) target_semaphore(%run_scoped3A : memref<!tpu.dma_semaphore, #tpu.memory_space<semaphore_mem>>)
          %dma_wait3A = tpu.memref_slice %arg9[%multiple_of3A] : memref<1000000xf32, #tpu.memory_space<vmem_shared>> -> memref<4000xf32, #tpu.memory_space<vmem_shared>>
          %dma_wait3A_99 = tpu.memref_slice %arg9[%multiple_of3A] : memref<1000000xf32, #tpu.memory_space<vmem_shared>> -> memref<4000xf32, #tpu.memory_space<vmem_shared>>
          tpu.wait_dma2 semaphore(%run_scoped3A : memref<!tpu.dma_semaphore, #tpu.memory_space<semaphore_mem>>) src(%dma_wait3A_99 : memref<4000xf32, #tpu.memory_space<vmem_shared>>) dst(%arg8 : memref<4000xf32, #tpu.memory_space<vmem>>)
          tpu.yield
        }) : () -> ()
        %eq3A = arith.constant 0 : i32
        %eq3A_89 = arith.cmpi eq, %arg0, %eq3A : i32
        %convert_element_type3A_90 = arith.extui %eq3A_89 : i1 to i32
        %cond3A_91 = arith.constant 0 : i32
        %cond3A_92 = arith.cmpi ne, %convert_element_type3A_90, %cond3A_91 : i32
        scf.if %cond3A_92 {
          %mul3A_98 = arith.constant 4000 : i32
          %mul3A_99 = arith.muli %add3A_83, %mul3A_98 : i32
          %multiple_of3A_100 = tpu.assume_multiple %mul3A_99, 8 : i32
          "tpu.region"() ({
            %run_scoped3A = tpu.sem_alloc : memref<!tpu.dma_semaphore, #tpu.memory_space<semaphore_mem>>
            %dma_start3A = tpu.memref_slice %arg3[%multiple_of3A_100] : memref<1000000xf32, #tpu.memory_space<hbm>> -> memref<4000xf32, #tpu.memory_space<hbm>>
            %dma_start3A_101 = tpu.memref_slice %arg3[%multiple_of3A_100] : memref<1000000xf32, #tpu.memory_space<hbm>> -> memref<4000xf32, #tpu.memory_space<hbm>>
            tpu.enqueue_dma source(%arg8 : memref<4000xf32, #tpu.memory_space<vmem>>) target(%dma_start3A_101 : memref<4000xf32, #tpu.memory_space<hbm>>) target_semaphore(%run_scoped3A : memref<!tpu.dma_semaphore, #tpu.memory_space<semaphore_mem>>)
            %dma_wait3A = tpu.memref_slice %arg3[%multiple_of3A_100] : memref<1000000xf32, #tpu.memory_space<hbm>> -> memref<4000xf32, #tpu.memory_space<hbm>>
            %dma_wait3A_102 = tpu.memref_slice %arg3[%multiple_of3A_100] : memref<1000000xf32, #tpu.memory_space<hbm>> -> memref<4000xf32, #tpu.memory_space<hbm>>
            tpu.wait_dma2 semaphore(%run_scoped3A : memref<!tpu.dma_semaphore, #tpu.memory_space<semaphore_mem>>) src(%arg8 : memref<4000xf32, #tpu.memory_space<vmem>>) dst(%dma_wait3A_102 : memref<4000xf32, #tpu.memory_space<hbm>>)
            tpu.yield
          }) : () -> ()
        } else {
        }
        %eq3A_93 = arith.constant 1 : i32
        %eq3A_94 = arith.cmpi eq, %arg0, %eq3A_93 : i32
        %convert_element_type3A_95 = arith.extui %eq3A_94 : i1 to i32
        %cond3A_96 = arith.constant 0 : i32
        %cond3A_97 = arith.cmpi ne, %convert_element_type3A_95, %cond3A_96 : i32
        scf.if %cond3A_97 {
          %mul3A_98 = arith.constant 4000 : i32
          %mul3A_99 = arith.muli %add3A_83, %mul3A_98 : i32
          %multiple_of3A_100 = tpu.assume_multiple %mul3A_99, 8 : i32
          "tpu.region"() ({
            %run_scoped3A = tpu.sem_alloc : memref<!tpu.dma_semaphore, #tpu.memory_space<semaphore_mem>>
            %dma_start3A = tpu.memref_slice %arg4[%multiple_of3A_100] : memref<1000000xf32, #tpu.memory_space<hbm>> -> memref<4000xf32, #tpu.memory_space<hbm>>
            %dma_start3A_101 = tpu.memref_slice %arg4[%multiple_of3A_100] : memref<1000000xf32, #tpu.memory_space<hbm>> -> memref<4000xf32, #tpu.memory_space<hbm>>
            tpu.enqueue_dma source(%arg8 : memref<4000xf32, #tpu.memory_space<vmem>>) target(%dma_start3A_101 : memref<4000xf32, #tpu.memory_space<hbm>>) target_semaphore(%run_scoped3A : memref<!tpu.dma_semaphore, #tpu.memory_space<semaphore_mem>>)
            %dma_wait3A = tpu.memref_slice %arg4[%multiple_of3A_100] : memref<1000000xf32, #tpu.memory_space<hbm>> -> memref<4000xf32, #tpu.memory_space<hbm>>
            %dma_wait3A_102 = tpu.memref_slice %arg4[%multiple_of3A_100] : memref<1000000xf32, #tpu.memory_space<hbm>> -> memref<4000xf32, #tpu.memory_space<hbm>>
            tpu.wait_dma2 semaphore(%run_scoped3A : memref<!tpu.dma_semaphore, #tpu.memory_space<semaphore_mem>>) src(%arg8 : memref<4000xf32, #tpu.memory_space<vmem>>) dst(%dma_wait3A_102 : memref<4000xf32, #tpu.memory_space<hbm>>)
            tpu.yield
          }) : () -> ()
        } else {
        }
      } else {
      }
      %scan3A_86 = arith.constant 0 : i32
      scf.yield %scan3A_86 : i32
    }
    %scan3A_78 = arith.constant 16 : i32
    return
  }
}

module attributes {stable_mosaic.version = 14 : i64} {
  func.func @_matvec_body(%arg0: i32, %arg1: memref<1x1x8000xf32, #tpu.memory_space<vmem>>, %arg2: memref<8000x64xf32, #tpu.memory_space<vmem>>, %arg3: memref<1x64xf32, #tpu.memory_space<vmem>>) attributes {dimension_semantics = [#tpu.dimension_semantics<arbitrary>], iteration_bounds = array<i64: 125>, scalar_prefetch = 0 : i64, scratch_operands = 0 : i64, tpu.core_type = #tpu.core_type<tc>, window_params = [{transform_indices = @transform_0, window_bounds = array<i64: 1, 1, 8000>}, {transform_indices = @transform_1, window_bounds = array<i64: 8000, 64>}, {pipeline_mode = #tpu.pipeline_mode<synchronous>, transform_indices = @transform_2, window_bounds = array<i64: 1, 64>}]} {
    %get3A = arith.constant 0 : index
    %get3A_0 = arith.constant 0 : index
    %get3A_1 = arith.constant 0 : index
    %get3A_2 = vector.load %arg1[%get3A, %get3A_0, %get3A_1] : memref<1x1x8000xf32, #tpu.memory_space<vmem>>, vector<1x1x8000xf32>
    %get3A_3 = vector.shape_cast %get3A_2 : vector<1x1x8000xf32> to vector<1x8000xf32>
    %get3A_4 = arith.constant 0 : index
    %get3A_5 = arith.constant 0 : index
    %get3A_6 = vector.load %arg2[%get3A_4, %get3A_5] : memref<8000x64xf32, #tpu.memory_space<vmem>>, vector<8000x64xf32>
    %dot_general3A = arith.constant dense<0.000000e+00> : vector<1x64xf32>
    %dot_general3A_7 = tpu.matmul %get3A_3, %get3A_6, %dot_general3A {dimension_numbers = #tpu.dot_dimension_numbers<[1], [0], [0], [1], [0, 0, 1, 1], [], []>, transpose_lhs_hint = false} : vector<1x8000xf32>, vector<8000x64xf32>, vector<1x64xf32> -> vector<1x64xf32>
    %eq3A = arith.constant 0 : i32
    %eq3A_8 = arith.cmpi eq, %arg0, %eq3A : i32
    %get3A_9 = arith.constant 0 : index
    %get3A_10 = arith.constant 0 : index
    %get3A_11 = vector.load %arg3[%get3A_9, %get3A_10] : memref<1x64xf32, #tpu.memory_space<vmem>>, vector<1x64xf32>
    %add3A = arith.addf %get3A_11, %dot_general3A_7 : vector<1x64xf32>
    %select_n3A = arith.select %eq3A_8, %dot_general3A_7, %add3A : vector<1x64xf32>
    %swap3A = arith.constant 0 : index
    %swap3A_12 = arith.constant 0 : index
    %swap3A_13 = vector.load %arg3[%swap3A, %swap3A_12] : memref<1x64xf32, #tpu.memory_space<vmem>>, vector<1x64xf32>
    tpu.vector_store %arg3[%swap3A, %swap3A_12], %select_n3A {strides = array<i32>} : memref<1x64xf32, #tpu.memory_space<vmem>>, vector<1x64xf32>,
    return
  }
  func.func @transform_0(%arg0: i32) -> (i32, i32, i32) {
    %c0_i32 = arith.constant 0 : i32
    %c0_i32_0 = arith.constant 0 : i32
    %c0_i32_1 = arith.constant 0 : i32
    return %arg0, %c0_i32, %c0_i32_0 : i32, i32, i32
  }
  func.func @transform_1(%arg0: i32) -> (i32, i32) {
    %c0_i32 = arith.constant 0 : i32
    %c0_i32_0 = arith.constant 0 : i32
    return %arg0, %c0_i32 : i32, i32
  }
  func.func @transform_2(%arg0: i32) -> (i32, i32) {
    %c0_i32 = arith.constant 0 : i32
    %c0_i32_0 = arith.constant 0 : i32
    %c0_i32_1 = arith.constant 0 : i32
    return %c0_i32, %c0_i32_0 : i32, i32
  }
}

module attributes {stable_mosaic.version = 14 : i64} {
  func.func @_mlp_body(%arg0: memref<4096x64xf32, #tpu.memory_space<vmem>>, %arg1: memref<1x64xf32, #tpu.memory_space<vmem>>, %arg2: memref<4096x32xf32, #tpu.memory_space<vmem>>, %arg3: memref<4096x16xf32, #tpu.memory_space<vmem>>, %arg4: memref<64x64xf32, #tpu.memory_space<vmem>>, %arg5: memref<1x64xf32, #tpu.memory_space<vmem>>, %arg6: memref<32x64xf32, #tpu.memory_space<vmem>>, %arg7: memref<1x64xf32, #tpu.memory_space<vmem>>, %arg8: memref<16x64xf32, #tpu.memory_space<vmem>>, %arg9: memref<1x64xf32, #tpu.memory_space<vmem>>, %arg10: memref<64x128xf32, #tpu.memory_space<vmem>>, %arg11: memref<64x128xf32, #tpu.memory_space<vmem>>, %arg12: memref<64x128xf32, #tpu.memory_space<vmem>>, %arg13: memref<1x128xf32, #tpu.memory_space<vmem>>, %arg14: memref<128x16xf32, #tpu.memory_space<vmem>>, %arg15: memref<1x16xf32, #tpu.memory_space<vmem>>, %arg16: memref<4096x16xf32, #tpu.memory_space<vmem>>) attributes {dimension_semantics = [], scalar_prefetch = 0 : i64, scratch_operands = 0 : i64, tpu.core_type = #tpu.core_type<tc>} {
    %get3A = arith.constant 0 : index
    %get3A_0 = arith.constant 0 : index
    %get3A_1 = vector.load %arg0[%get3A, %get3A_0] : memref<4096x64xf32, #tpu.memory_space<vmem>>, vector<4096x64xf32>
    %get3A_2 = arith.constant 0 : index
    %get3A_3 = arith.constant 0 : index
    %get3A_4 = vector.load %arg1[%get3A_2, %get3A_3] : memref<1x64xf32, #tpu.memory_space<vmem>>, vector<1x64xf32>
    %iota3A = tpu.iota {dimensions = array<i32: 0>} : vector<4096x64xi32>
    %eq3A = arith.constant 4095 : i32
    %eq3A_5 = vector.broadcast %eq3A : i32 to vector<4096x64xi32>
    %eq3A_6 = arith.cmpi eq, %iota3A, %eq3A_5 : vector<4096x64xi32>
    %add3A = vector.broadcast %get3A_4 : vector<1x64xf32> to vector<4096x64xf32>
    %add3A_7 = arith.addf %get3A_1, %add3A : vector<4096x64xf32>
    %mul3A = arith.constant 4.98243708E-6 : f32
    %mul3A_8 = vector.broadcast %mul3A : f32 to vector<4096x64xf32>
    %mul3A_9 = arith.mulf %add3A_7, %mul3A_8 : vector<4096x64xf32>
    %select_n3A = arith.select %eq3A_6, %mul3A_9, %get3A_1 : vector<4096x64xi1>, vector<4096x64xf32>
    %get3A_10 = arith.constant 0 : index
    %get3A_11 = arith.constant 0 : index
    %get3A_12 = vector.load %arg4[%get3A_10, %get3A_11] : memref<64x64xf32, #tpu.memory_space<vmem>>, vector<64x64xf32>
    %dot_general3A = arith.constant dense<0.000000e+00> : vector<4096x64xf32>
    %dot_general3A_13 = tpu.matmul %select_n3A, %get3A_12, %dot_general3A {dimension_numbers = #tpu.dot_dimension_numbers<[1], [0], [0], [1], [0, 0, 1, 1], [], []>, transpose_lhs_hint = false} : vector<4096x64xf32>, vector<64x64xf32>, vector<4096x64xf32> -> vector<4096x64xf32>
    %get3A_14 = arith.constant 0 : index
    %get3A_15 = arith.constant 0 : index
    %get3A_16 = vector.load %arg5[%get3A_14, %get3A_15] : memref<1x64xf32, #tpu.memory_space<vmem>>, vector<1x64xf32>
    %add3A_17 = vector.broadcast %get3A_16 : vector<1x64xf32> to vector<4096x64xf32>
    %add3A_18 = arith.addf %dot_general3A_13, %add3A_17 : vector<4096x64xf32>
    %get3A_19 = arith.constant 0 : index
    %get3A_20 = arith.constant 0 : index
    %get3A_21 = vector.load %arg2[%get3A_19, %get3A_20] : memref<4096x32xf32, #tpu.memory_space<vmem>>, vector<4096x32xf32>
    %get3A_22 = arith.constant 0 : index
    %get3A_23 = arith.constant 0 : index
    %get3A_24 = vector.load %arg6[%get3A_22, %get3A_23] : memref<32x64xf32, #tpu.memory_space<vmem>>, vector<32x64xf32>
    %dot_general3A_25 = arith.constant dense<0.000000e+00> : vector<4096x64xf32>
    %dot_general3A_26 = tpu.matmul %get3A_21, %get3A_24, %dot_general3A_25 {dimension_numbers = #tpu.dot_dimension_numbers<[1], [0], [0], [1], [0, 0, 1, 1], [], []>, transpose_lhs_hint = false} : vector<4096x32xf32>, vector<32x64xf32>, vector<4096x64xf32> -> vector<4096x64xf32>
    %get3A_27 = arith.constant 0 : index
    %get3A_28 = arith.constant 0 : index
    %get3A_29 = vector.load %arg7[%get3A_27, %get3A_28] : memref<1x64xf32, #tpu.memory_space<vmem>>, vector<1x64xf32>
    %add3A_30 = vector.broadcast %get3A_29 : vector<1x64xf32> to vector<4096x64xf32>
    %add3A_31 = arith.addf %dot_general3A_26, %add3A_30 : vector<4096x64xf32>
    %get3A_32 = arith.constant 0 : index
    %get3A_33 = arith.constant 0 : index
    %get3A_34 = vector.load %arg3[%get3A_32, %get3A_33] : memref<4096x16xf32, #tpu.memory_space<vmem>>, vector<4096x16xf32>
    %get3A_35 = arith.constant 0 : index
    %get3A_36 = arith.constant 0 : index
    %get3A_37 = vector.load %arg8[%get3A_35, %get3A_36] : memref<16x64xf32, #tpu.memory_space<vmem>>, vector<16x64xf32>
    %dot_general3A_38 = arith.constant dense<0.000000e+00> : vector<4096x64xf32>
    %dot_general3A_39 = tpu.matmul %get3A_34, %get3A_37, %dot_general3A_38 {dimension_numbers = #tpu.dot_dimension_numbers<[1], [0], [0], [1], [0, 0, 1, 1], [], []>, transpose_lhs_hint = false} : vector<4096x16xf32>, vector<16x64xf32>, vector<4096x64xf32> -> vector<4096x64xf32>
    %get3A_40 = arith.constant 0 : index
    %get3A_41 = arith.constant 0 : index
    %get3A_42 = vector.load %arg9[%get3A_40, %get3A_41] : memref<1x64xf32, #tpu.memory_space<vmem>>, vector<1x64xf32>
    %add3A_43 = vector.broadcast %get3A_42 : vector<1x64xf32> to vector<4096x64xf32>
    %add3A_44 = arith.addf %dot_general3A_39, %add3A_43 : vector<4096x64xf32>
    %get3A_45 = arith.constant 0 : index
    %get3A_46 = arith.constant 0 : index
    %get3A_47 = vector.load %arg10[%get3A_45, %get3A_46] : memref<64x128xf32, #tpu.memory_space<vmem>>, vector<64x128xf32>
    %dot_general3A_48 = arith.constant dense<0.000000e+00> : vector<4096x128xf32>
    %dot_general3A_49 = tpu.matmul %add3A_18, %get3A_47, %dot_general3A_48 {dimension_numbers = #tpu.dot_dimension_numbers<[1], [0], [0], [1], [0, 0, 1, 1], [], []>, transpose_lhs_hint = false} : vector<4096x64xf32>, vector<64x128xf32>, vector<4096x128xf32> -> vector<4096x128xf32>
    %get3A_50 = arith.constant 0 : index
    %get3A_51 = arith.constant 0 : index
    %get3A_52 = vector.load %arg11[%get3A_50, %get3A_51] : memref<64x128xf32, #tpu.memory_space<vmem>>, vector<64x128xf32>
    %dot_general3A_53 = arith.constant dense<0.000000e+00> : vector<4096x128xf32>
    %dot_general3A_54 = tpu.matmul %add3A_31, %get3A_52, %dot_general3A_53 {dimension_numbers = #tpu.dot_dimension_numbers<[1], [0], [0], [1], [0, 0, 1, 1], [], []>, transpose_lhs_hint = false} : vector<4096x64xf32>, vector<64x128xf32>, vector<4096x128xf32> -> vector<4096x128xf32>
    %add3A_55 = arith.addf %dot_general3A_49, %dot_general3A_54 : vector<4096x128xf32>
    %get3A_56 = arith.constant 0 : index
    %get3A_57 = arith.constant 0 : index
    %get3A_58 = vector.load %arg12[%get3A_56, %get3A_57] : memref<64x128xf32, #tpu.memory_space<vmem>>, vector<64x128xf32>
    %dot_general3A_59 = arith.constant dense<0.000000e+00> : vector<4096x128xf32>
    %dot_general3A_60 = tpu.matmul %add3A_44, %get3A_58, %dot_general3A_59 {dimension_numbers = #tpu.dot_dimension_numbers<[1], [0], [0], [1], [0, 0, 1, 1], [], []>, transpose_lhs_hint = false} : vector<4096x64xf32>, vector<64x128xf32>, vector<4096x128xf32> -> vector<4096x128xf32>
    %add3A_61 = arith.addf %add3A_55, %dot_general3A_60 : vector<4096x128xf32>
    %get3A_62 = arith.constant 0 : index
    %get3A_63 = arith.constant 0 : index
    %get3A_64 = vector.load %arg13[%get3A_62, %get3A_63] : memref<1x128xf32, #tpu.memory_space<vmem>>, vector<1x128xf32>
    %add3A_65 = vector.broadcast %get3A_64 : vector<1x128xf32> to vector<4096x128xf32>
    %add3A_66 = arith.addf %add3A_61, %add3A_65 : vector<4096x128xf32>
    %max3A = arith.constant 0.000000e+00 : f32
    %max3A_67 = vector.broadcast %max3A : f32 to vector<4096x128xf32>
    %max3A_68 = arith.maximumf %add3A_66, %max3A_67 : vector<4096x128xf32>
    %get3A_69 = arith.constant 0 : index
    %get3A_70 = arith.constant 0 : index
    %get3A_71 = vector.load %arg14[%get3A_69, %get3A_70] : memref<128x16xf32, #tpu.memory_space<vmem>>, vector<128x16xf32>
    %dot_general3A_72 = arith.constant dense<0.000000e+00> : vector<4096x16xf32>
    %dot_general3A_73 = tpu.matmul %max3A_68, %get3A_71, %dot_general3A_72 {dimension_numbers = #tpu.dot_dimension_numbers<[1], [0], [0], [1], [0, 0, 1, 1], [], []>, transpose_lhs_hint = false} : vector<4096x128xf32>, vector<128x16xf32>, vector<4096x16xf32> -> vector<4096x16xf32>
    %get3A_74 = arith.constant 0 : index
    %get3A_75 = arith.constant 0 : index
    %get3A_76 = vector.load %arg15[%get3A_74, %get3A_75] : memref<1x16xf32, #tpu.memory_space<vmem>>, vector<1x16xf32>
    %add3A_77 = vector.broadcast %get3A_76 : vector<1x16xf32> to vector<4096x16xf32>
    %add3A_78 = arith.addf %dot_general3A_73, %add3A_77 : vector<4096x16xf32>
    %swap3A = arith.constant 0 : index
    %swap3A_79 = arith.constant 0 : index
    %swap3A_80 = vector.load %arg16[%swap3A, %swap3A_79] : memref<4096x16xf32, #tpu.memory_space<vmem>>, vector<4096x16xf32>
    tpu.vector_store %arg16[%swap3A, %swap3A_79], %add3A_78 {strides = array<i32>} : memref<4096x16xf32, #tpu.memory_space<vmem>>, vector<4096x16xf32>,
    return
  }
}

</mosaic_0001>

<sc_bundles>
// kernel: kernel.6.cloned.1.call-start
scs
__scs_entry_jumppad:
0x0: {  	(pc) =	sbr.rel $0x88, $3  }
0x1: {  	(tag) =	ssettag $0x0;
	lr =	simm.s32 $0x1  }
0x2: {  	[smem:$0x3F92] =	sst lr;
	_ =	strace $0xD0000000  }
0x3: {  	_ = 	snop  }
0x4: {  	_ = 	snop  }
0x5: {  	_ = 	snop  }
0x6: {  	_ = 	snop  }
0x7: {  	_ = 	snop  }
__scs_overlays_trampoline_lowered:
0x8: {  	[smem:$0x3FA1] =	sst s0  }
0x9: {  	[smem:$0x3FA2] =	sst s1  }
0xa: {  	[smem:$0x3FA3] =	sst s2  }
0xb: {  	[smem:$0x3FA4] =	sst s3  }
0xc: {  	[smem:$0x3FA5] =	sst s4  }
0xd: {  	[smem:$0x3FA6] =	sst s5  }
0xe: {  	[smem:$0x3FA7] =	sst s6  }
0xf: {  	[smem:$0x3FA8] =	sst s7  }
0x10: {  	[smem:$0x3FA9] =	sst s8  }
0x11: {  	[smem:$0x3FAA] =	sst s9;
	s0 =	simm.s32 @!p0 $0x0  }
0x12: {  	s1 =	sld [smem:$0x3F90];
	s0 =	simm.s32 @p0 $0x1  }
0x13: {  	[smem:$0x3FAB] =	sst s0;
	s0 =	simm.s32 @!p1 $0x0  }
0x14: {  	s2 =	sld [smem:$0x3F8F];
	s0 =	simm.s32 @p1 $0x1  }
0x15: {  	[smem:$0x3FAC] =	sst s0;
	s0 =	simm.s32 @!p2 $0x0  }
0x16: {  	s3 =	sld [smem:$0x3FDB];
	s0 =	simm.s32 @p2 $0x1  }
0x17: {  	s4 =	simm.s32 $0x1BF5;
	[smem:$0x3FAE] =	sst s0  }
0x18: {  	s0 =	sld [smem:$0x3F91];
	_ =	swait.ge [sflag:s4], $0x0  }
0x19: {  	s7 =	sld [smem:$0x3F92]  }
0x1a: {  	s8 =	sadd.s32 $0xFFFFE003, lr  }
0x1b: {  	s9 =	sadd.s32 $0xFFFFFEF7, lr;
	s5 =	simm.s32 $0xFFFFFFFF;
	p2 =	slt.u32 s8, $0xFFFFF086  }
0x1c: {  	p1 =	slt.u32 s9, $0xF7A;
	s5 =	simm.s32 @!p2 $0x0  }
0x1d: {  	s5 =	simm.s32 @p1 $0x1;
	p0 =	seq.s32 s7, s2  }
0x1e: {  	s7 =	smul.u32 @!p0 $0xF7A, s2;
	p2 =	seq.s32 @!p0 s5, $0x0  }
0x1f: {  	s9 =	smul.u32 $0xF7A, s1;
	s8 =	simm.s32 @!p0 $0x1BF5;
	p2 =	por !p2, p0  }
0x20: {  	[sflag:s8] =	ssyncset.s32 @!p0 $0xFFFFF086;
	s6 =	sadd.s32 @!p0 s3, s7;
	s7 =	simm.s32 @!p0 $0x108  }
0x21: {  	s3 =	sadd.s32 s3, s9;
	s6 =	sadd.s32 @!p0 $0x88, s6;
	s7 =	simm.s32 @p2 $0x1082  }
0x22: {  	[simem:s7], [sflag:s8] =	dma.local @!p0 [hbm:s6], $0xF7A  }
0x23: {  	s9 =	sor.u32 $0xD0000000, s2;
	s6 =	simm.s32 $0x108;
	_ =	swait.ge @!p0 [sflag:s8], $0x0  }
0x24: {  	s3 =	sadd.s32 $0x88, s3;
	s6 =	simm.s32 @!p1 $0x1082;
	[sflag:s4] =	ssyncset.s32 $0xFFFFF086  }
0x25: {  	[simem:s6], [sflag:s4] =	dma.local [hbm:s3], $0xF7A  }
0x26: {  	[smem:$0x3F92] =	sst s1;
	(tag) =	ssettag s2;
	_ =	strace s9  }
0x27: {  	s1 =	sld [smem:$0x3FA2]  }
0x28: {  	s2 =	sld [smem:$0x3FA3]  }
0x29: {  	s4 =	sld [smem:$0x3FA5]  }
0x2a: {  	p0 =	seq.s32 s5, $0x0;
	s5 =	sld [smem:$0x3FA6]  }
0x2b: {  	s6 =	sld [smem:$0x3FA7]  }
0x2c: {  	s7 =	sld [smem:$0x3FA8]  }
0x2d: {  	s3 =	simm.s32 $0x108;
	s8 =	sld [smem:$0x3FA9]  }
0x2e: {  	s3 =	simm.s32 @!p0 $0x1082;
	s9 =	sld [smem:$0x3FAA]  }
0x2f: {  	lr =	sadd.s32 s0, s3;
	s0 =	sld [smem:$0x3FA1]  }
0x30: {  	s3 =	sld [smem:$0x3FA4]  }
0x31: {  	[smem:$0x3FAD] =	sst s10  }
0x32: {  	s10 =	sld [smem:$0x3FAB];
	_ =	sdelay $0x3  }
0x33: {  	p0 =	seq.s32 s10, $0x1;
	s10 =	sld [smem:$0x3FAD];
	_ =	sdelay $0x3  }
0x34: {  	[smem:$0x3FAD] =	sst s10  }
0x35: {  	s10 =	sld [smem:$0x3FAC];
	_ =	sdelay $0x3  }
0x36: {  	p1 =	seq.s32 s10, $0x1;
	s10 =	sld [smem:$0x3FAD];
	_ =	sdelay $0x3  }
0x37: {  	[smem:$0x3FAD] =	sst s10  }
0x38: {  	s10 =	sld [smem:$0x3FAE]  }
0x39: {  	_ = 	snop;
	(pc) =	sbr.ind lr, $3  }
0x3a: {  	_ = 	snop  }
0x3b: {  	_ = 	snop  }
0x3c: {  	p2 =	seq.s32 s10, $0x1;
	s10 =	sld [smem:$0x3FAD]  }
0x3d: {  	_ =	shalt  }
0x3e: {  	_ =	shalt  }
0x3f: {  	_ =	shalt  }
0x40: {  	_ =	shalt  }
0x41: {  	_ =	shalt  }
0x42: {  	_ =	shalt  }
0x43: {  	_ =	shalt  }
0x44: {  	_ =	shalt  }
0x45: {  	_ =	shalt  }
0x46: {  	_ =	shalt  }
0x47: {  	_ =	shalt  }
0x48: {  	_ =	shalt  }
0x49: {  	_ =	shalt  }
0x4a: {  	_ =	shalt  }
0x4b: {  	_ =	shalt  }
0x4c: {  	_ =	shalt  }
0x4d: {  	_ =	shalt  }
0x4e: {  	_ =	shalt  }
0x4f: {  	_ =	shalt  }
0x50: {  	_ =	shalt  }
0x51: {  	_ =	shalt  }
0x52: {  	_ =	shalt  }
0x53: {  	_ =	shalt  }
0x54: {  	_ =	shalt  }
0x55: {  	_ =	shalt  }
0x56: {  	_ =	shalt  }
0x57: {  	_ =	shalt  }
0x58: {  	_ =	shalt  }
0x59: {  	_ =	shalt  }
0x5a: {  	_ =	shalt  }
0x5b: {  	_ =	shalt  }
0x5c: {  	_ =	shalt  }
0x5d: {  	_ =	shalt  }
0x5e: {  	_ =	shalt  }
0x5f: {  	_ =	shalt  }
0x60: {  	_ =	shalt  }
0x61: {  	_ =	shalt  }
0x62: {  	_ =	shalt  }
0x63: {  	_ =	shalt  }
0x64: {  	_ =	shalt  }
0x65: {  	_ =	shalt  }
0x66: {  	_ =	shalt  }
0x67: {  	_ =	shalt  }
0x68: {  	_ =	shalt  }
0x69: {  	_ =	shalt  }
0x6a: {  	_ =	shalt  }
0x6b: {  	_ =	shalt  }
0x6c: {  	_ =	shalt  }
0x6d: {  	_ =	shalt  }
0x6e: {  	_ =	shalt  }
0x6f: {  	_ =	shalt  }
0x70: {  	_ =	shalt  }
0x71: {  	_ =	shalt  }
0x72: {  	_ =	shalt  }
0x73: {  	_ =	shalt  }
0x74: {  	_ =	shalt  }
0x75: {  	_ =	shalt  }
0x76: {  	_ =	shalt  }
0x77: {  	_ =	shalt  }
0x78: {  	_ =	shalt  }
0x79: {  	_ =	shalt  }
0x7a: {  	_ =	shalt  }
0x7b: {  	_ =	shalt  }
0x7c: {  	_ =	shalt  }
0x7d: {  	_ =	shalt  }
0x7e: {  	_ =	shalt  }
0x7f: {  	_ =	shalt  }
0x80: {  	_ =	shalt  }
0x81: {  	_ =	shalt  }
0x82: {  	_ =	shalt  }
0x83: {  	_ =	shalt  }
0x84: {  	_ =	shalt  }
0x85: {  	_ =	shalt  }
0x86: {  	_ =	shalt  }
0x87: {  	_ =	shalt  }
.Lfunc_end0:
.L_simem_size_0:
called_computation_lowered:
.L_overlay_start_0:
0x88: {  	s2 =	sld [smem:$0x3FD9]  }
0x89: {  	s3 =	sld [smem:$0x3FFE];
	_ =	sdelay $0x1  }
0x8a: {  	s1 =	srdreg.scid  }
0x8b: {  	s0 =	sand.u32 $0x1, s1  }
0x8c: {  	s17 =	sshll.u32 s0, $0xA;
	s2 =	sadd.s32 s3, s2  }
0x8d: {  	s2 =	sadd.s32 s2, s17  }
0x8e: {  	[smem:$0x3FB9] =	sst s2  }
0x8f: {  	_ = 	snop  }
0x90: {  	s2 =	sld [smem:$0x3FC9];
	(tm) =	ssettm $0x1  }
0x91: {  	s18 =	sld [smem:$0x3FFB];
	_ =	sdelay $0x3  }
0x92: {  	_ =	strace s18  }
0x93: {  	s3 =	sld [smem:$0x3FFC];
	_ =	sdelay $0x3  }
0x94: {  	_ =	strace s3  }
0x95: {  	s3 =	sld [smem:$0x3FFD];
	_ =	sdelay $0x3  }
0x96: {  	_ =	strace s3  }
0x97: {  	_ =	strace $0x8FFFFFFF  }
0x98: {  	s19 =	sld [smem:$0x3FDB];
	_ =	sdelay $0x1  }
0x99: {  	s4 =	simm.s32 $_scs_section_size  }
0x9a: {  	s5 =	simm.s32 $_size__tile_overlayer_lowered;
	s6 =	simm.s32 $_tile_overlayer_lowered  }
0x9b: {  	s22 =	simm.s32 $0x1BFF;
	s21 =	sshll.u32 s6, $0x1;
	s3 =	sadd.s32 s4, s19  }
0x9c: {  	s7 =	simm.s32 $0x0;
	s20 =	sshll.u32 s5, $0x1;
	s5 =	sadd.s32 s21, s3  }
0x9d: {  	[timem:s7], [sflag:s22] =	dma.local [hbm:s5], s20  }
0x9e: {  	_ =	swait.ge [sflag:s22], s20  }
0x9f: {  	s4 =	ssub.s32 $0x0, s20;
	[sflag:s22] =	ssyncset.done $0x0  }
0xa0: {  	[sflag:s22] =	ssyncadd.s32 s4;
	_ =	sdelay $0x1  }
0xa1: {  	s23 =	simm.s32 $0x1B8B  }
0xa2: {  	_ =	swait.ge [sflag:s23], $0x1  }
0xa3: {  	[sflag:s23] =	ssyncset.done $0x0  }
0xa4: {  	s25 =	simm.s32 $0x1B8E;
	s24 =	sld [smem:$0x3FFE];
	[sflag:s23] =	ssyncadd.s32 $0xFFFFFFFF  }
0xa5: {  	s26 =	simm.s32 $execute0_lowered;
	[smem:$0x3FD2] =	sst s25  }
0xa6: {  	s5 =	sshll.u32 s26, $0x1;
	_ =	strace $0x80000046;
	[dreg:$0x1] =	wrdreg $0xFFFFFFFF  }
0xa7: {  	s28 =	simm.s32 $_size_execute0_lowered;
	s3 =	sadd.s32 s3, s5;
	[dreg:$0x0] =	wrdreg $0x0  }
0xa8: {  	s5 =	sshll.u32 s28, $0x1;
	[dreg:$0x2] =	wrdreg s3  }
0xa9: {  	[dreg:$0x3] =	wrdreg s5  }
0xaa: {  	[dreg:$0x4] =	wrdreg $0xC0  }
0xab: {  	_ =	task [dreg:s7], $0x5FFFF  }
0xac: {  	[dreg:$0x1] =	wrdreg $0xFFFFFFFF  }
0xad: {  	[dreg:$0x0] =	wrdreg $0x60  }
0xae: {  	[dreg:$0x2] =	wrdreg s2  }
0xaf: {  	[dreg:$0x3] =	wrdreg s24  }
0xb0: {  	[dreg:$0x4] =	wrdreg $0x29800  }
0xb1: {  	[dreg:$0x5] =	wrdreg $0x9  }
0xb2: {  	_ =	task.clear_ibuf [dreg:s7], $0x6FFFF;
	_ =	strace $0x90000046  }
0xb3: {  	s29 =	simm.s32 $0x9;
	_ =	strace $0x80000048  }
0xb4: {  	_ =	swait.ge [sflag:s29], $0x1  }
0xb5: {  	[sflag:s29] =	ssyncadd.s32 $0xFFFFFFFF  }
0xb6: {  	_ =	strace $0x90000048  }
0xb7: {  	_ =	sfence  }
0xb8: {  	s30 =	sld [smem:$0x0];
	_ =	sdelay $0x2  }
0xb9: {  	s31 =	sshll.u32 s1, $0xD;
	s1 =	sshrl.u32 s1, $0x2  }
0xba: {  	s3 =	sand.u32 $0x4000, s31;
	s1 =	sadd.s32 s1, s30  }
0xbb: {  	s0 =	sor.u32 s3, s0;
	s1 =	sshll.u32 s1, $0x11  }
0xbc: {  	s0 =	sor.u32 s1, s0  }
0xbd: {  	s0 =	sadd.s32 $0x8F2B, s0  }
0xbe: {  	[sflag:s0] =	ssyncadd.remote.s32 $0x1  }
0xbf: {  	_ =	sfence.sel $0xFFFF  }
0xc0: {  	[dreg:$0x0] =	wrdreg $0xFFFFFFFF;
	(pc) =	sbr.abs _section_cstart, $3  }
0xc1: {  	[dreg:$0x1] =	wrdreg $0xFFFFFFFF  }
0xc2: {  	_ =	task.clear_ibuf [dreg:s7], $0x2FFFF;
	_ =	strace $0x9FFFFFFF  }
0xc3: {  	(tm) =	ssettm $0x7FFFFFFF  }
tec
execute0_lowered:
.L_overlay_start_1:
0x0: {  	(tag) =	ssettag $0x1  }
0x1: {  	s4 =	rddreg [dreg:$0x0]  }
0x2: {  	s5 =	rddreg [dreg:$0x1];
	s1 =	srdreg.scid  }
0x3: {  	s0 =	stileid.u32;
	s2 =	rddreg [dreg:$0x2];
	s3 =	simm.s32 $0x0  }
0x4: {  	s11 =	simm.s32 $0x1900;
	s6 =	sand.u32 $0x1, s1;
	s1 =	rddreg [dreg:$0x3]  }
0x5: {  	s7 =	sshll.u32 s0, $0x1;
	[smem:$0x7FF] =	sst s3;
	s29 =	smul.u32 $0x3E80, s0  }
0x6: {  	s8 =	sadd.s32 $0x2E00, s5;
	s10 =	sadd.s32 $0x21800, s5;
	s30 =	smul.u32 $0x1F4, s0  }
0x7: {  	s7 =	sor.u32 s6, s7;
	_ =	strace $0x80000047;
	s9 =	ssub.s32 $0x2, s6  }
0x8: {  	p0 =	seq.s32 s6, $0x1;
	s7 =	smul.u32 $0x1880, s7;
	s28 =	sshrl.u32 s9, $0x1  }
0x9: {  	s8 =	smov.u32 @p0 s10;
	s31 =	sshrl.u32 s29, $0x2;
	s10 =	simm.s32 $0x1880  }
0xa: {  	s5 =	ssub.s32 s9, s28;
	s6 =	sadd.s32 s31, s2;
	s7 =	sshrl.u32 s7, $0x3  }
0xb: {  	s9 =	simm.s32 $0x80;
	s5 =	smax.u32 s5, $0x1;
	s4 =	sadd.s32 s4, s7  }
0xc: {  	v0 =	vimm.f32 $0.0e+00;
	v1 =	vimm.f32 $1.000000000e+00;
	s7 =	sadd.s32 s30, s8;
	s8 =	simm.s32 $0x1;
	s4 =	sadd.s32 $0x200, s4  }
.LBB2_1:
0xd: {  	s12 =	simm.s32 $0x0  }
.LBB2_2:
0xe: {  	p1 =	sne.s32 s12, $0x3E40  }
.Ltmp0:
0xf: {  	_ = 	snop;
	(pc) =	sbr.rel @p1 .LBB2_2-.Ltmp0, $3  }
0x10: {  	_ =	sdelay $0x1  }
0x11: {  	s13 =	sshra.s32 s12, $0x2  }
0x12: {  	s12 =	sadd.s32 $0x40, s12;
	[tilespmem:s13+$0x1980] =	vst v0  }
0x13: {  	s12 =	sadd.s32 $0x0, s0  }
0x14: {  	p1 =	sgt.u32 s12, $0xF9  }
0x15: {  	s12 =	simm.s32 @!p1 $0x1980;
	s15 =	simm.s32 @!p1 $0x1  }
0x16: {  	[spmem:s6] =	stream.linear.scatter @!p1 [tilespmem:s12], [sflag:$0x1], $0xFA0, $0x38;
	[tilespmem:$0x11DA8] =	vst v63  }
0x17: {  	s13 =	simm.s32 $0x10;
	_ =	swait.ge @!p1 [sflag:s15], $0xFA0  }
0x18: {  	s14 =	simm.s32 $0x20;
	s12 =	sadd.s32 $0xFA00, s6;
	[sflag:s15] =	ssyncset.done @!p1 $0x0  }
.LBB2_4:
0x19: {  	s16 =	sadd.s32 s13, s0;
	s13 =	smov.u32 s14;
	s14 =	sadd.s32 $0x10, s14  }
0x1a: {  	[sflag:s15] =	ssyncadd.s32 @!p1 $0xFFFFF060;
	p2 =	sne.s32 s14, $0x100  }
.Ltmp1:
0x1b: {  	p1 =	sgt.u32 s16, $0xF9;
	(pc) =	sbr.rel @p2 .LBB2_4-.Ltmp1, $4  }
0x1c: {  	s16 =	simm.s32 @!p1 $0x1980;
	s15 =	simm.s32 @!p1 $0x1  }
0x1d: {  	[spmem:s12] =	stream.linear.scatter @!p1 [tilespmem:s16], [sflag:$0x1], $0xFA0, $0x38;
	[tilespmem:$0x11DA8] =	vst v63  }
0x1e: {  	_ =	swait.ge @!p1 [sflag:s15], $0xFA0  }
0x1f: {  	s12 =	sadd.s32 $0xFA00, s12;
	[sflag:s15] =	ssyncset.done @!p1 $0x0  }
0x20: {  	s13 =	sadd.s32 s13, s0  }
0x21: {  	p2 =	sgt.u32 s13, $0xF9  }
0x22: {  	[sflag:s15] =	ssyncadd.s32 @!p1 $0xFFFFF060;
	s13 =	simm.s32 @!p2 $0x1980;
	s14 =	simm.s32 @!p2 $0x1  }
0x23: {  	[spmem:s12] =	stream.linear.scatter @!p2 [tilespmem:s13], [sflag:$0x1], $0xFA0, $0x38;
	[tilespmem:$0x11DA8] =	vst v63  }
0x24: {  	_ =	swait.ge @!p2 [sflag:s14], $0xFA0  }
0x25: {  	[sflag:s14] =	ssyncset.done @!p2 $0x0  }
0x26: {  	[sflag:s14] =	ssyncadd.s32 @!p2 $0xFFFFF060  }
0x27: {  	[bflag:$0x0] =	sbarrier.arrive $0xFFFF  }
0x28: {  	[tilespmem:$0x1900] =	vst v1  }
0x29: {  	[tilespmem:$0x1910] =	vst v1  }
0x2a: {  	[tilespmem:$0x1920] =	vst v1  }
0x2b: {  	[tilespmem:$0x1930] =	vst v1  }
0x2c: {  	[tilespmem:$0x1940] =	vst v1  }
0x2d: {  	[tilespmem:$0x1950] =	vst v1  }
0x2e: {  	[tilespmem:$0x1960] =	vst v1  }
0x2f: {  	s30 =	simm.s32 $0x0;
	[tilespmem:$0x1970] =	vst v1  }
0x30: {  	[tilespmem:s30], [sflag:$0x1] =	stream.linear.gather [hbm4b:s4+s30], $0x1880, $0x38;
	[tilespmem:$0x11DA8] =	vst v63  }
0x31: {  	_ =	swait.ge [sflag:s8], $0x1880  }
0x32: {  	[sflag:s8] =	ssyncset.done $0x0  }
0x33: {  	s31 =	simm.s32 $0x0;
	[sflag:s8] =	ssyncadd.s32 $0xFFFFE780  }
0x34: {  	v2 =	vld [tilespmem:s31+$0x0];
	_ =	sdelay $0x4  }
0x35: {  	[tilespmem:$0x1880] =	vst v2  }
0x36: {  	v2 =	vld [tilespmem:s31+$0x10];
	_ =	sdelay $0x4  }
0x37: {  	[tilespmem:$0x1890] =	vst v2  }
0x38: {  	v2 =	vld [tilespmem:s31+$0x20];
	_ =	sdelay $0x4  }
0x39: {  	[tilespmem:$0x18A0] =	vst v2  }
0x3a: {  	v2 =	vld [tilespmem:s31+$0x30];
	_ =	sdelay $0x4  }
0x3b: {  	[tilespmem:$0x18B0] =	vst v2  }
0x3c: {  	v2 =	vld [tilespmem:s31+$0x40];
	_ =	sdelay $0x4  }
0x3d: {  	[tilespmem:$0x18C0] =	vst v2  }
0x3e: {  	v2 =	vld [tilespmem:s31+$0x50];
	_ =	sdelay $0x4  }
0x3f: {  	[tilespmem:$0x18D0] =	vst v2  }
0x40: {  	v2 =	vld [tilespmem:s31+$0x60];
	_ =	sdelay $0x4  }
0x41: {  	[tilespmem:$0x18E0] =	vst v2  }
0x42: {  	v2 =	vld [tilespmem:s31+$0x70];
	_ =	sdelay $0x4  }
0x43: {  	[tilespmem:$0x18F0] =	vst v2  }
0x44: {  	[spmem:s2] =	stream.indirect.scatter.add.f32 [tilespmem:s11], [sflag:$0x1], $0x1, s10, s9, $0xb8;
	[tilespmem:$0x11DA8] =	vst v63  }
0x45: {  	_ =	swait.ge [sflag:s8], $0x80  }
0x46: {  	s12 =	simm.s32 $0x200;
	s14 =	simm.s32 $0x400;
	[sflag:s8] =	ssyncset.done $0x0  }
.LBB2_6:
0x47: {  	s15 =	sshra.s32 s12, $0x2  }
0x48: {  	[sflag:s8] =	ssyncadd.s32 $0xFFFFFF80;
	s12 =	smov.u32 s14;
	s13 =	sadd.s32 $0x200, s14  }
0x49: {  	p1 =	sne.s32 s14, $0x6000;
	v2 =	vld [tilespmem:s15+$0x0];
	_ =	sdelay $0x4  }
0x4a: {  	[tilespmem:$0x1880] =	vst v2  }
0x4b: {  	v2 =	vld [tilespmem:s15+$0x10];
	_ =	sdelay $0x4  }
0x4c: {  	[tilespmem:$0x1890] =	vst v2  }
0x4d: {  	v2 =	vld [tilespmem:s15+$0x20];
	_ =	sdelay $0x4  }
0x4e: {  	[tilespmem:$0x18A0] =	vst v2  }
0x4f: {  	v2 =	vld [tilespmem:s15+$0x30];
	_ =	sdelay $0x4  }
0x50: {  	[tilespmem:$0x18B0] =	vst v2  }
0x51: {  	v2 =	vld [tilespmem:s15+$0x40];
	_ =	sdelay $0x4  }
0x52: {  	[tilespmem:$0x18C0] =	vst v2  }
0x53: {  	v2 =	vld [tilespmem:s15+$0x50];
	_ =	sdelay $0x4  }
0x54: {  	[tilespmem:$0x18D0] =	vst v2  }
0x55: {  	v2 =	vld [tilespmem:s15+$0x60];
	_ =	sdelay $0x4  }
0x56: {  	[tilespmem:$0x18E0] =	vst v2  }
0x57: {  	v2 =	vld [tilespmem:s15+$0x70];
	_ =	sdelay $0x3  }
.Ltmp2:
0x58: {  	(pc) =	sbr.rel @p1 .LBB2_6-.Ltmp2, $4  }
0x59: {  	[tilespmem:$0x18F0] =	vst v2  }
0x5a: {  	[spmem:s2] =	stream.indirect.scatter.add.f32 [tilespmem:s11], [sflag:$0x1], $0x1, s10, s9, $0xb8;
	[tilespmem:$0x11DA8] =	vst v63  }
0x5b: {  	_ =	swait.ge [sflag:s8], $0x80  }
0x5c: {  	s14 =	smov.u32 s13;
	[sflag:s8] =	ssyncset.done $0x0  }
0x5d: {  	s12 =	sshra.s32 s12, $0x2;
	[sflag:s8] =	ssyncadd.s32 $0xFFFFFF80  }
0x5e: {  	v2 =	vld [tilespmem:s12+$0x0];
	_ =	sdelay $0x4  }
0x5f: {  	[tilespmem:$0x1880] =	vst v2  }
0x60: {  	v2 =	vld [tilespmem:s12+$0x10];
	_ =	sdelay $0x4  }
0x61: {  	[tilespmem:$0x1890] =	vst v2  }
0x62: {  	v2 =	vld [tilespmem:s12+$0x20];
	_ =	sdelay $0x4  }
0x63: {  	[tilespmem:$0x18A0] =	vst v2  }
0x64: {  	v2 =	vld [tilespmem:s12+$0x30];
	_ =	sdelay $0x4  }
0x65: {  	[tilespmem:$0x18B0] =	vst v2  }
0x66: {  	v2 =	vld [tilespmem:s12+$0x40];
	_ =	sdelay $0x4  }
0x67: {  	[tilespmem:$0x18C0] =	vst v2  }
0x68: {  	v2 =	vld [tilespmem:s12+$0x50];
	_ =	sdelay $0x4  }
0x69: {  	[tilespmem:$0x18D0] =	vst v2  }
0x6a: {  	v2 =	vld [tilespmem:s12+$0x60];
	_ =	sdelay $0x4  }
0x6b: {  	[tilespmem:$0x18E0] =	vst v2  }
0x6c: {  	v2 =	vld [tilespmem:s12+$0x70];
	_ =	sdelay $0x4  }
0x6d: {  	[tilespmem:$0x18F0] =	vst v2  }
0x6e: {  	[spmem:s2] =	stream.indirect.scatter.add.f32 [tilespmem:s11], [sflag:$0x1], $0x1, s10, s9, $0xb8;
	[tilespmem:$0x11DA8] =	vst v63  }
0x6f: {  	_ =	swait.ge [sflag:s8], $0x80  }
0x70: {  	s31 =	sadd.s32 $0x0, s0;
	[sflag:s8] =	ssyncset.done $0x0  }
0x71: {  	p1 =	sgt.u32 s31, $0xF9;
	[sflag:s8] =	ssyncadd.s32 $0xFFFFFF80  }
0x72: {  	s13 =	simm.s32 @!p1 $0x2;
	s12 =	simm.s32 @!p1 $0x1980;
	[bflag:$0x0] =	sbarrier.arrive $0xFFFF  }
0x73: {  	[tilespmem:s12], [sflag:$0x2] =	stream.linear.gather @!p1 [spmem:s6], $0xFA0, $0x38;
	[tilespmem:$0x11DA8] =	vst v63  }
0x74: {  	_ =	swait.ge @!p1 [sflag:s13], $0xFA0  }
0x75: {  	s14 =	simm.s32 @!p1 $0x1;
	p2 =	por !p0, p1;
	[sflag:s13] =	ssyncset.done @!p1 $0x0  }
0x76: {  	s14 =	simm.s32 @p2 $0x2;
	[sflag:s13] =	ssyncadd.s32 @!p1 $0xFFFFF060;
	s13 =	simm.s32 @!p1 $0x0  }
0x77: {  	[hbm4b:s7+s13] =	stream.linear.scatter @!p1 [tilespmem:s12], [sflag:s14], $0xFA0, $0x38;
	[tilespmem:$0x11DA8] =	vst v63  }
0x78: {  	s15 =	simm.s32 $0x20;
	s16 =	sadd.s32 $0x10, s0;
	_ =	swait.ge @!p1 [sflag:s14], $0xFA0  }
0x79: {  	s13 =	sadd.s32 $0xFA00, s6;
	s12 =	sadd.s32 $0x1F40, s7;
	[sflag:s14] =	ssyncset.done @!p1 $0x0  }
.LBB2_8:
0x7a: {  	[sflag:s14] =	ssyncadd.s32 @!p1 $0xFFFFF060  }
0x7b: {  	p1 =	sgt.u32 s16, $0xF9;
	s16 =	smov.u32 s15;
	s15 =	sadd.s32 $0x10, s15  }
0x7c: {  	s17 =	simm.s32 @!p1 $0x1980;
	s18 =	simm.s32 @!p1 $0x2;
	s14 =	simm.s32 @!p1 $0x1  }
0x7d: {  	[tilespmem:s17], [sflag:$0x2] =	stream.linear.gather @!p1 [spmem:s13], $0xFA0, $0x38;
	[tilespmem:$0x11DA8] =	vst v63  }
0x7e: {  	p2 =	sne.s32 s15, $0x100;
	p3 =	por !p0, p1;
	_ =	swait.ge @!p1 [sflag:s18], $0xFA0  }
.Ltmp3:
0x7f: {  	[sflag:s18] =	ssyncset.done @!p1 $0x0;
	(pc) =	sbr.rel @p2 .LBB2_8-.Ltmp3, $4  }
0x80: {  	s14 =	simm.s32 @p3 $0x2;
	[sflag:s18] =	ssyncadd.s32 @!p1 $0xFFFFF060;
	s18 =	simm.s32 @!p1 $0x0  }
0x81: {  	[hbm4b:s12+s18] =	stream.linear.scatter @!p1 [tilespmem:s17], [sflag:s14], $0xFA0, $0x38;
	[tilespmem:$0x11DA8] =	vst v63  }
0x82: {  	s13 =	sadd.s32 $0xFA00, s13;
	_ =	swait.ge @!p1 [sflag:s14], $0xFA0  }
0x83: {  	s16 =	sadd.s32 s16, s0;
	s12 =	sadd.s32 $0x1F40, s12;
	[sflag:s14] =	ssyncset.done @!p1 $0x0  }
0x84: {  	p2 =	sgt.u32 s16, $0xF9;
	[sflag:s14] =	ssyncadd.s32 @!p1 $0xFFFFF060  }
0x85: {  	s3 =	sadd.s32 $0x1, s3;
	s14 =	simm.s32 @!p2 $0x1980;
	s15 =	simm.s32 @!p2 $0x2  }
0x86: {  	[tilespmem:s14], [sflag:$0x2] =	stream.linear.gather @!p2 [spmem:s13], $0xFA0, $0x38;
	[tilespmem:$0x11DA8] =	vst v63  }
0x87: {  	p1 =	por !p0, p2;
	s13 =	simm.s32 @!p2 $0x1;
	_ =	swait.ge @!p2 [sflag:s15], $0xFA0  }
0x88: {  	s13 =	simm.s32 @p1 $0x2;
	p1 =	sne.s32 s3, s5;
	[sflag:s15] =	ssyncset.done @!p2 $0x0  }
.Ltmp4:
0x89: {  	[sflag:s15] =	ssyncadd.s32 @!p2 $0xFFFFF060;
	s15 =	simm.s32 @!p2 $0x0;
	(pc) =	sbr.rel @p1 .LBB2_1-.Ltmp4, $4  }
0x8a: {  	[hbm4b:s12+s15] =	stream.linear.scatter @!p2 [tilespmem:s14], [sflag:s13], $0xFA0, $0x38;
	[tilespmem:$0x11DA8] =	vst v63  }
0x8b: {  	_ =	swait.ge @!p2 [sflag:s13], $0xFA0  }
0x8c: {  	[sflag:s13] =	ssyncset.done @!p2 $0x0  }
0x8d: {  	[sflag:s13] =	ssyncadd.s32 @!p2 $0xFFFFF060  }
0x8e: {  	_ =	sfence.sel $0x180000  }
0x8f: {  	[bflag:$0x0] =	sbarrier.arrive $0xFFFF  }
0x90: {  	p0 =	sne.s32 s0, $0x0;
	_ =	strace $0x90000047  }
0x91: {  	s0 =	sadd.s32 @!p0 $0x100000, s1;
	[bflag:$0x2] =	sbarrier.arrive $0xFFFF  }
0x92: {  	[sflag:s0] =	ssyncadd.tile.s32 @!p0 $0x1;
	_ =	shalt  }
.Lfunc_end2:
_tile_overlayer_lowered:
.L_overlay_start_2:
0x93: {  	(tag) =	ssettag $0x2  }
0x94: {  	s0 =	rddreg [dreg:$0x0];
	s2 =	stileid.u32  }
0x95: {  	s1 =	rddreg [dreg:$0x1];
	p0 =	sne.s32 s2, $0x0  }
0x96: {  	s3 =	rddreg [dreg:$0x2];
	[bflag:$0x3] =	sbarrier.arrive $0xFFFF;
	s2 =	simm.s32 @!p0 $0x1C01  }
0x97: {  	[timem:s3], [sflag:s2] =	dma.local @!p0 [hbm:s0], s1  }
0x98: {  	s0 =	simm.s32 @!p0 $0x1  }
0x99: {  	_ =	swait.ge @!p0 [sflag:s0], s1  }
0x9a: {  	s1 =	ssub.s32 @!p0 $0x0, s1;
	[sflag:s0] =	ssyncset.done @!p0 $0x0  }
0x9b: {  	[sflag:s0] =	ssyncadd.s32 @!p0 s1  }
0x9c: {  	[bflag:$0x3] =	sbarrier.arrive $0xFFFF  }
0x9d: {  	_ =	shalt  }

// kernel: kernel.9.cloned.1.call-start
scs
__scs_entry_jumppad:
0x0: {  	(pc) =	sbr.rel $0x88, $3  }
0x1: {  	(tag) =	ssettag $0x0;
	lr =	simm.s32 $0x1  }
0x2: {  	[smem:$0x3F92] =	sst lr;
	_ =	strace $0xD0000000  }
0x3: {  	_ = 	snop  }
0x4: {  	_ = 	snop  }
0x5: {  	_ = 	snop  }
0x6: {  	_ = 	snop  }
0x7: {  	_ = 	snop  }
__scs_overlays_trampoline_lowered:
0x8: {  	[smem:$0x3FA1] =	sst s0  }
0x9: {  	[smem:$0x3FA2] =	sst s1  }
0xa: {  	[smem:$0x3FA3] =	sst s2  }
0xb: {  	[smem:$0x3FA4] =	sst s3  }
0xc: {  	[smem:$0x3FA5] =	sst s4  }
0xd: {  	[smem:$0x3FA6] =	sst s5  }
0xe: {  	[smem:$0x3FA7] =	sst s6  }
0xf: {  	[smem:$0x3FA8] =	sst s7  }
0x10: {  	[smem:$0x3FA9] =	sst s8  }
0x11: {  	[smem:$0x3FAA] =	sst s9;
	s0 =	simm.s32 @!p0 $0x0  }
0x12: {  	s1 =	sld [smem:$0x3F90];
	s0 =	simm.s32 @p0 $0x1  }
0x13: {  	[smem:$0x3FAB] =	sst s0;
	s0 =	simm.s32 @!p1 $0x0  }
0x14: {  	s2 =	sld [smem:$0x3F8F];
	s0 =	simm.s32 @p1 $0x1  }
0x15: {  	[smem:$0x3FAC] =	sst s0;
	s0 =	simm.s32 @!p2 $0x0  }
0x16: {  	s3 =	sld [smem:$0x3FDB];
	s0 =	simm.s32 @p2 $0x1  }
0x17: {  	s4 =	simm.s32 $0x1BF5;
	[smem:$0x3FAE] =	sst s0  }
0x18: {  	s0 =	sld [smem:$0x3F91];
	_ =	swait.ge [sflag:s4], $0x0  }
0x19: {  	s7 =	sld [smem:$0x3F92]  }
0x1a: {  	s8 =	sadd.s32 $0xFFFFE003, lr  }
0x1b: {  	s9 =	sadd.s32 $0xFFFFFEF7, lr;
	s5 =	simm.s32 $0xFFFFFFFF;
	p2 =	slt.u32 s8, $0xFFFFF086  }
0x1c: {  	p1 =	slt.u32 s9, $0xF7A;
	s5 =	simm.s32 @!p2 $0x0  }
0x1d: {  	s5 =	simm.s32 @p1 $0x1;
	p0 =	seq.s32 s7, s2  }
0x1e: {  	s7 =	smul.u32 @!p0 $0xF7A, s2;
	p2 =	seq.s32 @!p0 s5, $0x0  }
0x1f: {  	s9 =	smul.u32 $0xF7A, s1;
	s8 =	simm.s32 @!p0 $0x1BF5;
	p2 =	por !p2, p0  }
0x20: {  	[sflag:s8] =	ssyncset.s32 @!p0 $0xFFFFF086;
	s6 =	sadd.s32 @!p0 s3, s7;
	s7 =	simm.s32 @!p0 $0x108  }
0x21: {  	s3 =	sadd.s32 s3, s9;
	s6 =	sadd.s32 @!p0 $0x88, s6;
	s7 =	simm.s32 @p2 $0x1082  }
0x22: {  	[simem:s7], [sflag:s8] =	dma.local @!p0 [hbm:s6], $0xF7A  }
0x23: {  	s9 =	sor.u32 $0xD0000000, s2;
	s6 =	simm.s32 $0x108;
	_ =	swait.ge @!p0 [sflag:s8], $0x0  }
0x24: {  	s3 =	sadd.s32 $0x88, s3;
	s6 =	simm.s32 @!p1 $0x1082;
	[sflag:s4] =	ssyncset.s32 $0xFFFFF086  }
0x25: {  	[simem:s6], [sflag:s4] =	dma.local [hbm:s3], $0xF7A  }
0x26: {  	[smem:$0x3F92] =	sst s1;
	(tag) =	ssettag s2;
	_ =	strace s9  }
0x27: {  	s1 =	sld [smem:$0x3FA2]  }
0x28: {  	s2 =	sld [smem:$0x3FA3]  }
0x29: {  	s4 =	sld [smem:$0x3FA5]  }
0x2a: {  	p0 =	seq.s32 s5, $0x0;
	s5 =	sld [smem:$0x3FA6]  }
0x2b: {  	s6 =	sld [smem:$0x3FA7]  }
0x2c: {  	s7 =	sld [smem:$0x3FA8]  }
0x2d: {  	s3 =	simm.s32 $0x108;
	s8 =	sld [smem:$0x3FA9]  }
0x2e: {  	s3 =	simm.s32 @!p0 $0x1082;
	s9 =	sld [smem:$0x3FAA]  }
0x2f: {  	lr =	sadd.s32 s0, s3;
	s0 =	sld [smem:$0x3FA1]  }
0x30: {  	s3 =	sld [smem:$0x3FA4]  }
0x31: {  	[smem:$0x3FAD] =	sst s10  }
0x32: {  	s10 =	sld [smem:$0x3FAB];
	_ =	sdelay $0x3  }
0x33: {  	p0 =	seq.s32 s10, $0x1;
	s10 =	sld [smem:$0x3FAD];
	_ =	sdelay $0x3  }
0x34: {  	[smem:$0x3FAD] =	sst s10  }
0x35: {  	s10 =	sld [smem:$0x3FAC];
	_ =	sdelay $0x3  }
0x36: {  	p1 =	seq.s32 s10, $0x1;
	s10 =	sld [smem:$0x3FAD];
	_ =	sdelay $0x3  }
0x37: {  	[smem:$0x3FAD] =	sst s10  }
0x38: {  	s10 =	sld [smem:$0x3FAE]  }
0x39: {  	_ = 	snop;
	(pc) =	sbr.ind lr, $3  }
0x3a: {  	_ = 	snop  }
0x3b: {  	_ = 	snop  }
0x3c: {  	p2 =	seq.s32 s10, $0x1;
	s10 =	sld [smem:$0x3FAD]  }
0x3d: {  	_ =	shalt  }
0x3e: {  	_ =	shalt  }
0x3f: {  	_ =	shalt  }
0x40: {  	_ =	shalt  }
0x41: {  	_ =	shalt  }
0x42: {  	_ =	shalt  }
0x43: {  	_ =	shalt  }
0x44: {  	_ =	shalt  }
0x45: {  	_ =	shalt  }
0x46: {  	_ =	shalt  }
0x47: {  	_ =	shalt  }
0x48: {  	_ =	shalt  }
0x49: {  	_ =	shalt  }
0x4a: {  	_ =	shalt  }
0x4b: {  	_ =	shalt  }
0x4c: {  	_ =	shalt  }
0x4d: {  	_ =	shalt  }
0x4e: {  	_ =	shalt  }
0x4f: {  	_ =	shalt  }
0x50: {  	_ =	shalt  }
0x51: {  	_ =	shalt  }
0x52: {  	_ =	shalt  }
0x53: {  	_ =	shalt  }
0x54: {  	_ =	shalt  }
0x55: {  	_ =	shalt  }
0x56: {  	_ =	shalt  }
0x57: {  	_ =	shalt  }
0x58: {  	_ =	shalt  }
0x59: {  	_ =	shalt  }
0x5a: {  	_ =	shalt  }
0x5b: {  	_ =	shalt  }
0x5c: {  	_ =	shalt  }
0x5d: {  	_ =	shalt  }
0x5e: {  	_ =	shalt  }
0x5f: {  	_ =	shalt  }
0x60: {  	_ =	shalt  }
0x61: {  	_ =	shalt  }
0x62: {  	_ =	shalt  }
0x63: {  	_ =	shalt  }
0x64: {  	_ =	shalt  }
0x65: {  	_ =	shalt  }
0x66: {  	_ =	shalt  }
0x67: {  	_ =	shalt  }
0x68: {  	_ =	shalt  }
0x69: {  	_ =	shalt  }
0x6a: {  	_ =	shalt  }
0x6b: {  	_ =	shalt  }
0x6c: {  	_ =	shalt  }
0x6d: {  	_ =	shalt  }
0x6e: {  	_ =	shalt  }
0x6f: {  	_ =	shalt  }
0x70: {  	_ =	shalt  }
0x71: {  	_ =	shalt  }
0x72: {  	_ =	shalt  }
0x73: {  	_ =	shalt  }
0x74: {  	_ =	shalt  }
0x75: {  	_ =	shalt  }
0x76: {  	_ =	shalt  }
0x77: {  	_ =	shalt  }
0x78: {  	_ =	shalt  }
0x79: {  	_ =	shalt  }
0x7a: {  	_ =	shalt  }
0x7b: {  	_ =	shalt  }
0x7c: {  	_ =	shalt  }
0x7d: {  	_ =	shalt  }
0x7e: {  	_ =	shalt  }
0x7f: {  	_ =	shalt  }
0x80: {  	_ =	shalt  }
0x81: {  	_ =	shalt  }
0x82: {  	_ =	shalt  }
0x83: {  	_ =	shalt  }
0x84: {  	_ =	shalt  }
0x85: {  	_ =	shalt  }
0x86: {  	_ =	shalt  }
0x87: {  	_ =	shalt  }
.Lfunc_end0:
.L_simem_size_0:
called_computation.1_lowered:
.L_overlay_start_0:
0x88: {  	s2 =	sld [smem:$0x3FD9]  }
0x89: {  	s3 =	sld [smem:$0x3FFE];
	_ =	sdelay $0x1  }
0x8a: {  	s1 =	srdreg.scid  }
0x8b: {  	s0 =	sand.u32 $0x1, s1  }
0x8c: {  	s17 =	sshll.u32 s0, $0xA;
	s2 =	sadd.s32 s3, s2  }
0x8d: {  	s2 =	sadd.s32 s2, s17  }
0x8e: {  	[smem:$0x3FB9] =	sst s2  }
0x8f: {  	_ = 	snop  }
0x90: {  	s18 =	sld [smem:$0x3FC9]  }
0x91: {  	s4 =	sld [smem:$0x3FC8];
	(tm) =	ssettm $0x1  }
0x92: {  	s19 =	sld [smem:$0x3FFB];
	_ =	sdelay $0x3  }
0x93: {  	_ =	strace s19  }
0x94: {  	s2 =	sld [smem:$0x3FFC];
	_ =	sdelay $0x3  }
0x95: {  	_ =	strace s2  }
0x96: {  	s2 =	sld [smem:$0x3FFD];
	_ =	sdelay $0x3  }
0x97: {  	_ =	strace s2  }
0x98: {  	_ =	strace $0x8FFFFFFF  }
0x99: {  	s20 =	sld [smem:$0x3FDB];
	_ =	sdelay $0x1  }
0x9a: {  	s5 =	simm.s32 $_scs_section_size  }
0x9b: {  	s6 =	simm.s32 $_size__tile_overlayer_lowered;
	s7 =	simm.s32 $_tile_overlayer_lowered  }
0x9c: {  	s8 =	simm.s32 $0x1BFF;
	s21 =	sshll.u32 s7, $0x1;
	s5 =	sadd.s32 s5, s20  }
0x9d: {  	s22 =	simm.s32 $0x0;
	s6 =	sshll.u32 s6, $0x1;
	s7 =	sadd.s32 s21, s5  }
0x9e: {  	[timem:s22], [sflag:s8] =	dma.local [hbm:s7], s6  }
0x9f: {  	_ =	swait.ge [sflag:s8], s6  }
0xa0: {  	s6 =	ssub.s32 $0x0, s6;
	[sflag:s8] =	ssyncset.done $0x0  }
0xa1: {  	[sflag:s8] =	ssyncadd.s32 s6;
	_ =	sdelay $0x1  }
0xa2: {  	s23 =	simm.s32 $0x1B8B  }
0xa3: {  	_ =	swait.ge [sflag:s23], $0x1  }
0xa4: {  	[sflag:s23] =	ssyncset.done $0x0  }
0xa5: {  	[sflag:s23] =	ssyncadd.s32 $0xFFFFFFFF  }
0xa6: {  	s6 =	sld [smem:$0x0]  }
0xa7: {  	s7 =	sand.u32 $0xFFFFFFFE, s1  }
0xa8: {  	p0 =	sne.s32 s1, s7  }
0xa9: {  	s7 =	sshll.u32 @p0 s7, $0xE  }
0xaa: {  	s7 =	sadd.s32 @p0 $0x11B8D, s7;
	s8 =	sshll.u32 @p0 s6, $0x11  }
0xab: {  	s7 =	sor.u32 @p0 s8, s7  }
0xac: {  	[sflag:s7] =	ssyncadd.remote.s32 @p0 $0x1;
	_ =	sdelay $0x1  }
0xad: {  	s7 =	simm.s32 @p0 $0x1B8D  }
0xae: {  	_ =	swait.eq @p0 [sflag:s7], $0x1  }
0xaf: {  	[sflag:s7] =	ssyncadd.s32 @p0 $0xFFFFFFFF  }
0xb0: {  	s8 =	sshll.u32 @!p0 s1, $0xE  }
0xb1: {  	s8 =	sor.u32 @!p0 $0x4000, s8;
	s7 =	simm.s32 @!p0 $0x1B8D  }
0xb2: {  	s6 =	sshll.u32 @!p0 s6, $0x11;
	s8 =	sadd.s32 @!p0 $0x11B8D, s8;
	_ =	swait.eq @!p0 [sflag:s7], $0x1  }
0xb3: {  	s6 =	sor.u32 @!p0 s6, s8;
	[sflag:s7] =	ssyncadd.s32 @!p0 $0xFFFFFFFF  }
0xb4: {  	s25 =	simm.s32 $0x1B8E;
	s24 =	sld [smem:$0x3FFE];
	[sflag:s6] =	ssyncadd.remote.s32 @!p0 $0x1  }
0xb5: {  	s26 =	simm.s32 $execute0_lowered;
	[smem:$0x3FD2] =	sst s25  }
0xb6: {  	s7 =	sshll.u32 s26, $0x1;
	_ =	strace $0x80000049;
	[dreg:$0x1] =	wrdreg $0xFFFFFFFF  }
0xb7: {  	s28 =	simm.s32 $_size_execute0_lowered;
	s5 =	sadd.s32 s5, s7;
	[dreg:$0x0] =	wrdreg $0x0  }
0xb8: {  	s7 =	sshll.u32 s28, $0x1;
	[dreg:$0x2] =	wrdreg s5  }
0xb9: {  	[dreg:$0x3] =	wrdreg s7  }
0xba: {  	[dreg:$0x4] =	wrdreg $0xC0  }
0xbb: {  	_ =	task [dreg:s22], $0x5FFFF  }
0xbc: {  	[dreg:$0x1] =	wrdreg $0xFFFFFFFF  }
0xbd: {  	[dreg:$0x0] =	wrdreg $0x60  }
0xbe: {  	[dreg:$0x2] =	wrdreg s18  }
0xbf: {  	[dreg:$0x3] =	wrdreg s4  }
0xc0: {  	[dreg:$0x4] =	wrdreg s24  }
0xc1: {  	[dreg:$0x5] =	wrdreg $0xA  }
0xc2: {  	_ =	task.clear_ibuf [dreg:s22], $0x6FFFF;
	_ =	strace $0x90000049  }
0xc3: {  	s29 =	simm.s32 $0xA;
	_ =	strace $0x8000004B  }
0xc4: {  	_ =	swait.ge [sflag:s29], $0x1  }
0xc5: {  	[sflag:s29] =	ssyncadd.s32 $0xFFFFFFFF  }
0xc6: {  	_ =	strace $0x9000004B  }
0xc7: {  	_ =	sfence  }
0xc8: {  	s30 =	sld [smem:$0x0];
	_ =	sdelay $0x2  }
0xc9: {  	s31 =	sshll.u32 s1, $0xD;
	s1 =	sshrl.u32 s1, $0x2  }
0xca: {  	s4 =	sand.u32 $0x4000, s31;
	s1 =	sadd.s32 s1, s30  }
0xcb: {  	s0 =	sor.u32 s4, s0;
	s1 =	sshll.u32 s1, $0x11  }
0xcc: {  	s0 =	sor.u32 s1, s0  }
0xcd: {  	s0 =	sadd.s32 $0x8F2B, s0  }
0xce: {  	[sflag:s0] =	ssyncadd.remote.s32 $0x1  }
0xcf: {  	_ =	sfence.sel $0xFFFF  }
0xd0: {  	[dreg:$0x0] =	wrdreg $0xFFFFFFFF;
	(pc) =	sbr.abs _section_cstart, $3  }
0xd1: {  	[dreg:$0x1] =	wrdreg $0xFFFFFFFF  }
0xd2: {  	_ =	task.clear_ibuf [dreg:s22], $0x2FFFF;
	_ =	strace $0x9FFFFFFF  }
0xd3: {  	(tm) =	ssettm $0x7FFFFFFF  }
tec
execute0_lowered:
.L_overlay_start_1:
0x0: {  	(tag) =	ssettag $0x1  }
0x1: {  	s3 =	rddreg [dreg:$0x0]  }
0x2: {  	s4 =	rddreg [dreg:$0x1]  }
0x3: {  	s5 =	rddreg [dreg:$0x2]  }
0x4: {  	s0 =	rddreg [dreg:$0x3];
	s1 =	simm.s32 $0x0  }
0x5: {  	[smem:$0x7FF] =	sst s1;
	s2 =	sadd.s32 $0x40200, s5  }
0x6: {  	s21 =	sadd.s32 $0xF82600, s5;
	_ =	strace $0x8000004A;
	[dreg:$0x16] =	wrdreg s2  }
0x7: {  	s22 =	simm.s32 $0x1100;
	[dreg:$0x4] =	wrdreg s21  }
0x8: {  	s23 =	simm.s32 $0x1500;
	[dreg:$0x17] =	wrdreg s22  }
0x9: {  	s24 =	simm.s32 $0x1900;
	[dreg:$0x18] =	wrdreg s23  }
0xa: {  	s25 =	simm.s32 $0x1D00;
	[dreg:$0x19] =	wrdreg s24  }
0xb: {  	s26 =	simm.s32 $0x2100;
	[dreg:$0x1a] =	wrdreg s25  }
0xc: {  	s28 =	simm.s32 $0x2500;
	[dreg:$0x1b] =	wrdreg s26  }
0xd: {  	s29 =	simm.s32 $0x2900;
	[dreg:$0x1c] =	wrdreg s28  }
0xe: {  	s30 =	simm.s32 $0x2D00;
	[dreg:$0x1d] =	wrdreg s29  }
0xf: {  	s31 =	simm.s32 $0x3100;
	[dreg:$0x1e] =	wrdreg s30  }
0x10: {  	s6 =	simm.s32 $0x3500;
	[dreg:$0x1f] =	wrdreg s31  }
0x11: {  	s7 =	simm.s32 $0x3900;
	[smem:$0x7F6] =	sst s6  }
0x12: {  	s8 =	simm.s32 $0x3D00;
	[smem:$0x7F7] =	sst s7  }
0x13: {  	s9 =	simm.s32 $0x4500;
	[smem:$0x7F8] =	sst s8  }
0x14: {  	s10 =	simm.s32 $0x4900;
	[smem:$0x7FA] =	sst s9  }
0x15: {  	s11 =	simm.s32 $0x4D00;
	[smem:$0x7FB] =	sst s10  }
0x16: {  	s13 =	simm.s32 $0x100;
	[smem:$0x7FC] =	sst s11  }
0x17: {  	s14 =	simm.s32 $0x5100;
	[smem:$0x7FD] =	sst s13  }
0x18: {  	s15 =	simm.s32 $0x5500;
	[dreg:$0x5] =	wrdreg s14  }
0x19: {  	s16 =	simm.s32 $0x5900;
	[dreg:$0x6] =	wrdreg s15  }
0x1a: {  	s17 =	simm.s32 $0x5D00;
	[dreg:$0x7] =	wrdreg s16  }
0x1b: {  	s19 =	simm.s32 $0x6100;
	[dreg:$0x8] =	wrdreg s17  }
0x1c: {  	s20 =	simm.s32 $0x6500;
	[dreg:$0x9] =	wrdreg s19  }
0x1d: {  	s6 =	simm.s32 $0x4100;
	[dreg:$0xa] =	wrdreg s20  }
0x1e: {  	s21 =	simm.s32 $0x6900;
	[smem:$0x7F9] =	sst s6  }
0x1f: {  	s22 =	simm.s32 $0x6D00;
	[dreg:$0xb] =	wrdreg s21  }
0x20: {  	s23 =	simm.s32 $0x7100;
	[dreg:$0xc] =	wrdreg s22  }
0x21: {  	s24 =	simm.s32 $0x7500;
	[dreg:$0xd] =	wrdreg s23  }
0x22: {  	s25 =	simm.s32 $0x7900;
	[dreg:$0xe] =	wrdreg s24  }
0x23: {  	s26 =	simm.s32 $0x7D00;
	[dreg:$0xf] =	wrdreg s25  }
0x24: {  	s28 =	simm.s32 $0x8100;
	[dreg:$0x10] =	wrdreg s26  }
0x25: {  	s29 =	simm.s32 $0x8500;
	[dreg:$0x11] =	wrdreg s28  }
0x26: {  	s12 =	srdreg.scid;
	s30 =	simm.s32 $0x8900;
	[dreg:$0x12] =	wrdreg s29  }
0x27: {  	s2 =	stileid.u32;
	s31 =	simm.s32 $0x8D00;
	[dreg:$0x13] =	wrdreg s30  }
0x28: {  	s11 =	simm.s32 $0x900;
	s7 =	sshll.u32 s2, $0xC;
	[dreg:$0x14] =	wrdreg s31  }
0x29: {  	s6 =	sand.u32 $0x1, s12;
	s18 =	sshll.u32 s2, $0x8;
	[dreg:$0x15] =	wrdreg s11  }
0x2a: {  	s11 =	simm.s32 $0x0;
	s7 =	sadd.s32 s7, s5;
	s8 =	ssub.s32 $0x2, s6  }
0x2b: {  	s10 =	sshll.u32 s6, $0x7;
	s6 =	sshll.u32 s6, $0xB;
	s9 =	sshrl.u32 s8, $0x1  }
0x2c: {  	s7 =	sadd.s32 s6, s7;
	s8 =	ssub.s32 s8, s9;
	s9 =	sor.u32 s10, s18  }
0x2d: {  	s6 =	sadd.s32 $0x1109000, s7;
	s7 =	sadd.s32 $0x1119000, s7;
	s10 =	simm.s32 $0x80  }
0x2e: {  	s9 =	sshrl.u32 s9, $0x3;
	s5 =	smax.u32 s8, $0x1;
	s8 =	simm.s32 $0x2  }
0x2f: {  	s3 =	sadd.s32 s3, s9;
	s4 =	sadd.s32 s4, s9;
	s9 =	simm.s32 $0x1  }
.LBB2_1:
0x30: {  	[tilespmem:s1], [sflag:$0x2] =	stream.linear.gather [hbm4b:s3+s1], $0x80, $0x38;
	[tilespmem:$0x9100] =	vst v63  }
0x31: {  	_ =	swait.ge [sflag:s8], $0x80  }
0x32: {  	[sflag:s8] =	ssyncset.done $0x0  }
0x33: {  	s12 =	smov.u32 s6;
	s13 =	simm.s32 $0x0;
	[sflag:s8] =	ssyncadd.s32 $0xFFFFFF80  }
.LBB2_2:
0x34: {  	s14 =	sshra.s32 s13, $0x2  }
0x35: {  	v0 =	vld [tilespmem:s14+$0x0];
	_ =	sdelay $0x4  }
0x36: {  	v1 =	vand.u32 $0xFFFFFFF8, v0  }
0x37: {  	s28 =	rddreg [dreg:$0x16];
	v1 =	vshll.u32 v1, $0x4  }
0x38: {  	v1 =	vadd.s32 s28, v1  }
0x39: {  	(v2sf) =	vpush v1, $0x0;
	_ =	sdelay $0x1  }
0x3a: {  	(v2sf) =	vpush v1, $0x1;
	_ =	sdelay $0x1  }
0x3b: {  	(v2sf) =	vpush v1, $0x2;
	_ =	sdelay $0x1  }
0x3c: {  	(v2sf) =	vpush v1, $0x3;
	_ =	sdelay $0x1  }
0x3d: {  	(v2sf) =	vpush v1, $0x4;
	_ =	sdelay $0x1  }
0x3e: {  	(v2sf) =	vpush v1, $0x5;
	_ =	sdelay $0x1  }
0x3f: {  	(v2sf) =	vpush v1, $0x6;
	_ =	sdelay $0x1  }
0x40: {  	s29 =	rddreg [dreg:$0x17];
	(v2sf) =	vpush v1, $0x7  }
0x41: {  	s16 =	rddreg [dreg:$0x18];
	s15 =	spop (v2sf)  }
0x42: {  	(v2sf) =	vpush v1, $0x8;
	[tilespmem:s29], [sflag:$0x1] =	stream.linear.gather [hbm4b:s15+s1], $0x400, $0x38;
	[tilespmem:$0x9100] =	vst v63  }
0x43: {  	s31 =	rddreg [dreg:$0x19];
	s30 =	spop (v2sf)  }
0x44: {  	(v2sf) =	vpush v1, $0x9;
	[tilespmem:s16], [sflag:$0x1] =	stream.linear.gather [hbm4b:s30+s1], $0x400, $0x38;
	[tilespmem:$0x9100] =	vst v63  }
0x45: {  	s18 =	rddreg [dreg:$0x1a];
	s17 =	spop (v2sf)  }
0x46: {  	(v2sf) =	vpush v1, $0xA;
	[tilespmem:s31], [sflag:$0x1] =	stream.linear.gather [hbm4b:s17+s1], $0x400, $0x38;
	[tilespmem:$0x9100] =	vst v63  }
0x47: {  	s20 =	rddreg [dreg:$0x1b];
	s19 =	spop (v2sf)  }
0x48: {  	(v2sf) =	vpush v1, $0xB;
	[tilespmem:s18], [sflag:$0x1] =	stream.linear.gather [hbm4b:s19+s1], $0x400, $0x38;
	[tilespmem:$0x9100] =	vst v63  }
0x49: {  	s22 =	rddreg [dreg:$0x1c];
	s21 =	spop (v2sf)  }
0x4a: {  	(v2sf) =	vpush v1, $0xC;
	[tilespmem:s20], [sflag:$0x1] =	stream.linear.gather [hbm4b:s21+s1], $0x400, $0x38;
	[tilespmem:$0x9100] =	vst v63  }
0x4b: {  	s24 =	rddreg [dreg:$0x1d];
	s23 =	spop (v2sf)  }
0x4c: {  	(v2sf) =	vpush v1, $0xD;
	[tilespmem:s22], [sflag:$0x1] =	stream.linear.gather [hbm4b:s23+s1], $0x400, $0x38;
	[tilespmem:$0x9100] =	vst v63  }
0x4d: {  	s26 =	rddreg [dreg:$0x1e];
	s25 =	spop (v2sf)  }
0x4e: {  	(v2sf) =	vpush v1, $0xE;
	[tilespmem:s24], [sflag:$0x1] =	stream.linear.gather [hbm4b:s25+s1], $0x400, $0x38;
	[tilespmem:$0x9100] =	vst v63  }
0x4f: {  	s29 =	rddreg [dreg:$0x1f];
	s28 =	spop (v2sf)  }
0x50: {  	(v2sf) =	vpush v1, $0xF;
	[tilespmem:s26], [sflag:$0x1] =	stream.linear.gather [hbm4b:s28+s1], $0x400, $0x38;
	[tilespmem:$0x9100] =	vst v63  }
0x51: {  	s31 =	sld [smem:$0x7F6];
	s30 =	spop (v2sf)  }
0x52: {  	[tilespmem:s29], [sflag:$0x1] =	stream.linear.gather [hbm4b:s30+s1], $0x400, $0x38;
	[tilespmem:$0x9100] =	vst v63  }
0x53: {  	s17 =	sld [smem:$0x7F7];
	s15 =	spop (v2sf)  }
0x54: {  	[tilespmem:s31], [sflag:$0x1] =	stream.linear.gather [hbm4b:s15+s1], $0x400, $0x38;
	[tilespmem:$0x9100] =	vst v63  }
0x55: {  	s19 =	sld [smem:$0x7F8];
	s18 =	spop (v2sf)  }
0x56: {  	[tilespmem:s17], [sflag:$0x1] =	stream.linear.gather [hbm4b:s18+s1], $0x400, $0x38;
	[tilespmem:$0x9100] =	vst v63  }
0x57: {  	s21 =	sld [smem:$0x7F9];
	s20 =	spop (v2sf)  }
0x58: {  	[tilespmem:s19], [sflag:$0x1] =	stream.linear.gather [hbm4b:s20+s1], $0x400, $0x38;
	[tilespmem:$0x9100] =	vst v63  }
0x59: {  	s23 =	sld [smem:$0x7FA];
	s22 =	spop (v2sf)  }
0x5a: {  	[tilespmem:s21], [sflag:$0x1] =	stream.linear.gather [hbm4b:s22+s1], $0x400, $0x38;
	[tilespmem:$0x9100] =	vst v63  }
0x5b: {  	s25 =	sld [smem:$0x7FB];
	s24 =	spop (v2sf)  }
0x5c: {  	[tilespmem:s23], [sflag:$0x1] =	stream.linear.gather [hbm4b:s24+s1], $0x400, $0x38;
	[tilespmem:$0x9100] =	vst v63  }
0x5d: {  	s28 =	sld [smem:$0x7FC];
	s26 =	spop (v2sf)  }
0x5e: {  	[tilespmem:s25], [sflag:$0x1] =	stream.linear.gather [hbm4b:s26+s1], $0x400, $0x38;
	[tilespmem:$0x9100] =	vst v63  }
0x5f: {  	s29 =	spop (v2sf)  }
0x60: {  	[tilespmem:s28], [sflag:$0x1] =	stream.linear.gather [hbm4b:s29+s1], $0x400, $0x38;
	[tilespmem:$0x9100] =	vst v63  }
0x61: {  	_ =	swait.ge [sflag:s9], $0x400  }
0x62: {  	[sflag:s9] =	ssyncset.done $0x0  }
0x63: {  	[sflag:s9] =	ssyncadd.s32 $0xFFFFFC00  }
0x64: {  	_ =	swait.ge [sflag:s9], $0x400  }
0x65: {  	[sflag:s9] =	ssyncset.done $0x0  }
0x66: {  	[sflag:s9] =	ssyncadd.s32 $0xFFFFFC00  }
0x67: {  	_ =	swait.ge [sflag:s9], $0x400  }
0x68: {  	[sflag:s9] =	ssyncset.done $0x0  }
0x69: {  	[sflag:s9] =	ssyncadd.s32 $0xFFFFFC00  }
0x6a: {  	_ =	swait.ge [sflag:s9], $0x400  }
0x6b: {  	[sflag:s9] =	ssyncset.done $0x0  }
0x6c: {  	[sflag:s9] =	ssyncadd.s32 $0xFFFFFC00  }
0x6d: {  	_ =	swait.ge [sflag:s9], $0x400  }
0x6e: {  	[sflag:s9] =	ssyncset.done $0x0  }
0x6f: {  	[sflag:s9] =	ssyncadd.s32 $0xFFFFFC00  }
0x70: {  	_ =	swait.ge [sflag:s9], $0x400  }
0x71: {  	[sflag:s9] =	ssyncset.done $0x0  }
0x72: {  	[sflag:s9] =	ssyncadd.s32 $0xFFFFFC00  }
0x73: {  	_ =	swait.ge [sflag:s9], $0x400  }
0x74: {  	[sflag:s9] =	ssyncset.done $0x0  }
0x75: {  	[sflag:s9] =	ssyncadd.s32 $0xFFFFFC00  }
0x76: {  	_ =	swait.ge [sflag:s9], $0x400  }
0x77: {  	[sflag:s9] =	ssyncset.done $0x0  }
0x78: {  	[sflag:s9] =	ssyncadd.s32 $0xFFFFFC00  }
0x79: {  	_ =	swait.ge [sflag:s9], $0x400  }
0x7a: {  	[sflag:s9] =	ssyncset.done $0x0  }
0x7b: {  	[sflag:s9] =	ssyncadd.s32 $0xFFFFFC00  }
0x7c: {  	_ =	swait.ge [sflag:s9], $0x400  }
0x7d: {  	[sflag:s9] =	ssyncset.done $0x0  }
0x7e: {  	[sflag:s9] =	ssyncadd.s32 $0xFFFFFC00  }
0x7f: {  	_ =	swait.ge [sflag:s9], $0x400  }
0x80: {  	[sflag:s9] =	ssyncset.done $0x0  }
0x81: {  	[sflag:s9] =	ssyncadd.s32 $0xFFFFFC00  }
0x82: {  	_ =	swait.ge [sflag:s9], $0x400  }
0x83: {  	[sflag:s9] =	ssyncset.done $0x0  }
0x84: {  	[sflag:s9] =	ssyncadd.s32 $0xFFFFFC00  }
0x85: {  	_ =	swait.ge [sflag:s9], $0x400  }
0x86: {  	[sflag:s9] =	ssyncset.done $0x0  }
0x87: {  	[sflag:s9] =	ssyncadd.s32 $0xFFFFFC00  }
0x88: {  	_ =	swait.ge [sflag:s9], $0x400  }
0x89: {  	[sflag:s9] =	ssyncset.done $0x0  }
0x8a: {  	[sflag:s9] =	ssyncadd.s32 $0xFFFFFC00  }
0x8b: {  	_ =	swait.ge [sflag:s9], $0x400  }
0x8c: {  	[sflag:s9] =	ssyncset.done $0x0  }
0x8d: {  	v0 =	vand.u32 $0x7, v0;
	[sflag:s9] =	ssyncadd.s32 $0xFFFFFC00  }
0x8e: {  	v0 =	vshll.u32 v0, $0x7;
	_ =	swait.ge [sflag:s9], $0x400  }
0x8f: {  	(v2sf) =	vpush v0, $0x1  }
0x90: {  	(v2sf) =	vpush v0, $0x0;
	_ =	sdelay $0xd  }
0x91: {  	[sflag:s9] =	ssyncset.done $0x0;
	s30 =	spop (v2sf)  }
0x92: {  	[sflag:s9] =	ssyncadd.s32 $0xFFFFFC00;
	s31 =	spop (v2sf)  }
0x93: {  	v62 =	vld [tilespmem:s31+$0x1100];
	_ =	sdelay $0x4  }
0x94: {  	[tilespmem:$0x100] =	vst v62  }
0x95: {  	v1 =	vld [tilespmem:s31+$0x1110];
	_ =	sdelay $0x4  }
0x96: {  	[tilespmem:$0x110] =	vst v1  }
0x97: {  	v1 =	vld [tilespmem:s31+$0x1120];
	_ =	sdelay $0x4  }
0x98: {  	[tilespmem:$0x120] =	vst v1  }
0x99: {  	v1 =	vld [tilespmem:s31+$0x1130];
	_ =	sdelay $0x4  }
0x9a: {  	[tilespmem:$0x130] =	vst v1  }
0x9b: {  	v1 =	vld [tilespmem:s30+$0x1500];
	_ =	sdelay $0x4  }
0x9c: {  	[tilespmem:$0x180] =	vst v1  }
0x9d: {  	v1 =	vld [tilespmem:s30+$0x1510]  }
0x9e: {  	(v2sf) =	vpush v0, $0x3  }
0x9f: {  	(v2sf) =	vpush v0, $0x2;
	_ =	sdelay $0x2  }
0xa0: {  	[tilespmem:$0x190] =	vst v1  }
0xa1: {  	v1 =	vld [tilespmem:s30+$0x1520];
	_ =	sdelay $0x4  }
0xa2: {  	[tilespmem:$0x1A0] =	vst v1  }
0xa3: {  	v1 =	vld [tilespmem:s30+$0x1530];
	_ =	sdelay $0x3  }
0xa4: {  	s16 =	spop (v2sf)  }
0xa5: {  	s17 =	spop (v2sf);
	[tilespmem:$0x1B0] =	vst v1  }
0xa6: {  	v1 =	vld [tilespmem:s17+$0x1900];
	_ =	sdelay $0x4  }
0xa7: {  	[tilespmem:$0x200] =	vst v1  }
0xa8: {  	v1 =	vld [tilespmem:s17+$0x1910];
	_ =	sdelay $0x4  }
0xa9: {  	[tilespmem:$0x210] =	vst v1  }
0xaa: {  	v1 =	vld [tilespmem:s17+$0x1920];
	_ =	sdelay $0x4  }
0xab: {  	[tilespmem:$0x220] =	vst v1  }
0xac: {  	v1 =	vld [tilespmem:s17+$0x1930];
	_ =	sdelay $0x4  }
0xad: {  	[tilespmem:$0x230] =	vst v1  }
0xae: {  	v1 =	vld [tilespmem:s16+$0x1D00];
	_ =	sdelay $0x4  }
0xaf: {  	[tilespmem:$0x280] =	vst v1  }
0xb0: {  	v1 =	vld [tilespmem:s16+$0x1D10]  }
0xb1: {  	(v2sf) =	vpush v0, $0x5  }
0xb2: {  	(v2sf) =	vpush v0, $0x4;
	_ =	sdelay $0x2  }
0xb3: {  	[tilespmem:$0x290] =	vst v1  }
0xb4: {  	v1 =	vld [tilespmem:s16+$0x1D20];
	_ =	sdelay $0x4  }
0xb5: {  	[tilespmem:$0x2A0] =	vst v1  }
0xb6: {  	v1 =	vld [tilespmem:s16+$0x1D30];
	_ =	sdelay $0x3  }
0xb7: {  	s18 =	spop (v2sf)  }
0xb8: {  	s19 =	spop (v2sf);
	[tilespmem:$0x2B0] =	vst v1  }
0xb9: {  	v1 =	vld [tilespmem:s19+$0x2100];
	_ =	sdelay $0x4  }
0xba: {  	[tilespmem:$0x300] =	vst v1  }
0xbb: {  	v1 =	vld [tilespmem:s19+$0x2110];
	_ =	sdelay $0x4  }
0xbc: {  	[tilespmem:$0x310] =	vst v1  }
0xbd: {  	v1 =	vld [tilespmem:s19+$0x2120];
	_ =	sdelay $0x4  }
0xbe: {  	[tilespmem:$0x320] =	vst v1  }
0xbf: {  	v1 =	vld [tilespmem:s19+$0x2130];
	_ =	sdelay $0x4  }
0xc0: {  	[tilespmem:$0x330] =	vst v1  }
0xc1: {  	v1 =	vld [tilespmem:s18+$0x2500];
	_ =	sdelay $0x4  }
0xc2: {  	[tilespmem:$0x380] =	vst v1  }
0xc3: {  	v1 =	vld [tilespmem:s18+$0x2510]  }
0xc4: {  	(v2sf) =	vpush v0, $0x7  }
0xc5: {  	(v2sf) =	vpush v0, $0x6;
	_ =	sdelay $0x2  }
0xc6: {  	[tilespmem:$0x390] =	vst v1  }
0xc7: {  	v1 =	vld [tilespmem:s18+$0x2520];
	_ =	sdelay $0x4  }
0xc8: {  	[tilespmem:$0x3A0] =	vst v1  }
0xc9: {  	v1 =	vld [tilespmem:s18+$0x2530];
	_ =	sdelay $0x3  }
0xca: {  	s20 =	spop (v2sf)  }
0xcb: {  	s21 =	spop (v2sf);
	[tilespmem:$0x3B0] =	vst v1  }
0xcc: {  	v1 =	vld [tilespmem:s21+$0x2900];
	_ =	sdelay $0x4  }
0xcd: {  	[tilespmem:$0x400] =	vst v1  }
0xce: {  	v1 =	vld [tilespmem:s21+$0x2910];
	_ =	sdelay $0x4  }
0xcf: {  	[tilespmem:$0x410] =	vst v1  }
0xd0: {  	v1 =	vld [tilespmem:s21+$0x2920];
	_ =	sdelay $0x4  }
0xd1: {  	[tilespmem:$0x420] =	vst v1  }
0xd2: {  	v1 =	vld [tilespmem:s21+$0x2930];
	_ =	sdelay $0x4  }
0xd3: {  	[tilespmem:$0x430] =	vst v1  }
0xd4: {  	v1 =	vld [tilespmem:s20+$0x2D00];
	_ =	sdelay $0x4  }
0xd5: {  	[tilespmem:$0x480] =	vst v1  }
0xd6: {  	v1 =	vld [tilespmem:s20+$0x2D10]  }
0xd7: {  	(v2sf) =	vpush v0, $0x9  }
0xd8: {  	(v2sf) =	vpush v0, $0x8;
	_ =	sdelay $0x2  }
0xd9: {  	[tilespmem:$0x490] =	vst v1  }
0xda: {  	v1 =	vld [tilespmem:s20+$0x2D20];
	_ =	sdelay $0x4  }
0xdb: {  	[tilespmem:$0x4A0] =	vst v1  }
0xdc: {  	v1 =	vld [tilespmem:s20+$0x2D30];
	_ =	sdelay $0x3  }
0xdd: {  	s22 =	spop (v2sf)  }
0xde: {  	s23 =	spop (v2sf);
	[tilespmem:$0x4B0] =	vst v1  }
0xdf: {  	v1 =	vld [tilespmem:s23+$0x3100];
	_ =	sdelay $0x4  }
0xe0: {  	[tilespmem:$0x500] =	vst v1  }
0xe1: {  	v1 =	vld [tilespmem:s23+$0x3110];
	_ =	sdelay $0x4  }
0xe2: {  	[tilespmem:$0x510] =	vst v1  }
0xe3: {  	v1 =	vld [tilespmem:s23+$0x3120];
	_ =	sdelay $0x4  }
0xe4: {  	[tilespmem:$0x520] =	vst v1  }
0xe5: {  	v1 =	vld [tilespmem:s23+$0x3130];
	_ =	sdelay $0x4  }
0xe6: {  	[tilespmem:$0x530] =	vst v1  }
0xe7: {  	v1 =	vld [tilespmem:s22+$0x3500];
	_ =	sdelay $0x4  }
0xe8: {  	[tilespmem:$0x580] =	vst v1  }
0xe9: {  	v1 =	vld [tilespmem:s22+$0x3510]  }
0xea: {  	(v2sf) =	vpush v0, $0xB  }
0xeb: {  	(v2sf) =	vpush v0, $0xA;
	_ =	sdelay $0x2  }
0xec: {  	[tilespmem:$0x590] =	vst v1  }
0xed: {  	v1 =	vld [tilespmem:s22+$0x3520];
	_ =	sdelay $0x4  }
0xee: {  	[tilespmem:$0x5A0] =	vst v1  }
0xef: {  	v1 =	vld [tilespmem:s22+$0x3530];
	_ =	sdelay $0x3  }
0xf0: {  	s24 =	spop (v2sf)  }
0xf1: {  	s25 =	spop (v2sf);
	[tilespmem:$0x5B0] =	vst v1  }
0xf2: {  	v1 =	vld [tilespmem:s25+$0x3900];
	_ =	sdelay $0x4  }
0xf3: {  	[tilespmem:$0x600] =	vst v1  }
0xf4: {  	v1 =	vld [tilespmem:s25+$0x3910];
	_ =	sdelay $0x4  }
0xf5: {  	[tilespmem:$0x610] =	vst v1  }
0xf6: {  	v1 =	vld [tilespmem:s25+$0x3920];
	_ =	sdelay $0x4  }
0xf7: {  	[tilespmem:$0x620] =	vst v1  }
0xf8: {  	v1 =	vld [tilespmem:s25+$0x3930];
	_ =	sdelay $0x4  }
0xf9: {  	[tilespmem:$0x630] =	vst v1  }
0xfa: {  	v1 =	vld [tilespmem:s24+$0x3D00];
	_ =	sdelay $0x4  }
0xfb: {  	[tilespmem:$0x680] =	vst v1  }
0xfc: {  	v1 =	vld [tilespmem:s24+$0x3D10]  }
0xfd: {  	(v2sf) =	vpush v0, $0xD  }
0xfe: {  	(v2sf) =	vpush v0, $0xC;
	_ =	sdelay $0x2  }
0xff: {  	[tilespmem:$0x690] =	vst v1  }
0x100: {  	v1 =	vld [tilespmem:s24+$0x3D20];
	_ =	sdelay $0x4  }
0x101: {  	[tilespmem:$0x6A0] =	vst v1  }
0x102: {  	v1 =	vld [tilespmem:s24+$0x3D30];
	_ =	sdelay $0x3  }
0x103: {  	s26 =	spop (v2sf)  }
0x104: {  	s28 =	spop (v2sf);
	[tilespmem:$0x6B0] =	vst v1  }
0x105: {  	v1 =	vld [tilespmem:s28+$0x4100];
	_ =	sdelay $0x4  }
0x106: {  	[tilespmem:$0x700] =	vst v1  }
0x107: {  	v1 =	vld [tilespmem:s28+$0x4110];
	_ =	sdelay $0x4  }
0x108: {  	[tilespmem:$0x710] =	vst v1  }
0x109: {  	v1 =	vld [tilespmem:s28+$0x4120];
	_ =	sdelay $0x4  }
0x10a: {  	[tilespmem:$0x720] =	vst v1  }
0x10b: {  	v1 =	vld [tilespmem:s28+$0x4130];
	_ =	sdelay $0x4  }
0x10c: {  	[tilespmem:$0x730] =	vst v1  }
0x10d: {  	v1 =	vld [tilespmem:s26+$0x4500];
	_ =	sdelay $0x4  }
0x10e: {  	[tilespmem:$0x780] =	vst v1  }
0x10f: {  	v1 =	vld [tilespmem:s26+$0x4510]  }
0x110: {  	(v2sf) =	vpush v0, $0xF  }
0x111: {  	(v2sf) =	vpush v0, $0xE;
	_ =	sdelay $0x2  }
0x112: {  	[tilespmem:$0x790] =	vst v1  }
0x113: {  	v63 =	vld [tilespmem:s26+$0x4520];
	_ =	sdelay $0x4  }
0x114: {  	[tilespmem:$0x7A0] =	vst v63  }
0x115: {  	v0 =	vld [tilespmem:s26+$0x4530];
	_ =	sdelay $0x3  }
0x116: {  	s29 =	spop (v2sf)  }
0x117: {  	s30 =	spop (v2sf);
	[tilespmem:$0x7B0] =	vst v0  }
0x118: {  	v0 =	vld [tilespmem:s30+$0x4900];
	_ =	sdelay $0x4  }
0x119: {  	[tilespmem:$0x800] =	vst v0  }
0x11a: {  	v0 =	vld [tilespmem:s30+$0x4910];
	_ =	sdelay $0x4  }
0x11b: {  	[tilespmem:$0x810] =	vst v0  }
0x11c: {  	v0 =	vld [tilespmem:s30+$0x4920];
	_ =	sdelay $0x4  }
0x11d: {  	[tilespmem:$0x820] =	vst v0  }
0x11e: {  	v0 =	vld [tilespmem:s30+$0x4930];
	_ =	sdelay $0x4  }
0x11f: {  	[tilespmem:$0x830] =	vst v0  }
0x120: {  	v0 =	vld [tilespmem:s29+$0x4D00];
	_ =	sdelay $0x4  }
0x121: {  	[tilespmem:$0x880] =	vst v0  }
0x122: {  	v0 =	vld [tilespmem:s29+$0x4D10];
	_ =	sdelay $0x4  }
0x123: {  	[tilespmem:$0x890] =	vst v0  }
0x124: {  	v0 =	vld [tilespmem:s29+$0x4D20];
	_ =	sdelay $0x4  }
0x125: {  	[tilespmem:$0x8A0] =	vst v0  }
0x126: {  	v0 =	vld [tilespmem:s29+$0x4D30];
	_ =	sdelay $0x2  }
0x127: {  	s31 =	sld [smem:$0x7FD]  }
0x128: {  	p0 =	sne.s32 s13, $0x1C0  }
.Ltmp0:
0x129: {  	[tilespmem:$0x8B0] =	vst v0;
	(pc) =	sbr.rel @p0 .LBB2_2-.Ltmp0, $4  }
0x12a: {  	[hbm4b:s12+s1] =	stream.linear.scatter [tilespmem:s31], [sflag:$0x2], $0x800, $0x38;
	[tilespmem:$0x9100] =	vst v63  }
0x12b: {  	_ =	swait.ge [sflag:s8], $0x800  }
0x12c: {  	[sflag:s8] =	ssyncset.done $0x0  }
0x12d: {  	s13 =	sadd.s32 $0x40, s13;
	s12 =	sadd.s32 $0x100, s12;
	[sflag:s8] =	ssyncadd.s32 $0xFFFFF800  }
0x12e: {  	s12 =	simm.s32 $0x0  }
0x12f: {  	[tilespmem:s10], [sflag:$0x2] =	stream.linear.gather [hbm4b:s4+s12], $0x80, $0x38;
	[tilespmem:$0x9100] =	vst v63  }
0x130: {  	_ =	swait.ge [sflag:s8], $0x80  }
0x131: {  	[sflag:s8] =	ssyncset.done $0x0  }
0x132: {  	s15 =	simm.s32 $0x0;
	[sflag:s8] =	ssyncadd.s32 $0xFFFFFF80  }
0x133: {  	v0 =	vld [tilespmem:s15+$0x80];
	_ =	sdelay $0x4  }
0x134: {  	v1 =	vand.u32 $0xFFFFFFF8, v0  }
0x135: {  	s16 =	rddreg [dreg:$0x4];
	v1 =	vshll.u32 v1, $0x4  }
0x136: {  	v1 =	vadd.s32 s16, v1  }
0x137: {  	(v2sf) =	vpush v1, $0x0;
	_ =	sdelay $0x1  }
0x138: {  	(v2sf) =	vpush v1, $0x1;
	_ =	sdelay $0x1  }
0x139: {  	(v2sf) =	vpush v1, $0x2;
	_ =	sdelay $0x1  }
0x13a: {  	(v2sf) =	vpush v1, $0x3;
	_ =	sdelay $0x1  }
0x13b: {  	(v2sf) =	vpush v1, $0x4;
	_ =	sdelay $0x1  }
0x13c: {  	(v2sf) =	vpush v1, $0x5;
	_ =	sdelay $0x1  }
0x13d: {  	(v2sf) =	vpush v1, $0x6;
	_ =	sdelay $0x1  }
0x13e: {  	(v2sf) =	vpush v1, $0x7  }
0x13f: {  	s17 =	rddreg [dreg:$0x5];
	s14 =	spop (v2sf)  }
0x140: {  	(v2sf) =	vpush v1, $0x8;
	[tilespmem:s17], [sflag:$0x1] =	stream.linear.gather [hbm4b:s14+s1], $0x400, $0x38;
	[tilespmem:$0x9100] =	vst v63  }
0x141: {  	s13 =	rddreg [dreg:$0x6];
	s19 =	spop (v2sf)  }
0x142: {  	(v2sf) =	vpush v1, $0x9;
	[tilespmem:s13], [sflag:$0x1] =	stream.linear.gather [hbm4b:s19+s1], $0x400, $0x38;
	[tilespmem:$0x9100] =	vst v63  }
0x143: {  	s18 =	rddreg [dreg:$0x7];
	s21 =	spop (v2sf)  }
0x144: {  	(v2sf) =	vpush v1, $0xA;
	[tilespmem:s18], [sflag:$0x1] =	stream.linear.gather [hbm4b:s21+s1], $0x400, $0x38;
	[tilespmem:$0x9100] =	vst v63  }
0x145: {  	s20 =	rddreg [dreg:$0x8];
	s23 =	spop (v2sf)  }
0x146: {  	(v2sf) =	vpush v1, $0xB;
	[tilespmem:s20], [sflag:$0x1] =	stream.linear.gather [hbm4b:s23+s1], $0x400, $0x38;
	[tilespmem:$0x9100] =	vst v63  }
0x147: {  	s22 =	rddreg [dreg:$0x9];
	s25 =	spop (v2sf)  }
0x148: {  	(v2sf) =	vpush v1, $0xC;
	[tilespmem:s22], [sflag:$0x1] =	stream.linear.gather [hbm4b:s25+s1], $0x400, $0x38;
	[tilespmem:$0x9100] =	vst v63  }
0x149: {  	s24 =	rddreg [dreg:$0xa];
	s28 =	spop (v2sf)  }
0x14a: {  	(v2sf) =	vpush v1, $0xD;
	[tilespmem:s24], [sflag:$0x1] =	stream.linear.gather [hbm4b:s28+s1], $0x400, $0x38;
	[tilespmem:$0x9100] =	vst v63  }
0x14b: {  	s26 =	rddreg [dreg:$0xb];
	s30 =	spop (v2sf)  }
0x14c: {  	(v2sf) =	vpush v1, $0xE;
	[tilespmem:s26], [sflag:$0x1] =	stream.linear.gather [hbm4b:s30+s1], $0x400, $0x38;
	[tilespmem:$0x9100] =	vst v63  }
0x14d: {  	s29 =	rddreg [dreg:$0xc];
	s15 =	spop (v2sf)  }
0x14e: {  	(v2sf) =	vpush v1, $0xF;
	[tilespmem:s29], [sflag:$0x1] =	stream.linear.gather [hbm4b:s15+s1], $0x400, $0x38;
	[tilespmem:$0x9100] =	vst v63  }
0x14f: {  	s31 =	rddreg [dreg:$0xd];
	s17 =	spop (v2sf)  }
0x150: {  	[tilespmem:s31], [sflag:$0x1] =	stream.linear.gather [hbm4b:s17+s1], $0x400, $0x38;
	[tilespmem:$0x9100] =	vst v63  }
0x151: {  	s16 =	rddreg [dreg:$0xe];
	s19 =	spop (v2sf)  }
0x152: {  	[tilespmem:s16], [sflag:$0x1] =	stream.linear.gather [hbm4b:s19+s1], $0x400, $0x38;
	[tilespmem:$0x9100] =	vst v63  }
0x153: {  	s18 =	rddreg [dreg:$0xf];
	s21 =	spop (v2sf)  }
0x154: {  	[tilespmem:s18], [sflag:$0x1] =	stream.linear.gather [hbm4b:s21+s1], $0x400, $0x38;
	[tilespmem:$0x9100] =	vst v63  }
0x155: {  	s20 =	rddreg [dreg:$0x10];
	s23 =	spop (v2sf)  }
0x156: {  	[tilespmem:s20], [sflag:$0x1] =	stream.linear.gather [hbm4b:s23+s1], $0x400, $0x38;
	[tilespmem:$0x9100] =	vst v63  }
0x157: {  	s22 =	rddreg [dreg:$0x11];
	s25 =	spop (v2sf)  }
0x158: {  	[tilespmem:s22], [sflag:$0x1] =	stream.linear.gather [hbm4b:s25+s1], $0x400, $0x38;
	[tilespmem:$0x9100] =	vst v63  }
0x159: {  	s24 =	rddreg [dreg:$0x12];
	s28 =	spop (v2sf)  }
0x15a: {  	[tilespmem:s24], [sflag:$0x1] =	stream.linear.gather [hbm4b:s28+s1], $0x400, $0x38;
	[tilespmem:$0x9100] =	vst v63  }
0x15b: {  	s26 =	rddreg [dreg:$0x13];
	s30 =	spop (v2sf)  }
0x15c: {  	[tilespmem:s26], [sflag:$0x1] =	stream.linear.gather [hbm4b:s30+s1], $0x400, $0x38;
	[tilespmem:$0x9100] =	vst v63  }
0x15d: {  	s29 =	rddreg [dreg:$0x14];
	s31 =	spop (v2sf)  }
0x15e: {  	[tilespmem:s29], [sflag:$0x1] =	stream.linear.gather [hbm4b:s31+s1], $0x400, $0x38;
	[tilespmem:$0x9100] =	vst v63  }
0x15f: {  	_ =	swait.ge [sflag:s9], $0x400  }
0x160: {  	[sflag:s9] =	ssyncset.done $0x0  }
0x161: {  	[sflag:s9] =	ssyncadd.s32 $0xFFFFFC00  }
0x162: {  	_ =	swait.ge [sflag:s9], $0x400  }
0x163: {  	[sflag:s9] =	ssyncset.done $0x0  }
0x164: {  	[sflag:s9] =	ssyncadd.s32 $0xFFFFFC00  }
0x165: {  	_ =	swait.ge [sflag:s9], $0x400  }
0x166: {  	[sflag:s9] =	ssyncset.done $0x0  }
0x167: {  	[sflag:s9] =	ssyncadd.s32 $0xFFFFFC00  }
0x168: {  	_ =	swait.ge [sflag:s9], $0x400  }
0x169: {  	[sflag:s9] =	ssyncset.done $0x0  }
0x16a: {  	[sflag:s9] =	ssyncadd.s32 $0xFFFFFC00  }
0x16b: {  	_ =	swait.ge [sflag:s9], $0x400  }
0x16c: {  	[sflag:s9] =	ssyncset.done $0x0  }
0x16d: {  	[sflag:s9] =	ssyncadd.s32 $0xFFFFFC00  }
0x16e: {  	_ =	swait.ge [sflag:s9], $0x400  }
0x16f: {  	[sflag:s9] =	ssyncset.done $0x0  }
0x170: {  	[sflag:s9] =	ssyncadd.s32 $0xFFFFFC00  }
0x171: {  	_ =	swait.ge [sflag:s9], $0x400  }
0x172: {  	[sflag:s9] =	ssyncset.done $0x0  }
0x173: {  	[sflag:s9] =	ssyncadd.s32 $0xFFFFFC00  }
0x174: {  	_ =	swait.ge [sflag:s9], $0x400  }
0x175: {  	[sflag:s9] =	ssyncset.done $0x0  }
0x176: {  	[sflag:s9] =	ssyncadd.s32 $0xFFFFFC00  }
0x177: {  	_ =	swait.ge [sflag:s9], $0x400  }
0x178: {  	[sflag:s9] =	ssyncset.done $0x0  }
0x179: {  	[sflag:s9] =	ssyncadd.s32 $0xFFFFFC00  }
0x17a: {  	_ =	swait.ge [sflag:s9], $0x400  }
0x17b: {  	[sflag:s9] =	ssyncset.done $0x0  }
0x17c: {  	[sflag:s9] =	ssyncadd.s32 $0xFFFFFC00  }
0x17d: {  	v0 =	vand.u32 $0x7, v0;
	_ =	swait.ge [sflag:s9], $0x400  }
0x17e: {  	v0 =	vshll.u32 v0, $0x7;
	[sflag:s9] =	ssyncset.done $0x0  }
0x17f: {  	(v2sf) =	vpush v0, $0x0;
	[sflag:s9] =	ssyncadd.s32 $0xFFFFFC00  }
0x180: {  	_ =	swait.ge [sflag:s9], $0x400  }
0x181: {  	[sflag:s9] =	ssyncset.done $0x0  }
0x182: {  	[sflag:s9] =	ssyncadd.s32 $0xFFFFFC00  }
0x183: {  	_ =	swait.ge [sflag:s9], $0x400  }
0x184: {  	[sflag:s9] =	ssyncset.done $0x0  }
0x185: {  	[sflag:s9] =	ssyncadd.s32 $0xFFFFFC00  }
0x186: {  	_ =	swait.ge [sflag:s9], $0x400  }
0x187: {  	[sflag:s9] =	ssyncset.done $0x0  }
0x188: {  	[sflag:s9] =	ssyncadd.s32 $0xFFFFFC00  }
0x189: {  	_ =	swait.ge [sflag:s9], $0x400  }
0x18a: {  	[sflag:s9] =	ssyncset.done $0x0  }
0x18b: {  	(v2sf) =	vpush v0, $0x1;
	[sflag:s9] =	ssyncadd.s32 $0xFFFFFC00  }
0x18c: {  	_ =	swait.ge [sflag:s9], $0x400  }
0x18d: {  	[sflag:s9] =	ssyncset.done $0x0  }
0x18e: {  	s14 =	spop (v2sf);
	[sflag:s9] =	ssyncadd.s32 $0xFFFFFC00  }
0x18f: {  	v62 =	vld [tilespmem:s14+$0x5100];
	_ =	sdelay $0x4  }
0x190: {  	[tilespmem:$0x900] =	vst v62  }
0x191: {  	v1 =	vld [tilespmem:s14+$0x5110];
	_ =	sdelay $0x1  }
0x192: {  	(v2sf) =	vpush v0, $0x2;
	_ =	sdelay $0x2  }
0x193: {  	s15 =	spop (v2sf);
	[tilespmem:$0x910] =	vst v1  }
0x194: {  	v1 =	vld [tilespmem:s15+$0x5500];
	_ =	sdelay $0x4  }
0x195: {  	[tilespmem:$0x980] =	vst v1  }
0x196: {  	v1 =	vld [tilespmem:s15+$0x5510];
	_ =	sdelay $0x1  }
0x197: {  	(v2sf) =	vpush v0, $0x3;
	_ =	sdelay $0x2  }
0x198: {  	s16 =	spop (v2sf);
	[tilespmem:$0x990] =	vst v1  }
0x199: {  	v1 =	vld [tilespmem:s16+$0x5900];
	_ =	sdelay $0x4  }
0x19a: {  	[tilespmem:$0xA00] =	vst v1  }
0x19b: {  	v1 =	vld [tilespmem:s16+$0x5910];
	_ =	sdelay $0x1  }
0x19c: {  	(v2sf) =	vpush v0, $0x4;
	_ =	sdelay $0x2  }
0x19d: {  	s17 =	spop (v2sf);
	[tilespmem:$0xA10] =	vst v1  }
0x19e: {  	v1 =	vld [tilespmem:s17+$0x5D00];
	_ =	sdelay $0x4  }
0x19f: {  	[tilespmem:$0xA80] =	vst v1  }
0x1a0: {  	v1 =	vld [tilespmem:s17+$0x5D10];
	_ =	sdelay $0x1  }
0x1a1: {  	(v2sf) =	vpush v0, $0x5;
	_ =	sdelay $0x2  }
0x1a2: {  	s18 =	spop (v2sf);
	[tilespmem:$0xA90] =	vst v1  }
0x1a3: {  	v1 =	vld [tilespmem:s18+$0x6100];
	_ =	sdelay $0x4  }
0x1a4: {  	[tilespmem:$0xB00] =	vst v1  }
0x1a5: {  	v1 =	vld [tilespmem:s18+$0x6110];
	_ =	sdelay $0x1  }
0x1a6: {  	(v2sf) =	vpush v0, $0x6;
	_ =	sdelay $0x2  }
0x1a7: {  	s19 =	spop (v2sf);
	[tilespmem:$0xB10] =	vst v1  }
0x1a8: {  	v1 =	vld [tilespmem:s19+$0x6500];
	_ =	sdelay $0x4  }
0x1a9: {  	[tilespmem:$0xB80] =	vst v1  }
0x1aa: {  	v1 =	vld [tilespmem:s19+$0x6510];
	_ =	sdelay $0x1  }
0x1ab: {  	(v2sf) =	vpush v0, $0x7;
	_ =	sdelay $0x2  }
0x1ac: {  	s20 =	spop (v2sf);
	[tilespmem:$0xB90] =	vst v1  }
0x1ad: {  	v1 =	vld [tilespmem:s20+$0x6900];
	_ =	sdelay $0x4  }
0x1ae: {  	[tilespmem:$0xC00] =	vst v1  }
0x1af: {  	v1 =	vld [tilespmem:s20+$0x6910];
	_ =	sdelay $0x1  }
0x1b0: {  	(v2sf) =	vpush v0, $0x8;
	_ =	sdelay $0x2  }
0x1b1: {  	s21 =	spop (v2sf);
	[tilespmem:$0xC10] =	vst v1  }
0x1b2: {  	v1 =	vld [tilespmem:s21+$0x6D00];
	_ =	sdelay $0x4  }
0x1b3: {  	[tilespmem:$0xC80] =	vst v1  }
0x1b4: {  	v1 =	vld [tilespmem:s21+$0x6D10];
	_ =	sdelay $0x1  }
0x1b5: {  	(v2sf) =	vpush v0, $0x9;
	_ =	sdelay $0x2  }
0x1b6: {  	s22 =	spop (v2sf);
	[tilespmem:$0xC90] =	vst v1  }
0x1b7: {  	v1 =	vld [tilespmem:s22+$0x7100];
	_ =	sdelay $0x4  }
0x1b8: {  	[tilespmem:$0xD00] =	vst v1  }
0x1b9: {  	v1 =	vld [tilespmem:s22+$0x7110];
	_ =	sdelay $0x1  }
0x1ba: {  	(v2sf) =	vpush v0, $0xA;
	_ =	sdelay $0x2  }
0x1bb: {  	s23 =	spop (v2sf);
	[tilespmem:$0xD10] =	vst v1  }
0x1bc: {  	v1 =	vld [tilespmem:s23+$0x7500];
	_ =	sdelay $0x4  }
0x1bd: {  	[tilespmem:$0xD80] =	vst v1  }
0x1be: {  	v1 =	vld [tilespmem:s23+$0x7510];
	_ =	sdelay $0x1  }
0x1bf: {  	(v2sf) =	vpush v0, $0xB;
	_ =	sdelay $0x2  }
0x1c0: {  	s24 =	spop (v2sf);
	[tilespmem:$0xD90] =	vst v1  }
0x1c1: {  	v1 =	vld [tilespmem:s24+$0x7900];
	_ =	sdelay $0x4  }
0x1c2: {  	[tilespmem:$0xE00] =	vst v1  }
0x1c3: {  	v1 =	vld [tilespmem:s24+$0x7910];
	_ =	sdelay $0x1  }
0x1c4: {  	(v2sf) =	vpush v0, $0xC;
	_ =	sdelay $0x2  }
0x1c5: {  	s25 =	spop (v2sf);
	[tilespmem:$0xE10] =	vst v1  }
0x1c6: {  	v1 =	vld [tilespmem:s25+$0x7D00];
	_ =	sdelay $0x4  }
0x1c7: {  	[tilespmem:$0xE80] =	vst v1  }
0x1c8: {  	v1 =	vld [tilespmem:s25+$0x7D10];
	_ =	sdelay $0x1  }
0x1c9: {  	(v2sf) =	vpush v0, $0xD;
	_ =	sdelay $0x2  }
0x1ca: {  	s26 =	spop (v2sf);
	[tilespmem:$0xE90] =	vst v1  }
0x1cb: {  	v1 =	vld [tilespmem:s26+$0x8100];
	_ =	sdelay $0x4  }
0x1cc: {  	[tilespmem:$0xF00] =	vst v1  }
0x1cd: {  	v1 =	vld [tilespmem:s26+$0x8110];
	_ =	sdelay $0x1  }
0x1ce: {  	(v2sf) =	vpush v0, $0xE;
	_ =	sdelay $0x2  }
0x1cf: {  	s28 =	spop (v2sf);
	[tilespmem:$0xF10] =	vst v1  }
0x1d0: {  	v1 =	vld [tilespmem:s28+$0x8500];
	_ =	sdelay $0x4  }
0x1d1: {  	[tilespmem:$0xF80] =	vst v1  }
0x1d2: {  	v1 =	vld [tilespmem:s28+$0x8510];
	_ =	sdelay $0x1  }
0x1d3: {  	(v2sf) =	vpush v0, $0xF;
	_ =	sdelay $0x2  }
0x1d4: {  	s29 =	spop (v2sf);
	[tilespmem:$0xF90] =	vst v1  }
0x1d5: {  	v63 =	vld [tilespmem:s29+$0x8900];
	_ =	sdelay $0x4  }
0x1d6: {  	[tilespmem:$0x1000] =	vst v63  }
0x1d7: {  	v0 =	vld [tilespmem:s29+$0x8910];
	_ =	sdelay $0x4  }
0x1d8: {  	s30 =	spop (v2sf);
	[tilespmem:$0x1010] =	vst v0  }
0x1d9: {  	v0 =	vld [tilespmem:s30+$0x8D00];
	_ =	sdelay $0x4  }
0x1da: {  	[tilespmem:$0x1080] =	vst v0  }
0x1db: {  	v0 =	vld [tilespmem:s30+$0x8D10];
	_ =	sdelay $0x4  }
0x1dc: {  	s31 =	rddreg [dreg:$0x15];
	[tilespmem:$0x1090] =	vst v0  }
0x1dd: {  	[hbm4b:s7+s1] =	stream.linear.scatter [tilespmem:s31], [sflag:$0x2], $0x800, $0x38;
	[tilespmem:$0x9100] =	vst v63  }
0x1de: {  	s12 =	sadd.s32 $0x100, s7;
	_ =	swait.ge [sflag:s8], $0x800  }
0x1df: {  	s13 =	simm.s32 $0x40;
	s15 =	simm.s32 $0x80;
	[sflag:s8] =	ssyncset.done $0x0  }
.LBB2_4:
0x1e0: {  	s16 =	sshra.s32 s13, $0x2;
	[sflag:s8] =	ssyncadd.s32 $0xFFFFF800  }
0x1e1: {  	v0 =	vld [tilespmem:s16+$0x80];
	_ =	sdelay $0x4  }
0x1e2: {  	v1 =	vand.u32 $0xFFFFFFF8, v0  }
0x1e3: {  	s23 =	rddreg [dreg:$0x4];
	v1 =	vshll.u32 v1, $0x4  }
0x1e4: {  	v1 =	vadd.s32 s23, v1  }
0x1e5: {  	(v2sf) =	vpush v1, $0x0;
	_ =	sdelay $0x1  }
0x1e6: {  	(v2sf) =	vpush v1, $0x1;
	_ =	sdelay $0x1  }
0x1e7: {  	(v2sf) =	vpush v1, $0x2;
	_ =	sdelay $0x1  }
0x1e8: {  	(v2sf) =	vpush v1, $0x3;
	_ =	sdelay $0x1  }
0x1e9: {  	(v2sf) =	vpush v1, $0x4;
	_ =	sdelay $0x1  }
0x1ea: {  	(v2sf) =	vpush v1, $0x5;
	_ =	sdelay $0x1  }
0x1eb: {  	(v2sf) =	vpush v1, $0x6;
	_ =	sdelay $0x1  }
0x1ec: {  	(v2sf) =	vpush v1, $0x7  }
0x1ed: {  	s24 =	rddreg [dreg:$0x5];
	s17 =	spop (v2sf)  }
0x1ee: {  	(v2sf) =	vpush v1, $0x8;
	[tilespmem:s24], [sflag:$0x1] =	stream.linear.gather [hbm4b:s17+s1], $0x400, $0x38;
	[tilespmem:$0x9100] =	vst v63  }
0x1ef: {  	s25 =	rddreg [dreg:$0x6];
	s28 =	spop (v2sf)  }
0x1f0: {  	(v2sf) =	vpush v1, $0x9;
	[tilespmem:s25], [sflag:$0x1] =	stream.linear.gather [hbm4b:s28+s1], $0x400, $0x38;
	[tilespmem:$0x9100] =	vst v63  }
0x1f1: {  	s26 =	rddreg [dreg:$0x7];
	s30 =	spop (v2sf)  }
0x1f2: {  	(v2sf) =	vpush v1, $0xA;
	[tilespmem:s26], [sflag:$0x1] =	stream.linear.gather [hbm4b:s30+s1], $0x400, $0x38;
	[tilespmem:$0x9100] =	vst v63  }
0x1f3: {  	s29 =	rddreg [dreg:$0x8];
	s18 =	spop (v2sf)  }
0x1f4: {  	(v2sf) =	vpush v1, $0xB;
	[tilespmem:s29], [sflag:$0x1] =	stream.linear.gather [hbm4b:s18+s1], $0x400, $0x38;
	[tilespmem:$0x9100] =	vst v63  }
0x1f5: {  	s31 =	rddreg [dreg:$0x9];
	s20 =	spop (v2sf)  }
0x1f6: {  	(v2sf) =	vpush v1, $0xC;
	[tilespmem:s31], [sflag:$0x1] =	stream.linear.gather [hbm4b:s20+s1], $0x400, $0x38;
	[tilespmem:$0x9100] =	vst v63  }
0x1f7: {  	s19 =	rddreg [dreg:$0xa];
	s22 =	spop (v2sf)  }
0x1f8: {  	(v2sf) =	vpush v1, $0xD;
	[tilespmem:s19], [sflag:$0x1] =	stream.linear.gather [hbm4b:s22+s1], $0x400, $0x38;
	[tilespmem:$0x9100] =	vst v63  }
0x1f9: {  	s21 =	rddreg [dreg:$0xb];
	s24 =	spop (v2sf)  }
0x1fa: {  	(v2sf) =	vpush v1, $0xE;
	[tilespmem:s21], [sflag:$0x1] =	stream.linear.gather [hbm4b:s24+s1], $0x400, $0x38;
	[tilespmem:$0x9100] =	vst v63  }
0x1fb: {  	s23 =	rddreg [dreg:$0xc];
	s26 =	spop (v2sf)  }
0x1fc: {  	(v2sf) =	vpush v1, $0xF;
	[tilespmem:s23], [sflag:$0x1] =	stream.linear.gather [hbm4b:s26+s1], $0x400, $0x38;
	[tilespmem:$0x9100] =	vst v63  }
0x1fd: {  	s25 =	rddreg [dreg:$0xd];
	s29 =	spop (v2sf)  }
0x1fe: {  	[tilespmem:s25], [sflag:$0x1] =	stream.linear.gather [hbm4b:s29+s1], $0x400, $0x38;
	[tilespmem:$0x9100] =	vst v63  }
0x1ff: {  	s28 =	rddreg [dreg:$0xe];
	s31 =	spop (v2sf)  }
0x200: {  	[tilespmem:s28], [sflag:$0x1] =	stream.linear.gather [hbm4b:s31+s1], $0x400, $0x38;
	[tilespmem:$0x9100] =	vst v63  }
0x201: {  	s30 =	rddreg [dreg:$0xf];
	s19 =	spop (v2sf)  }
0x202: {  	[tilespmem:s30], [sflag:$0x1] =	stream.linear.gather [hbm4b:s19+s1], $0x400, $0x38;
	[tilespmem:$0x9100] =	vst v63  }
0x203: {  	s18 =	rddreg [dreg:$0x10];
	s21 =	spop (v2sf)  }
0x204: {  	[tilespmem:s18], [sflag:$0x1] =	stream.linear.gather [hbm4b:s21+s1], $0x400, $0x38;
	[tilespmem:$0x9100] =	vst v63  }
0x205: {  	s20 =	rddreg [dreg:$0x11];
	s23 =	spop (v2sf)  }
0x206: {  	[tilespmem:s20], [sflag:$0x1] =	stream.linear.gather [hbm4b:s23+s1], $0x400, $0x38;
	[tilespmem:$0x9100] =	vst v63  }
0x207: {  	s22 =	rddreg [dreg:$0x12];
	s25 =	spop (v2sf)  }
0x208: {  	[tilespmem:s22], [sflag:$0x1] =	stream.linear.gather [hbm4b:s25+s1], $0x400, $0x38;
	[tilespmem:$0x9100] =	vst v63  }
0x209: {  	s24 =	rddreg [dreg:$0x13];
	s28 =	spop (v2sf)  }
0x20a: {  	[tilespmem:s24], [sflag:$0x1] =	stream.linear.gather [hbm4b:s28+s1], $0x400, $0x38;
	[tilespmem:$0x9100] =	vst v63  }
0x20b: {  	s26 =	rddreg [dreg:$0x14];
	s29 =	spop (v2sf)  }
0x20c: {  	[tilespmem:s26], [sflag:$0x1] =	stream.linear.gather [hbm4b:s29+s1], $0x400, $0x38;
	[tilespmem:$0x9100] =	vst v63  }
0x20d: {  	_ =	swait.ge [sflag:s9], $0x400  }
0x20e: {  	[sflag:s9] =	ssyncset.done $0x0  }
0x20f: {  	[sflag:s9] =	ssyncadd.s32 $0xFFFFFC00  }
0x210: {  	_ =	swait.ge [sflag:s9], $0x400  }
0x211: {  	[sflag:s9] =	ssyncset.done $0x0  }
0x212: {  	[sflag:s9] =	ssyncadd.s32 $0xFFFFFC00  }
0x213: {  	_ =	swait.ge [sflag:s9], $0x400  }
0x214: {  	[sflag:s9] =	ssyncset.done $0x0  }
0x215: {  	[sflag:s9] =	ssyncadd.s32 $0xFFFFFC00  }
0x216: {  	_ =	swait.ge [sflag:s9], $0x400  }
0x217: {  	[sflag:s9] =	ssyncset.done $0x0  }
0x218: {  	[sflag:s9] =	ssyncadd.s32 $0xFFFFFC00  }
0x219: {  	_ =	swait.ge [sflag:s9], $0x400  }
0x21a: {  	[sflag:s9] =	ssyncset.done $0x0  }
0x21b: {  	[sflag:s9] =	ssyncadd.s32 $0xFFFFFC00  }
0x21c: {  	_ =	swait.ge [sflag:s9], $0x400  }
0x21d: {  	[sflag:s9] =	ssyncset.done $0x0  }
0x21e: {  	[sflag:s9] =	ssyncadd.s32 $0xFFFFFC00  }
0x21f: {  	_ =	swait.ge [sflag:s9], $0x400  }
0x220: {  	[sflag:s9] =	ssyncset.done $0x0  }
0x221: {  	[sflag:s9] =	ssyncadd.s32 $0xFFFFFC00  }
0x222: {  	_ =	swait.ge [sflag:s9], $0x400  }
0x223: {  	[sflag:s9] =	ssyncset.done $0x0  }
0x224: {  	[sflag:s9] =	ssyncadd.s32 $0xFFFFFC00  }
0x225: {  	_ =	swait.ge [sflag:s9], $0x400  }
0x226: {  	[sflag:s9] =	ssyncset.done $0x0  }
0x227: {  	[sflag:s9] =	ssyncadd.s32 $0xFFFFFC00  }
0x228: {  	_ =	swait.ge [sflag:s9], $0x400  }
0x229: {  	[sflag:s9] =	ssyncset.done $0x0  }
0x22a: {  	[sflag:s9] =	ssyncadd.s32 $0xFFFFFC00  }
0x22b: {  	v0 =	vand.u32 $0x7, v0;
	_ =	swait.ge [sflag:s9], $0x400  }
0x22c: {  	v0 =	vshll.u32 v0, $0x7;
	[sflag:s9] =	ssyncset.done $0x0  }
0x22d: {  	(v2sf) =	vpush v0, $0x0;
	[sflag:s9] =	ssyncadd.s32 $0xFFFFFC00  }
0x22e: {  	_ =	swait.ge [sflag:s9], $0x400  }
0x22f: {  	[sflag:s9] =	ssyncset.done $0x0  }
0x230: {  	[sflag:s9] =	ssyncadd.s32 $0xFFFFFC00  }
0x231: {  	_ =	swait.ge [sflag:s9], $0x400  }
0x232: {  	[sflag:s9] =	ssyncset.done $0x0  }
0x233: {  	[sflag:s9] =	ssyncadd.s32 $0xFFFFFC00  }
0x234: {  	_ =	swait.ge [sflag:s9], $0x400  }
0x235: {  	[sflag:s9] =	ssyncset.done $0x0  }
0x236: {  	[sflag:s9] =	ssyncadd.s32 $0xFFFFFC00  }
0x237: {  	_ =	swait.ge [sflag:s9], $0x400  }
0x238: {  	[sflag:s9] =	ssyncset.done $0x0  }
0x239: {  	(v2sf) =	vpush v0, $0x1;
	[sflag:s9] =	ssyncadd.s32 $0xFFFFFC00  }
0x23a: {  	_ =	swait.ge [sflag:s9], $0x400  }
0x23b: {  	[sflag:s9] =	ssyncset.done $0x0  }
0x23c: {  	s30 =	spop (v2sf);
	[sflag:s9] =	ssyncadd.s32 $0xFFFFFC00  }
0x23d: {  	v62 =	vld [tilespmem:s30+$0x5100];
	_ =	sdelay $0x4  }
0x23e: {  	[tilespmem:$0x900] =	vst v62  }
0x23f: {  	v1 =	vld [tilespmem:s30+$0x5110];
	_ =	sdelay $0x1  }
0x240: {  	(v2sf) =	vpush v0, $0x2;
	_ =	sdelay $0x2  }
0x241: {  	s31 =	spop (v2sf);
	[tilespmem:$0x910] =	vst v1  }
0x242: {  	v1 =	vld [tilespmem:s31+$0x5500];
	_ =	sdelay $0x4  }
0x243: {  	[tilespmem:$0x980] =	vst v1  }
0x244: {  	v1 =	vld [tilespmem:s31+$0x5510];
	_ =	sdelay $0x1  }
0x245: {  	(v2sf) =	vpush v0, $0x3;
	_ =	sdelay $0x2  }
0x246: {  	s16 =	spop (v2sf);
	[tilespmem:$0x990] =	vst v1  }
0x247: {  	v1 =	vld [tilespmem:s16+$0x5900];
	_ =	sdelay $0x4  }
0x248: {  	[tilespmem:$0xA00] =	vst v1  }
0x249: {  	v1 =	vld [tilespmem:s16+$0x5910];
	_ =	sdelay $0x1  }
0x24a: {  	(v2sf) =	vpush v0, $0x4;
	_ =	sdelay $0x2  }
0x24b: {  	s17 =	spop (v2sf);
	[tilespmem:$0xA10] =	vst v1  }
0x24c: {  	v1 =	vld [tilespmem:s17+$0x5D00];
	_ =	sdelay $0x4  }
0x24d: {  	[tilespmem:$0xA80] =	vst v1  }
0x24e: {  	v1 =	vld [tilespmem:s17+$0x5D10];
	_ =	sdelay $0x1  }
0x24f: {  	(v2sf) =	vpush v0, $0x5;
	_ =	sdelay $0x2  }
0x250: {  	s18 =	spop (v2sf);
	[tilespmem:$0xA90] =	vst v1  }
0x251: {  	v1 =	vld [tilespmem:s18+$0x6100];
	_ =	sdelay $0x4  }
0x252: {  	[tilespmem:$0xB00] =	vst v1  }
0x253: {  	v1 =	vld [tilespmem:s18+$0x6110];
	_ =	sdelay $0x1  }
0x254: {  	(v2sf) =	vpush v0, $0x6;
	_ =	sdelay $0x2  }
0x255: {  	s19 =	spop (v2sf);
	[tilespmem:$0xB10] =	vst v1  }
0x256: {  	v1 =	vld [tilespmem:s19+$0x6500];
	_ =	sdelay $0x4  }
0x257: {  	[tilespmem:$0xB80] =	vst v1  }
0x258: {  	v1 =	vld [tilespmem:s19+$0x6510];
	_ =	sdelay $0x1  }
0x259: {  	(v2sf) =	vpush v0, $0x7;
	_ =	sdelay $0x2  }
0x25a: {  	s20 =	spop (v2sf);
	[tilespmem:$0xB90] =	vst v1  }
0x25b: {  	v1 =	vld [tilespmem:s20+$0x6900];
	_ =	sdelay $0x4  }
0x25c: {  	[tilespmem:$0xC00] =	vst v1  }
0x25d: {  	v1 =	vld [tilespmem:s20+$0x6910];
	_ =	sdelay $0x1  }
0x25e: {  	(v2sf) =	vpush v0, $0x8;
	_ =	sdelay $0x2  }
0x25f: {  	s21 =	spop (v2sf);
	[tilespmem:$0xC10] =	vst v1  }
0x260: {  	v1 =	vld [tilespmem:s21+$0x6D00];
	_ =	sdelay $0x4  }
0x261: {  	[tilespmem:$0xC80] =	vst v1  }
0x262: {  	v1 =	vld [tilespmem:s21+$0x6D10];
	_ =	sdelay $0x1  }
0x263: {  	(v2sf) =	vpush v0, $0x9;
	_ =	sdelay $0x2  }
0x264: {  	s22 =	spop (v2sf);
	[tilespmem:$0xC90] =	vst v1  }
0x265: {  	v1 =	vld [tilespmem:s22+$0x7100];
	_ =	sdelay $0x4  }
0x266: {  	[tilespmem:$0xD00] =	vst v1  }
0x267: {  	v1 =	vld [tilespmem:s22+$0x7110];
	_ =	sdelay $0x1  }
0x268: {  	(v2sf) =	vpush v0, $0xA;
	_ =	sdelay $0x2  }
0x269: {  	s23 =	spop (v2sf);
	[tilespmem:$0xD10] =	vst v1  }
0x26a: {  	v1 =	vld [tilespmem:s23+$0x7500];
	_ =	sdelay $0x4  }
0x26b: {  	[tilespmem:$0xD80] =	vst v1  }
0x26c: {  	v1 =	vld [tilespmem:s23+$0x7510];
	_ =	sdelay $0x1  }
0x26d: {  	(v2sf) =	vpush v0, $0xB;
	_ =	sdelay $0x2  }
0x26e: {  	s24 =	spop (v2sf);
	[tilespmem:$0xD90] =	vst v1  }
0x26f: {  	v1 =	vld [tilespmem:s24+$0x7900];
	_ =	sdelay $0x4  }
0x270: {  	[tilespmem:$0xE00] =	vst v1  }
0x271: {  	v1 =	vld [tilespmem:s24+$0x7910];
	_ =	sdelay $0x1  }
0x272: {  	(v2sf) =	vpush v0, $0xC;
	_ =	sdelay $0x2  }
0x273: {  	s25 =	spop (v2sf);
	[tilespmem:$0xE10] =	vst v1  }
0x274: {  	v1 =	vld [tilespmem:s25+$0x7D00];
	_ =	sdelay $0x4  }
0x275: {  	[tilespmem:$0xE80] =	vst v1  }
0x276: {  	v1 =	vld [tilespmem:s25+$0x7D10];
	_ =	sdelay $0x1  }
0x277: {  	(v2sf) =	vpush v0, $0xD;
	_ =	sdelay $0x2  }
0x278: {  	s26 =	spop (v2sf);
	[tilespmem:$0xE90] =	vst v1  }
0x279: {  	v1 =	vld [tilespmem:s26+$0x8100];
	_ =	sdelay $0x4  }
0x27a: {  	[tilespmem:$0xF00] =	vst v1  }
0x27b: {  	v1 =	vld [tilespmem:s26+$0x8110];
	_ =	sdelay $0x1  }
0x27c: {  	(v2sf) =	vpush v0, $0xE;
	_ =	sdelay $0x2  }
0x27d: {  	s28 =	spop (v2sf);
	[tilespmem:$0xF10] =	vst v1  }
0x27e: {  	v1 =	vld [tilespmem:s28+$0x8500];
	_ =	sdelay $0x4  }
0x27f: {  	[tilespmem:$0xF80] =	vst v1  }
0x280: {  	v1 =	vld [tilespmem:s28+$0x8510];
	_ =	sdelay $0x1  }
0x281: {  	(v2sf) =	vpush v0, $0xF;
	_ =	sdelay $0x2  }
0x282: {  	s29 =	spop (v2sf);
	[tilespmem:$0xF90] =	vst v1  }
0x283: {  	v63 =	vld [tilespmem:s29+$0x8900];
	_ =	sdelay $0x4  }
0x284: {  	[tilespmem:$0x1000] =	vst v63  }
0x285: {  	v0 =	vld [tilespmem:s29+$0x8910];
	_ =	sdelay $0x4  }
0x286: {  	s30 =	spop (v2sf);
	[tilespmem:$0x1010] =	vst v0  }
0x287: {  	v0 =	vld [tilespmem:s30+$0x8D00];
	_ =	sdelay $0x4  }
0x288: {  	[tilespmem:$0x1080] =	vst v0  }
0x289: {  	v0 =	vld [tilespmem:s30+$0x8D10];
	_ =	sdelay $0x2  }
0x28a: {  	p0 =	sne.s32 s15, $0x1C0  }
.Ltmp1:
0x28b: {  	_ = 	snop;
	(pc) =	sbr.rel @p0 .LBB2_4-.Ltmp1, $4  }
0x28c: {  	s31 =	rddreg [dreg:$0x15];
	[tilespmem:$0x1090] =	vst v0  }
0x28d: {  	[hbm4b:s12+s1] =	stream.linear.scatter [tilespmem:s31], [sflag:$0x2], $0x800, $0x38;
	[tilespmem:$0x9100] =	vst v63  }
0x28e: {  	s13 =	smov.u32 s15;
	s14 =	sadd.s32 $0x40, s15;
	_ =	swait.ge [sflag:s8], $0x800  }
0x28f: {  	s15 =	smov.u32 s14;
	s12 =	sadd.s32 $0x100, s12;
	[sflag:s8] =	ssyncset.done $0x0  }
0x290: {  	s13 =	sshra.s32 s13, $0x2;
	[sflag:s8] =	ssyncadd.s32 $0xFFFFF800  }
0x291: {  	v0 =	vld [tilespmem:s13+$0x80];
	_ =	sdelay $0x4  }
0x292: {  	v1 =	vand.u32 $0xFFFFFFF8, v0  }
0x293: {  	s15 =	rddreg [dreg:$0x4];
	v1 =	vshll.u32 v1, $0x4  }
0x294: {  	v1 =	vadd.s32 s15, v1  }
0x295: {  	(v2sf) =	vpush v1, $0x0;
	_ =	sdelay $0x1  }
0x296: {  	(v2sf) =	vpush v1, $0x1;
	_ =	sdelay $0x1  }
0x297: {  	(v2sf) =	vpush v1, $0x2;
	_ =	sdelay $0x1  }
0x298: {  	(v2sf) =	vpush v1, $0x3;
	_ =	sdelay $0x1  }
0x299: {  	(v2sf) =	vpush v1, $0x4;
	_ =	sdelay $0x1  }
0x29a: {  	(v2sf) =	vpush v1, $0x5;
	_ =	sdelay $0x1  }
0x29b: {  	(v2sf) =	vpush v1, $0x6;
	_ =	sdelay $0x1  }
0x29c: {  	(v2sf) =	vpush v1, $0x7  }
0x29d: {  	s16 =	rddreg [dreg:$0x5];
	s15 =	spop (v2sf)  }
0x29e: {  	(v2sf) =	vpush v1, $0x8;
	[tilespmem:s16], [sflag:$0x1] =	stream.linear.gather [hbm4b:s15+s1], $0x400, $0x38;
	[tilespmem:$0x9100] =	vst v63  }
0x29f: {  	s14 =	rddreg [dreg:$0x6];
	s18 =	spop (v2sf)  }
0x2a0: {  	(v2sf) =	vpush v1, $0x9;
	[tilespmem:s14], [sflag:$0x1] =	stream.linear.gather [hbm4b:s18+s1], $0x400, $0x38;
	[tilespmem:$0x9100] =	vst v63  }
0x2a1: {  	s17 =	rddreg [dreg:$0x7];
	s20 =	spop (v2sf)  }
0x2a2: {  	(v2sf) =	vpush v1, $0xA;
	[tilespmem:s17], [sflag:$0x1] =	stream.linear.gather [hbm4b:s20+s1], $0x400, $0x38;
	[tilespmem:$0x9100] =	vst v63  }
0x2a3: {  	s19 =	rddreg [dreg:$0x8];
	s22 =	spop (v2sf)  }
0x2a4: {  	(v2sf) =	vpush v1, $0xB;
	[tilespmem:s19], [sflag:$0x1] =	stream.linear.gather [hbm4b:s22+s1], $0x400, $0x38;
	[tilespmem:$0x9100] =	vst v63  }
0x2a5: {  	s21 =	rddreg [dreg:$0x9];
	s24 =	spop (v2sf)  }
0x2a6: {  	(v2sf) =	vpush v1, $0xC;
	[tilespmem:s21], [sflag:$0x1] =	stream.linear.gather [hbm4b:s24+s1], $0x400, $0x38;
	[tilespmem:$0x9100] =	vst v63  }
0x2a7: {  	s23 =	rddreg [dreg:$0xa];
	s26 =	spop (v2sf)  }
0x2a8: {  	(v2sf) =	vpush v1, $0xD;
	[tilespmem:s23], [sflag:$0x1] =	stream.linear.gather [hbm4b:s26+s1], $0x400, $0x38;
	[tilespmem:$0x9100] =	vst v63  }
0x2a9: {  	s25 =	rddreg [dreg:$0xb];
	s29 =	spop (v2sf)  }
0x2aa: {  	(v2sf) =	vpush v1, $0xE;
	[tilespmem:s25], [sflag:$0x1] =	stream.linear.gather [hbm4b:s29+s1], $0x400, $0x38;
	[tilespmem:$0x9100] =	vst v63  }
0x2ab: {  	s28 =	rddreg [dreg:$0xc];
	s31 =	spop (v2sf)  }
0x2ac: {  	(v2sf) =	vpush v1, $0xF;
	[tilespmem:s28], [sflag:$0x1] =	stream.linear.gather [hbm4b:s31+s1], $0x400, $0x38;
	[tilespmem:$0x9100] =	vst v63  }
0x2ad: {  	s30 =	rddreg [dreg:$0xd];
	s17 =	spop (v2sf)  }
0x2ae: {  	[tilespmem:s30], [sflag:$0x1] =	stream.linear.gather [hbm4b:s17+s1], $0x400, $0x38;
	[tilespmem:$0x9100] =	vst v63  }
0x2af: {  	s16 =	rddreg [dreg:$0xe];
	s19 =	spop (v2sf)  }
0x2b0: {  	[tilespmem:s16], [sflag:$0x1] =	stream.linear.gather [hbm4b:s19+s1], $0x400, $0x38;
	[tilespmem:$0x9100] =	vst v63  }
0x2b1: {  	s18 =	rddreg [dreg:$0xf];
	s21 =	spop (v2sf)  }
0x2b2: {  	[tilespmem:s18], [sflag:$0x1] =	stream.linear.gather [hbm4b:s21+s1], $0x400, $0x38;
	[tilespmem:$0x9100] =	vst v63  }
0x2b3: {  	s20 =	rddreg [dreg:$0x10];
	s23 =	spop (v2sf)  }
0x2b4: {  	[tilespmem:s20], [sflag:$0x1] =	stream.linear.gather [hbm4b:s23+s1], $0x400, $0x38;
	[tilespmem:$0x9100] =	vst v63  }
0x2b5: {  	s22 =	rddreg [dreg:$0x11];
	s25 =	spop (v2sf)  }
0x2b6: {  	[tilespmem:s22], [sflag:$0x1] =	stream.linear.gather [hbm4b:s25+s1], $0x400, $0x38;
	[tilespmem:$0x9100] =	vst v63  }
0x2b7: {  	s24 =	rddreg [dreg:$0x12];
	s28 =	spop (v2sf)  }
0x2b8: {  	[tilespmem:s24], [sflag:$0x1] =	stream.linear.gather [hbm4b:s28+s1], $0x400, $0x38;
	[tilespmem:$0x9100] =	vst v63  }
0x2b9: {  	s26 =	rddreg [dreg:$0x13];
	s30 =	spop (v2sf)  }
0x2ba: {  	[tilespmem:s26], [sflag:$0x1] =	stream.linear.gather [hbm4b:s30+s1], $0x400, $0x38;
	[tilespmem:$0x9100] =	vst v63  }
0x2bb: {  	s29 =	rddreg [dreg:$0x14];
	s31 =	spop (v2sf)  }
0x2bc: {  	[tilespmem:s29], [sflag:$0x1] =	stream.linear.gather [hbm4b:s31+s1], $0x400, $0x38;
	[tilespmem:$0x9100] =	vst v63  }
0x2bd: {  	_ =	swait.ge [sflag:s9], $0x400  }
0x2be: {  	[sflag:s9] =	ssyncset.done $0x0  }
0x2bf: {  	[sflag:s9] =	ssyncadd.s32 $0xFFFFFC00  }
0x2c0: {  	_ =	swait.ge [sflag:s9], $0x400  }
0x2c1: {  	[sflag:s9] =	ssyncset.done $0x0  }
0x2c2: {  	[sflag:s9] =	ssyncadd.s32 $0xFFFFFC00  }
0x2c3: {  	_ =	swait.ge [sflag:s9], $0x400  }
0x2c4: {  	[sflag:s9] =	ssyncset.done $0x0  }
0x2c5: {  	[sflag:s9] =	ssyncadd.s32 $0xFFFFFC00  }
0x2c6: {  	_ =	swait.ge [sflag:s9], $0x400  }
0x2c7: {  	[sflag:s9] =	ssyncset.done $0x0  }
0x2c8: {  	[sflag:s9] =	ssyncadd.s32 $0xFFFFFC00  }
0x2c9: {  	_ =	swait.ge [sflag:s9], $0x400  }
0x2ca: {  	[sflag:s9] =	ssyncset.done $0x0  }
0x2cb: {  	[sflag:s9] =	ssyncadd.s32 $0xFFFFFC00  }
0x2cc: {  	_ =	swait.ge [sflag:s9], $0x400  }
0x2cd: {  	[sflag:s9] =	ssyncset.done $0x0  }
0x2ce: {  	[sflag:s9] =	ssyncadd.s32 $0xFFFFFC00  }
0x2cf: {  	_ =	swait.ge [sflag:s9], $0x400  }
0x2d0: {  	[sflag:s9] =	ssyncset.done $0x0  }
0x2d1: {  	[sflag:s9] =	ssyncadd.s32 $0xFFFFFC00  }
0x2d2: {  	_ =	swait.ge [sflag:s9], $0x400  }
0x2d3: {  	[sflag:s9] =	ssyncset.done $0x0  }
0x2d4: {  	[sflag:s9] =	ssyncadd.s32 $0xFFFFFC00  }
0x2d5: {  	_ =	swait.ge [sflag:s9], $0x400  }
0x2d6: {  	[sflag:s9] =	ssyncset.done $0x0  }
0x2d7: {  	[sflag:s9] =	ssyncadd.s32 $0xFFFFFC00  }
0x2d8: {  	_ =	swait.ge [sflag:s9], $0x400  }
0x2d9: {  	[sflag:s9] =	ssyncset.done $0x0  }
0x2da: {  	[sflag:s9] =	ssyncadd.s32 $0xFFFFFC00  }
0x2db: {  	v0 =	vand.u32 $0x7, v0;
	_ =	swait.ge [sflag:s9], $0x400  }
0x2dc: {  	v0 =	vshll.u32 v0, $0x7;
	[sflag:s9] =	ssyncset.done $0x0  }
0x2dd: {  	(v2sf) =	vpush v0, $0x0;
	[sflag:s9] =	ssyncadd.s32 $0xFFFFFC00  }
0x2de: {  	_ =	swait.ge [sflag:s9], $0x400  }
0x2df: {  	[sflag:s9] =	ssyncset.done $0x0  }
0x2e0: {  	[sflag:s9] =	ssyncadd.s32 $0xFFFFFC00  }
0x2e1: {  	_ =	swait.ge [sflag:s9], $0x400  }
0x2e2: {  	[sflag:s9] =	ssyncset.done $0x0  }
0x2e3: {  	[sflag:s9] =	ssyncadd.s32 $0xFFFFFC00  }
0x2e4: {  	_ =	swait.ge [sflag:s9], $0x400  }
0x2e5: {  	[sflag:s9] =	ssyncset.done $0x0  }
0x2e6: {  	[sflag:s9] =	ssyncadd.s32 $0xFFFFFC00  }
0x2e7: {  	_ =	swait.ge [sflag:s9], $0x400  }
0x2e8: {  	[sflag:s9] =	ssyncset.done $0x0  }
0x2e9: {  	(v2sf) =	vpush v0, $0x1;
	[sflag:s9] =	ssyncadd.s32 $0xFFFFFC00  }
0x2ea: {  	_ =	swait.ge [sflag:s9], $0x400  }
0x2eb: {  	[sflag:s9] =	ssyncset.done $0x0  }
0x2ec: {  	s14 =	spop (v2sf);
	[sflag:s9] =	ssyncadd.s32 $0xFFFFFC00  }
0x2ed: {  	v62 =	vld [tilespmem:s14+$0x5100];
	_ =	sdelay $0x4  }
0x2ee: {  	[tilespmem:$0x900] =	vst v62  }
0x2ef: {  	v1 =	vld [tilespmem:s14+$0x5110];
	_ =	sdelay $0x1  }
0x2f0: {  	(v2sf) =	vpush v0, $0x2;
	_ =	sdelay $0x2  }
0x2f1: {  	s15 =	spop (v2sf);
	[tilespmem:$0x910] =	vst v1  }
0x2f2: {  	v1 =	vld [tilespmem:s15+$0x5500];
	_ =	sdelay $0x4  }
0x2f3: {  	[tilespmem:$0x980] =	vst v1  }
0x2f4: {  	v1 =	vld [tilespmem:s15+$0x5510];
	_ =	sdelay $0x1  }
0x2f5: {  	(v2sf) =	vpush v0, $0x3;
	_ =	sdelay $0x2  }
0x2f6: {  	s16 =	spop (v2sf);
	[tilespmem:$0x990] =	vst v1  }
0x2f7: {  	v1 =	vld [tilespmem:s16+$0x5900];
	_ =	sdelay $0x4  }
0x2f8: {  	[tilespmem:$0xA00] =	vst v1  }
0x2f9: {  	v1 =	vld [tilespmem:s16+$0x5910];
	_ =	sdelay $0x1  }
0x2fa: {  	(v2sf) =	vpush v0, $0x4;
	_ =	sdelay $0x2  }
0x2fb: {  	s17 =	spop (v2sf);
	[tilespmem:$0xA10] =	vst v1  }
0x2fc: {  	v1 =	vld [tilespmem:s17+$0x5D00];
	_ =	sdelay $0x4  }
0x2fd: {  	[tilespmem:$0xA80] =	vst v1  }
0x2fe: {  	v1 =	vld [tilespmem:s17+$0x5D10];
	_ =	sdelay $0x1  }
0x2ff: {  	(v2sf) =	vpush v0, $0x5;
	_ =	sdelay $0x2  }
0x300: {  	s18 =	spop (v2sf);
	[tilespmem:$0xA90] =	vst v1  }
0x301: {  	v1 =	vld [tilespmem:s18+$0x6100];
	_ =	sdelay $0x4  }
0x302: {  	[tilespmem:$0xB00] =	vst v1  }
0x303: {  	v1 =	vld [tilespmem:s18+$0x6110];
	_ =	sdelay $0x1  }
0x304: {  	(v2sf) =	vpush v0, $0x6;
	_ =	sdelay $0x2  }
0x305: {  	s19 =	spop (v2sf);
	[tilespmem:$0xB10] =	vst v1  }
0x306: {  	v1 =	vld [tilespmem:s19+$0x6500];
	_ =	sdelay $0x4  }
0x307: {  	[tilespmem:$0xB80] =	vst v1  }
0x308: {  	v1 =	vld [tilespmem:s19+$0x6510];
	_ =	sdelay $0x1  }
0x309: {  	(v2sf) =	vpush v0, $0x7;
	_ =	sdelay $0x2  }
0x30a: {  	s20 =	spop (v2sf);
	[tilespmem:$0xB90] =	vst v1  }
0x30b: {  	v1 =	vld [tilespmem:s20+$0x6900];
	_ =	sdelay $0x4  }
0x30c: {  	[tilespmem:$0xC00] =	vst v1  }
0x30d: {  	v1 =	vld [tilespmem:s20+$0x6910];
	_ =	sdelay $0x1  }
0x30e: {  	(v2sf) =	vpush v0, $0x8;
	_ =	sdelay $0x2  }
0x30f: {  	s21 =	spop (v2sf);
	[tilespmem:$0xC10] =	vst v1  }
0x310: {  	v1 =	vld [tilespmem:s21+$0x6D00];
	_ =	sdelay $0x4  }
0x311: {  	[tilespmem:$0xC80] =	vst v1  }
0x312: {  	v1 =	vld [tilespmem:s21+$0x6D10];
	_ =	sdelay $0x1  }
0x313: {  	(v2sf) =	vpush v0, $0x9;
	_ =	sdelay $0x2  }
0x314: {  	s22 =	spop (v2sf);
	[tilespmem:$0xC90] =	vst v1  }
0x315: {  	v1 =	vld [tilespmem:s22+$0x7100];
	_ =	sdelay $0x4  }
0x316: {  	[tilespmem:$0xD00] =	vst v1  }
0x317: {  	v1 =	vld [tilespmem:s22+$0x7110];
	_ =	sdelay $0x1  }
0x318: {  	(v2sf) =	vpush v0, $0xA;
	_ =	sdelay $0x2  }
0x319: {  	s23 =	spop (v2sf);
	[tilespmem:$0xD10] =	vst v1  }
0x31a: {  	v1 =	vld [tilespmem:s23+$0x7500];
	_ =	sdelay $0x4  }
0x31b: {  	[tilespmem:$0xD80] =	vst v1  }
0x31c: {  	v1 =	vld [tilespmem:s23+$0x7510];
	_ =	sdelay $0x1  }
0x31d: {  	(v2sf) =	vpush v0, $0xB;
	_ =	sdelay $0x2  }
0x31e: {  	s24 =	spop (v2sf);
	[tilespmem:$0xD90] =	vst v1  }
0x31f: {  	v1 =	vld [tilespmem:s24+$0x7900];
	_ =	sdelay $0x4  }
0x320: {  	[tilespmem:$0xE00] =	vst v1  }
0x321: {  	v1 =	vld [tilespmem:s24+$0x7910];
	_ =	sdelay $0x1  }
0x322: {  	(v2sf) =	vpush v0, $0xC;
	_ =	sdelay $0x2  }
0x323: {  	s25 =	spop (v2sf);
	[tilespmem:$0xE10] =	vst v1  }
0x324: {  	v1 =	vld [tilespmem:s25+$0x7D00];
	_ =	sdelay $0x4  }
0x325: {  	[tilespmem:$0xE80] =	vst v1  }
0x326: {  	v1 =	vld [tilespmem:s25+$0x7D10];
	_ =	sdelay $0x1  }
0x327: {  	(v2sf) =	vpush v0, $0xD;
	_ =	sdelay $0x2  }
0x328: {  	s26 =	spop (v2sf);
	[tilespmem:$0xE90] =	vst v1  }
0x329: {  	v1 =	vld [tilespmem:s26+$0x8100];
	_ =	sdelay $0x4  }
0x32a: {  	[tilespmem:$0xF00] =	vst v1  }
0x32b: {  	v1 =	vld [tilespmem:s26+$0x8110];
	_ =	sdelay $0x1  }
0x32c: {  	(v2sf) =	vpush v0, $0xE;
	_ =	sdelay $0x2  }
0x32d: {  	s28 =	spop (v2sf);
	[tilespmem:$0xF10] =	vst v1  }
0x32e: {  	v1 =	vld [tilespmem:s28+$0x8500];
	_ =	sdelay $0x4  }
0x32f: {  	[tilespmem:$0xF80] =	vst v1  }
0x330: {  	v1 =	vld [tilespmem:s28+$0x8510];
	_ =	sdelay $0x1  }
0x331: {  	(v2sf) =	vpush v0, $0xF;
	_ =	sdelay $0x2  }
0x332: {  	s29 =	spop (v2sf);
	[tilespmem:$0xF90] =	vst v1  }
0x333: {  	v63 =	vld [tilespmem:s29+$0x8900];
	_ =	sdelay $0x4  }
0x334: {  	[tilespmem:$0x1000] =	vst v63  }
0x335: {  	v0 =	vld [tilespmem:s29+$0x8910];
	_ =	sdelay $0x4  }
0x336: {  	s30 =	spop (v2sf);
	[tilespmem:$0x1010] =	vst v0  }
0x337: {  	v0 =	vld [tilespmem:s30+$0x8D00];
	_ =	sdelay $0x4  }
0x338: {  	[tilespmem:$0x1080] =	vst v0  }
0x339: {  	v0 =	vld [tilespmem:s30+$0x8D10];
	_ =	sdelay $0x2  }
0x33a: {  	s11 =	sadd.s32 $0x1, s11  }
0x33b: {  	p0 =	sne.s32 s11, s5  }
.Ltmp2:
0x33c: {  	s31 =	rddreg [dreg:$0x15];
	[tilespmem:$0x1090] =	vst v0;
	(pc) =	sbr.rel @p0 .LBB2_1-.Ltmp2, $4  }
0x33d: {  	[hbm4b:s12+s1] =	stream.linear.scatter [tilespmem:s31], [sflag:$0x2], $0x800, $0x38;
	[tilespmem:$0x9100] =	vst v63  }
0x33e: {  	_ =	swait.ge [sflag:s8], $0x800  }
0x33f: {  	[sflag:s8] =	ssyncset.done $0x0  }
0x340: {  	[sflag:s8] =	ssyncadd.s32 $0xFFFFF800  }
0x341: {  	_ =	sfence.sel $0x180000  }
0x342: {  	[bflag:$0x0] =	sbarrier.arrive $0xFFFF  }
0x343: {  	p0 =	sne.s32 s2, $0x0;
	_ =	strace $0x9000004A  }
0x344: {  	s0 =	sadd.s32 @!p0 $0x100000, s0;
	[bflag:$0x2] =	sbarrier.arrive $0xFFFF  }
0x345: {  	[sflag:s0] =	ssyncadd.tile.s32 @!p0 $0x1;
	_ =	shalt  }
.Lfunc_end2:
_tile_overlayer_lowered:
.L_overlay_start_2:
0x346: {  	(tag) =	ssettag $0x2  }
0x347: {  	s0 =	rddreg [dreg:$0x0];
	s2 =	stileid.u32  }
0x348: {  	s1 =	rddreg [dreg:$0x1];
	p0 =	sne.s32 s2, $0x0  }
0x349: {  	s3 =	rddreg [dreg:$0x2];
	[bflag:$0x3] =	sbarrier.arrive $0xFFFF;
	s2 =	simm.s32 @!p0 $0x1C02  }
0x34a: {  	[timem:s3], [sflag:s2] =	dma.local @!p0 [hbm:s0], s1  }
0x34b: {  	s0 =	simm.s32 @!p0 $0x2  }
0x34c: {  	_ =	swait.ge @!p0 [sflag:s0], s1  }
0x34d: {  	s1 =	ssub.s32 @!p0 $0x0, s1;
	[sflag:s0] =	ssyncset.done @!p0 $0x0  }
0x34e: {  	[sflag:s0] =	ssyncadd.s32 @!p0 s1  }
0x34f: {  	[bflag:$0x3] =	sbarrier.arrive $0xFFFF  }
0x350: {  	_ =	shalt  }

</sc_bundles>
